<compile_context>
chip_gen: v7x
topology: tpu7x:2x2x1
jax: 0.10.2.dev20260603
libtpu: 0.0.44.dev20260713+nightly
codegen_flags: <defaults>
</compile_context>

<pallas_src>
import jax
import jax.numpy as jnp
from jax import lax
from jax.experimental import pallas as pl
from jax.experimental.pallas import tpu as pltpu
from jax.experimental.pallas import tpu_sc as plsc

_LUT = 512
_NW = 32
_ROWS_PER_CHUNK = 4


def _sc_body(x_hbm, p_hbm, q_hbm, out_f16, pv, qv, xbuf, ybuf, in_sems, out_sems):
    out32 = out_f16.bitcast(jnp.int32)
    wrows, cols = out32.shape
    assert x_hbm.shape == (2 * wrows, cols)
    rpc = _ROWS_PER_CHUNK
    cw = rpc * cols
    xw = 2 * cw
    wr_per_w = wrows // _NW
    n_chunks = wr_per_w // rpc
    wid = lax.axis_index("s") * 2 + lax.axis_index("c")
    wrbase = wid * wr_per_w

    pltpu.sync_copy(p_hbm, pv)
    pltpu.sync_copy(q_hbm, qv)

    def f16_bits(xa):
        xm = jnp.maximum(xa, -8.0)
        z = xm * 8.0 + (64.0 + 8388608.0)
        j = plsc.bitcast(z, jnp.int32) & 0x1FF
        p = plsc.load_gather(pv, [j])
        q = plsc.load_gather(qv, [j])
        y = p + q * xa
        t = plsc.bitcast(y, jnp.int32)
        h = ((t + 0x1000) >> 13) - 114688
        return jnp.maximum(h, 0)

    def compute_chunk(buf):
        for k in range(rpc):
            xlo = xbuf.at[pl.ds(buf * xw + k * 2 * cols, cols)]
            xhi = xbuf.at[pl.ds(buf * xw + k * 2 * cols + cols, cols)]
            yb = ybuf.at[pl.ds(buf * cw + k * cols, cols)]

            @plsc.parallel_loop(0, cols // 16, step=1, unroll=8)
            def vec_body(i):
                b = i * 16
                ha = f16_bits(xlo[pl.ds(b, 16)])
                ho = f16_bits(xhi[pl.ds(b, 16)])
                yb[pl.ds(b, 16)] = ha | (ho << 16)

    def start_in(c, buf):
        xrow = (wrbase + c * rpc) * 2
        for k in range(2 * rpc):
            dst = xbuf.at[pl.ds(buf * xw + k * cols, cols)]
            pltpu.async_copy(x_hbm.at[xrow + k, :], dst, in_sems.at[buf])

    def start_out(c, buf):
        wr = wrbase + c * rpc
        for k in range(rpc):
            src = ybuf.at[pl.ds(buf * cw + k * cols, cols)]
            pltpu.async_copy(src, out32.at[wr + k, :], out_sems.at[buf])

    def wait_in(buf):
        for k in range(2 * rpc):
            dst = xbuf.at[pl.ds(buf * xw + k * cols, cols)]
            pltpu.make_async_copy(x_hbm.at[wrbase, :], dst,
                                  in_sems.at[buf]).wait()

    def wait_out(buf):
        for k in range(rpc):
            src = ybuf.at[pl.ds(buf * cw + k * cols, cols)]
            pltpu.make_async_copy(src, out32.at[wrbase + k, :],
                                  out_sems.at[buf]).wait()

    start_in(0, 0)

    def pair_body(cc, _):
        for buf in (0, 1):
            c = cc * 2 + buf

            @pl.when(c + 1 < n_chunks)
            def _():
                start_in(c + 1, 1 - buf)

            wait_in(buf)

            @pl.when(c >= 2)
            def _():
                wait_out(buf)

            compute_chunk(buf)
            start_out(c, buf)
        return 0

    lax.fori_loop(0, n_chunks // 2, pair_body, 0)
    wait_out(0)
    wait_out(1)


def _run(xf, p, q, shape):
    mesh = plsc.VectorSubcoreMesh(core_axis_name="c", subcore_axis_name="s")
    cols = shape[1]
    f = pl.kernel(
        _sc_body,
        out_type=jax.ShapeDtypeStruct(shape, jnp.float16),
        mesh=mesh,
        compiler_params=pltpu.CompilerParams(needs_layout_passes=False,
                                             use_tc_tiling_on_sc=True),
        scratch_types=[
            pltpu.VMEM((_LUT,), jnp.float32),
            pltpu.VMEM((_LUT,), jnp.float32),
            pltpu.VMEM((2 * 2 * _ROWS_PER_CHUNK * cols,), jnp.float32),
            pltpu.VMEM((2 * _ROWS_PER_CHUNK * cols,), jnp.int32),
            pltpu.SemaphoreType.DMA((2,)),
            pltpu.SemaphoreType.DMA((2,)),
        ],
    )
    return f(xf, p, q)


def kernel(x, index, table):
    idx32 = index.astype(jnp.float32)
    t32 = table.astype(jnp.float32)
    left = idx32[:-1]
    right = idx32[1:]
    interval = jnp.where(right - left == 0, jnp.float32(1e-5), right - left)
    slope = (t32[1:] - t32[:-1]) / interval
    intercept = t32[:-1] - slope * left
    q = jnp.concatenate([slope[64:193],
                         jnp.full((_LUT - 129,), slope[192], jnp.float32)])
    p = jnp.concatenate([intercept[64:193],
                         jnp.full((_LUT - 129,), intercept[192], jnp.float32)])
    return _run(x, p, q, x.shape)

# --- scband reference (transcript-rebuilt; emitter-appended) ---
"""Pipeline reference for scband-new-table-81716047774168 (READ-ONLY COPY).

The authoritative reference and input builder live on the scoring server;
editing this copy changes nothing except your own understanding.
"""

import jax, jax.numpy as jnp
import numpy as np

TABLE_SIZE = 257
CUT_POINTS = [-8.0, 0.0, 8.0]
MIN_V = -65504.0
MAX_V = 65504.0


def _func(t):
    # torch.sigmoid
    return 1.0 / (1.0 + np.exp(-t))


def _create_table():
    num_points = (TABLE_SIZE - 1) // (len(CUT_POINTS) + 1)
    index = np.zeros(TABLE_SIZE, dtype=np.float16)
    table = np.zeros(TABLE_SIZE, dtype=np.float16)
    all_points = [MIN_V] + CUT_POINTS + [MAX_V]
    for i in range(len(all_points) - 1):
        start = all_points[i]
        end = all_points[i + 1]
        x = np.linspace(start, end, num_points + 1, dtype=np.float32)
        y = np.clip(_func(x), -65504.0, 65504.0)
        if i != len(all_points) - 2:
            index[i * num_points:(i + 1) * num_points] = x[:-1].astype(np.float16)
            table[i * num_points:(i + 1) * num_points] = y[:-1].astype(np.float16)
        else:
            index[i * num_points:] = x.astype(np.float16)
            table[i * num_points:] = y.astype(np.float16)
    return jnp.asarray(index), jnp.asarray(table)


def setup_inputs(seed: int = 0) -> dict:
    key = jax.random.key(seed)
    x = jax.random.normal(key, (16384, 4096), dtype=jnp.float32) * 4.0
    index, table = _create_table()
    return {"x": x, "index": index, "table": table}


def reference(x, index, table):
    shape = x.shape
    xf = x.reshape(-1)
    # torch.bucketize(x, index, right=True) with fp16 boundaries promoted to fp32
    idx_f32 = index.astype(jnp.float32)
    indices = jnp.searchsorted(idx_f32, xf, side="right")
    indices = jnp.clip(indices, 1, TABLE_SIZE - 1)
    left = idx_f32[indices - 1]
    right = idx_f32[indices]
    interval = right - left
    interval = jnp.where(interval == 0, jnp.float32(1e-05), interval)
    m1 = (xf - left) / interval
    m2 = 1.0 - m1
    y = table[indices - 1] * m2.astype(jnp.float16) + table[indices] * m1.astype(jnp.float16)
    y = y.astype(jnp.float16)
    return y.reshape(shape)

if __name__ == "__main__":
    import jax
    _d = setup_inputs()
    print(jax.jit(kernel)(*tuple(_d.values())))

</pallas_src>

<mosaic_0001>
#map = affine_map<(d0, d1) -> (0, 0)>
#map1 = affine_map<(d0, d1) -> (0)>
module attributes {stable_mosaic.version = 14 : i64} {
  func.func @_sc_body(%arg0: i32, %arg1: i32, %arg2: memref<16384x4096xf32, #tpu.memory_space<hbm>>, %arg3: memref<512xf32, #tpu.memory_space<hbm>>, %arg4: memref<512xf32, #tpu.memory_space<hbm>>, %arg5: memref<16384x4096xf16, #tpu.memory_space<hbm>>, %arg6: memref<512xf32, #tpu.memory_space<vmem>>, %arg7: memref<512xf32, #tpu.memory_space<vmem>>, %arg8: memref<65536xf32, #tpu.memory_space<vmem>>, %arg9: memref<32768xi32, #tpu.memory_space<vmem>>, %arg10: memref<2x!tpu.dma_semaphore, #tpu.memory_space<semaphore_mem>>, %arg11: memref<2x!tpu.dma_semaphore, #tpu.memory_space<semaphore_mem>>) attributes {dimension_semantics = [#tpu.dimension_semantics<core_parallel>, #tpu.dimension_semantics<subcore_parallel>], iteration_bounds = array<i64: 2, 16>, scalar_prefetch = 0 : i64, scratch_operands = 6 : i64, tpu.core_type = #tpu.core_type<sc_vector_subcore>, window_params = [{transform_indices = #map}, {transform_indices = #map1}, {transform_indices = #map1}, {transform_indices = #map}]} {
    %mul3A = arith.constant 2 : i32
    %mul3A_0 = arith.muli %arg1, %mul3A : i32
    %add3A = arith.addi %mul3A_0, %arg0 : i32
    %mul3A_1 = arith.constant 256 : i32
    %mul3A_2 = arith.muli %add3A, %mul3A_1 : i32
    "tpu.region"() ({
      %run_scoped3A = tpu.sem_alloc : memref<!tpu.dma_semaphore, #tpu.memory_space<semaphore_mem>>
      tpu.enqueue_dma source(%arg3 : memref<512xf32, #tpu.memory_space<hbm>>) target(%arg6 : memref<512xf32, #tpu.memory_space<vmem>>) target_semaphore(%run_scoped3A : memref<!tpu.dma_semaphore, #tpu.memory_space<semaphore_mem>>)
      tpu.wait_dma2 semaphore(%run_scoped3A : memref<!tpu.dma_semaphore, #tpu.memory_space<semaphore_mem>>) src(%arg3 : memref<512xf32, #tpu.memory_space<hbm>>) dst(%arg6 : memref<512xf32, #tpu.memory_space<vmem>>)
      tpu.yield
    }) : () -> ()
    "tpu.region"() ({
      %run_scoped3A = tpu.sem_alloc : memref<!tpu.dma_semaphore, #tpu.memory_space<semaphore_mem>>
      tpu.enqueue_dma source(%arg4 : memref<512xf32, #tpu.memory_space<hbm>>) target(%arg7 : memref<512xf32, #tpu.memory_space<vmem>>) target_semaphore(%run_scoped3A : memref<!tpu.dma_semaphore, #tpu.memory_space<semaphore_mem>>)
      tpu.wait_dma2 semaphore(%run_scoped3A : memref<!tpu.dma_semaphore, #tpu.memory_space<semaphore_mem>>) src(%arg4 : memref<512xf32, #tpu.memory_space<hbm>>) dst(%arg7 : memref<512xf32, #tpu.memory_space<vmem>>)
      tpu.yield
    }) : () -> ()
    %add3A_3 = arith.constant 0 : i32
    %add3A_4 = arith.addi %mul3A_2, %add3A_3 : i32
    %mul3A_5 = arith.constant 2 : i32
    %mul3A_6 = arith.muli %add3A_4, %mul3A_5 : i32
    %add3A_7 = arith.constant 0 : i32
    %add3A_8 = arith.addi %mul3A_6, %add3A_7 : i32
    %dma_start3A = arith.constant 0 : i32
    %dma_start3A_9 = arith.constant 0 : i32
    %dma_start3A_10 = tpu.memref_slice %arg8[%dma_start3A_9] : memref<65536xf32, #tpu.memory_space<vmem>> -> memref<4096xf32, #tpu.memory_space<vmem>>
    %dma_start3A_11 = arith.constant 0 : i32
    %dma_start3A_12 = tpu.memref_slice %arg2[%add3A_8, %dma_start3A_11] : memref<16384x4096xf32, #tpu.memory_space<hbm>> -> memref<1x4096xf32, #tpu.memory_space<hbm>>
    %dma_start3A_13 = tpu.memref_squeeze %dma_start3A_12 : memref<1x4096xf32, #tpu.memory_space<hbm>> -> memref<4096xf32, #tpu.memory_space<hbm>>
    %dma_start3A_14 = tpu.memref_slice %arg10[%dma_start3A] : memref<2x!tpu.dma_semaphore, #tpu.memory_space<semaphore_mem>> -> memref<1x!tpu.dma_semaphore, #tpu.memory_space<semaphore_mem>>
    %dma_start3A_15 = tpu.memref_squeeze %dma_start3A_14 : memref<1x!tpu.dma_semaphore, #tpu.memory_space<semaphore_mem>> -> memref<!tpu.dma_semaphore, #tpu.memory_space<semaphore_mem>>
    %dma_start3A_16 = arith.constant 0 : i32
    %dma_start3A_17 = tpu.memref_slice %arg8[%dma_start3A_16] : memref<65536xf32, #tpu.memory_space<vmem>> -> memref<4096xf32, #tpu.memory_space<vmem>>
    %dma_start3A_18 = arith.constant 0 : i32
    %dma_start3A_19 = tpu.memref_slice %arg2[%add3A_8, %dma_start3A_18] : memref<16384x4096xf32, #tpu.memory_space<hbm>> -> memref<1x4096xf32, #tpu.memory_space<hbm>>
    %dma_start3A_20 = tpu.memref_squeeze %dma_start3A_19 : memref<1x4096xf32, #tpu.memory_space<hbm>> -> memref<4096xf32, #tpu.memory_space<hbm>>
    tpu.enqueue_dma source(%dma_start3A_20 : memref<4096xf32, #tpu.memory_space<hbm>>) target(%dma_start3A_17 : memref<4096xf32, #tpu.memory_space<vmem>>) target_semaphore(%dma_start3A_15 : memref<!tpu.dma_semaphore, #tpu.memory_space<semaphore_mem>>)
    %add3A_21 = arith.constant 1 : i32
    %add3A_22 = arith.addi %mul3A_6, %add3A_21 : i32
    %dma_start3A_23 = arith.constant 0 : i32
    %dma_start3A_24 = arith.constant 4096 : i32
    %dma_start3A_25 = tpu.memref_slice %arg8[%dma_start3A_24] : memref<65536xf32, #tpu.memory_space<vmem>> -> memref<4096xf32, #tpu.memory_space<vmem>>
    %dma_start3A_26 = arith.constant 0 : i32
    %dma_start3A_27 = tpu.memref_slice %arg2[%add3A_22, %dma_start3A_26] : memref<16384x4096xf32, #tpu.memory_space<hbm>> -> memref<1x4096xf32, #tpu.memory_space<hbm>>
    %dma_start3A_28 = tpu.memref_squeeze %dma_start3A_27 : memref<1x4096xf32, #tpu.memory_space<hbm>> -> memref<4096xf32, #tpu.memory_space<hbm>>
    %dma_start3A_29 = tpu.memref_slice %arg10[%dma_start3A_23] : memref<2x!tpu.dma_semaphore, #tpu.memory_space<semaphore_mem>> -> memref<1x!tpu.dma_semaphore, #tpu.memory_space<semaphore_mem>>
    %dma_start3A_30 = tpu.memref_squeeze %dma_start3A_29 : memref<1x!tpu.dma_semaphore, #tpu.memory_space<semaphore_mem>> -> memref<!tpu.dma_semaphore, #tpu.memory_space<semaphore_mem>>
    %dma_start3A_31 = arith.constant 4096 : i32
    %dma_start3A_32 = tpu.memref_slice %arg8[%dma_start3A_31] : memref<65536xf32, #tpu.memory_space<vmem>> -> memref<4096xf32, #tpu.memory_space<vmem>>
    %dma_start3A_33 = arith.constant 0 : i32
    %dma_start3A_34 = tpu.memref_slice %arg2[%add3A_22, %dma_start3A_33] : memref<16384x4096xf32, #tpu.memory_space<hbm>> -> memref<1x4096xf32, #tpu.memory_space<hbm>>
    %dma_start3A_35 = tpu.memref_squeeze %dma_start3A_34 : memref<1x4096xf32, #tpu.memory_space<hbm>> -> memref<4096xf32, #tpu.memory_space<hbm>>
    tpu.enqueue_dma source(%dma_start3A_35 : memref<4096xf32, #tpu.memory_space<hbm>>) target(%dma_start3A_32 : memref<4096xf32, #tpu.memory_space<vmem>>) target_semaphore(%dma_start3A_30 : memref<!tpu.dma_semaphore, #tpu.memory_space<semaphore_mem>>)
    %add3A_36 = arith.constant 2 : i32
    %add3A_37 = arith.addi %mul3A_6, %add3A_36 : i32
    %dma_start3A_38 = arith.constant 0 : i32
    %dma_start3A_39 = arith.constant 8192 : i32
    %dma_start3A_40 = tpu.memref_slice %arg8[%dma_start3A_39] : memref<65536xf32, #tpu.memory_space<vmem>> -> memref<4096xf32, #tpu.memory_space<vmem>>
    %dma_start3A_41 = arith.constant 0 : i32
    %dma_start3A_42 = tpu.memref_slice %arg2[%add3A_37, %dma_start3A_41] : memref<16384x4096xf32, #tpu.memory_space<hbm>> -> memref<1x4096xf32, #tpu.memory_space<hbm>>
    %dma_start3A_43 = tpu.memref_squeeze %dma_start3A_42 : memref<1x4096xf32, #tpu.memory_space<hbm>> -> memref<4096xf32, #tpu.memory_space<hbm>>
    %dma_start3A_44 = tpu.memref_slice %arg10[%dma_start3A_38] : memref<2x!tpu.dma_semaphore, #tpu.memory_space<semaphore_mem>> -> memref<1x!tpu.dma_semaphore, #tpu.memory_space<semaphore_mem>>
    %dma_start3A_45 = tpu.memref_squeeze %dma_start3A_44 : memref<1x!tpu.dma_semaphore, #tpu.memory_space<semaphore_mem>> -> memref<!tpu.dma_semaphore, #tpu.memory_space<semaphore_mem>>
    %dma_start3A_46 = arith.constant 8192 : i32
    %dma_start3A_47 = tpu.memref_slice %arg8[%dma_start3A_46] : memref<65536xf32, #tpu.memory_space<vmem>> -> memref<4096xf32, #tpu.memory_space<vmem>>
    %dma_start3A_48 = arith.constant 0 : i32
    %dma_start3A_49 = tpu.memref_slice %arg2[%add3A_37, %dma_start3A_48] : memref<16384x4096xf32, #tpu.memory_space<hbm>> -> memref<1x4096xf32, #tpu.memory_space<hbm>>
    %dma_start3A_50 = tpu.memref_squeeze %dma_start3A_49 : memref<1x4096xf32, #tpu.memory_space<hbm>> -> memref<4096xf32, #tpu.memory_space<hbm>>
    tpu.enqueue_dma source(%dma_start3A_50 : memref<4096xf32, #tpu.memory_space<hbm>>) target(%dma_start3A_47 : memref<4096xf32, #tpu.memory_space<vmem>>) target_semaphore(%dma_start3A_45 : memref<!tpu.dma_semaphore, #tpu.memory_space<semaphore_mem>>)
    %add3A_51 = arith.constant 3 : i32
    %add3A_52 = arith.addi %mul3A_6, %add3A_51 : i32
    %dma_start3A_53 = arith.constant 0 : i32
    %dma_start3A_54 = arith.constant 12288 : i32
    %dma_start3A_55 = tpu.memref_slice %arg8[%dma_start3A_54] : memref<65536xf32, #tpu.memory_space<vmem>> -> memref<4096xf32, #tpu.memory_space<vmem>>
    %dma_start3A_56 = arith.constant 0 : i32
    %dma_start3A_57 = tpu.memref_slice %arg2[%add3A_52, %dma_start3A_56] : memref<16384x4096xf32, #tpu.memory_space<hbm>> -> memref<1x4096xf32, #tpu.memory_space<hbm>>
    %dma_start3A_58 = tpu.memref_squeeze %dma_start3A_57 : memref<1x4096xf32, #tpu.memory_space<hbm>> -> memref<4096xf32, #tpu.memory_space<hbm>>
    %dma_start3A_59 = tpu.memref_slice %arg10[%dma_start3A_53] : memref<2x!tpu.dma_semaphore, #tpu.memory_space<semaphore_mem>> -> memref<1x!tpu.dma_semaphore, #tpu.memory_space<semaphore_mem>>
    %dma_start3A_60 = tpu.memref_squeeze %dma_start3A_59 : memref<1x!tpu.dma_semaphore, #tpu.memory_space<semaphore_mem>> -> memref<!tpu.dma_semaphore, #tpu.memory_space<semaphore_mem>>
    %dma_start3A_61 = arith.constant 12288 : i32
    %dma_start3A_62 = tpu.memref_slice %arg8[%dma_start3A_61] : memref<65536xf32, #tpu.memory_space<vmem>> -> memref<4096xf32, #tpu.memory_space<vmem>>
    %dma_start3A_63 = arith.constant 0 : i32
    %dma_start3A_64 = tpu.memref_slice %arg2[%add3A_52, %dma_start3A_63] : memref<16384x4096xf32, #tpu.memory_space<hbm>> -> memref<1x4096xf32, #tpu.memory_space<hbm>>
    %dma_start3A_65 = tpu.memref_squeeze %dma_start3A_64 : memref<1x4096xf32, #tpu.memory_space<hbm>> -> memref<4096xf32, #tpu.memory_space<hbm>>
    tpu.enqueue_dma source(%dma_start3A_65 : memref<4096xf32, #tpu.memory_space<hbm>>) target(%dma_start3A_62 : memref<4096xf32, #tpu.memory_space<vmem>>) target_semaphore(%dma_start3A_60 : memref<!tpu.dma_semaphore, #tpu.memory_space<semaphore_mem>>)
    %add3A_66 = arith.constant 4 : i32
    %add3A_67 = arith.addi %mul3A_6, %add3A_66 : i32
    %dma_start3A_68 = arith.constant 0 : i32
    %dma_start3A_69 = arith.constant 16384 : i32
    %dma_start3A_70 = tpu.memref_slice %arg8[%dma_start3A_69] : memref<65536xf32, #tpu.memory_space<vmem>> -> memref<4096xf32, #tpu.memory_space<vmem>>
    %dma_start3A_71 = arith.constant 0 : i32
    %dma_start3A_72 = tpu.memref_slice %arg2[%add3A_67, %dma_start3A_71] : memref<16384x4096xf32, #tpu.memory_space<hbm>> -> memref<1x4096xf32, #tpu.memory_space<hbm>>
    %dma_start3A_73 = tpu.memref_squeeze %dma_start3A_72 : memref<1x4096xf32, #tpu.memory_space<hbm>> -> memref<4096xf32, #tpu.memory_space<hbm>>
    %dma_start3A_74 = tpu.memref_slice %arg10[%dma_start3A_68] : memref<2x!tpu.dma_semaphore, #tpu.memory_space<semaphore_mem>> -> memref<1x!tpu.dma_semaphore, #tpu.memory_space<semaphore_mem>>
    %dma_start3A_75 = tpu.memref_squeeze %dma_start3A_74 : memref<1x!tpu.dma_semaphore, #tpu.memory_space<semaphore_mem>> -> memref<!tpu.dma_semaphore, #tpu.memory_space<semaphore_mem>>
    %dma_start3A_76 = arith.constant 16384 : i32
    %dma_start3A_77 = tpu.memref_slice %arg8[%dma_start3A_76] : memref<65536xf32, #tpu.memory_space<vmem>> -> memref<4096xf32, #tpu.memory_space<vmem>>
    %dma_start3A_78 = arith.constant 0 : i32
    %dma_start3A_79 = tpu.memref_slice %arg2[%add3A_67, %dma_start3A_78] : memref<16384x4096xf32, #tpu.memory_space<hbm>> -> memref<1x4096xf32, #tpu.memory_space<hbm>>
    %dma_start3A_80 = tpu.memref_squeeze %dma_start3A_79 : memref<1x4096xf32, #tpu.memory_space<hbm>> -> memref<4096xf32, #tpu.memory_space<hbm>>
    tpu.enqueue_dma source(%dma_start3A_80 : memref<4096xf32, #tpu.memory_space<hbm>>) target(%dma_start3A_77 : memref<4096xf32, #tpu.memory_space<vmem>>) target_semaphore(%dma_start3A_75 : memref<!tpu.dma_semaphore, #tpu.memory_space<semaphore_mem>>)
    %add3A_81 = arith.constant 5 : i32
    %add3A_82 = arith.addi %mul3A_6, %add3A_81 : i32
    %dma_start3A_83 = arith.constant 0 : i32
    %dma_start3A_84 = arith.constant 20480 : i32
    %dma_start3A_85 = tpu.memref_slice %arg8[%dma_start3A_84] : memref<65536xf32, #tpu.memory_space<vmem>> -> memref<4096xf32, #tpu.memory_space<vmem>>
    %dma_start3A_86 = arith.constant 0 : i32
    %dma_start3A_87 = tpu.memref_slice %arg2[%add3A_82, %dma_start3A_86] : memref<16384x4096xf32, #tpu.memory_space<hbm>> -> memref<1x4096xf32, #tpu.memory_space<hbm>>
    %dma_start3A_88 = tpu.memref_squeeze %dma_start3A_87 : memref<1x4096xf32, #tpu.memory_space<hbm>> -> memref<4096xf32, #tpu.memory_space<hbm>>
    %dma_start3A_89 = tpu.memref_slice %arg10[%dma_start3A_83] : memref<2x!tpu.dma_semaphore, #tpu.memory_space<semaphore_mem>> -> memref<1x!tpu.dma_semaphore, #tpu.memory_space<semaphore_mem>>
    %dma_start3A_90 = tpu.memref_squeeze %dma_start3A_89 : memref<1x!tpu.dma_semaphore, #tpu.memory_space<semaphore_mem>> -> memref<!tpu.dma_semaphore, #tpu.memory_space<semaphore_mem>>
    %dma_start3A_91 = arith.constant 20480 : i32
    %dma_start3A_92 = tpu.memref_slice %arg8[%dma_start3A_91] : memref<65536xf32, #tpu.memory_space<vmem>> -> memref<4096xf32, #tpu.memory_space<vmem>>
    %dma_start3A_93 = arith.constant 0 : i32
    %dma_start3A_94 = tpu.memref_slice %arg2[%add3A_82, %dma_start3A_93] : memref<16384x4096xf32, #tpu.memory_space<hbm>> -> memref<1x4096xf32, #tpu.memory_space<hbm>>
    %dma_start3A_95 = tpu.memref_squeeze %dma_start3A_94 : memref<1x4096xf32, #tpu.memory_space<hbm>> -> memref<4096xf32, #tpu.memory_space<hbm>>
    tpu.enqueue_dma source(%dma_start3A_95 : memref<4096xf32, #tpu.memory_space<hbm>>) target(%dma_start3A_92 : memref<4096xf32, #tpu.memory_space<vmem>>) target_semaphore(%dma_start3A_90 : memref<!tpu.dma_semaphore, #tpu.memory_space<semaphore_mem>>)
    %add3A_96 = arith.constant 6 : i32
    %add3A_97 = arith.addi %mul3A_6, %add3A_96 : i32
    %dma_start3A_98 = arith.constant 0 : i32
    %dma_start3A_99 = arith.constant 24576 : i32
    %dma_start3A_100 = tpu.memref_slice %arg8[%dma_start3A_99] : memref<65536xf32, #tpu.memory_space<vmem>> -> memref<4096xf32, #tpu.memory_space<vmem>>
    %dma_start3A_101 = arith.constant 0 : i32
    %dma_start3A_102 = tpu.memref_slice %arg2[%add3A_97, %dma_start3A_101] : memref<16384x4096xf32, #tpu.memory_space<hbm>> -> memref<1x4096xf32, #tpu.memory_space<hbm>>
    %dma_start3A_103 = tpu.memref_squeeze %dma_start3A_102 : memref<1x4096xf32, #tpu.memory_space<hbm>> -> memref<4096xf32, #tpu.memory_space<hbm>>
    %dma_start3A_104 = tpu.memref_slice %arg10[%dma_start3A_98] : memref<2x!tpu.dma_semaphore, #tpu.memory_space<semaphore_mem>> -> memref<1x!tpu.dma_semaphore, #tpu.memory_space<semaphore_mem>>
    %dma_start3A_105 = tpu.memref_squeeze %dma_start3A_104 : memref<1x!tpu.dma_semaphore, #tpu.memory_space<semaphore_mem>> -> memref<!tpu.dma_semaphore, #tpu.memory_space<semaphore_mem>>
    %dma_start3A_106 = arith.constant 24576 : i32
    %dma_start3A_107 = tpu.memref_slice %arg8[%dma_start3A_106] : memref<65536xf32, #tpu.memory_space<vmem>> -> memref<4096xf32, #tpu.memory_space<vmem>>
    %dma_start3A_108 = arith.constant 0 : i32
    %dma_start3A_109 = tpu.memref_slice %arg2[%add3A_97, %dma_start3A_108] : memref<16384x4096xf32, #tpu.memory_space<hbm>> -> memref<1x4096xf32, #tpu.memory_space<hbm>>
    %dma_start3A_110 = tpu.memref_squeeze %dma_start3A_109 : memref<1x4096xf32, #tpu.memory_space<hbm>> -> memref<4096xf32, #tpu.memory_space<hbm>>
    tpu.enqueue_dma source(%dma_start3A_110 : memref<4096xf32, #tpu.memory_space<hbm>>) target(%dma_start3A_107 : memref<4096xf32, #tpu.memory_space<vmem>>) target_semaphore(%dma_start3A_105 : memref<!tpu.dma_semaphore, #tpu.memory_space<semaphore_mem>>)
    %add3A_111 = arith.constant 7 : i32
    %add3A_112 = arith.addi %mul3A_6, %add3A_111 : i32
    %dma_start3A_113 = arith.constant 0 : i32
    %dma_start3A_114 = arith.constant 28672 : i32
    %dma_start3A_115 = tpu.memref_slice %arg8[%dma_start3A_114] : memref<65536xf32, #tpu.memory_space<vmem>> -> memref<4096xf32, #tpu.memory_space<vmem>>
    %dma_start3A_116 = arith.constant 0 : i32
    %dma_start3A_117 = tpu.memref_slice %arg2[%add3A_112, %dma_start3A_116] : memref<16384x4096xf32, #tpu.memory_space<hbm>> -> memref<1x4096xf32, #tpu.memory_space<hbm>>
    %dma_start3A_118 = tpu.memref_squeeze %dma_start3A_117 : memref<1x4096xf32, #tpu.memory_space<hbm>> -> memref<4096xf32, #tpu.memory_space<hbm>>
    %dma_start3A_119 = tpu.memref_slice %arg10[%dma_start3A_113] : memref<2x!tpu.dma_semaphore, #tpu.memory_space<semaphore_mem>> -> memref<1x!tpu.dma_semaphore, #tpu.memory_space<semaphore_mem>>
    %dma_start3A_120 = tpu.memref_squeeze %dma_start3A_119 : memref<1x!tpu.dma_semaphore, #tpu.memory_space<semaphore_mem>> -> memref<!tpu.dma_semaphore, #tpu.memory_space<semaphore_mem>>
    %dma_start3A_121 = arith.constant 28672 : i32
    %dma_start3A_122 = tpu.memref_slice %arg8[%dma_start3A_121] : memref<65536xf32, #tpu.memory_space<vmem>> -> memref<4096xf32, #tpu.memory_space<vmem>>
    %dma_start3A_123 = arith.constant 0 : i32
    %dma_start3A_124 = tpu.memref_slice %arg2[%add3A_112, %dma_start3A_123] : memref<16384x4096xf32, #tpu.memory_space<hbm>> -> memref<1x4096xf32, #tpu.memory_space<hbm>>
    %dma_start3A_125 = tpu.memref_squeeze %dma_start3A_124 : memref<1x4096xf32, #tpu.memory_space<hbm>> -> memref<4096xf32, #tpu.memory_space<hbm>>
    tpu.enqueue_dma source(%dma_start3A_125 : memref<4096xf32, #tpu.memory_space<hbm>>) target(%dma_start3A_122 : memref<4096xf32, #tpu.memory_space<vmem>>) target_semaphore(%dma_start3A_120 : memref<!tpu.dma_semaphore, #tpu.memory_space<semaphore_mem>>)
    %scan3A = arith.constant 0 : i32
    %scan3A_126 = arith.constant 0 : i32
    %scan3A_127 = arith.constant 32 : i32
    %scan3A_128 = arith.addi %scan3A_126, %scan3A_127 : i32
    %scan3A_129 = arith.constant 1 : i32
    %scan3A_130 = scf.for %scan3A_267 = %scan3A_126 to %scan3A_128 step %scan3A_129 iter_args(%scan3A_268 = %scan3A) -> (i32)  : i32 {
      %mul3A_269 = arith.constant 2 : i32
      %mul3A_270 = arith.muli %scan3A_267, %mul3A_269 : i32
      %add3A_271 = arith.constant 0 : i32
      %add3A_272 = arith.addi %mul3A_270, %add3A_271 : i32
      %add3A_273 = arith.constant 1 : i32
      %add3A_274 = arith.addi %add3A_272, %add3A_273 : i32
      %lt3A = arith.constant 64 : i32
      %lt3A_275 = arith.cmpi slt, %add3A_274, %lt3A : i32
      %convert_element_type3A = arith.extui %lt3A_275 : i1 to i32
      %cond3A = arith.constant 0 : i32
      %cond3A_276 = arith.cmpi ne, %convert_element_type3A, %cond3A : i32
      scf.if %cond3A_276 {
        %add3A_671 = arith.constant 1 : i32
        %add3A_672 = arith.addi %add3A_272, %add3A_671 : i32
        %mul3A_673 = arith.constant 4 : i32
        %mul3A_674 = arith.muli %add3A_672, %mul3A_673 : i32
        %add3A_675 = arith.addi %mul3A_2, %mul3A_674 : i32
        %mul3A_676 = arith.constant 2 : i32
        %mul3A_677 = arith.muli %add3A_675, %mul3A_676 : i32
        %add3A_678 = arith.constant 0 : i32
        %add3A_679 = arith.addi %mul3A_677, %add3A_678 : i32
        %dma_start3A_680 = arith.constant 1 : i32
        %dma_start3A_681 = arith.constant 32768 : i32
        %dma_start3A_682 = tpu.memref_slice %arg8[%dma_start3A_681] : memref<65536xf32, #tpu.memory_space<vmem>> -> memref<4096xf32, #tpu.memory_space<vmem>>
        %dma_start3A_683 = arith.constant 0 : i32
        %dma_start3A_684 = tpu.memref_slice %arg2[%add3A_679, %dma_start3A_683] : memref<16384x4096xf32, #tpu.memory_space<hbm>> -> memref<1x4096xf32, #tpu.memory_space<hbm>>
        %dma_start3A_685 = tpu.memref_squeeze %dma_start3A_684 : memref<1x4096xf32, #tpu.memory_space<hbm>> -> memref<4096xf32, #tpu.memory_space<hbm>>
        %dma_start3A_686 = tpu.memref_slice %arg10[%dma_start3A_680] : memref<2x!tpu.dma_semaphore, #tpu.memory_space<semaphore_mem>> -> memref<1x!tpu.dma_semaphore, #tpu.memory_space<semaphore_mem>>
        %dma_start3A_687 = tpu.memref_squeeze %dma_start3A_686 : memref<1x!tpu.dma_semaphore, #tpu.memory_space<semaphore_mem>> -> memref<!tpu.dma_semaphore, #tpu.memory_space<semaphore_mem>>
        %dma_start3A_688 = arith.constant 32768 : i32
        %dma_start3A_689 = tpu.memref_slice %arg8[%dma_start3A_688] : memref<65536xf32, #tpu.memory_space<vmem>> -> memref<4096xf32, #tpu.memory_space<vmem>>
        %dma_start3A_690 = arith.constant 0 : i32
        %dma_start3A_691 = tpu.memref_slice %arg2[%add3A_679, %dma_start3A_690] : memref<16384x4096xf32, #tpu.memory_space<hbm>> -> memref<1x4096xf32, #tpu.memory_space<hbm>>
        %dma_start3A_692 = tpu.memref_squeeze %dma_start3A_691 : memref<1x4096xf32, #tpu.memory_space<hbm>> -> memref<4096xf32, #tpu.memory_space<hbm>>
        tpu.enqueue_dma source(%dma_start3A_692 : memref<4096xf32, #tpu.memory_space<hbm>>) target(%dma_start3A_689 : memref<4096xf32, #tpu.memory_space<vmem>>) target_semaphore(%dma_start3A_687 : memref<!tpu.dma_semaphore, #tpu.memory_space<semaphore_mem>>)
        %add3A_693 = arith.constant 1 : i32
        %add3A_694 = arith.addi %mul3A_677, %add3A_693 : i32
        %dma_start3A_695 = arith.constant 1 : i32
        %dma_start3A_696 = arith.constant 36864 : i32
        %dma_start3A_697 = tpu.memref_slice %arg8[%dma_start3A_696] : memref<65536xf32, #tpu.memory_space<vmem>> -> memref<4096xf32, #tpu.memory_space<vmem>>
        %dma_start3A_698 = arith.constant 0 : i32
        %dma_start3A_699 = tpu.memref_slice %arg2[%add3A_694, %dma_start3A_698] : memref<16384x4096xf32, #tpu.memory_space<hbm>> -> memref<1x4096xf32, #tpu.memory_space<hbm>>
        %dma_start3A_700 = tpu.memref_squeeze %dma_start3A_699 : memref<1x4096xf32, #tpu.memory_space<hbm>> -> memref<4096xf32, #tpu.memory_space<hbm>>
        %dma_start3A_701 = tpu.memref_slice %arg10[%dma_start3A_695] : memref<2x!tpu.dma_semaphore, #tpu.memory_space<semaphore_mem>> -> memref<1x!tpu.dma_semaphore, #tpu.memory_space<semaphore_mem>>
        %dma_start3A_702 = tpu.memref_squeeze %dma_start3A_701 : memref<1x!tpu.dma_semaphore, #tpu.memory_space<semaphore_mem>> -> memref<!tpu.dma_semaphore, #tpu.memory_space<semaphore_mem>>
        %dma_start3A_703 = arith.constant 36864 : i32
        %dma_start3A_704 = tpu.memref_slice %arg8[%dma_start3A_703] : memref<65536xf32, #tpu.memory_space<vmem>> -> memref<4096xf32, #tpu.memory_space<vmem>>
        %dma_start3A_705 = arith.constant 0 : i32
        %dma_start3A_706 = tpu.memref_slice %arg2[%add3A_694, %dma_start3A_705] : memref<16384x4096xf32, #tpu.memory_space<hbm>> -> memref<1x4096xf32, #tpu.memory_space<hbm>>
        %dma_start3A_707 = tpu.memref_squeeze %dma_start3A_706 : memref<1x4096xf32, #tpu.memory_space<hbm>> -> memref<4096xf32, #tpu.memory_space<hbm>>
        tpu.enqueue_dma source(%dma_start3A_707 : memref<4096xf32, #tpu.memory_space<hbm>>) target(%dma_start3A_704 : memref<4096xf32, #tpu.memory_space<vmem>>) target_semaphore(%dma_start3A_702 : memref<!tpu.dma_semaphore, #tpu.memory_space<semaphore_mem>>)
        %add3A_708 = arith.constant 2 : i32
        %add3A_709 = arith.addi %mul3A_677, %add3A_708 : i32
        %dma_start3A_710 = arith.constant 1 : i32
        %dma_start3A_711 = arith.constant 40960 : i32
        %dma_start3A_712 = tpu.memref_slice %arg8[%dma_start3A_711] : memref<65536xf32, #tpu.memory_space<vmem>> -> memref<4096xf32, #tpu.memory_space<vmem>>
        %dma_start3A_713 = arith.constant 0 : i32
        %dma_start3A_714 = tpu.memref_slice %arg2[%add3A_709, %dma_start3A_713] : memref<16384x4096xf32, #tpu.memory_space<hbm>> -> memref<1x4096xf32, #tpu.memory_space<hbm>>
        %dma_start3A_715 = tpu.memref_squeeze %dma_start3A_714 : memref<1x4096xf32, #tpu.memory_space<hbm>> -> memref<4096xf32, #tpu.memory_space<hbm>>
        %dma_start3A_716 = tpu.memref_slice %arg10[%dma_start3A_710] : memref<2x!tpu.dma_semaphore, #tpu.memory_space<semaphore_mem>> -> memref<1x!tpu.dma_semaphore, #tpu.memory_space<semaphore_mem>>
        %dma_start3A_717 = tpu.memref_squeeze %dma_start3A_716 : memref<1x!tpu.dma_semaphore, #tpu.memory_space<semaphore_mem>> -> memref<!tpu.dma_semaphore, #tpu.memory_space<semaphore_mem>>
        %dma_start3A_718 = arith.constant 40960 : i32
        %dma_start3A_719 = tpu.memref_slice %arg8[%dma_start3A_718] : memref<65536xf32, #tpu.memory_space<vmem>> -> memref<4096xf32, #tpu.memory_space<vmem>>
        %dma_start3A_720 = arith.constant 0 : i32
        %dma_start3A_721 = tpu.memref_slice %arg2[%add3A_709, %dma_start3A_720] : memref<16384x4096xf32, #tpu.memory_space<hbm>> -> memref<1x4096xf32, #tpu.memory_space<hbm>>
        %dma_start3A_722 = tpu.memref_squeeze %dma_start3A_721 : memref<1x4096xf32, #tpu.memory_space<hbm>> -> memref<4096xf32, #tpu.memory_space<hbm>>
        tpu.enqueue_dma source(%dma_start3A_722 : memref<4096xf32, #tpu.memory_space<hbm>>) target(%dma_start3A_719 : memref<4096xf32, #tpu.memory_space<vmem>>) target_semaphore(%dma_start3A_717 : memref<!tpu.dma_semaphore, #tpu.memory_space<semaphore_mem>>)
        %add3A_723 = arith.constant 3 : i32
        %add3A_724 = arith.addi %mul3A_677, %add3A_723 : i32
        %dma_start3A_725 = arith.constant 1 : i32
        %dma_start3A_726 = arith.constant 45056 : i32
        %dma_start3A_727 = tpu.memref_slice %arg8[%dma_start3A_726] : memref<65536xf32, #tpu.memory_space<vmem>> -> memref<4096xf32, #tpu.memory_space<vmem>>
        %dma_start3A_728 = arith.constant 0 : i32
        %dma_start3A_729 = tpu.memref_slice %arg2[%add3A_724, %dma_start3A_728] : memref<16384x4096xf32, #tpu.memory_space<hbm>> -> memref<1x4096xf32, #tpu.memory_space<hbm>>
        %dma_start3A_730 = tpu.memref_squeeze %dma_start3A_729 : memref<1x4096xf32, #tpu.memory_space<hbm>> -> memref<4096xf32, #tpu.memory_space<hbm>>
        %dma_start3A_731 = tpu.memref_slice %arg10[%dma_start3A_725] : memref<2x!tpu.dma_semaphore, #tpu.memory_space<semaphore_mem>> -> memref<1x!tpu.dma_semaphore, #tpu.memory_space<semaphore_mem>>
        %dma_start3A_732 = tpu.memref_squeeze %dma_start3A_731 : memref<1x!tpu.dma_semaphore, #tpu.memory_space<semaphore_mem>> -> memref<!tpu.dma_semaphore, #tpu.memory_space<semaphore_mem>>
        %dma_start3A_733 = arith.constant 45056 : i32
        %dma_start3A_734 = tpu.memref_slice %arg8[%dma_start3A_733] : memref<65536xf32, #tpu.memory_space<vmem>> -> memref<4096xf32, #tpu.memory_space<vmem>>
        %dma_start3A_735 = arith.constant 0 : i32
        %dma_start3A_736 = tpu.memref_slice %arg2[%add3A_724, %dma_start3A_735] : memref<16384x4096xf32, #tpu.memory_space<hbm>> -> memref<1x4096xf32, #tpu.memory_space<hbm>>
        %dma_start3A_737 = tpu.memref_squeeze %dma_start3A_736 : memref<1x4096xf32, #tpu.memory_space<hbm>> -> memref<4096xf32, #tpu.memory_space<hbm>>
        tpu.enqueue_dma source(%dma_start3A_737 : memref<4096xf32, #tpu.memory_space<hbm>>) target(%dma_start3A_734 : memref<4096xf32, #tpu.memory_space<vmem>>) target_semaphore(%dma_start3A_732 : memref<!tpu.dma_semaphore, #tpu.memory_space<semaphore_mem>>)
        %add3A_738 = arith.constant 4 : i32
        %add3A_739 = arith.addi %mul3A_677, %add3A_738 : i32
        %dma_start3A_740 = arith.constant 1 : i32
        %dma_start3A_741 = arith.constant 49152 : i32
        %dma_start3A_742 = tpu.memref_slice %arg8[%dma_start3A_741] : memref<65536xf32, #tpu.memory_space<vmem>> -> memref<4096xf32, #tpu.memory_space<vmem>>
        %dma_start3A_743 = arith.constant 0 : i32
        %dma_start3A_744 = tpu.memref_slice %arg2[%add3A_739, %dma_start3A_743] : memref<16384x4096xf32, #tpu.memory_space<hbm>> -> memref<1x4096xf32, #tpu.memory_space<hbm>>
        %dma_start3A_745 = tpu.memref_squeeze %dma_start3A_744 : memref<1x4096xf32, #tpu.memory_space<hbm>> -> memref<4096xf32, #tpu.memory_space<hbm>>
        %dma_start3A_746 = tpu.memref_slice %arg10[%dma_start3A_740] : memref<2x!tpu.dma_semaphore, #tpu.memory_space<semaphore_mem>> -> memref<1x!tpu.dma_semaphore, #tpu.memory_space<semaphore_mem>>
        %dma_start3A_747 = tpu.memref_squeeze %dma_start3A_746 : memref<1x!tpu.dma_semaphore, #tpu.memory_space<semaphore_mem>> -> memref<!tpu.dma_semaphore, #tpu.memory_space<semaphore_mem>>
        %dma_start3A_748 = arith.constant 49152 : i32
        %dma_start3A_749 = tpu.memref_slice %arg8[%dma_start3A_748] : memref<65536xf32, #tpu.memory_space<vmem>> -> memref<4096xf32, #tpu.memory_space<vmem>>
        %dma_start3A_750 = arith.constant 0 : i32
        %dma_start3A_751 = tpu.memref_slice %arg2[%add3A_739, %dma_start3A_750] : memref<16384x4096xf32, #tpu.memory_space<hbm>> -> memref<1x4096xf32, #tpu.memory_space<hbm>>
        %dma_start3A_752 = tpu.memref_squeeze %dma_start3A_751 : memref<1x4096xf32, #tpu.memory_space<hbm>> -> memref<4096xf32, #tpu.memory_space<hbm>>
        tpu.enqueue_dma source(%dma_start3A_752 : memref<4096xf32, #tpu.memory_space<hbm>>) target(%dma_start3A_749 : memref<4096xf32, #tpu.memory_space<vmem>>) target_semaphore(%dma_start3A_747 : memref<!tpu.dma_semaphore, #tpu.memory_space<semaphore_mem>>)
        %add3A_753 = arith.constant 5 : i32
        %add3A_754 = arith.addi %mul3A_677, %add3A_753 : i32
        %dma_start3A_755 = arith.constant 1 : i32
        %dma_start3A_756 = arith.constant 53248 : i32
        %dma_start3A_757 = tpu.memref_slice %arg8[%dma_start3A_756] : memref<65536xf32, #tpu.memory_space<vmem>> -> memref<4096xf32, #tpu.memory_space<vmem>>
        %dma_start3A_758 = arith.constant 0 : i32
        %dma_start3A_759 = tpu.memref_slice %arg2[%add3A_754, %dma_start3A_758] : memref<16384x4096xf32, #tpu.memory_space<hbm>> -> memref<1x4096xf32, #tpu.memory_space<hbm>>
        %dma_start3A_760 = tpu.memref_squeeze %dma_start3A_759 : memref<1x4096xf32, #tpu.memory_space<hbm>> -> memref<4096xf32, #tpu.memory_space<hbm>>
        %dma_start3A_761 = tpu.memref_slice %arg10[%dma_start3A_755] : memref<2x!tpu.dma_semaphore, #tpu.memory_space<semaphore_mem>> -> memref<1x!tpu.dma_semaphore, #tpu.memory_space<semaphore_mem>>
        %dma_start3A_762 = tpu.memref_squeeze %dma_start3A_761 : memref<1x!tpu.dma_semaphore, #tpu.memory_space<semaphore_mem>> -> memref<!tpu.dma_semaphore, #tpu.memory_space<semaphore_mem>>
        %dma_start3A_763 = arith.constant 53248 : i32
        %dma_start3A_764 = tpu.memref_slice %arg8[%dma_start3A_763] : memref<65536xf32, #tpu.memory_space<vmem>> -> memref<4096xf32, #tpu.memory_space<vmem>>
        %dma_start3A_765 = arith.constant 0 : i32
        %dma_start3A_766 = tpu.memref_slice %arg2[%add3A_754, %dma_start3A_765] : memref<16384x4096xf32, #tpu.memory_space<hbm>> -> memref<1x4096xf32, #tpu.memory_space<hbm>>
        %dma_start3A_767 = tpu.memref_squeeze %dma_start3A_766 : memref<1x4096xf32, #tpu.memory_space<hbm>> -> memref<4096xf32, #tpu.memory_space<hbm>>
        tpu.enqueue_dma source(%dma_start3A_767 : memref<4096xf32, #tpu.memory_space<hbm>>) target(%dma_start3A_764 : memref<4096xf32, #tpu.memory_space<vmem>>) target_semaphore(%dma_start3A_762 : memref<!tpu.dma_semaphore, #tpu.memory_space<semaphore_mem>>)
        %add3A_768 = arith.constant 6 : i32
        %add3A_769 = arith.addi %mul3A_677, %add3A_768 : i32
        %dma_start3A_770 = arith.constant 1 : i32
        %dma_start3A_771 = arith.constant 57344 : i32
        %dma_start3A_772 = tpu.memref_slice %arg8[%dma_start3A_771] : memref<65536xf32, #tpu.memory_space<vmem>> -> memref<4096xf32, #tpu.memory_space<vmem>>
        %dma_start3A_773 = arith.constant 0 : i32
        %dma_start3A_774 = tpu.memref_slice %arg2[%add3A_769, %dma_start3A_773] : memref<16384x4096xf32, #tpu.memory_space<hbm>> -> memref<1x4096xf32, #tpu.memory_space<hbm>>
        %dma_start3A_775 = tpu.memref_squeeze %dma_start3A_774 : memref<1x4096xf32, #tpu.memory_space<hbm>> -> memref<4096xf32, #tpu.memory_space<hbm>>
        %dma_start3A_776 = tpu.memref_slice %arg10[%dma_start3A_770] : memref<2x!tpu.dma_semaphore, #tpu.memory_space<semaphore_mem>> -> memref<1x!tpu.dma_semaphore, #tpu.memory_space<semaphore_mem>>
        %dma_start3A_777 = tpu.memref_squeeze %dma_start3A_776 : memref<1x!tpu.dma_semaphore, #tpu.memory_space<semaphore_mem>> -> memref<!tpu.dma_semaphore, #tpu.memory_space<semaphore_mem>>
        %dma_start3A_778 = arith.constant 57344 : i32
        %dma_start3A_779 = tpu.memref_slice %arg8[%dma_start3A_778] : memref<65536xf32, #tpu.memory_space<vmem>> -> memref<4096xf32, #tpu.memory_space<vmem>>
        %dma_start3A_780 = arith.constant 0 : i32
        %dma_start3A_781 = tpu.memref_slice %arg2[%add3A_769, %dma_start3A_780] : memref<16384x4096xf32, #tpu.memory_space<hbm>> -> memref<1x4096xf32, #tpu.memory_space<hbm>>
        %dma_start3A_782 = tpu.memref_squeeze %dma_start3A_781 : memref<1x4096xf32, #tpu.memory_space<hbm>> -> memref<4096xf32, #tpu.memory_space<hbm>>
        tpu.enqueue_dma source(%dma_start3A_782 : memref<4096xf32, #tpu.memory_space<hbm>>) target(%dma_start3A_779 : memref<4096xf32, #tpu.memory_space<vmem>>) target_semaphore(%dma_start3A_777 : memref<!tpu.dma_semaphore, #tpu.memory_space<semaphore_mem>>)
        %add3A_783 = arith.constant 7 : i32
        %add3A_784 = arith.addi %mul3A_677, %add3A_783 : i32
        %dma_start3A_785 = arith.constant 1 : i32
        %dma_start3A_786 = arith.constant 61440 : i32
        %dma_start3A_787 = tpu.memref_slice %arg8[%dma_start3A_786] : memref<65536xf32, #tpu.memory_space<vmem>> -> memref<4096xf32, #tpu.memory_space<vmem>>
        %dma_start3A_788 = arith.constant 0 : i32
        %dma_start3A_789 = tpu.memref_slice %arg2[%add3A_784, %dma_start3A_788] : memref<16384x4096xf32, #tpu.memory_space<hbm>> -> memref<1x4096xf32, #tpu.memory_space<hbm>>
        %dma_start3A_790 = tpu.memref_squeeze %dma_start3A_789 : memref<1x4096xf32, #tpu.memory_space<hbm>> -> memref<4096xf32, #tpu.memory_space<hbm>>
        %dma_start3A_791 = tpu.memref_slice %arg10[%dma_start3A_785] : memref<2x!tpu.dma_semaphore, #tpu.memory_space<semaphore_mem>> -> memref<1x!tpu.dma_semaphore, #tpu.memory_space<semaphore_mem>>
        %dma_start3A_792 = tpu.memref_squeeze %dma_start3A_791 : memref<1x!tpu.dma_semaphore, #tpu.memory_space<semaphore_mem>> -> memref<!tpu.dma_semaphore, #tpu.memory_space<semaphore_mem>>
        %dma_start3A_793 = arith.constant 61440 : i32
        %dma_start3A_794 = tpu.memref_slice %arg8[%dma_start3A_793] : memref<65536xf32, #tpu.memory_space<vmem>> -> memref<4096xf32, #tpu.memory_space<vmem>>
        %dma_start3A_795 = arith.constant 0 : i32
        %dma_start3A_796 = tpu.memref_slice %arg2[%add3A_784, %dma_start3A_795] : memref<16384x4096xf32, #tpu.memory_space<hbm>> -> memref<1x4096xf32, #tpu.memory_space<hbm>>
        %dma_start3A_797 = tpu.memref_squeeze %dma_start3A_796 : memref<1x4096xf32, #tpu.memory_space<hbm>> -> memref<4096xf32, #tpu.memory_space<hbm>>
        tpu.enqueue_dma source(%dma_start3A_797 : memref<4096xf32, #tpu.memory_space<hbm>>) target(%dma_start3A_794 : memref<4096xf32, #tpu.memory_space<vmem>>) target_semaphore(%dma_start3A_792 : memref<!tpu.dma_semaphore, #tpu.memory_space<semaphore_mem>>)
      } else {
      }
      %dma_wait3A_277 = arith.constant 0 : i32
      %dma_wait3A_278 = arith.constant 0 : i32
      %dma_wait3A_279 = tpu.memref_slice %arg8[%dma_wait3A_278] : memref<65536xf32, #tpu.memory_space<vmem>> -> memref<4096xf32, #tpu.memory_space<vmem>>
      %dma_wait3A_280 = arith.constant 0 : i32
      %dma_wait3A_281 = tpu.memref_slice %arg2[%mul3A_2, %dma_wait3A_280] : memref<16384x4096xf32, #tpu.memory_space<hbm>> -> memref<1x4096xf32, #tpu.memory_space<hbm>>
      %dma_wait3A_282 = tpu.memref_squeeze %dma_wait3A_281 : memref<1x4096xf32, #tpu.memory_space<hbm>> -> memref<4096xf32, #tpu.memory_space<hbm>>
      %dma_wait3A_283 = tpu.memref_slice %arg10[%dma_wait3A_277] : memref<2x!tpu.dma_semaphore, #tpu.memory_space<semaphore_mem>> -> memref<1x!tpu.dma_semaphore, #tpu.memory_space<semaphore_mem>>
      %dma_wait3A_284 = tpu.memref_squeeze %dma_wait3A_283 : memref<1x!tpu.dma_semaphore, #tpu.memory_space<semaphore_mem>> -> memref<!tpu.dma_semaphore, #tpu.memory_space<semaphore_mem>>
      %dma_wait3A_285 = arith.constant 0 : i32
      %dma_wait3A_286 = tpu.memref_slice %arg8[%dma_wait3A_285] : memref<65536xf32, #tpu.memory_space<vmem>> -> memref<4096xf32, #tpu.memory_space<vmem>>
      %dma_wait3A_287 = arith.constant 0 : i32
      %dma_wait3A_288 = tpu.memref_slice %arg2[%mul3A_2, %dma_wait3A_287] : memref<16384x4096xf32, #tpu.memory_space<hbm>> -> memref<1x4096xf32, #tpu.memory_space<hbm>>
      %dma_wait3A_289 = tpu.memref_squeeze %dma_wait3A_288 : memref<1x4096xf32, #tpu.memory_space<hbm>> -> memref<4096xf32, #tpu.memory_space<hbm>>
      tpu.wait_dma2 semaphore(%dma_wait3A_284 : memref<!tpu.dma_semaphore, #tpu.memory_space<semaphore_mem>>) src(%dma_wait3A_289 : memref<4096xf32, #tpu.memory_space<hbm>>) dst(%dma_wait3A_286 : memref<4096xf32, #tpu.memory_space<vmem>>)
      %dma_wait3A_290 = arith.constant 0 : i32
      %dma_wait3A_291 = arith.constant 4096 : i32
      %dma_wait3A_292 = tpu.memref_slice %arg8[%dma_wait3A_291] : memref<65536xf32, #tpu.memory_space<vmem>> -> memref<4096xf32, #tpu.memory_space<vmem>>
      %dma_wait3A_293 = arith.constant 0 : i32
      %dma_wait3A_294 = tpu.memref_slice %arg2[%mul3A_2, %dma_wait3A_293] : memref<16384x4096xf32, #tpu.memory_space<hbm>> -> memref<1x4096xf32, #tpu.memory_space<hbm>>
      %dma_wait3A_295 = tpu.memref_squeeze %dma_wait3A_294 : memref<1x4096xf32, #tpu.memory_space<hbm>> -> memref<4096xf32, #tpu.memory_space<hbm>>
      %dma_wait3A_296 = tpu.memref_slice %arg10[%dma_wait3A_290] : memref<2x!tpu.dma_semaphore, #tpu.memory_space<semaphore_mem>> -> memref<1x!tpu.dma_semaphore, #tpu.memory_space<semaphore_mem>>
      %dma_wait3A_297 = tpu.memref_squeeze %dma_wait3A_296 : memref<1x!tpu.dma_semaphore, #tpu.memory_space<semaphore_mem>> -> memref<!tpu.dma_semaphore, #tpu.memory_space<semaphore_mem>>
      %dma_wait3A_298 = arith.constant 4096 : i32
      %dma_wait3A_299 = tpu.memref_slice %arg8[%dma_wait3A_298] : memref<65536xf32, #tpu.memory_space<vmem>> -> memref<4096xf32, #tpu.memory_space<vmem>>
      %dma_wait3A_300 = arith.constant 0 : i32
      %dma_wait3A_301 = tpu.memref_slice %arg2[%mul3A_2, %dma_wait3A_300] : memref<16384x4096xf32, #tpu.memory_space<hbm>> -> memref<1x4096xf32, #tpu.memory_space<hbm>>
      %dma_wait3A_302 = tpu.memref_squeeze %dma_wait3A_301 : memref<1x4096xf32, #tpu.memory_space<hbm>> -> memref<4096xf32, #tpu.memory_space<hbm>>
      tpu.wait_dma2 semaphore(%dma_wait3A_297 : memref<!tpu.dma_semaphore, #tpu.memory_space<semaphore_mem>>) src(%dma_wait3A_302 : memref<4096xf32, #tpu.memory_space<hbm>>) dst(%dma_wait3A_299 : memref<4096xf32, #tpu.memory_space<vmem>>)
      %dma_wait3A_303 = arith.constant 0 : i32
      %dma_wait3A_304 = arith.constant 8192 : i32
      %dma_wait3A_305 = tpu.memref_slice %arg8[%dma_wait3A_304] : memref<65536xf32, #tpu.memory_space<vmem>> -> memref<4096xf32, #tpu.memory_space<vmem>>
      %dma_wait3A_306 = arith.constant 0 : i32
      %dma_wait3A_307 = tpu.memref_slice %arg2[%mul3A_2, %dma_wait3A_306] : memref<16384x4096xf32, #tpu.memory_space<hbm>> -> memref<1x4096xf32, #tpu.memory_space<hbm>>
      %dma_wait3A_308 = tpu.memref_squeeze %dma_wait3A_307 : memref<1x4096xf32, #tpu.memory_space<hbm>> -> memref<4096xf32, #tpu.memory_space<hbm>>
      %dma_wait3A_309 = tpu.memref_slice %arg10[%dma_wait3A_303] : memref<2x!tpu.dma_semaphore, #tpu.memory_space<semaphore_mem>> -> memref<1x!tpu.dma_semaphore, #tpu.memory_space<semaphore_mem>>
      %dma_wait3A_310 = tpu.memref_squeeze %dma_wait3A_309 : memref<1x!tpu.dma_semaphore, #tpu.memory_space<semaphore_mem>> -> memref<!tpu.dma_semaphore, #tpu.memory_space<semaphore_mem>>
      %dma_wait3A_311 = arith.constant 8192 : i32
      %dma_wait3A_312 = tpu.memref_slice %arg8[%dma_wait3A_311] : memref<65536xf32, #tpu.memory_space<vmem>> -> memref<4096xf32, #tpu.memory_space<vmem>>
      %dma_wait3A_313 = arith.constant 0 : i32
      %dma_wait3A_314 = tpu.memref_slice %arg2[%mul3A_2, %dma_wait3A_313] : memref<16384x4096xf32, #tpu.memory_space<hbm>> -> memref<1x4096xf32, #tpu.memory_space<hbm>>
      %dma_wait3A_315 = tpu.memref_squeeze %dma_wait3A_314 : memref<1x4096xf32, #tpu.memory_space<hbm>> -> memref<4096xf32, #tpu.memory_space<hbm>>
      tpu.wait_dma2 semaphore(%dma_wait3A_310 : memref<!tpu.dma_semaphore, #tpu.memory_space<semaphore_mem>>) src(%dma_wait3A_315 : memref<4096xf32, #tpu.memory_space<hbm>>) dst(%dma_wait3A_312 : memref<4096xf32, #tpu.memory_space<vmem>>)
      %dma_wait3A_316 = arith.constant 0 : i32
      %dma_wait3A_317 = arith.constant 12288 : i32
      %dma_wait3A_318 = tpu.memref_slice %arg8[%dma_wait3A_317] : memref<65536xf32, #tpu.memory_space<vmem>> -> memref<4096xf32, #tpu.memory_space<vmem>>
      %dma_wait3A_319 = arith.constant 0 : i32
      %dma_wait3A_320 = tpu.memref_slice %arg2[%mul3A_2, %dma_wait3A_319] : memref<16384x4096xf32, #tpu.memory_space<hbm>> -> memref<1x4096xf32, #tpu.memory_space<hbm>>
      %dma_wait3A_321 = tpu.memref_squeeze %dma_wait3A_320 : memref<1x4096xf32, #tpu.memory_space<hbm>> -> memref<4096xf32, #tpu.memory_space<hbm>>
      %dma_wait3A_322 = tpu.memref_slice %arg10[%dma_wait3A_316] : memref<2x!tpu.dma_semaphore, #tpu.memory_space<semaphore_mem>> -> memref<1x!tpu.dma_semaphore, #tpu.memory_space<semaphore_mem>>
      %dma_wait3A_323 = tpu.memref_squeeze %dma_wait3A_322 : memref<1x!tpu.dma_semaphore, #tpu.memory_space<semaphore_mem>> -> memref<!tpu.dma_semaphore, #tpu.memory_space<semaphore_mem>>
      %dma_wait3A_324 = arith.constant 12288 : i32
      %dma_wait3A_325 = tpu.memref_slice %arg8[%dma_wait3A_324] : memref<65536xf32, #tpu.memory_space<vmem>> -> memref<4096xf32, #tpu.memory_space<vmem>>
      %dma_wait3A_326 = arith.constant 0 : i32
      %dma_wait3A_327 = tpu.memref_slice %arg2[%mul3A_2, %dma_wait3A_326] : memref<16384x4096xf32, #tpu.memory_space<hbm>> -> memref<1x4096xf32, #tpu.memory_space<hbm>>
      %dma_wait3A_328 = tpu.memref_squeeze %dma_wait3A_327 : memref<1x4096xf32, #tpu.memory_space<hbm>> -> memref<4096xf32, #tpu.memory_space<hbm>>
      tpu.wait_dma2 semaphore(%dma_wait3A_323 : memref<!tpu.dma_semaphore, #tpu.memory_space<semaphore_mem>>) src(%dma_wait3A_328 : memref<4096xf32, #tpu.memory_space<hbm>>) dst(%dma_wait3A_325 : memref<4096xf32, #tpu.memory_space<vmem>>)
      %dma_wait3A_329 = arith.constant 0 : i32
      %dma_wait3A_330 = arith.constant 16384 : i32
      %dma_wait3A_331 = tpu.memref_slice %arg8[%dma_wait3A_330] : memref<65536xf32, #tpu.memory_space<vmem>> -> memref<4096xf32, #tpu.memory_space<vmem>>
      %dma_wait3A_332 = arith.constant 0 : i32
      %dma_wait3A_333 = tpu.memref_slice %arg2[%mul3A_2, %dma_wait3A_332] : memref<16384x4096xf32, #tpu.memory_space<hbm>> -> memref<1x4096xf32, #tpu.memory_space<hbm>>
      %dma_wait3A_334 = tpu.memref_squeeze %dma_wait3A_333 : memref<1x4096xf32, #tpu.memory_space<hbm>> -> memref<4096xf32, #tpu.memory_space<hbm>>
      %dma_wait3A_335 = tpu.memref_slice %arg10[%dma_wait3A_329] : memref<2x!tpu.dma_semaphore, #tpu.memory_space<semaphore_mem>> -> memref<1x!tpu.dma_semaphore, #tpu.memory_space<semaphore_mem>>
      %dma_wait3A_336 = tpu.memref_squeeze %dma_wait3A_335 : memref<1x!tpu.dma_semaphore, #tpu.memory_space<semaphore_mem>> -> memref<!tpu.dma_semaphore, #tpu.memory_space<semaphore_mem>>
      %dma_wait3A_337 = arith.constant 16384 : i32
      %dma_wait3A_338 = tpu.memref_slice %arg8[%dma_wait3A_337] : memref<65536xf32, #tpu.memory_space<vmem>> -> memref<4096xf32, #tpu.memory_space<vmem>>
      %dma_wait3A_339 = arith.constant 0 : i32
      %dma_wait3A_340 = tpu.memref_slice %arg2[%mul3A_2, %dma_wait3A_339] : memref<16384x4096xf32, #tpu.memory_space<hbm>> -> memref<1x4096xf32, #tpu.memory_space<hbm>>
      %dma_wait3A_341 = tpu.memref_squeeze %dma_wait3A_340 : memref<1x4096xf32, #tpu.memory_space<hbm>> -> memref<4096xf32, #tpu.memory_space<hbm>>
      tpu.wait_dma2 semaphore(%dma_wait3A_336 : memref<!tpu.dma_semaphore, #tpu.memory_space<semaphore_mem>>) src(%dma_wait3A_341 : memref<4096xf32, #tpu.memory_space<hbm>>) dst(%dma_wait3A_338 : memref<4096xf32, #tpu.memory_space<vmem>>)
      %dma_wait3A_342 = arith.constant 0 : i32
      %dma_wait3A_343 = arith.constant 20480 : i32
      %dma_wait3A_344 = tpu.memref_slice %arg8[%dma_wait3A_343] : memref<65536xf32, #tpu.memory_space<vmem>> -> memref<4096xf32, #tpu.memory_space<vmem>>
      %dma_wait3A_345 = arith.constant 0 : i32
      %dma_wait3A_346 = tpu.memref_slice %arg2[%mul3A_2, %dma_wait3A_345] : memref<16384x4096xf32, #tpu.memory_space<hbm>> -> memref<1x4096xf32, #tpu.memory_space<hbm>>
      %dma_wait3A_347 = tpu.memref_squeeze %dma_wait3A_346 : memref<1x4096xf32, #tpu.memory_space<hbm>> -> memref<4096xf32, #tpu.memory_space<hbm>>
      %dma_wait3A_348 = tpu.memref_slice %arg10[%dma_wait3A_342] : memref<2x!tpu.dma_semaphore, #tpu.memory_space<semaphore_mem>> -> memref<1x!tpu.dma_semaphore, #tpu.memory_space<semaphore_mem>>
      %dma_wait3A_349 = tpu.memref_squeeze %dma_wait3A_348 : memref<1x!tpu.dma_semaphore, #tpu.memory_space<semaphore_mem>> -> memref<!tpu.dma_semaphore, #tpu.memory_space<semaphore_mem>>
      %dma_wait3A_350 = arith.constant 20480 : i32
      %dma_wait3A_351 = tpu.memref_slice %arg8[%dma_wait3A_350] : memref<65536xf32, #tpu.memory_space<vmem>> -> memref<4096xf32, #tpu.memory_space<vmem>>
      %dma_wait3A_352 = arith.constant 0 : i32
      %dma_wait3A_353 = tpu.memref_slice %arg2[%mul3A_2, %dma_wait3A_352] : memref<16384x4096xf32, #tpu.memory_space<hbm>> -> memref<1x4096xf32, #tpu.memory_space<hbm>>
      %dma_wait3A_354 = tpu.memref_squeeze %dma_wait3A_353 : memref<1x4096xf32, #tpu.memory_space<hbm>> -> memref<4096xf32, #tpu.memory_space<hbm>>
      tpu.wait_dma2 semaphore(%dma_wait3A_349 : memref<!tpu.dma_semaphore, #tpu.memory_space<semaphore_mem>>) src(%dma_wait3A_354 : memref<4096xf32, #tpu.memory_space<hbm>>) dst(%dma_wait3A_351 : memref<4096xf32, #tpu.memory_space<vmem>>)
      %dma_wait3A_355 = arith.constant 0 : i32
      %dma_wait3A_356 = arith.constant 24576 : i32
      %dma_wait3A_357 = tpu.memref_slice %arg8[%dma_wait3A_356] : memref<65536xf32, #tpu.memory_space<vmem>> -> memref<4096xf32, #tpu.memory_space<vmem>>
      %dma_wait3A_358 = arith.constant 0 : i32
      %dma_wait3A_359 = tpu.memref_slice %arg2[%mul3A_2, %dma_wait3A_358] : memref<16384x4096xf32, #tpu.memory_space<hbm>> -> memref<1x4096xf32, #tpu.memory_space<hbm>>
      %dma_wait3A_360 = tpu.memref_squeeze %dma_wait3A_359 : memref<1x4096xf32, #tpu.memory_space<hbm>> -> memref<4096xf32, #tpu.memory_space<hbm>>
      %dma_wait3A_361 = tpu.memref_slice %arg10[%dma_wait3A_355] : memref<2x!tpu.dma_semaphore, #tpu.memory_space<semaphore_mem>> -> memref<1x!tpu.dma_semaphore, #tpu.memory_space<semaphore_mem>>
      %dma_wait3A_362 = tpu.memref_squeeze %dma_wait3A_361 : memref<1x!tpu.dma_semaphore, #tpu.memory_space<semaphore_mem>> -> memref<!tpu.dma_semaphore, #tpu.memory_space<semaphore_mem>>
      %dma_wait3A_363 = arith.constant 24576 : i32
      %dma_wait3A_364 = tpu.memref_slice %arg8[%dma_wait3A_363] : memref<65536xf32, #tpu.memory_space<vmem>> -> memref<4096xf32, #tpu.memory_space<vmem>>
      %dma_wait3A_365 = arith.constant 0 : i32
      %dma_wait3A_366 = tpu.memref_slice %arg2[%mul3A_2, %dma_wait3A_365] : memref<16384x4096xf32, #tpu.memory_space<hbm>> -> memref<1x4096xf32, #tpu.memory_space<hbm>>
      %dma_wait3A_367 = tpu.memref_squeeze %dma_wait3A_366 : memref<1x4096xf32, #tpu.memory_space<hbm>> -> memref<4096xf32, #tpu.memory_space<hbm>>
      tpu.wait_dma2 semaphore(%dma_wait3A_362 : memref<!tpu.dma_semaphore, #tpu.memory_space<semaphore_mem>>) src(%dma_wait3A_367 : memref<4096xf32, #tpu.memory_space<hbm>>) dst(%dma_wait3A_364 : memref<4096xf32, #tpu.memory_space<vmem>>)
      %dma_wait3A_368 = arith.constant 0 : i32
      %dma_wait3A_369 = arith.constant 28672 : i32
      %dma_wait3A_370 = tpu.memref_slice %arg8[%dma_wait3A_369] : memref<65536xf32, #tpu.memory_space<vmem>> -> memref<4096xf32, #tpu.memory_space<vmem>>
      %dma_wait3A_371 = arith.constant 0 : i32
      %dma_wait3A_372 = tpu.memref_slice %arg2[%mul3A_2, %dma_wait3A_371] : memref<16384x4096xf32, #tpu.memory_space<hbm>> -> memref<1x4096xf32, #tpu.memory_space<hbm>>
      %dma_wait3A_373 = tpu.memref_squeeze %dma_wait3A_372 : memref<1x4096xf32, #tpu.memory_space<hbm>> -> memref<4096xf32, #tpu.memory_space<hbm>>
      %dma_wait3A_374 = tpu.memref_slice %arg10[%dma_wait3A_368] : memref<2x!tpu.dma_semaphore, #tpu.memory_space<semaphore_mem>> -> memref<1x!tpu.dma_semaphore, #tpu.memory_space<semaphore_mem>>
      %dma_wait3A_375 = tpu.memref_squeeze %dma_wait3A_374 : memref<1x!tpu.dma_semaphore, #tpu.memory_space<semaphore_mem>> -> memref<!tpu.dma_semaphore, #tpu.memory_space<semaphore_mem>>
      %dma_wait3A_376 = arith.constant 28672 : i32
      %dma_wait3A_377 = tpu.memref_slice %arg8[%dma_wait3A_376] : memref<65536xf32, #tpu.memory_space<vmem>> -> memref<4096xf32, #tpu.memory_space<vmem>>
      %dma_wait3A_378 = arith.constant 0 : i32
      %dma_wait3A_379 = tpu.memref_slice %arg2[%mul3A_2, %dma_wait3A_378] : memref<16384x4096xf32, #tpu.memory_space<hbm>> -> memref<1x4096xf32, #tpu.memory_space<hbm>>
      %dma_wait3A_380 = tpu.memref_squeeze %dma_wait3A_379 : memref<1x4096xf32, #tpu.memory_space<hbm>> -> memref<4096xf32, #tpu.memory_space<hbm>>
      tpu.wait_dma2 semaphore(%dma_wait3A_375 : memref<!tpu.dma_semaphore, #tpu.memory_space<semaphore_mem>>) src(%dma_wait3A_380 : memref<4096xf32, #tpu.memory_space<hbm>>) dst(%dma_wait3A_377 : memref<4096xf32, #tpu.memory_space<vmem>>)
      %ge3A = arith.constant 2 : i32
      %ge3A_381 = arith.cmpi sge, %add3A_272, %ge3A : i32
      %convert_element_type3A_382 = arith.extui %ge3A_381 : i1 to i32
      %cond3A_383 = arith.constant 0 : i32
      %cond3A_384 = arith.cmpi ne, %convert_element_type3A_382, %cond3A_383 : i32
      scf.if %cond3A_384 {
        %add3A_671 = arith.constant 0 : i32
        %add3A_672 = arith.addi %mul3A_2, %add3A_671 : i32
        %dma_wait3A_673 = arith.constant 0 : i32
        %dma_wait3A_674 = arith.constant 0 : i32
        %dma_wait3A_675 = tpu.memref_slice %arg9[%dma_wait3A_674] : memref<32768xi32, #tpu.memory_space<vmem>> -> memref<4096xi32, #tpu.memory_space<vmem>>
        %dma_wait3A_676 = tpu.memref_bitcast %arg5 : memref<16384x4096xf16, #tpu.memory_space<hbm>> -> memref<8192x4096xi32, #tpu.memory_space<hbm>>
        %dma_wait3A_677 = arith.constant 0 : i32
        %dma_wait3A_678 = tpu.memref_slice %dma_wait3A_676[%add3A_672, %dma_wait3A_677] : memref<8192x4096xi32, #tpu.memory_space<hbm>> -> memref<1x4096xi32, #tpu.memory_space<hbm>>
        %dma_wait3A_679 = tpu.memref_squeeze %dma_wait3A_678 : memref<1x4096xi32, #tpu.memory_space<hbm>> -> memref<4096xi32, #tpu.memory_space<hbm>>
        %dma_wait3A_680 = tpu.memref_slice %arg11[%dma_wait3A_673] : memref<2x!tpu.dma_semaphore, #tpu.memory_space<semaphore_mem>> -> memref<1x!tpu.dma_semaphore, #tpu.memory_space<semaphore_mem>>
        %dma_wait3A_681 = tpu.memref_squeeze %dma_wait3A_680 : memref<1x!tpu.dma_semaphore, #tpu.memory_space<semaphore_mem>> -> memref<!tpu.dma_semaphore, #tpu.memory_space<semaphore_mem>>
        %dma_wait3A_682 = tpu.memref_bitcast %arg5 : memref<16384x4096xf16, #tpu.memory_space<hbm>> -> memref<8192x4096xi32, #tpu.memory_space<hbm>>
        %dma_wait3A_683 = arith.constant 0 : i32
        %dma_wait3A_684 = tpu.memref_slice %dma_wait3A_682[%add3A_672, %dma_wait3A_683] : memref<8192x4096xi32, #tpu.memory_space<hbm>> -> memref<1x4096xi32, #tpu.memory_space<hbm>>
        %dma_wait3A_685 = tpu.memref_squeeze %dma_wait3A_684 : memref<1x4096xi32, #tpu.memory_space<hbm>> -> memref<4096xi32, #tpu.memory_space<hbm>>
        %dma_wait3A_686 = arith.constant 0 : i32
        %dma_wait3A_687 = tpu.memref_slice %arg9[%dma_wait3A_686] : memref<32768xi32, #tpu.memory_space<vmem>> -> memref<4096xi32, #tpu.memory_space<vmem>>
        tpu.wait_dma2 semaphore(%dma_wait3A_681 : memref<!tpu.dma_semaphore, #tpu.memory_space<semaphore_mem>>) src(%dma_wait3A_687 : memref<4096xi32, #tpu.memory_space<vmem>>) dst(%dma_wait3A_685 : memref<4096xi32, #tpu.memory_space<hbm>>)
        %add3A_688 = arith.constant 1 : i32
        %add3A_689 = arith.addi %mul3A_2, %add3A_688 : i32
        %dma_wait3A_690 = arith.constant 0 : i32
        %dma_wait3A_691 = arith.constant 4096 : i32
        %dma_wait3A_692 = tpu.memref_slice %arg9[%dma_wait3A_691] : memref<32768xi32, #tpu.memory_space<vmem>> -> memref<4096xi32, #tpu.memory_space<vmem>>
        %dma_wait3A_693 = tpu.memref_bitcast %arg5 : memref<16384x4096xf16, #tpu.memory_space<hbm>> -> memref<8192x4096xi32, #tpu.memory_space<hbm>>
        %dma_wait3A_694 = arith.constant 0 : i32
        %dma_wait3A_695 = tpu.memref_slice %dma_wait3A_693[%add3A_689, %dma_wait3A_694] : memref<8192x4096xi32, #tpu.memory_space<hbm>> -> memref<1x4096xi32, #tpu.memory_space<hbm>>
        %dma_wait3A_696 = tpu.memref_squeeze %dma_wait3A_695 : memref<1x4096xi32, #tpu.memory_space<hbm>> -> memref<4096xi32, #tpu.memory_space<hbm>>
        %dma_wait3A_697 = tpu.memref_slice %arg11[%dma_wait3A_690] : memref<2x!tpu.dma_semaphore, #tpu.memory_space<semaphore_mem>> -> memref<1x!tpu.dma_semaphore, #tpu.memory_space<semaphore_mem>>
        %dma_wait3A_698 = tpu.memref_squeeze %dma_wait3A_697 : memref<1x!tpu.dma_semaphore, #tpu.memory_space<semaphore_mem>> -> memref<!tpu.dma_semaphore, #tpu.memory_space<semaphore_mem>>
        %dma_wait3A_699 = tpu.memref_bitcast %arg5 : memref<16384x4096xf16, #tpu.memory_space<hbm>> -> memref<8192x4096xi32, #tpu.memory_space<hbm>>
        %dma_wait3A_700 = arith.constant 0 : i32
        %dma_wait3A_701 = tpu.memref_slice %dma_wait3A_699[%add3A_689, %dma_wait3A_700] : memref<8192x4096xi32, #tpu.memory_space<hbm>> -> memref<1x4096xi32, #tpu.memory_space<hbm>>
        %dma_wait3A_702 = tpu.memref_squeeze %dma_wait3A_701 : memref<1x4096xi32, #tpu.memory_space<hbm>> -> memref<4096xi32, #tpu.memory_space<hbm>>
        %dma_wait3A_703 = arith.constant 4096 : i32
        %dma_wait3A_704 = tpu.memref_slice %arg9[%dma_wait3A_703] : memref<32768xi32, #tpu.memory_space<vmem>> -> memref<4096xi32, #tpu.memory_space<vmem>>
        tpu.wait_dma2 semaphore(%dma_wait3A_698 : memref<!tpu.dma_semaphore, #tpu.memory_space<semaphore_mem>>) src(%dma_wait3A_704 : memref<4096xi32, #tpu.memory_space<vmem>>) dst(%dma_wait3A_702 : memref<4096xi32, #tpu.memory_space<hbm>>)
        %add3A_705 = arith.constant 2 : i32
        %add3A_706 = arith.addi %mul3A_2, %add3A_705 : i32
        %dma_wait3A_707 = arith.constant 0 : i32
        %dma_wait3A_708 = arith.constant 8192 : i32
        %dma_wait3A_709 = tpu.memref_slice %arg9[%dma_wait3A_708] : memref<32768xi32, #tpu.memory_space<vmem>> -> memref<4096xi32, #tpu.memory_space<vmem>>
        %dma_wait3A_710 = tpu.memref_bitcast %arg5 : memref<16384x4096xf16, #tpu.memory_space<hbm>> -> memref<8192x4096xi32, #tpu.memory_space<hbm>>
        %dma_wait3A_711 = arith.constant 0 : i32
        %dma_wait3A_712 = tpu.memref_slice %dma_wait3A_710[%add3A_706, %dma_wait3A_711] : memref<8192x4096xi32, #tpu.memory_space<hbm>> -> memref<1x4096xi32, #tpu.memory_space<hbm>>
        %dma_wait3A_713 = tpu.memref_squeeze %dma_wait3A_712 : memref<1x4096xi32, #tpu.memory_space<hbm>> -> memref<4096xi32, #tpu.memory_space<hbm>>
        %dma_wait3A_714 = tpu.memref_slice %arg11[%dma_wait3A_707] : memref<2x!tpu.dma_semaphore, #tpu.memory_space<semaphore_mem>> -> memref<1x!tpu.dma_semaphore, #tpu.memory_space<semaphore_mem>>
        %dma_wait3A_715 = tpu.memref_squeeze %dma_wait3A_714 : memref<1x!tpu.dma_semaphore, #tpu.memory_space<semaphore_mem>> -> memref<!tpu.dma_semaphore, #tpu.memory_space<semaphore_mem>>
        %dma_wait3A_716 = tpu.memref_bitcast %arg5 : memref<16384x4096xf16, #tpu.memory_space<hbm>> -> memref<8192x4096xi32, #tpu.memory_space<hbm>>
        %dma_wait3A_717 = arith.constant 0 : i32
        %dma_wait3A_718 = tpu.memref_slice %dma_wait3A_716[%add3A_706, %dma_wait3A_717] : memref<8192x4096xi32, #tpu.memory_space<hbm>> -> memref<1x4096xi32, #tpu.memory_space<hbm>>
        %dma_wait3A_719 = tpu.memref_squeeze %dma_wait3A_718 : memref<1x4096xi32, #tpu.memory_space<hbm>> -> memref<4096xi32, #tpu.memory_space<hbm>>
        %dma_wait3A_720 = arith.constant 8192 : i32
        %dma_wait3A_721 = tpu.memref_slice %arg9[%dma_wait3A_720] : memref<32768xi32, #tpu.memory_space<vmem>> -> memref<4096xi32, #tpu.memory_space<vmem>>
        tpu.wait_dma2 semaphore(%dma_wait3A_715 : memref<!tpu.dma_semaphore, #tpu.memory_space<semaphore_mem>>) src(%dma_wait3A_721 : memref<4096xi32, #tpu.memory_space<vmem>>) dst(%dma_wait3A_719 : memref<4096xi32, #tpu.memory_space<hbm>>)
        %add3A_722 = arith.constant 3 : i32
        %add3A_723 = arith.addi %mul3A_2, %add3A_722 : i32
        %dma_wait3A_724 = arith.constant 0 : i32
        %dma_wait3A_725 = arith.constant 12288 : i32
        %dma_wait3A_726 = tpu.memref_slice %arg9[%dma_wait3A_725] : memref<32768xi32, #tpu.memory_space<vmem>> -> memref<4096xi32, #tpu.memory_space<vmem>>
        %dma_wait3A_727 = tpu.memref_bitcast %arg5 : memref<16384x4096xf16, #tpu.memory_space<hbm>> -> memref<8192x4096xi32, #tpu.memory_space<hbm>>
        %dma_wait3A_728 = arith.constant 0 : i32
        %dma_wait3A_729 = tpu.memref_slice %dma_wait3A_727[%add3A_723, %dma_wait3A_728] : memref<8192x4096xi32, #tpu.memory_space<hbm>> -> memref<1x4096xi32, #tpu.memory_space<hbm>>
        %dma_wait3A_730 = tpu.memref_squeeze %dma_wait3A_729 : memref<1x4096xi32, #tpu.memory_space<hbm>> -> memref<4096xi32, #tpu.memory_space<hbm>>
        %dma_wait3A_731 = tpu.memref_slice %arg11[%dma_wait3A_724] : memref<2x!tpu.dma_semaphore, #tpu.memory_space<semaphore_mem>> -> memref<1x!tpu.dma_semaphore, #tpu.memory_space<semaphore_mem>>
        %dma_wait3A_732 = tpu.memref_squeeze %dma_wait3A_731 : memref<1x!tpu.dma_semaphore, #tpu.memory_space<semaphore_mem>> -> memref<!tpu.dma_semaphore, #tpu.memory_space<semaphore_mem>>
        %dma_wait3A_733 = tpu.memref_bitcast %arg5 : memref<16384x4096xf16, #tpu.memory_space<hbm>> -> memref<8192x4096xi32, #tpu.memory_space<hbm>>
        %dma_wait3A_734 = arith.constant 0 : i32
        %dma_wait3A_735 = tpu.memref_slice %dma_wait3A_733[%add3A_723, %dma_wait3A_734] : memref<8192x4096xi32, #tpu.memory_space<hbm>> -> memref<1x4096xi32, #tpu.memory_space<hbm>>
        %dma_wait3A_736 = tpu.memref_squeeze %dma_wait3A_735 : memref<1x4096xi32, #tpu.memory_space<hbm>> -> memref<4096xi32, #tpu.memory_space<hbm>>
        %dma_wait3A_737 = arith.constant 12288 : i32
        %dma_wait3A_738 = tpu.memref_slice %arg9[%dma_wait3A_737] : memref<32768xi32, #tpu.memory_space<vmem>> -> memref<4096xi32, #tpu.memory_space<vmem>>
        tpu.wait_dma2 semaphore(%dma_wait3A_732 : memref<!tpu.dma_semaphore, #tpu.memory_space<semaphore_mem>>) src(%dma_wait3A_738 : memref<4096xi32, #tpu.memory_space<vmem>>) dst(%dma_wait3A_736 : memref<4096xi32, #tpu.memory_space<hbm>>)
      } else {
      }
      %parallel_loop3A = arith.constant 0 : i32
      %parallel_loop3A_385 = arith.constant 256 : i32
      %parallel_loop3A_386 = arith.constant 1 : i32
      scf.for %parallel_loop3A_671 = %parallel_loop3A to %parallel_loop3A_385 step %parallel_loop3A_386  : i32 {
        %parallel_loop3A_672 = arith.constant 16 : i32
        %parallel_loop3A_673 = arith.muli %parallel_loop3A_671, %parallel_loop3A_672 : i32
        %parallel_loop3A_674 = arith.constant 0 : i32
        %parallel_loop3A_675 = tpu.memref_slice %arg8[%parallel_loop3A_674] : memref<65536xf32, #tpu.memory_space<vmem>> -> memref<4096xf32, #tpu.memory_space<vmem>>
        %parallel_loop3A_676 = arith.index_cast %parallel_loop3A_673 : i32 to index
        %parallel_loop3A_677 = tpu.vector_load %parallel_loop3A_675[%parallel_loop3A_676] {strides = array<i32>} : memref<4096xf32, #tpu.memory_space<vmem>>, vector<16xf32>,
        %parallel_loop3A_678 = arith.constant -8.000000e+00 : f32
        %parallel_loop3A_679 = vector.broadcast %parallel_loop3A_678 : f32 to vector<16xf32>
        %parallel_loop3A_680 = arith.maximumf %parallel_loop3A_677, %parallel_loop3A_679 : vector<16xf32>
        %parallel_loop3A_681 = arith.constant 8.000000e+00 : f32
        %parallel_loop3A_682 = vector.broadcast %parallel_loop3A_681 : f32 to vector<16xf32>
        %parallel_loop3A_683 = arith.mulf %parallel_loop3A_680, %parallel_loop3A_682 : vector<16xf32>
        %parallel_loop3A_684 = arith.constant 0x4B000040 : f32
        %parallel_loop3A_685 = vector.broadcast %parallel_loop3A_684 : f32 to vector<16xf32>
        %parallel_loop3A_686 = arith.addf %parallel_loop3A_683, %parallel_loop3A_685 : vector<16xf32>
        %parallel_loop3A_687 = vector.bitcast %parallel_loop3A_686 : vector<16xf32> to vector<16xi32>
        %parallel_loop3A_688 = arith.constant 511 : i32
        %parallel_loop3A_689 = vector.broadcast %parallel_loop3A_688 : i32 to vector<16xi32>
        %parallel_loop3A_690 = arith.andi %parallel_loop3A_687, %parallel_loop3A_689 : vector<16xi32>
        %parallel_loop3A_691 = tpu.vector_load_idx %arg6[%parallel_loop3A_690] : memref<512xf32, #tpu.memory_space<vmem>>[vector<16xi32>], vector<16xf32>,
        %parallel_loop3A_692 = tpu.vector_load_idx %arg7[%parallel_loop3A_690] : memref<512xf32, #tpu.memory_space<vmem>>[vector<16xi32>], vector<16xf32>,
        %parallel_loop3A_693 = arith.mulf %parallel_loop3A_692, %parallel_loop3A_677 : vector<16xf32>
        %parallel_loop3A_694 = arith.addf %parallel_loop3A_691, %parallel_loop3A_693 : vector<16xf32>
        %parallel_loop3A_695 = vector.bitcast %parallel_loop3A_694 : vector<16xf32> to vector<16xi32>
        %parallel_loop3A_696 = arith.constant 4096 : i32
        %parallel_loop3A_697 = vector.broadcast %parallel_loop3A_696 : i32 to vector<16xi32>
        %parallel_loop3A_698 = arith.addi %parallel_loop3A_695, %parallel_loop3A_697 : vector<16xi32>
        %parallel_loop3A_699 = arith.constant 13 : i32
        %parallel_loop3A_700 = vector.broadcast %parallel_loop3A_699 : i32 to vector<16xi32>
        %parallel_loop3A_701 = arith.shrsi %parallel_loop3A_698, %parallel_loop3A_700 : vector<16xi32>
        %parallel_loop3A_702 = arith.constant 114688 : i32
        %parallel_loop3A_703 = vector.broadcast %parallel_loop3A_702 : i32 to vector<16xi32>
        %parallel_loop3A_704 = arith.subi %parallel_loop3A_701, %parallel_loop3A_703 : vector<16xi32>
        %parallel_loop3A_705 = arith.constant 0 : i32
        %parallel_loop3A_706 = vector.broadcast %parallel_loop3A_705 : i32 to vector<16xi32>
        %parallel_loop3A_707 = arith.maxsi %parallel_loop3A_704, %parallel_loop3A_706 : vector<16xi32>
        %parallel_loop3A_708 = arith.constant 4096 : i32
        %parallel_loop3A_709 = tpu.memref_slice %arg8[%parallel_loop3A_708] : memref<65536xf32, #tpu.memory_space<vmem>> -> memref<4096xf32, #tpu.memory_space<vmem>>
        %parallel_loop3A_710 = arith.index_cast %parallel_loop3A_673 : i32 to index
        %parallel_loop3A_711 = tpu.vector_load %parallel_loop3A_709[%parallel_loop3A_710] {strides = array<i32>} : memref<4096xf32, #tpu.memory_space<vmem>>, vector<16xf32>,
        %parallel_loop3A_712 = arith.constant -8.000000e+00 : f32
        %parallel_loop3A_713 = vector.broadcast %parallel_loop3A_712 : f32 to vector<16xf32>
        %parallel_loop3A_714 = arith.maximumf %parallel_loop3A_711, %parallel_loop3A_713 : vector<16xf32>
        %parallel_loop3A_715 = arith.constant 8.000000e+00 : f32
        %parallel_loop3A_716 = vector.broadcast %parallel_loop3A_715 : f32 to vector<16xf32>
        %parallel_loop3A_717 = arith.mulf %parallel_loop3A_714, %parallel_loop3A_716 : vector<16xf32>
        %parallel_loop3A_718 = arith.constant 0x4B000040 : f32
        %parallel_loop3A_719 = vector.broadcast %parallel_loop3A_718 : f32 to vector<16xf32>
        %parallel_loop3A_720 = arith.addf %parallel_loop3A_717, %parallel_loop3A_719 : vector<16xf32>
        %parallel_loop3A_721 = vector.bitcast %parallel_loop3A_720 : vector<16xf32> to vector<16xi32>
        %parallel_loop3A_722 = arith.constant 511 : i32
        %parallel_loop3A_723 = vector.broadcast %parallel_loop3A_722 : i32 to vector<16xi32>
        %parallel_loop3A_724 = arith.andi %parallel_loop3A_721, %parallel_loop3A_723 : vector<16xi32>
        %parallel_loop3A_725 = tpu.vector_load_idx %arg6[%parallel_loop3A_724] : memref<512xf32, #tpu.memory_space<vmem>>[vector<16xi32>], vector<16xf32>,
        %parallel_loop3A_726 = tpu.vector_load_idx %arg7[%parallel_loop3A_724] : memref<512xf32, #tpu.memory_space<vmem>>[vector<16xi32>], vector<16xf32>,
        %parallel_loop3A_727 = arith.mulf %parallel_loop3A_726, %parallel_loop3A_711 : vector<16xf32>
        %parallel_loop3A_728 = arith.addf %parallel_loop3A_725, %parallel_loop3A_727 : vector<16xf32>
        %parallel_loop3A_729 = vector.bitcast %parallel_loop3A_728 : vector<16xf32> to vector<16xi32>
        %parallel_loop3A_730 = arith.constant 4096 : i32
        %parallel_loop3A_731 = vector.broadcast %parallel_loop3A_730 : i32 to vector<16xi32>
        %parallel_loop3A_732 = arith.addi %parallel_loop3A_729, %parallel_loop3A_731 : vector<16xi32>
        %parallel_loop3A_733 = arith.constant 13 : i32
        %parallel_loop3A_734 = vector.broadcast %parallel_loop3A_733 : i32 to vector<16xi32>
        %parallel_loop3A_735 = arith.shrsi %parallel_loop3A_732, %parallel_loop3A_734 : vector<16xi32>
        %parallel_loop3A_736 = arith.constant 114688 : i32
        %parallel_loop3A_737 = vector.broadcast %parallel_loop3A_736 : i32 to vector<16xi32>
        %parallel_loop3A_738 = arith.subi %parallel_loop3A_735, %parallel_loop3A_737 : vector<16xi32>
        %parallel_loop3A_739 = arith.constant 0 : i32
        %parallel_loop3A_740 = vector.broadcast %parallel_loop3A_739 : i32 to vector<16xi32>
        %parallel_loop3A_741 = arith.maxsi %parallel_loop3A_738, %parallel_loop3A_740 : vector<16xi32>
        %parallel_loop3A_742 = arith.constant 16 : i32
        %parallel_loop3A_743 = vector.broadcast %parallel_loop3A_742 : i32 to vector<16xi32>
        %parallel_loop3A_744 = arith.shli %parallel_loop3A_741, %parallel_loop3A_743 : vector<16xi32>
        %parallel_loop3A_745 = arith.ori %parallel_loop3A_707, %parallel_loop3A_744 : vector<16xi32>
        %parallel_loop3A_746 = arith.constant 0 : i32
        %parallel_loop3A_747 = tpu.memref_slice %arg9[%parallel_loop3A_746] : memref<32768xi32, #tpu.memory_space<vmem>> -> memref<4096xi32, #tpu.memory_space<vmem>>
        %parallel_loop3A_748 = arith.index_cast %parallel_loop3A_673 : i32 to index
        %parallel_loop3A_749 = tpu.vector_load %parallel_loop3A_747[%parallel_loop3A_748] {strides = array<i32>} : memref<4096xi32, #tpu.memory_space<vmem>>, vector<16xi32>,
        tpu.vector_store %parallel_loop3A_747[%parallel_loop3A_748], %parallel_loop3A_745 {strides = array<i32>} : memref<4096xi32, #tpu.memory_space<vmem>>, vector<16xi32>,
      } {sc.loop_unroll_factor = 8 : i64, sc.parallel_access}
      %parallel_loop3A_387 = arith.constant 0 : i32
      %parallel_loop3A_388 = arith.constant 256 : i32
      %parallel_loop3A_389 = arith.constant 1 : i32
      scf.for %parallel_loop3A_671 = %parallel_loop3A_387 to %parallel_loop3A_388 step %parallel_loop3A_389  : i32 {
        %parallel_loop3A_672 = arith.constant 16 : i32
        %parallel_loop3A_673 = arith.muli %parallel_loop3A_671, %parallel_loop3A_672 : i32
        %parallel_loop3A_674 = arith.constant 8192 : i32
        %parallel_loop3A_675 = tpu.memref_slice %arg8[%parallel_loop3A_674] : memref<65536xf32, #tpu.memory_space<vmem>> -> memref<4096xf32, #tpu.memory_space<vmem>>
        %parallel_loop3A_676 = arith.index_cast %parallel_loop3A_673 : i32 to index
        %parallel_loop3A_677 = tpu.vector_load %parallel_loop3A_675[%parallel_loop3A_676] {strides = array<i32>} : memref<4096xf32, #tpu.memory_space<vmem>>, vector<16xf32>,
        %parallel_loop3A_678 = arith.constant -8.000000e+00 : f32
        %parallel_loop3A_679 = vector.broadcast %parallel_loop3A_678 : f32 to vector<16xf32>
        %parallel_loop3A_680 = arith.maximumf %parallel_loop3A_677, %parallel_loop3A_679 : vector<16xf32>
        %parallel_loop3A_681 = arith.constant 8.000000e+00 : f32
        %parallel_loop3A_682 = vector.broadcast %parallel_loop3A_681 : f32 to vector<16xf32>
        %parallel_loop3A_683 = arith.mulf %parallel_loop3A_680, %parallel_loop3A_682 : vector<16xf32>
        %parallel_loop3A_684 = arith.constant 0x4B000040 : f32
        %parallel_loop3A_685 = vector.broadcast %parallel_loop3A_684 : f32 to vector<16xf32>
        %parallel_loop3A_686 = arith.addf %parallel_loop3A_683, %parallel_loop3A_685 : vector<16xf32>
        %parallel_loop3A_687 = vector.bitcast %parallel_loop3A_686 : vector<16xf32> to vector<16xi32>
        %parallel_loop3A_688 = arith.constant 511 : i32
        %parallel_loop3A_689 = vector.broadcast %parallel_loop3A_688 : i32 to vector<16xi32>
        %parallel_loop3A_690 = arith.andi %parallel_loop3A_687, %parallel_loop3A_689 : vector<16xi32>
        %parallel_loop3A_691 = tpu.vector_load_idx %arg6[%parallel_loop3A_690] : memref<512xf32, #tpu.memory_space<vmem>>[vector<16xi32>], vector<16xf32>,
        %parallel_loop3A_692 = tpu.vector_load_idx %arg7[%parallel_loop3A_690] : memref<512xf32, #tpu.memory_space<vmem>>[vector<16xi32>], vector<16xf32>,
        %parallel_loop3A_693 = arith.mulf %parallel_loop3A_692, %parallel_loop3A_677 : vector<16xf32>
        %parallel_loop3A_694 = arith.addf %parallel_loop3A_691, %parallel_loop3A_693 : vector<16xf32>
        %parallel_loop3A_695 = vector.bitcast %parallel_loop3A_694 : vector<16xf32> to vector<16xi32>
        %parallel_loop3A_696 = arith.constant 4096 : i32
        %parallel_loop3A_697 = vector.broadcast %parallel_loop3A_696 : i32 to vector<16xi32>
        %parallel_loop3A_698 = arith.addi %parallel_loop3A_695, %parallel_loop3A_697 : vector<16xi32>
        %parallel_loop3A_699 = arith.constant 13 : i32
        %parallel_loop3A_700 = vector.broadcast %parallel_loop3A_699 : i32 to vector<16xi32>
        %parallel_loop3A_701 = arith.shrsi %parallel_loop3A_698, %parallel_loop3A_700 : vector<16xi32>
        %parallel_loop3A_702 = arith.constant 114688 : i32
        %parallel_loop3A_703 = vector.broadcast %parallel_loop3A_702 : i32 to vector<16xi32>
        %parallel_loop3A_704 = arith.subi %parallel_loop3A_701, %parallel_loop3A_703 : vector<16xi32>
        %parallel_loop3A_705 = arith.constant 0 : i32
        %parallel_loop3A_706 = vector.broadcast %parallel_loop3A_705 : i32 to vector<16xi32>
        %parallel_loop3A_707 = arith.maxsi %parallel_loop3A_704, %parallel_loop3A_706 : vector<16xi32>
        %parallel_loop3A_708 = arith.constant 12288 : i32
        %parallel_loop3A_709 = tpu.memref_slice %arg8[%parallel_loop3A_708] : memref<65536xf32, #tpu.memory_space<vmem>> -> memref<4096xf32, #tpu.memory_space<vmem>>
        %parallel_loop3A_710 = arith.index_cast %parallel_loop3A_673 : i32 to index
        %parallel_loop3A_711 = tpu.vector_load %parallel_loop3A_709[%parallel_loop3A_710] {strides = array<i32>} : memref<4096xf32, #tpu.memory_space<vmem>>, vector<16xf32>,
        %parallel_loop3A_712 = arith.constant -8.000000e+00 : f32
        %parallel_loop3A_713 = vector.broadcast %parallel_loop3A_712 : f32 to vector<16xf32>
        %parallel_loop3A_714 = arith.maximumf %parallel_loop3A_711, %parallel_loop3A_713 : vector<16xf32>
        %parallel_loop3A_715 = arith.constant 8.000000e+00 : f32
        %parallel_loop3A_716 = vector.broadcast %parallel_loop3A_715 : f32 to vector<16xf32>
        %parallel_loop3A_717 = arith.mulf %parallel_loop3A_714, %parallel_loop3A_716 : vector<16xf32>
        %parallel_loop3A_718 = arith.constant 0x4B000040 : f32
        %parallel_loop3A_719 = vector.broadcast %parallel_loop3A_718 : f32 to vector<16xf32>
        %parallel_loop3A_720 = arith.addf %parallel_loop3A_717, %parallel_loop3A_719 : vector<16xf32>
        %parallel_loop3A_721 = vector.bitcast %parallel_loop3A_720 : vector<16xf32> to vector<16xi32>
        %parallel_loop3A_722 = arith.constant 511 : i32
        %parallel_loop3A_723 = vector.broadcast %parallel_loop3A_722 : i32 to vector<16xi32>
        %parallel_loop3A_724 = arith.andi %parallel_loop3A_721, %parallel_loop3A_723 : vector<16xi32>
        %parallel_loop3A_725 = tpu.vector_load_idx %arg6[%parallel_loop3A_724] : memref<512xf32, #tpu.memory_space<vmem>>[vector<16xi32>], vector<16xf32>,
        %parallel_loop3A_726 = tpu.vector_load_idx %arg7[%parallel_loop3A_724] : memref<512xf32, #tpu.memory_space<vmem>>[vector<16xi32>], vector<16xf32>,
        %parallel_loop3A_727 = arith.mulf %parallel_loop3A_726, %parallel_loop3A_711 : vector<16xf32>
        %parallel_loop3A_728 = arith.addf %parallel_loop3A_725, %parallel_loop3A_727 : vector<16xf32>
        %parallel_loop3A_729 = vector.bitcast %parallel_loop3A_728 : vector<16xf32> to vector<16xi32>
        %parallel_loop3A_730 = arith.constant 4096 : i32
        %parallel_loop3A_731 = vector.broadcast %parallel_loop3A_730 : i32 to vector<16xi32>
        %parallel_loop3A_732 = arith.addi %parallel_loop3A_729, %parallel_loop3A_731 : vector<16xi32>
        %parallel_loop3A_733 = arith.constant 13 : i32
        %parallel_loop3A_734 = vector.broadcast %parallel_loop3A_733 : i32 to vector<16xi32>
        %parallel_loop3A_735 = arith.shrsi %parallel_loop3A_732, %parallel_loop3A_734 : vector<16xi32>
        %parallel_loop3A_736 = arith.constant 114688 : i32
        %parallel_loop3A_737 = vector.broadcast %parallel_loop3A_736 : i32 to vector<16xi32>
        %parallel_loop3A_738 = arith.subi %parallel_loop3A_735, %parallel_loop3A_737 : vector<16xi32>
        %parallel_loop3A_739 = arith.constant 0 : i32
        %parallel_loop3A_740 = vector.broadcast %parallel_loop3A_739 : i32 to vector<16xi32>
        %parallel_loop3A_741 = arith.maxsi %parallel_loop3A_738, %parallel_loop3A_740 : vector<16xi32>
        %parallel_loop3A_742 = arith.constant 16 : i32
        %parallel_loop3A_743 = vector.broadcast %parallel_loop3A_742 : i32 to vector<16xi32>
        %parallel_loop3A_744 = arith.shli %parallel_loop3A_741, %parallel_loop3A_743 : vector<16xi32>
        %parallel_loop3A_745 = arith.ori %parallel_loop3A_707, %parallel_loop3A_744 : vector<16xi32>
        %parallel_loop3A_746 = arith.constant 4096 : i32
        %parallel_loop3A_747 = tpu.memref_slice %arg9[%parallel_loop3A_746] : memref<32768xi32, #tpu.memory_space<vmem>> -> memref<4096xi32, #tpu.memory_space<vmem>>
        %parallel_loop3A_748 = arith.index_cast %parallel_loop3A_673 : i32 to index
        %parallel_loop3A_749 = tpu.vector_load %parallel_loop3A_747[%parallel_loop3A_748] {strides = array<i32>} : memref<4096xi32, #tpu.memory_space<vmem>>, vector<16xi32>,
        tpu.vector_store %parallel_loop3A_747[%parallel_loop3A_748], %parallel_loop3A_745 {strides = array<i32>} : memref<4096xi32, #tpu.memory_space<vmem>>, vector<16xi32>,
      } {sc.loop_unroll_factor = 8 : i64, sc.parallel_access}
      %parallel_loop3A_390 = arith.constant 0 : i32
      %parallel_loop3A_391 = arith.constant 256 : i32
      %parallel_loop3A_392 = arith.constant 1 : i32
      scf.for %parallel_loop3A_671 = %parallel_loop3A_390 to %parallel_loop3A_391 step %parallel_loop3A_392  : i32 {
        %parallel_loop3A_672 = arith.constant 16 : i32
        %parallel_loop3A_673 = arith.muli %parallel_loop3A_671, %parallel_loop3A_672 : i32
        %parallel_loop3A_674 = arith.constant 16384 : i32
        %parallel_loop3A_675 = tpu.memref_slice %arg8[%parallel_loop3A_674] : memref<65536xf32, #tpu.memory_space<vmem>> -> memref<4096xf32, #tpu.memory_space<vmem>>
        %parallel_loop3A_676 = arith.index_cast %parallel_loop3A_673 : i32 to index
        %parallel_loop3A_677 = tpu.vector_load %parallel_loop3A_675[%parallel_loop3A_676] {strides = array<i32>} : memref<4096xf32, #tpu.memory_space<vmem>>, vector<16xf32>,
        %parallel_loop3A_678 = arith.constant -8.000000e+00 : f32
        %parallel_loop3A_679 = vector.broadcast %parallel_loop3A_678 : f32 to vector<16xf32>
        %parallel_loop3A_680 = arith.maximumf %parallel_loop3A_677, %parallel_loop3A_679 : vector<16xf32>
        %parallel_loop3A_681 = arith.constant 8.000000e+00 : f32
        %parallel_loop3A_682 = vector.broadcast %parallel_loop3A_681 : f32 to vector<16xf32>
        %parallel_loop3A_683 = arith.mulf %parallel_loop3A_680, %parallel_loop3A_682 : vector<16xf32>
        %parallel_loop3A_684 = arith.constant 0x4B000040 : f32
        %parallel_loop3A_685 = vector.broadcast %parallel_loop3A_684 : f32 to vector<16xf32>
        %parallel_loop3A_686 = arith.addf %parallel_loop3A_683, %parallel_loop3A_685 : vector<16xf32>
        %parallel_loop3A_687 = vector.bitcast %parallel_loop3A_686 : vector<16xf32> to vector<16xi32>
        %parallel_loop3A_688 = arith.constant 511 : i32
        %parallel_loop3A_689 = vector.broadcast %parallel_loop3A_688 : i32 to vector<16xi32>
        %parallel_loop3A_690 = arith.andi %parallel_loop3A_687, %parallel_loop3A_689 : vector<16xi32>
        %parallel_loop3A_691 = tpu.vector_load_idx %arg6[%parallel_loop3A_690] : memref<512xf32, #tpu.memory_space<vmem>>[vector<16xi32>], vector<16xf32>,
        %parallel_loop3A_692 = tpu.vector_load_idx %arg7[%parallel_loop3A_690] : memref<512xf32, #tpu.memory_space<vmem>>[vector<16xi32>], vector<16xf32>,
        %parallel_loop3A_693 = arith.mulf %parallel_loop3A_692, %parallel_loop3A_677 : vector<16xf32>
        %parallel_loop3A_694 = arith.addf %parallel_loop3A_691, %parallel_loop3A_693 : vector<16xf32>
        %parallel_loop3A_695 = vector.bitcast %parallel_loop3A_694 : vector<16xf32> to vector<16xi32>
        %parallel_loop3A_696 = arith.constant 4096 : i32
        %parallel_loop3A_697 = vector.broadcast %parallel_loop3A_696 : i32 to vector<16xi32>
        %parallel_loop3A_698 = arith.addi %parallel_loop3A_695, %parallel_loop3A_697 : vector<16xi32>
        %parallel_loop3A_699 = arith.constant 13 : i32
        %parallel_loop3A_700 = vector.broadcast %parallel_loop3A_699 : i32 to vector<16xi32>
        %parallel_loop3A_701 = arith.shrsi %parallel_loop3A_698, %parallel_loop3A_700 : vector<16xi32>
        %parallel_loop3A_702 = arith.constant 114688 : i32
        %parallel_loop3A_703 = vector.broadcast %parallel_loop3A_702 : i32 to vector<16xi32>
        %parallel_loop3A_704 = arith.subi %parallel_loop3A_701, %parallel_loop3A_703 : vector<16xi32>
        %parallel_loop3A_705 = arith.constant 0 : i32
        %parallel_loop3A_706 = vector.broadcast %parallel_loop3A_705 : i32 to vector<16xi32>
        %parallel_loop3A_707 = arith.maxsi %parallel_loop3A_704, %parallel_loop3A_706 : vector<16xi32>
        %parallel_loop3A_708 = arith.constant 20480 : i32
        %parallel_loop3A_709 = tpu.memref_slice %arg8[%parallel_loop3A_708] : memref<65536xf32, #tpu.memory_space<vmem>> -> memref<4096xf32, #tpu.memory_space<vmem>>
        %parallel_loop3A_710 = arith.index_cast %parallel_loop3A_673 : i32 to index
        %parallel_loop3A_711 = tpu.vector_load %parallel_loop3A_709[%parallel_loop3A_710] {strides = array<i32>} : memref<4096xf32, #tpu.memory_space<vmem>>, vector<16xf32>,
        %parallel_loop3A_712 = arith.constant -8.000000e+00 : f32
        %parallel_loop3A_713 = vector.broadcast %parallel_loop3A_712 : f32 to vector<16xf32>
        %parallel_loop3A_714 = arith.maximumf %parallel_loop3A_711, %parallel_loop3A_713 : vector<16xf32>
        %parallel_loop3A_715 = arith.constant 8.000000e+00 : f32
        %parallel_loop3A_716 = vector.broadcast %parallel_loop3A_715 : f32 to vector<16xf32>
        %parallel_loop3A_717 = arith.mulf %parallel_loop3A_714, %parallel_loop3A_716 : vector<16xf32>
        %parallel_loop3A_718 = arith.constant 0x4B000040 : f32
        %parallel_loop3A_719 = vector.broadcast %parallel_loop3A_718 : f32 to vector<16xf32>
        %parallel_loop3A_720 = arith.addf %parallel_loop3A_717, %parallel_loop3A_719 : vector<16xf32>
        %parallel_loop3A_721 = vector.bitcast %parallel_loop3A_720 : vector<16xf32> to vector<16xi32>
        %parallel_loop3A_722 = arith.constant 511 : i32
        %parallel_loop3A_723 = vector.broadcast %parallel_loop3A_722 : i32 to vector<16xi32>
        %parallel_loop3A_724 = arith.andi %parallel_loop3A_721, %parallel_loop3A_723 : vector<16xi32>
        %parallel_loop3A_725 = tpu.vector_load_idx %arg6[%parallel_loop3A_724] : memref<512xf32, #tpu.memory_space<vmem>>[vector<16xi32>], vector<16xf32>,
        %parallel_loop3A_726 = tpu.vector_load_idx %arg7[%parallel_loop3A_724] : memref<512xf32, #tpu.memory_space<vmem>>[vector<16xi32>], vector<16xf32>,
        %parallel_loop3A_727 = arith.mulf %parallel_loop3A_726, %parallel_loop3A_711 : vector<16xf32>
        %parallel_loop3A_728 = arith.addf %parallel_loop3A_725, %parallel_loop3A_727 : vector<16xf32>
        %parallel_loop3A_729 = vector.bitcast %parallel_loop3A_728 : vector<16xf32> to vector<16xi32>
        %parallel_loop3A_730 = arith.constant 4096 : i32
        %parallel_loop3A_731 = vector.broadcast %parallel_loop3A_730 : i32 to vector<16xi32>
        %parallel_loop3A_732 = arith.addi %parallel_loop3A_729, %parallel_loop3A_731 : vector<16xi32>
        %parallel_loop3A_733 = arith.constant 13 : i32
        %parallel_loop3A_734 = vector.broadcast %parallel_loop3A_733 : i32 to vector<16xi32>
        %parallel_loop3A_735 = arith.shrsi %parallel_loop3A_732, %parallel_loop3A_734 : vector<16xi32>
        %parallel_loop3A_736 = arith.constant 114688 : i32
        %parallel_loop3A_737 = vector.broadcast %parallel_loop3A_736 : i32 to vector<16xi32>
        %parallel_loop3A_738 = arith.subi %parallel_loop3A_735, %parallel_loop3A_737 : vector<16xi32>
        %parallel_loop3A_739 = arith.constant 0 : i32
        %parallel_loop3A_740 = vector.broadcast %parallel_loop3A_739 : i32 to vector<16xi32>
        %parallel_loop3A_741 = arith.maxsi %parallel_loop3A_738, %parallel_loop3A_740 : vector<16xi32>
        %parallel_loop3A_742 = arith.constant 16 : i32
        %parallel_loop3A_743 = vector.broadcast %parallel_loop3A_742 : i32 to vector<16xi32>
        %parallel_loop3A_744 = arith.shli %parallel_loop3A_741, %parallel_loop3A_743 : vector<16xi32>
        %parallel_loop3A_745 = arith.ori %parallel_loop3A_707, %parallel_loop3A_744 : vector<16xi32>
        %parallel_loop3A_746 = arith.constant 8192 : i32
        %parallel_loop3A_747 = tpu.memref_slice %arg9[%parallel_loop3A_746] : memref<32768xi32, #tpu.memory_space<vmem>> -> memref<4096xi32, #tpu.memory_space<vmem>>
        %parallel_loop3A_748 = arith.index_cast %parallel_loop3A_673 : i32 to index
        %parallel_loop3A_749 = tpu.vector_load %parallel_loop3A_747[%parallel_loop3A_748] {strides = array<i32>} : memref<4096xi32, #tpu.memory_space<vmem>>, vector<16xi32>,
        tpu.vector_store %parallel_loop3A_747[%parallel_loop3A_748], %parallel_loop3A_745 {strides = array<i32>} : memref<4096xi32, #tpu.memory_space<vmem>>, vector<16xi32>,
      } {sc.loop_unroll_factor = 8 : i64, sc.parallel_access}
      %parallel_loop3A_393 = arith.constant 0 : i32
      %parallel_loop3A_394 = arith.constant 256 : i32
      %parallel_loop3A_395 = arith.constant 1 : i32
      scf.for %parallel_loop3A_671 = %parallel_loop3A_393 to %parallel_loop3A_394 step %parallel_loop3A_395  : i32 {
        %parallel_loop3A_672 = arith.constant 16 : i32
        %parallel_loop3A_673 = arith.muli %parallel_loop3A_671, %parallel_loop3A_672 : i32
        %parallel_loop3A_674 = arith.constant 24576 : i32
        %parallel_loop3A_675 = tpu.memref_slice %arg8[%parallel_loop3A_674] : memref<65536xf32, #tpu.memory_space<vmem>> -> memref<4096xf32, #tpu.memory_space<vmem>>
        %parallel_loop3A_676 = arith.index_cast %parallel_loop3A_673 : i32 to index
        %parallel_loop3A_677 = tpu.vector_load %parallel_loop3A_675[%parallel_loop3A_676] {strides = array<i32>} : memref<4096xf32, #tpu.memory_space<vmem>>, vector<16xf32>,
        %parallel_loop3A_678 = arith.constant -8.000000e+00 : f32
        %parallel_loop3A_679 = vector.broadcast %parallel_loop3A_678 : f32 to vector<16xf32>
        %parallel_loop3A_680 = arith.maximumf %parallel_loop3A_677, %parallel_loop3A_679 : vector<16xf32>
        %parallel_loop3A_681 = arith.constant 8.000000e+00 : f32
        %parallel_loop3A_682 = vector.broadcast %parallel_loop3A_681 : f32 to vector<16xf32>
        %parallel_loop3A_683 = arith.mulf %parallel_loop3A_680, %parallel_loop3A_682 : vector<16xf32>
        %parallel_loop3A_684 = arith.constant 0x4B000040 : f32
        %parallel_loop3A_685 = vector.broadcast %parallel_loop3A_684 : f32 to vector<16xf32>
        %parallel_loop3A_686 = arith.addf %parallel_loop3A_683, %parallel_loop3A_685 : vector<16xf32>
        %parallel_loop3A_687 = vector.bitcast %parallel_loop3A_686 : vector<16xf32> to vector<16xi32>
        %parallel_loop3A_688 = arith.constant 511 : i32
        %parallel_loop3A_689 = vector.broadcast %parallel_loop3A_688 : i32 to vector<16xi32>
        %parallel_loop3A_690 = arith.andi %parallel_loop3A_687, %parallel_loop3A_689 : vector<16xi32>
        %parallel_loop3A_691 = tpu.vector_load_idx %arg6[%parallel_loop3A_690] : memref<512xf32, #tpu.memory_space<vmem>>[vector<16xi32>], vector<16xf32>,
        %parallel_loop3A_692 = tpu.vector_load_idx %arg7[%parallel_loop3A_690] : memref<512xf32, #tpu.memory_space<vmem>>[vector<16xi32>], vector<16xf32>,
        %parallel_loop3A_693 = arith.mulf %parallel_loop3A_692, %parallel_loop3A_677 : vector<16xf32>
        %parallel_loop3A_694 = arith.addf %parallel_loop3A_691, %parallel_loop3A_693 : vector<16xf32>
        %parallel_loop3A_695 = vector.bitcast %parallel_loop3A_694 : vector<16xf32> to vector<16xi32>
        %parallel_loop3A_696 = arith.constant 4096 : i32
        %parallel_loop3A_697 = vector.broadcast %parallel_loop3A_696 : i32 to vector<16xi32>
        %parallel_loop3A_698 = arith.addi %parallel_loop3A_695, %parallel_loop3A_697 : vector<16xi32>
        %parallel_loop3A_699 = arith.constant 13 : i32
        %parallel_loop3A_700 = vector.broadcast %parallel_loop3A_699 : i32 to vector<16xi32>
        %parallel_loop3A_701 = arith.shrsi %parallel_loop3A_698, %parallel_loop3A_700 : vector<16xi32>
        %parallel_loop3A_702 = arith.constant 114688 : i32
        %parallel_loop3A_703 = vector.broadcast %parallel_loop3A_702 : i32 to vector<16xi32>
        %parallel_loop3A_704 = arith.subi %parallel_loop3A_701, %parallel_loop3A_703 : vector<16xi32>
        %parallel_loop3A_705 = arith.constant 0 : i32
        %parallel_loop3A_706 = vector.broadcast %parallel_loop3A_705 : i32 to vector<16xi32>
        %parallel_loop3A_707 = arith.maxsi %parallel_loop3A_704, %parallel_loop3A_706 : vector<16xi32>
        %parallel_loop3A_708 = arith.constant 28672 : i32
        %parallel_loop3A_709 = tpu.memref_slice %arg8[%parallel_loop3A_708] : memref<65536xf32, #tpu.memory_space<vmem>> -> memref<4096xf32, #tpu.memory_space<vmem>>
        %parallel_loop3A_710 = arith.index_cast %parallel_loop3A_673 : i32 to index
        %parallel_loop3A_711 = tpu.vector_load %parallel_loop3A_709[%parallel_loop3A_710] {strides = array<i32>} : memref<4096xf32, #tpu.memory_space<vmem>>, vector<16xf32>,
        %parallel_loop3A_712 = arith.constant -8.000000e+00 : f32
        %parallel_loop3A_713 = vector.broadcast %parallel_loop3A_712 : f32 to vector<16xf32>
        %parallel_loop3A_714 = arith.maximumf %parallel_loop3A_711, %parallel_loop3A_713 : vector<16xf32>
        %parallel_loop3A_715 = arith.constant 8.000000e+00 : f32
        %parallel_loop3A_716 = vector.broadcast %parallel_loop3A_715 : f32 to vector<16xf32>
        %parallel_loop3A_717 = arith.mulf %parallel_loop3A_714, %parallel_loop3A_716 : vector<16xf32>
        %parallel_loop3A_718 = arith.constant 0x4B000040 : f32
        %parallel_loop3A_719 = vector.broadcast %parallel_loop3A_718 : f32 to vector<16xf32>
        %parallel_loop3A_720 = arith.addf %parallel_loop3A_717, %parallel_loop3A_719 : vector<16xf32>
        %parallel_loop3A_721 = vector.bitcast %parallel_loop3A_720 : vector<16xf32> to vector<16xi32>
        %parallel_loop3A_722 = arith.constant 511 : i32
        %parallel_loop3A_723 = vector.broadcast %parallel_loop3A_722 : i32 to vector<16xi32>
        %parallel_loop3A_724 = arith.andi %parallel_loop3A_721, %parallel_loop3A_723 : vector<16xi32>
        %parallel_loop3A_725 = tpu.vector_load_idx %arg6[%parallel_loop3A_724] : memref<512xf32, #tpu.memory_space<vmem>>[vector<16xi32>], vector<16xf32>,
        %parallel_loop3A_726 = tpu.vector_load_idx %arg7[%parallel_loop3A_724] : memref<512xf32, #tpu.memory_space<vmem>>[vector<16xi32>], vector<16xf32>,
        %parallel_loop3A_727 = arith.mulf %parallel_loop3A_726, %parallel_loop3A_711 : vector<16xf32>
        %parallel_loop3A_728 = arith.addf %parallel_loop3A_725, %parallel_loop3A_727 : vector<16xf32>
        %parallel_loop3A_729 = vector.bitcast %parallel_loop3A_728 : vector<16xf32> to vector<16xi32>
        %parallel_loop3A_730 = arith.constant 4096 : i32
        %parallel_loop3A_731 = vector.broadcast %parallel_loop3A_730 : i32 to vector<16xi32>
        %parallel_loop3A_732 = arith.addi %parallel_loop3A_729, %parallel_loop3A_731 : vector<16xi32>
        %parallel_loop3A_733 = arith.constant 13 : i32
        %parallel_loop3A_734 = vector.broadcast %parallel_loop3A_733 : i32 to vector<16xi32>
        %parallel_loop3A_735 = arith.shrsi %parallel_loop3A_732, %parallel_loop3A_734 : vector<16xi32>
        %parallel_loop3A_736 = arith.constant 114688 : i32
        %parallel_loop3A_737 = vector.broadcast %parallel_loop3A_736 : i32 to vector<16xi32>
        %parallel_loop3A_738 = arith.subi %parallel_loop3A_735, %parallel_loop3A_737 : vector<16xi32>
        %parallel_loop3A_739 = arith.constant 0 : i32
        %parallel_loop3A_740 = vector.broadcast %parallel_loop3A_739 : i32 to vector<16xi32>
        %parallel_loop3A_741 = arith.maxsi %parallel_loop3A_738, %parallel_loop3A_740 : vector<16xi32>
        %parallel_loop3A_742 = arith.constant 16 : i32
        %parallel_loop3A_743 = vector.broadcast %parallel_loop3A_742 : i32 to vector<16xi32>
        %parallel_loop3A_744 = arith.shli %parallel_loop3A_741, %parallel_loop3A_743 : vector<16xi32>
        %parallel_loop3A_745 = arith.ori %parallel_loop3A_707, %parallel_loop3A_744 : vector<16xi32>
        %parallel_loop3A_746 = arith.constant 12288 : i32
        %parallel_loop3A_747 = tpu.memref_slice %arg9[%parallel_loop3A_746] : memref<32768xi32, #tpu.memory_space<vmem>> -> memref<4096xi32, #tpu.memory_space<vmem>>
        %parallel_loop3A_748 = arith.index_cast %parallel_loop3A_673 : i32 to index
        %parallel_loop3A_749 = tpu.vector_load %parallel_loop3A_747[%parallel_loop3A_748] {strides = array<i32>} : memref<4096xi32, #tpu.memory_space<vmem>>, vector<16xi32>,
        tpu.vector_store %parallel_loop3A_747[%parallel_loop3A_748], %parallel_loop3A_745 {strides = array<i32>} : memref<4096xi32, #tpu.memory_space<vmem>>, vector<16xi32>,
      } {sc.loop_unroll_factor = 8 : i64, sc.parallel_access}
      %mul3A_396 = arith.constant 4 : i32
      %mul3A_397 = arith.muli %add3A_272, %mul3A_396 : i32
      %add3A_398 = arith.addi %mul3A_2, %mul3A_397 : i32
      %add3A_399 = arith.constant 0 : i32
      %add3A_400 = arith.addi %add3A_398, %add3A_399 : i32
      %dma_start3A_401 = arith.constant 0 : i32
      %dma_start3A_402 = arith.constant 0 : i32
      %dma_start3A_403 = tpu.memref_slice %arg9[%dma_start3A_402] : memref<32768xi32, #tpu.memory_space<vmem>> -> memref<4096xi32, #tpu.memory_space<vmem>>
      %dma_start3A_404 = tpu.memref_bitcast %arg5 : memref<16384x4096xf16, #tpu.memory_space<hbm>> -> memref<8192x4096xi32, #tpu.memory_space<hbm>>
      %dma_start3A_405 = arith.constant 0 : i32
      %dma_start3A_406 = tpu.memref_slice %dma_start3A_404[%add3A_400, %dma_start3A_405] : memref<8192x4096xi32, #tpu.memory_space<hbm>> -> memref<1x4096xi32, #tpu.memory_space<hbm>>
      %dma_start3A_407 = tpu.memref_squeeze %dma_start3A_406 : memref<1x4096xi32, #tpu.memory_space<hbm>> -> memref<4096xi32, #tpu.memory_space<hbm>>
      %dma_start3A_408 = tpu.memref_slice %arg11[%dma_start3A_401] : memref<2x!tpu.dma_semaphore, #tpu.memory_space<semaphore_mem>> -> memref<1x!tpu.dma_semaphore, #tpu.memory_space<semaphore_mem>>
      %dma_start3A_409 = tpu.memref_squeeze %dma_start3A_408 : memref<1x!tpu.dma_semaphore, #tpu.memory_space<semaphore_mem>> -> memref<!tpu.dma_semaphore, #tpu.memory_space<semaphore_mem>>
      %dma_start3A_410 = tpu.memref_bitcast %arg5 : memref<16384x4096xf16, #tpu.memory_space<hbm>> -> memref<8192x4096xi32, #tpu.memory_space<hbm>>
      %dma_start3A_411 = arith.constant 0 : i32
      %dma_start3A_412 = tpu.memref_slice %dma_start3A_410[%add3A_400, %dma_start3A_411] : memref<8192x4096xi32, #tpu.memory_space<hbm>> -> memref<1x4096xi32, #tpu.memory_space<hbm>>
      %dma_start3A_413 = tpu.memref_squeeze %dma_start3A_412 : memref<1x4096xi32, #tpu.memory_space<hbm>> -> memref<4096xi32, #tpu.memory_space<hbm>>
      %dma_start3A_414 = arith.constant 0 : i32
      %dma_start3A_415 = tpu.memref_slice %arg9[%dma_start3A_414] : memref<32768xi32, #tpu.memory_space<vmem>> -> memref<4096xi32, #tpu.memory_space<vmem>>
      tpu.enqueue_dma source(%dma_start3A_415 : memref<4096xi32, #tpu.memory_space<vmem>>) target(%dma_start3A_413 : memref<4096xi32, #tpu.memory_space<hbm>>) target_semaphore(%dma_start3A_409 : memref<!tpu.dma_semaphore, #tpu.memory_space<semaphore_mem>>)
      %add3A_416 = arith.constant 1 : i32
      %add3A_417 = arith.addi %add3A_398, %add3A_416 : i32
      %dma_start3A_418 = arith.constant 0 : i32
      %dma_start3A_419 = arith.constant 4096 : i32
      %dma_start3A_420 = tpu.memref_slice %arg9[%dma_start3A_419] : memref<32768xi32, #tpu.memory_space<vmem>> -> memref<4096xi32, #tpu.memory_space<vmem>>
      %dma_start3A_421 = tpu.memref_bitcast %arg5 : memref<16384x4096xf16, #tpu.memory_space<hbm>> -> memref<8192x4096xi32, #tpu.memory_space<hbm>>
      %dma_start3A_422 = arith.constant 0 : i32
      %dma_start3A_423 = tpu.memref_slice %dma_start3A_421[%add3A_417, %dma_start3A_422] : memref<8192x4096xi32, #tpu.memory_space<hbm>> -> memref<1x4096xi32, #tpu.memory_space<hbm>>
      %dma_start3A_424 = tpu.memref_squeeze %dma_start3A_423 : memref<1x4096xi32, #tpu.memory_space<hbm>> -> memref<4096xi32, #tpu.memory_space<hbm>>
      %dma_start3A_425 = tpu.memref_slice %arg11[%dma_start3A_418] : memref<2x!tpu.dma_semaphore, #tpu.memory_space<semaphore_mem>> -> memref<1x!tpu.dma_semaphore, #tpu.memory_space<semaphore_mem>>
      %dma_start3A_426 = tpu.memref_squeeze %dma_start3A_425 : memref<1x!tpu.dma_semaphore, #tpu.memory_space<semaphore_mem>> -> memref<!tpu.dma_semaphore, #tpu.memory_space<semaphore_mem>>
      %dma_start3A_427 = tpu.memref_bitcast %arg5 : memref<16384x4096xf16, #tpu.memory_space<hbm>> -> memref<8192x4096xi32, #tpu.memory_space<hbm>>
      %dma_start3A_428 = arith.constant 0 : i32
      %dma_start3A_429 = tpu.memref_slice %dma_start3A_427[%add3A_417, %dma_start3A_428] : memref<8192x4096xi32, #tpu.memory_space<hbm>> -> memref<1x4096xi32, #tpu.memory_space<hbm>>
      %dma_start3A_430 = tpu.memref_squeeze %dma_start3A_429 : memref<1x4096xi32, #tpu.memory_space<hbm>> -> memref<4096xi32, #tpu.memory_space<hbm>>
      %dma_start3A_431 = arith.constant 4096 : i32
      %dma_start3A_432 = tpu.memref_slice %arg9[%dma_start3A_431] : memref<32768xi32, #tpu.memory_space<vmem>> -> memref<4096xi32, #tpu.memory_space<vmem>>
      tpu.enqueue_dma source(%dma_start3A_432 : memref<4096xi32, #tpu.memory_space<vmem>>) target(%dma_start3A_430 : memref<4096xi32, #tpu.memory_space<hbm>>) target_semaphore(%dma_start3A_426 : memref<!tpu.dma_semaphore, #tpu.memory_space<semaphore_mem>>)
      %add3A_433 = arith.constant 2 : i32
      %add3A_434 = arith.addi %add3A_398, %add3A_433 : i32
      %dma_start3A_435 = arith.constant 0 : i32
      %dma_start3A_436 = arith.constant 8192 : i32
      %dma_start3A_437 = tpu.memref_slice %arg9[%dma_start3A_436] : memref<32768xi32, #tpu.memory_space<vmem>> -> memref<4096xi32, #tpu.memory_space<vmem>>
      %dma_start3A_438 = tpu.memref_bitcast %arg5 : memref<16384x4096xf16, #tpu.memory_space<hbm>> -> memref<8192x4096xi32, #tpu.memory_space<hbm>>
      %dma_start3A_439 = arith.constant 0 : i32
      %dma_start3A_440 = tpu.memref_slice %dma_start3A_438[%add3A_434, %dma_start3A_439] : memref<8192x4096xi32, #tpu.memory_space<hbm>> -> memref<1x4096xi32, #tpu.memory_space<hbm>>
      %dma_start3A_441 = tpu.memref_squeeze %dma_start3A_440 : memref<1x4096xi32, #tpu.memory_space<hbm>> -> memref<4096xi32, #tpu.memory_space<hbm>>
      %dma_start3A_442 = tpu.memref_slice %arg11[%dma_start3A_435] : memref<2x!tpu.dma_semaphore, #tpu.memory_space<semaphore_mem>> -> memref<1x!tpu.dma_semaphore, #tpu.memory_space<semaphore_mem>>
      %dma_start3A_443 = tpu.memref_squeeze %dma_start3A_442 : memref<1x!tpu.dma_semaphore, #tpu.memory_space<semaphore_mem>> -> memref<!tpu.dma_semaphore, #tpu.memory_space<semaphore_mem>>
      %dma_start3A_444 = tpu.memref_bitcast %arg5 : memref<16384x4096xf16, #tpu.memory_space<hbm>> -> memref<8192x4096xi32, #tpu.memory_space<hbm>>
      %dma_start3A_445 = arith.constant 0 : i32
      %dma_start3A_446 = tpu.memref_slice %dma_start3A_444[%add3A_434, %dma_start3A_445] : memref<8192x4096xi32, #tpu.memory_space<hbm>> -> memref<1x4096xi32, #tpu.memory_space<hbm>>
      %dma_start3A_447 = tpu.memref_squeeze %dma_start3A_446 : memref<1x4096xi32, #tpu.memory_space<hbm>> -> memref<4096xi32, #tpu.memory_space<hbm>>
      %dma_start3A_448 = arith.constant 8192 : i32
      %dma_start3A_449 = tpu.memref_slice %arg9[%dma_start3A_448] : memref<32768xi32, #tpu.memory_space<vmem>> -> memref<4096xi32, #tpu.memory_space<vmem>>
      tpu.enqueue_dma source(%dma_start3A_449 : memref<4096xi32, #tpu.memory_space<vmem>>) target(%dma_start3A_447 : memref<4096xi32, #tpu.memory_space<hbm>>) target_semaphore(%dma_start3A_443 : memref<!tpu.dma_semaphore, #tpu.memory_space<semaphore_mem>>)
      %add3A_450 = arith.constant 3 : i32
      %add3A_451 = arith.addi %add3A_398, %add3A_450 : i32
      %dma_start3A_452 = arith.constant 0 : i32
      %dma_start3A_453 = arith.constant 12288 : i32
      %dma_start3A_454 = tpu.memref_slice %arg9[%dma_start3A_453] : memref<32768xi32, #tpu.memory_space<vmem>> -> memref<4096xi32, #tpu.memory_space<vmem>>
      %dma_start3A_455 = tpu.memref_bitcast %arg5 : memref<16384x4096xf16, #tpu.memory_space<hbm>> -> memref<8192x4096xi32, #tpu.memory_space<hbm>>
      %dma_start3A_456 = arith.constant 0 : i32
      %dma_start3A_457 = tpu.memref_slice %dma_start3A_455[%add3A_451, %dma_start3A_456] : memref<8192x4096xi32, #tpu.memory_space<hbm>> -> memref<1x4096xi32, #tpu.memory_space<hbm>>
      %dma_start3A_458 = tpu.memref_squeeze %dma_start3A_457 : memref<1x4096xi32, #tpu.memory_space<hbm>> -> memref<4096xi32, #tpu.memory_space<hbm>>
      %dma_start3A_459 = tpu.memref_slice %arg11[%dma_start3A_452] : memref<2x!tpu.dma_semaphore, #tpu.memory_space<semaphore_mem>> -> memref<1x!tpu.dma_semaphore, #tpu.memory_space<semaphore_mem>>
      %dma_start3A_460 = tpu.memref_squeeze %dma_start3A_459 : memref<1x!tpu.dma_semaphore, #tpu.memory_space<semaphore_mem>> -> memref<!tpu.dma_semaphore, #tpu.memory_space<semaphore_mem>>
      %dma_start3A_461 = tpu.memref_bitcast %arg5 : memref<16384x4096xf16, #tpu.memory_space<hbm>> -> memref<8192x4096xi32, #tpu.memory_space<hbm>>
      %dma_start3A_462 = arith.constant 0 : i32
      %dma_start3A_463 = tpu.memref_slice %dma_start3A_461[%add3A_451, %dma_start3A_462] : memref<8192x4096xi32, #tpu.memory_space<hbm>> -> memref<1x4096xi32, #tpu.memory_space<hbm>>
      %dma_start3A_464 = tpu.memref_squeeze %dma_start3A_463 : memref<1x4096xi32, #tpu.memory_space<hbm>> -> memref<4096xi32, #tpu.memory_space<hbm>>
      %dma_start3A_465 = arith.constant 12288 : i32
      %dma_start3A_466 = tpu.memref_slice %arg9[%dma_start3A_465] : memref<32768xi32, #tpu.memory_space<vmem>> -> memref<4096xi32, #tpu.memory_space<vmem>>
      tpu.enqueue_dma source(%dma_start3A_466 : memref<4096xi32, #tpu.memory_space<vmem>>) target(%dma_start3A_464 : memref<4096xi32, #tpu.memory_space<hbm>>) target_semaphore(%dma_start3A_460 : memref<!tpu.dma_semaphore, #tpu.memory_space<semaphore_mem>>)
      %mul3A_467 = arith.constant 2 : i32
      %mul3A_468 = arith.muli %scan3A_267, %mul3A_467 : i32
      %add3A_469 = arith.constant 1 : i32
      %add3A_470 = arith.addi %mul3A_468, %add3A_469 : i32
      %add3A_471 = arith.constant 1 : i32
      %add3A_472 = arith.addi %add3A_470, %add3A_471 : i32
      %lt3A_473 = arith.constant 64 : i32
      %lt3A_474 = arith.cmpi slt, %add3A_472, %lt3A_473 : i32
      %convert_element_type3A_475 = arith.extui %lt3A_474 : i1 to i32
      %cond3A_476 = arith.constant 0 : i32
      %cond3A_477 = arith.cmpi ne, %convert_element_type3A_475, %cond3A_476 : i32
      scf.if %cond3A_477 {
        %add3A_671 = arith.constant 1 : i32
        %add3A_672 = arith.addi %add3A_470, %add3A_671 : i32
        %mul3A_673 = arith.constant 4 : i32
        %mul3A_674 = arith.muli %add3A_672, %mul3A_673 : i32
        %add3A_675 = arith.addi %mul3A_2, %mul3A_674 : i32
        %mul3A_676 = arith.constant 2 : i32
        %mul3A_677 = arith.muli %add3A_675, %mul3A_676 : i32
        %add3A_678 = arith.constant 0 : i32
        %add3A_679 = arith.addi %mul3A_677, %add3A_678 : i32
        %dma_start3A_680 = arith.constant 0 : i32
        %dma_start3A_681 = arith.constant 0 : i32
        %dma_start3A_682 = tpu.memref_slice %arg8[%dma_start3A_681] : memref<65536xf32, #tpu.memory_space<vmem>> -> memref<4096xf32, #tpu.memory_space<vmem>>
        %dma_start3A_683 = arith.constant 0 : i32
        %dma_start3A_684 = tpu.memref_slice %arg2[%add3A_679, %dma_start3A_683] : memref<16384x4096xf32, #tpu.memory_space<hbm>> -> memref<1x4096xf32, #tpu.memory_space<hbm>>
        %dma_start3A_685 = tpu.memref_squeeze %dma_start3A_684 : memref<1x4096xf32, #tpu.memory_space<hbm>> -> memref<4096xf32, #tpu.memory_space<hbm>>
        %dma_start3A_686 = tpu.memref_slice %arg10[%dma_start3A_680] : memref<2x!tpu.dma_semaphore, #tpu.memory_space<semaphore_mem>> -> memref<1x!tpu.dma_semaphore, #tpu.memory_space<semaphore_mem>>
        %dma_start3A_687 = tpu.memref_squeeze %dma_start3A_686 : memref<1x!tpu.dma_semaphore, #tpu.memory_space<semaphore_mem>> -> memref<!tpu.dma_semaphore, #tpu.memory_space<semaphore_mem>>
        %dma_start3A_688 = arith.constant 0 : i32
        %dma_start3A_689 = tpu.memref_slice %arg8[%dma_start3A_688] : memref<65536xf32, #tpu.memory_space<vmem>> -> memref<4096xf32, #tpu.memory_space<vmem>>
        %dma_start3A_690 = arith.constant 0 : i32
        %dma_start3A_691 = tpu.memref_slice %arg2[%add3A_679, %dma_start3A_690] : memref<16384x4096xf32, #tpu.memory_space<hbm>> -> memref<1x4096xf32, #tpu.memory_space<hbm>>
        %dma_start3A_692 = tpu.memref_squeeze %dma_start3A_691 : memref<1x4096xf32, #tpu.memory_space<hbm>> -> memref<4096xf32, #tpu.memory_space<hbm>>
        tpu.enqueue_dma source(%dma_start3A_692 : memref<4096xf32, #tpu.memory_space<hbm>>) target(%dma_start3A_689 : memref<4096xf32, #tpu.memory_space<vmem>>) target_semaphore(%dma_start3A_687 : memref<!tpu.dma_semaphore, #tpu.memory_space<semaphore_mem>>)
        %add3A_693 = arith.constant 1 : i32
        %add3A_694 = arith.addi %mul3A_677, %add3A_693 : i32
        %dma_start3A_695 = arith.constant 0 : i32
        %dma_start3A_696 = arith.constant 4096 : i32
        %dma_start3A_697 = tpu.memref_slice %arg8[%dma_start3A_696] : memref<65536xf32, #tpu.memory_space<vmem>> -> memref<4096xf32, #tpu.memory_space<vmem>>
        %dma_start3A_698 = arith.constant 0 : i32
        %dma_start3A_699 = tpu.memref_slice %arg2[%add3A_694, %dma_start3A_698] : memref<16384x4096xf32, #tpu.memory_space<hbm>> -> memref<1x4096xf32, #tpu.memory_space<hbm>>
        %dma_start3A_700 = tpu.memref_squeeze %dma_start3A_699 : memref<1x4096xf32, #tpu.memory_space<hbm>> -> memref<4096xf32, #tpu.memory_space<hbm>>
        %dma_start3A_701 = tpu.memref_slice %arg10[%dma_start3A_695] : memref<2x!tpu.dma_semaphore, #tpu.memory_space<semaphore_mem>> -> memref<1x!tpu.dma_semaphore, #tpu.memory_space<semaphore_mem>>
        %dma_start3A_702 = tpu.memref_squeeze %dma_start3A_701 : memref<1x!tpu.dma_semaphore, #tpu.memory_space<semaphore_mem>> -> memref<!tpu.dma_semaphore, #tpu.memory_space<semaphore_mem>>
        %dma_start3A_703 = arith.constant 4096 : i32
        %dma_start3A_704 = tpu.memref_slice %arg8[%dma_start3A_703] : memref<65536xf32, #tpu.memory_space<vmem>> -> memref<4096xf32, #tpu.memory_space<vmem>>
        %dma_start3A_705 = arith.constant 0 : i32
        %dma_start3A_706 = tpu.memref_slice %arg2[%add3A_694, %dma_start3A_705] : memref<16384x4096xf32, #tpu.memory_space<hbm>> -> memref<1x4096xf32, #tpu.memory_space<hbm>>
        %dma_start3A_707 = tpu.memref_squeeze %dma_start3A_706 : memref<1x4096xf32, #tpu.memory_space<hbm>> -> memref<4096xf32, #tpu.memory_space<hbm>>
        tpu.enqueue_dma source(%dma_start3A_707 : memref<4096xf32, #tpu.memory_space<hbm>>) target(%dma_start3A_704 : memref<4096xf32, #tpu.memory_space<vmem>>) target_semaphore(%dma_start3A_702 : memref<!tpu.dma_semaphore, #tpu.memory_space<semaphore_mem>>)
        %add3A_708 = arith.constant 2 : i32
        %add3A_709 = arith.addi %mul3A_677, %add3A_708 : i32
        %dma_start3A_710 = arith.constant 0 : i32
        %dma_start3A_711 = arith.constant 8192 : i32
        %dma_start3A_712 = tpu.memref_slice %arg8[%dma_start3A_711] : memref<65536xf32, #tpu.memory_space<vmem>> -> memref<4096xf32, #tpu.memory_space<vmem>>
        %dma_start3A_713 = arith.constant 0 : i32
        %dma_start3A_714 = tpu.memref_slice %arg2[%add3A_709, %dma_start3A_713] : memref<16384x4096xf32, #tpu.memory_space<hbm>> -> memref<1x4096xf32, #tpu.memory_space<hbm>>
        %dma_start3A_715 = tpu.memref_squeeze %dma_start3A_714 : memref<1x4096xf32, #tpu.memory_space<hbm>> -> memref<4096xf32, #tpu.memory_space<hbm>>
        %dma_start3A_716 = tpu.memref_slice %arg10[%dma_start3A_710] : memref<2x!tpu.dma_semaphore, #tpu.memory_space<semaphore_mem>> -> memref<1x!tpu.dma_semaphore, #tpu.memory_space<semaphore_mem>>
        %dma_start3A_717 = tpu.memref_squeeze %dma_start3A_716 : memref<1x!tpu.dma_semaphore, #tpu.memory_space<semaphore_mem>> -> memref<!tpu.dma_semaphore, #tpu.memory_space<semaphore_mem>>
        %dma_start3A_718 = arith.constant 8192 : i32
        %dma_start3A_719 = tpu.memref_slice %arg8[%dma_start3A_718] : memref<65536xf32, #tpu.memory_space<vmem>> -> memref<4096xf32, #tpu.memory_space<vmem>>
        %dma_start3A_720 = arith.constant 0 : i32
        %dma_start3A_721 = tpu.memref_slice %arg2[%add3A_709, %dma_start3A_720] : memref<16384x4096xf32, #tpu.memory_space<hbm>> -> memref<1x4096xf32, #tpu.memory_space<hbm>>
        %dma_start3A_722 = tpu.memref_squeeze %dma_start3A_721 : memref<1x4096xf32, #tpu.memory_space<hbm>> -> memref<4096xf32, #tpu.memory_space<hbm>>
        tpu.enqueue_dma source(%dma_start3A_722 : memref<4096xf32, #tpu.memory_space<hbm>>) target(%dma_start3A_719 : memref<4096xf32, #tpu.memory_space<vmem>>) target_semaphore(%dma_start3A_717 : memref<!tpu.dma_semaphore, #tpu.memory_space<semaphore_mem>>)
        %add3A_723 = arith.constant 3 : i32
        %add3A_724 = arith.addi %mul3A_677, %add3A_723 : i32
        %dma_start3A_725 = arith.constant 0 : i32
        %dma_start3A_726 = arith.constant 12288 : i32
        %dma_start3A_727 = tpu.memref_slice %arg8[%dma_start3A_726] : memref<65536xf32, #tpu.memory_space<vmem>> -> memref<4096xf32, #tpu.memory_space<vmem>>
        %dma_start3A_728 = arith.constant 0 : i32
        %dma_start3A_729 = tpu.memref_slice %arg2[%add3A_724, %dma_start3A_728] : memref<16384x4096xf32, #tpu.memory_space<hbm>> -> memref<1x4096xf32, #tpu.memory_space<hbm>>
        %dma_start3A_730 = tpu.memref_squeeze %dma_start3A_729 : memref<1x4096xf32, #tpu.memory_space<hbm>> -> memref<4096xf32, #tpu.memory_space<hbm>>
        %dma_start3A_731 = tpu.memref_slice %arg10[%dma_start3A_725] : memref<2x!tpu.dma_semaphore, #tpu.memory_space<semaphore_mem>> -> memref<1x!tpu.dma_semaphore, #tpu.memory_space<semaphore_mem>>
        %dma_start3A_732 = tpu.memref_squeeze %dma_start3A_731 : memref<1x!tpu.dma_semaphore, #tpu.memory_space<semaphore_mem>> -> memref<!tpu.dma_semaphore, #tpu.memory_space<semaphore_mem>>
        %dma_start3A_733 = arith.constant 12288 : i32
        %dma_start3A_734 = tpu.memref_slice %arg8[%dma_start3A_733] : memref<65536xf32, #tpu.memory_space<vmem>> -> memref<4096xf32, #tpu.memory_space<vmem>>
        %dma_start3A_735 = arith.constant 0 : i32
        %dma_start3A_736 = tpu.memref_slice %arg2[%add3A_724, %dma_start3A_735] : memref<16384x4096xf32, #tpu.memory_space<hbm>> -> memref<1x4096xf32, #tpu.memory_space<hbm>>
        %dma_start3A_737 = tpu.memref_squeeze %dma_start3A_736 : memref<1x4096xf32, #tpu.memory_space<hbm>> -> memref<4096xf32, #tpu.memory_space<hbm>>
        tpu.enqueue_dma source(%dma_start3A_737 : memref<4096xf32, #tpu.memory_space<hbm>>) target(%dma_start3A_734 : memref<4096xf32, #tpu.memory_space<vmem>>) target_semaphore(%dma_start3A_732 : memref<!tpu.dma_semaphore, #tpu.memory_space<semaphore_mem>>)
        %add3A_738 = arith.constant 4 : i32
        %add3A_739 = arith.addi %mul3A_677, %add3A_738 : i32
        %dma_start3A_740 = arith.constant 0 : i32
        %dma_start3A_741 = arith.constant 16384 : i32
        %dma_start3A_742 = tpu.memref_slice %arg8[%dma_start3A_741] : memref<65536xf32, #tpu.memory_space<vmem>> -> memref<4096xf32, #tpu.memory_space<vmem>>
        %dma_start3A_743 = arith.constant 0 : i32
        %dma_start3A_744 = tpu.memref_slice %arg2[%add3A_739, %dma_start3A_743] : memref<16384x4096xf32, #tpu.memory_space<hbm>> -> memref<1x4096xf32, #tpu.memory_space<hbm>>
        %dma_start3A_745 = tpu.memref_squeeze %dma_start3A_744 : memref<1x4096xf32, #tpu.memory_space<hbm>> -> memref<4096xf32, #tpu.memory_space<hbm>>
        %dma_start3A_746 = tpu.memref_slice %arg10[%dma_start3A_740] : memref<2x!tpu.dma_semaphore, #tpu.memory_space<semaphore_mem>> -> memref<1x!tpu.dma_semaphore, #tpu.memory_space<semaphore_mem>>
        %dma_start3A_747 = tpu.memref_squeeze %dma_start3A_746 : memref<1x!tpu.dma_semaphore, #tpu.memory_space<semaphore_mem>> -> memref<!tpu.dma_semaphore, #tpu.memory_space<semaphore_mem>>
        %dma_start3A_748 = arith.constant 16384 : i32
        %dma_start3A_749 = tpu.memref_slice %arg8[%dma_start3A_748] : memref<65536xf32, #tpu.memory_space<vmem>> -> memref<4096xf32, #tpu.memory_space<vmem>>
        %dma_start3A_750 = arith.constant 0 : i32
        %dma_start3A_751 = tpu.memref_slice %arg2[%add3A_739, %dma_start3A_750] : memref<16384x4096xf32, #tpu.memory_space<hbm>> -> memref<1x4096xf32, #tpu.memory_space<hbm>>
        %dma_start3A_752 = tpu.memref_squeeze %dma_start3A_751 : memref<1x4096xf32, #tpu.memory_space<hbm>> -> memref<4096xf32, #tpu.memory_space<hbm>>
        tpu.enqueue_dma source(%dma_start3A_752 : memref<4096xf32, #tpu.memory_space<hbm>>) target(%dma_start3A_749 : memref<4096xf32, #tpu.memory_space<vmem>>) target_semaphore(%dma_start3A_747 : memref<!tpu.dma_semaphore, #tpu.memory_space<semaphore_mem>>)
        %add3A_753 = arith.constant 5 : i32
        %add3A_754 = arith.addi %mul3A_677, %add3A_753 : i32
        %dma_start3A_755 = arith.constant 0 : i32
        %dma_start3A_756 = arith.constant 20480 : i32
        %dma_start3A_757 = tpu.memref_slice %arg8[%dma_start3A_756] : memref<65536xf32, #tpu.memory_space<vmem>> -> memref<4096xf32, #tpu.memory_space<vmem>>
        %dma_start3A_758 = arith.constant 0 : i32
        %dma_start3A_759 = tpu.memref_slice %arg2[%add3A_754, %dma_start3A_758] : memref<16384x4096xf32, #tpu.memory_space<hbm>> -> memref<1x4096xf32, #tpu.memory_space<hbm>>
        %dma_start3A_760 = tpu.memref_squeeze %dma_start3A_759 : memref<1x4096xf32, #tpu.memory_space<hbm>> -> memref<4096xf32, #tpu.memory_space<hbm>>
        %dma_start3A_761 = tpu.memref_slice %arg10[%dma_start3A_755] : memref<2x!tpu.dma_semaphore, #tpu.memory_space<semaphore_mem>> -> memref<1x!tpu.dma_semaphore, #tpu.memory_space<semaphore_mem>>
        %dma_start3A_762 = tpu.memref_squeeze %dma_start3A_761 : memref<1x!tpu.dma_semaphore, #tpu.memory_space<semaphore_mem>> -> memref<!tpu.dma_semaphore, #tpu.memory_space<semaphore_mem>>
        %dma_start3A_763 = arith.constant 20480 : i32
        %dma_start3A_764 = tpu.memref_slice %arg8[%dma_start3A_763] : memref<65536xf32, #tpu.memory_space<vmem>> -> memref<4096xf32, #tpu.memory_space<vmem>>
        %dma_start3A_765 = arith.constant 0 : i32
        %dma_start3A_766 = tpu.memref_slice %arg2[%add3A_754, %dma_start3A_765] : memref<16384x4096xf32, #tpu.memory_space<hbm>> -> memref<1x4096xf32, #tpu.memory_space<hbm>>
        %dma_start3A_767 = tpu.memref_squeeze %dma_start3A_766 : memref<1x4096xf32, #tpu.memory_space<hbm>> -> memref<4096xf32, #tpu.memory_space<hbm>>
        tpu.enqueue_dma source(%dma_start3A_767 : memref<4096xf32, #tpu.memory_space<hbm>>) target(%dma_start3A_764 : memref<4096xf32, #tpu.memory_space<vmem>>) target_semaphore(%dma_start3A_762 : memref<!tpu.dma_semaphore, #tpu.memory_space<semaphore_mem>>)
        %add3A_768 = arith.constant 6 : i32
        %add3A_769 = arith.addi %mul3A_677, %add3A_768 : i32
        %dma_start3A_770 = arith.constant 0 : i32
        %dma_start3A_771 = arith.constant 24576 : i32
        %dma_start3A_772 = tpu.memref_slice %arg8[%dma_start3A_771] : memref<65536xf32, #tpu.memory_space<vmem>> -> memref<4096xf32, #tpu.memory_space<vmem>>
        %dma_start3A_773 = arith.constant 0 : i32
        %dma_start3A_774 = tpu.memref_slice %arg2[%add3A_769, %dma_start3A_773] : memref<16384x4096xf32, #tpu.memory_space<hbm>> -> memref<1x4096xf32, #tpu.memory_space<hbm>>
        %dma_start3A_775 = tpu.memref_squeeze %dma_start3A_774 : memref<1x4096xf32, #tpu.memory_space<hbm>> -> memref<4096xf32, #tpu.memory_space<hbm>>
        %dma_start3A_776 = tpu.memref_slice %arg10[%dma_start3A_770] : memref<2x!tpu.dma_semaphore, #tpu.memory_space<semaphore_mem>> -> memref<1x!tpu.dma_semaphore, #tpu.memory_space<semaphore_mem>>
        %dma_start3A_777 = tpu.memref_squeeze %dma_start3A_776 : memref<1x!tpu.dma_semaphore, #tpu.memory_space<semaphore_mem>> -> memref<!tpu.dma_semaphore, #tpu.memory_space<semaphore_mem>>
        %dma_start3A_778 = arith.constant 24576 : i32
        %dma_start3A_779 = tpu.memref_slice %arg8[%dma_start3A_778] : memref<65536xf32, #tpu.memory_space<vmem>> -> memref<4096xf32, #tpu.memory_space<vmem>>
        %dma_start3A_780 = arith.constant 0 : i32
        %dma_start3A_781 = tpu.memref_slice %arg2[%add3A_769, %dma_start3A_780] : memref<16384x4096xf32, #tpu.memory_space<hbm>> -> memref<1x4096xf32, #tpu.memory_space<hbm>>
        %dma_start3A_782 = tpu.memref_squeeze %dma_start3A_781 : memref<1x4096xf32, #tpu.memory_space<hbm>> -> memref<4096xf32, #tpu.memory_space<hbm>>
        tpu.enqueue_dma source(%dma_start3A_782 : memref<4096xf32, #tpu.memory_space<hbm>>) target(%dma_start3A_779 : memref<4096xf32, #tpu.memory_space<vmem>>) target_semaphore(%dma_start3A_777 : memref<!tpu.dma_semaphore, #tpu.memory_space<semaphore_mem>>)
        %add3A_783 = arith.constant 7 : i32
        %add3A_784 = arith.addi %mul3A_677, %add3A_783 : i32
        %dma_start3A_785 = arith.constant 0 : i32
        %dma_start3A_786 = arith.constant 28672 : i32
        %dma_start3A_787 = tpu.memref_slice %arg8[%dma_start3A_786] : memref<65536xf32, #tpu.memory_space<vmem>> -> memref<4096xf32, #tpu.memory_space<vmem>>
        %dma_start3A_788 = arith.constant 0 : i32
        %dma_start3A_789 = tpu.memref_slice %arg2[%add3A_784, %dma_start3A_788] : memref<16384x4096xf32, #tpu.memory_space<hbm>> -> memref<1x4096xf32, #tpu.memory_space<hbm>>
        %dma_start3A_790 = tpu.memref_squeeze %dma_start3A_789 : memref<1x4096xf32, #tpu.memory_space<hbm>> -> memref<4096xf32, #tpu.memory_space<hbm>>
        %dma_start3A_791 = tpu.memref_slice %arg10[%dma_start3A_785] : memref<2x!tpu.dma_semaphore, #tpu.memory_space<semaphore_mem>> -> memref<1x!tpu.dma_semaphore, #tpu.memory_space<semaphore_mem>>
        %dma_start3A_792 = tpu.memref_squeeze %dma_start3A_791 : memref<1x!tpu.dma_semaphore, #tpu.memory_space<semaphore_mem>> -> memref<!tpu.dma_semaphore, #tpu.memory_space<semaphore_mem>>
        %dma_start3A_793 = arith.constant 28672 : i32
        %dma_start3A_794 = tpu.memref_slice %arg8[%dma_start3A_793] : memref<65536xf32, #tpu.memory_space<vmem>> -> memref<4096xf32, #tpu.memory_space<vmem>>
        %dma_start3A_795 = arith.constant 0 : i32
        %dma_start3A_796 = tpu.memref_slice %arg2[%add3A_784, %dma_start3A_795] : memref<16384x4096xf32, #tpu.memory_space<hbm>> -> memref<1x4096xf32, #tpu.memory_space<hbm>>
        %dma_start3A_797 = tpu.memref_squeeze %dma_start3A_796 : memref<1x4096xf32, #tpu.memory_space<hbm>> -> memref<4096xf32, #tpu.memory_space<hbm>>
        tpu.enqueue_dma source(%dma_start3A_797 : memref<4096xf32, #tpu.memory_space<hbm>>) target(%dma_start3A_794 : memref<4096xf32, #tpu.memory_space<vmem>>) target_semaphore(%dma_start3A_792 : memref<!tpu.dma_semaphore, #tpu.memory_space<semaphore_mem>>)
      } else {
      }
      %dma_wait3A_478 = arith.constant 1 : i32
      %dma_wait3A_479 = arith.constant 32768 : i32
      %dma_wait3A_480 = tpu.memref_slice %arg8[%dma_wait3A_479] : memref<65536xf32, #tpu.memory_space<vmem>> -> memref<4096xf32, #tpu.memory_space<vmem>>
      %dma_wait3A_481 = arith.constant 0 : i32
      %dma_wait3A_482 = tpu.memref_slice %arg2[%mul3A_2, %dma_wait3A_481] : memref<16384x4096xf32, #tpu.memory_space<hbm>> -> memref<1x4096xf32, #tpu.memory_space<hbm>>
      %dma_wait3A_483 = tpu.memref_squeeze %dma_wait3A_482 : memref<1x4096xf32, #tpu.memory_space<hbm>> -> memref<4096xf32, #tpu.memory_space<hbm>>
      %dma_wait3A_484 = tpu.memref_slice %arg10[%dma_wait3A_478] : memref<2x!tpu.dma_semaphore, #tpu.memory_space<semaphore_mem>> -> memref<1x!tpu.dma_semaphore, #tpu.memory_space<semaphore_mem>>
      %dma_wait3A_485 = tpu.memref_squeeze %dma_wait3A_484 : memref<1x!tpu.dma_semaphore, #tpu.memory_space<semaphore_mem>> -> memref<!tpu.dma_semaphore, #tpu.memory_space<semaphore_mem>>
      %dma_wait3A_486 = arith.constant 32768 : i32
      %dma_wait3A_487 = tpu.memref_slice %arg8[%dma_wait3A_486] : memref<65536xf32, #tpu.memory_space<vmem>> -> memref<4096xf32, #tpu.memory_space<vmem>>
      %dma_wait3A_488 = arith.constant 0 : i32
      %dma_wait3A_489 = tpu.memref_slice %arg2[%mul3A_2, %dma_wait3A_488] : memref<16384x4096xf32, #tpu.memory_space<hbm>> -> memref<1x4096xf32, #tpu.memory_space<hbm>>
      %dma_wait3A_490 = tpu.memref_squeeze %dma_wait3A_489 : memref<1x4096xf32, #tpu.memory_space<hbm>> -> memref<4096xf32, #tpu.memory_space<hbm>>
      tpu.wait_dma2 semaphore(%dma_wait3A_485 : memref<!tpu.dma_semaphore, #tpu.memory_space<semaphore_mem>>) src(%dma_wait3A_490 : memref<4096xf32, #tpu.memory_space<hbm>>) dst(%dma_wait3A_487 : memref<4096xf32, #tpu.memory_space<vmem>>)
      %dma_wait3A_491 = arith.constant 1 : i32
      %dma_wait3A_492 = arith.constant 36864 : i32
      %dma_wait3A_493 = tpu.memref_slice %arg8[%dma_wait3A_492] : memref<65536xf32, #tpu.memory_space<vmem>> -> memref<4096xf32, #tpu.memory_space<vmem>>
      %dma_wait3A_494 = arith.constant 0 : i32
      %dma_wait3A_495 = tpu.memref_slice %arg2[%mul3A_2, %dma_wait3A_494] : memref<16384x4096xf32, #tpu.memory_space<hbm>> -> memref<1x4096xf32, #tpu.memory_space<hbm>>
      %dma_wait3A_496 = tpu.memref_squeeze %dma_wait3A_495 : memref<1x4096xf32, #tpu.memory_space<hbm>> -> memref<4096xf32, #tpu.memory_space<hbm>>
      %dma_wait3A_497 = tpu.memref_slice %arg10[%dma_wait3A_491] : memref<2x!tpu.dma_semaphore, #tpu.memory_space<semaphore_mem>> -> memref<1x!tpu.dma_semaphore, #tpu.memory_space<semaphore_mem>>
      %dma_wait3A_498 = tpu.memref_squeeze %dma_wait3A_497 : memref<1x!tpu.dma_semaphore, #tpu.memory_space<semaphore_mem>> -> memref<!tpu.dma_semaphore, #tpu.memory_space<semaphore_mem>>
      %dma_wait3A_499 = arith.constant 36864 : i32
      %dma_wait3A_500 = tpu.memref_slice %arg8[%dma_wait3A_499] : memref<65536xf32, #tpu.memory_space<vmem>> -> memref<4096xf32, #tpu.memory_space<vmem>>
      %dma_wait3A_501 = arith.constant 0 : i32
      %dma_wait3A_502 = tpu.memref_slice %arg2[%mul3A_2, %dma_wait3A_501] : memref<16384x4096xf32, #tpu.memory_space<hbm>> -> memref<1x4096xf32, #tpu.memory_space<hbm>>
      %dma_wait3A_503 = tpu.memref_squeeze %dma_wait3A_502 : memref<1x4096xf32, #tpu.memory_space<hbm>> -> memref<4096xf32, #tpu.memory_space<hbm>>
      tpu.wait_dma2 semaphore(%dma_wait3A_498 : memref<!tpu.dma_semaphore, #tpu.memory_space<semaphore_mem>>) src(%dma_wait3A_503 : memref<4096xf32, #tpu.memory_space<hbm>>) dst(%dma_wait3A_500 : memref<4096xf32, #tpu.memory_space<vmem>>)
      %dma_wait3A_504 = arith.constant 1 : i32
      %dma_wait3A_505 = arith.constant 40960 : i32
      %dma_wait3A_506 = tpu.memref_slice %arg8[%dma_wait3A_505] : memref<65536xf32, #tpu.memory_space<vmem>> -> memref<4096xf32, #tpu.memory_space<vmem>>
      %dma_wait3A_507 = arith.constant 0 : i32
      %dma_wait3A_508 = tpu.memref_slice %arg2[%mul3A_2, %dma_wait3A_507] : memref<16384x4096xf32, #tpu.memory_space<hbm>> -> memref<1x4096xf32, #tpu.memory_space<hbm>>
      %dma_wait3A_509 = tpu.memref_squeeze %dma_wait3A_508 : memref<1x4096xf32, #tpu.memory_space<hbm>> -> memref<4096xf32, #tpu.memory_space<hbm>>
      %dma_wait3A_510 = tpu.memref_slice %arg10[%dma_wait3A_504] : memref<2x!tpu.dma_semaphore, #tpu.memory_space<semaphore_mem>> -> memref<1x!tpu.dma_semaphore, #tpu.memory_space<semaphore_mem>>
      %dma_wait3A_511 = tpu.memref_squeeze %dma_wait3A_510 : memref<1x!tpu.dma_semaphore, #tpu.memory_space<semaphore_mem>> -> memref<!tpu.dma_semaphore, #tpu.memory_space<semaphore_mem>>
      %dma_wait3A_512 = arith.constant 40960 : i32
      %dma_wait3A_513 = tpu.memref_slice %arg8[%dma_wait3A_512] : memref<65536xf32, #tpu.memory_space<vmem>> -> memref<4096xf32, #tpu.memory_space<vmem>>
      %dma_wait3A_514 = arith.constant 0 : i32
      %dma_wait3A_515 = tpu.memref_slice %arg2[%mul3A_2, %dma_wait3A_514] : memref<16384x4096xf32, #tpu.memory_space<hbm>> -> memref<1x4096xf32, #tpu.memory_space<hbm>>
      %dma_wait3A_516 = tpu.memref_squeeze %dma_wait3A_515 : memref<1x4096xf32, #tpu.memory_space<hbm>> -> memref<4096xf32, #tpu.memory_space<hbm>>
      tpu.wait_dma2 semaphore(%dma_wait3A_511 : memref<!tpu.dma_semaphore, #tpu.memory_space<semaphore_mem>>) src(%dma_wait3A_516 : memref<4096xf32, #tpu.memory_space<hbm>>) dst(%dma_wait3A_513 : memref<4096xf32, #tpu.memory_space<vmem>>)
      %dma_wait3A_517 = arith.constant 1 : i32
      %dma_wait3A_518 = arith.constant 45056 : i32
      %dma_wait3A_519 = tpu.memref_slice %arg8[%dma_wait3A_518] : memref<65536xf32, #tpu.memory_space<vmem>> -> memref<4096xf32, #tpu.memory_space<vmem>>
      %dma_wait3A_520 = arith.constant 0 : i32
      %dma_wait3A_521 = tpu.memref_slice %arg2[%mul3A_2, %dma_wait3A_520] : memref<16384x4096xf32, #tpu.memory_space<hbm>> -> memref<1x4096xf32, #tpu.memory_space<hbm>>
      %dma_wait3A_522 = tpu.memref_squeeze %dma_wait3A_521 : memref<1x4096xf32, #tpu.memory_space<hbm>> -> memref<4096xf32, #tpu.memory_space<hbm>>
      %dma_wait3A_523 = tpu.memref_slice %arg10[%dma_wait3A_517] : memref<2x!tpu.dma_semaphore, #tpu.memory_space<semaphore_mem>> -> memref<1x!tpu.dma_semaphore, #tpu.memory_space<semaphore_mem>>
      %dma_wait3A_524 = tpu.memref_squeeze %dma_wait3A_523 : memref<1x!tpu.dma_semaphore, #tpu.memory_space<semaphore_mem>> -> memref<!tpu.dma_semaphore, #tpu.memory_space<semaphore_mem>>
      %dma_wait3A_525 = arith.constant 45056 : i32
      %dma_wait3A_526 = tpu.memref_slice %arg8[%dma_wait3A_525] : memref<65536xf32, #tpu.memory_space<vmem>> -> memref<4096xf32, #tpu.memory_space<vmem>>
      %dma_wait3A_527 = arith.constant 0 : i32
      %dma_wait3A_528 = tpu.memref_slice %arg2[%mul3A_2, %dma_wait3A_527] : memref<16384x4096xf32, #tpu.memory_space<hbm>> -> memref<1x4096xf32, #tpu.memory_space<hbm>>
      %dma_wait3A_529 = tpu.memref_squeeze %dma_wait3A_528 : memref<1x4096xf32, #tpu.memory_space<hbm>> -> memref<4096xf32, #tpu.memory_space<hbm>>
      tpu.wait_dma2 semaphore(%dma_wait3A_524 : memref<!tpu.dma_semaphore, #tpu.memory_space<semaphore_mem>>) src(%dma_wait3A_529 : memref<4096xf32, #tpu.memory_space<hbm>>) dst(%dma_wait3A_526 : memref<4096xf32, #tpu.memory_space<vmem>>)
      %dma_wait3A_530 = arith.constant 1 : i32
      %dma_wait3A_531 = arith.constant 49152 : i32
      %dma_wait3A_532 = tpu.memref_slice %arg8[%dma_wait3A_531] : memref<65536xf32, #tpu.memory_space<vmem>> -> memref<4096xf32, #tpu.memory_space<vmem>>
      %dma_wait3A_533 = arith.constant 0 : i32
      %dma_wait3A_534 = tpu.memref_slice %arg2[%mul3A_2, %dma_wait3A_533] : memref<16384x4096xf32, #tpu.memory_space<hbm>> -> memref<1x4096xf32, #tpu.memory_space<hbm>>
      %dma_wait3A_535 = tpu.memref_squeeze %dma_wait3A_534 : memref<1x4096xf32, #tpu.memory_space<hbm>> -> memref<4096xf32, #tpu.memory_space<hbm>>
      %dma_wait3A_536 = tpu.memref_slice %arg10[%dma_wait3A_530] : memref<2x!tpu.dma_semaphore, #tpu.memory_space<semaphore_mem>> -> memref<1x!tpu.dma_semaphore, #tpu.memory_space<semaphore_mem>>
      %dma_wait3A_537 = tpu.memref_squeeze %dma_wait3A_536 : memref<1x!tpu.dma_semaphore, #tpu.memory_space<semaphore_mem>> -> memref<!tpu.dma_semaphore, #tpu.memory_space<semaphore_mem>>
      %dma_wait3A_538 = arith.constant 49152 : i32
      %dma_wait3A_539 = tpu.memref_slice %arg8[%dma_wait3A_538] : memref<65536xf32, #tpu.memory_space<vmem>> -> memref<4096xf32, #tpu.memory_space<vmem>>
      %dma_wait3A_540 = arith.constant 0 : i32
      %dma_wait3A_541 = tpu.memref_slice %arg2[%mul3A_2, %dma_wait3A_540] : memref<16384x4096xf32, #tpu.memory_space<hbm>> -> memref<1x4096xf32, #tpu.memory_space<hbm>>
      %dma_wait3A_542 = tpu.memref_squeeze %dma_wait3A_541 : memref<1x4096xf32, #tpu.memory_space<hbm>> -> memref<4096xf32, #tpu.memory_space<hbm>>
      tpu.wait_dma2 semaphore(%dma_wait3A_537 : memref<!tpu.dma_semaphore, #tpu.memory_space<semaphore_mem>>) src(%dma_wait3A_542 : memref<4096xf32, #tpu.memory_space<hbm>>) dst(%dma_wait3A_539 : memref<4096xf32, #tpu.memory_space<vmem>>)
      %dma_wait3A_543 = arith.constant 1 : i32
      %dma_wait3A_544 = arith.constant 53248 : i32
      %dma_wait3A_545 = tpu.memref_slice %arg8[%dma_wait3A_544] : memref<65536xf32, #tpu.memory_space<vmem>> -> memref<4096xf32, #tpu.memory_space<vmem>>
      %dma_wait3A_546 = arith.constant 0 : i32
      %dma_wait3A_547 = tpu.memref_slice %arg2[%mul3A_2, %dma_wait3A_546] : memref<16384x4096xf32, #tpu.memory_space<hbm>> -> memref<1x4096xf32, #tpu.memory_space<hbm>>
      %dma_wait3A_548 = tpu.memref_squeeze %dma_wait3A_547 : memref<1x4096xf32, #tpu.memory_space<hbm>> -> memref<4096xf32, #tpu.memory_space<hbm>>
      %dma_wait3A_549 = tpu.memref_slice %arg10[%dma_wait3A_543] : memref<2x!tpu.dma_semaphore, #tpu.memory_space<semaphore_mem>> -> memref<1x!tpu.dma_semaphore, #tpu.memory_space<semaphore_mem>>
      %dma_wait3A_550 = tpu.memref_squeeze %dma_wait3A_549 : memref<1x!tpu.dma_semaphore, #tpu.memory_space<semaphore_mem>> -> memref<!tpu.dma_semaphore, #tpu.memory_space<semaphore_mem>>
      %dma_wait3A_551 = arith.constant 53248 : i32
      %dma_wait3A_552 = tpu.memref_slice %arg8[%dma_wait3A_551] : memref<65536xf32, #tpu.memory_space<vmem>> -> memref<4096xf32, #tpu.memory_space<vmem>>
      %dma_wait3A_553 = arith.constant 0 : i32
      %dma_wait3A_554 = tpu.memref_slice %arg2[%mul3A_2, %dma_wait3A_553] : memref<16384x4096xf32, #tpu.memory_space<hbm>> -> memref<1x4096xf32, #tpu.memory_space<hbm>>
      %dma_wait3A_555 = tpu.memref_squeeze %dma_wait3A_554 : memref<1x4096xf32, #tpu.memory_space<hbm>> -> memref<4096xf32, #tpu.memory_space<hbm>>
      tpu.wait_dma2 semaphore(%dma_wait3A_550 : memref<!tpu.dma_semaphore, #tpu.memory_space<semaphore_mem>>) src(%dma_wait3A_555 : memref<4096xf32, #tpu.memory_space<hbm>>) dst(%dma_wait3A_552 : memref<4096xf32, #tpu.memory_space<vmem>>)
      %dma_wait3A_556 = arith.constant 1 : i32
      %dma_wait3A_557 = arith.constant 57344 : i32
      %dma_wait3A_558 = tpu.memref_slice %arg8[%dma_wait3A_557] : memref<65536xf32, #tpu.memory_space<vmem>> -> memref<4096xf32, #tpu.memory_space<vmem>>
      %dma_wait3A_559 = arith.constant 0 : i32
      %dma_wait3A_560 = tpu.memref_slice %arg2[%mul3A_2, %dma_wait3A_559] : memref<16384x4096xf32, #tpu.memory_space<hbm>> -> memref<1x4096xf32, #tpu.memory_space<hbm>>
      %dma_wait3A_561 = tpu.memref_squeeze %dma_wait3A_560 : memref<1x4096xf32, #tpu.memory_space<hbm>> -> memref<4096xf32, #tpu.memory_space<hbm>>
      %dma_wait3A_562 = tpu.memref_slice %arg10[%dma_wait3A_556] : memref<2x!tpu.dma_semaphore, #tpu.memory_space<semaphore_mem>> -> memref<1x!tpu.dma_semaphore, #tpu.memory_space<semaphore_mem>>
      %dma_wait3A_563 = tpu.memref_squeeze %dma_wait3A_562 : memref<1x!tpu.dma_semaphore, #tpu.memory_space<semaphore_mem>> -> memref<!tpu.dma_semaphore, #tpu.memory_space<semaphore_mem>>
      %dma_wait3A_564 = arith.constant 57344 : i32
      %dma_wait3A_565 = tpu.memref_slice %arg8[%dma_wait3A_564] : memref<65536xf32, #tpu.memory_space<vmem>> -> memref<4096xf32, #tpu.memory_space<vmem>>
      %dma_wait3A_566 = arith.constant 0 : i32
      %dma_wait3A_567 = tpu.memref_slice %arg2[%mul3A_2, %dma_wait3A_566] : memref<16384x4096xf32, #tpu.memory_space<hbm>> -> memref<1x4096xf32, #tpu.memory_space<hbm>>
      %dma_wait3A_568 = tpu.memref_squeeze %dma_wait3A_567 : memref<1x4096xf32, #tpu.memory_space<hbm>> -> memref<4096xf32, #tpu.memory_space<hbm>>
      tpu.wait_dma2 semaphore(%dma_wait3A_563 : memref<!tpu.dma_semaphore, #tpu.memory_space<semaphore_mem>>) src(%dma_wait3A_568 : memref<4096xf32, #tpu.memory_space<hbm>>) dst(%dma_wait3A_565 : memref<4096xf32, #tpu.memory_space<vmem>>)
      %dma_wait3A_569 = arith.constant 1 : i32
      %dma_wait3A_570 = arith.constant 61440 : i32
      %dma_wait3A_571 = tpu.memref_slice %arg8[%dma_wait3A_570] : memref<65536xf32, #tpu.memory_space<vmem>> -> memref<4096xf32, #tpu.memory_space<vmem>>
      %dma_wait3A_572 = arith.constant 0 : i32
      %dma_wait3A_573 = tpu.memref_slice %arg2[%mul3A_2, %dma_wait3A_572] : memref<16384x4096xf32, #tpu.memory_space<hbm>> -> memref<1x4096xf32, #tpu.memory_space<hbm>>
      %dma_wait3A_574 = tpu.memref_squeeze %dma_wait3A_573 : memref<1x4096xf32, #tpu.memory_space<hbm>> -> memref<4096xf32, #tpu.memory_space<hbm>>
      %dma_wait3A_575 = tpu.memref_slice %arg10[%dma_wait3A_569] : memref<2x!tpu.dma_semaphore, #tpu.memory_space<semaphore_mem>> -> memref<1x!tpu.dma_semaphore, #tpu.memory_space<semaphore_mem>>
      %dma_wait3A_576 = tpu.memref_squeeze %dma_wait3A_575 : memref<1x!tpu.dma_semaphore, #tpu.memory_space<semaphore_mem>> -> memref<!tpu.dma_semaphore, #tpu.memory_space<semaphore_mem>>
      %dma_wait3A_577 = arith.constant 61440 : i32
      %dma_wait3A_578 = tpu.memref_slice %arg8[%dma_wait3A_577] : memref<65536xf32, #tpu.memory_space<vmem>> -> memref<4096xf32, #tpu.memory_space<vmem>>
      %dma_wait3A_579 = arith.constant 0 : i32
      %dma_wait3A_580 = tpu.memref_slice %arg2[%mul3A_2, %dma_wait3A_579] : memref<16384x4096xf32, #tpu.memory_space<hbm>> -> memref<1x4096xf32, #tpu.memory_space<hbm>>
      %dma_wait3A_581 = tpu.memref_squeeze %dma_wait3A_580 : memref<1x4096xf32, #tpu.memory_space<hbm>> -> memref<4096xf32, #tpu.memory_space<hbm>>
      tpu.wait_dma2 semaphore(%dma_wait3A_576 : memref<!tpu.dma_semaphore, #tpu.memory_space<semaphore_mem>>) src(%dma_wait3A_581 : memref<4096xf32, #tpu.memory_space<hbm>>) dst(%dma_wait3A_578 : memref<4096xf32, #tpu.memory_space<vmem>>)
      %ge3A_582 = arith.constant 2 : i32
      %ge3A_583 = arith.cmpi sge, %add3A_470, %ge3A_582 : i32
      %convert_element_type3A_584 = arith.extui %ge3A_583 : i1 to i32
      %cond3A_585 = arith.constant 0 : i32
      %cond3A_586 = arith.cmpi ne, %convert_element_type3A_584, %cond3A_585 : i32
      scf.if %cond3A_586 {
        %add3A_671 = arith.constant 0 : i32
        %add3A_672 = arith.addi %mul3A_2, %add3A_671 : i32
        %dma_wait3A_673 = arith.constant 1 : i32
        %dma_wait3A_674 = arith.constant 16384 : i32
        %dma_wait3A_675 = tpu.memref_slice %arg9[%dma_wait3A_674] : memref<32768xi32, #tpu.memory_space<vmem>> -> memref<4096xi32, #tpu.memory_space<vmem>>
        %dma_wait3A_676 = tpu.memref_bitcast %arg5 : memref<16384x4096xf16, #tpu.memory_space<hbm>> -> memref<8192x4096xi32, #tpu.memory_space<hbm>>
        %dma_wait3A_677 = arith.constant 0 : i32
        %dma_wait3A_678 = tpu.memref_slice %dma_wait3A_676[%add3A_672, %dma_wait3A_677] : memref<8192x4096xi32, #tpu.memory_space<hbm>> -> memref<1x4096xi32, #tpu.memory_space<hbm>>
        %dma_wait3A_679 = tpu.memref_squeeze %dma_wait3A_678 : memref<1x4096xi32, #tpu.memory_space<hbm>> -> memref<4096xi32, #tpu.memory_space<hbm>>
        %dma_wait3A_680 = tpu.memref_slice %arg11[%dma_wait3A_673] : memref<2x!tpu.dma_semaphore, #tpu.memory_space<semaphore_mem>> -> memref<1x!tpu.dma_semaphore, #tpu.memory_space<semaphore_mem>>
        %dma_wait3A_681 = tpu.memref_squeeze %dma_wait3A_680 : memref<1x!tpu.dma_semaphore, #tpu.memory_space<semaphore_mem>> -> memref<!tpu.dma_semaphore, #tpu.memory_space<semaphore_mem>>
        %dma_wait3A_682 = tpu.memref_bitcast %arg5 : memref<16384x4096xf16, #tpu.memory_space<hbm>> -> memref<8192x4096xi32, #tpu.memory_space<hbm>>
        %dma_wait3A_683 = arith.constant 0 : i32
        %dma_wait3A_684 = tpu.memref_slice %dma_wait3A_682[%add3A_672, %dma_wait3A_683] : memref<8192x4096xi32, #tpu.memory_space<hbm>> -> memref<1x4096xi32, #tpu.memory_space<hbm>>
        %dma_wait3A_685 = tpu.memref_squeeze %dma_wait3A_684 : memref<1x4096xi32, #tpu.memory_space<hbm>> -> memref<4096xi32, #tpu.memory_space<hbm>>
        %dma_wait3A_686 = arith.constant 16384 : i32
        %dma_wait3A_687 = tpu.memref_slice %arg9[%dma_wait3A_686] : memref<32768xi32, #tpu.memory_space<vmem>> -> memref<4096xi32, #tpu.memory_space<vmem>>
        tpu.wait_dma2 semaphore(%dma_wait3A_681 : memref<!tpu.dma_semaphore, #tpu.memory_space<semaphore_mem>>) src(%dma_wait3A_687 : memref<4096xi32, #tpu.memory_space<vmem>>) dst(%dma_wait3A_685 : memref<4096xi32, #tpu.memory_space<hbm>>)
        %add3A_688 = arith.constant 1 : i32
        %add3A_689 = arith.addi %mul3A_2, %add3A_688 : i32
        %dma_wait3A_690 = arith.constant 1 : i32
        %dma_wait3A_691 = arith.constant 20480 : i32
        %dma_wait3A_692 = tpu.memref_slice %arg9[%dma_wait3A_691] : memref<32768xi32, #tpu.memory_space<vmem>> -> memref<4096xi32, #tpu.memory_space<vmem>>
        %dma_wait3A_693 = tpu.memref_bitcast %arg5 : memref<16384x4096xf16, #tpu.memory_space<hbm>> -> memref<8192x4096xi32, #tpu.memory_space<hbm>>
        %dma_wait3A_694 = arith.constant 0 : i32
        %dma_wait3A_695 = tpu.memref_slice %dma_wait3A_693[%add3A_689, %dma_wait3A_694] : memref<8192x4096xi32, #tpu.memory_space<hbm>> -> memref<1x4096xi32, #tpu.memory_space<hbm>>
        %dma_wait3A_696 = tpu.memref_squeeze %dma_wait3A_695 : memref<1x4096xi32, #tpu.memory_space<hbm>> -> memref<4096xi32, #tpu.memory_space<hbm>>
        %dma_wait3A_697 = tpu.memref_slice %arg11[%dma_wait3A_690] : memref<2x!tpu.dma_semaphore, #tpu.memory_space<semaphore_mem>> -> memref<1x!tpu.dma_semaphore, #tpu.memory_space<semaphore_mem>>
        %dma_wait3A_698 = tpu.memref_squeeze %dma_wait3A_697 : memref<1x!tpu.dma_semaphore, #tpu.memory_space<semaphore_mem>> -> memref<!tpu.dma_semaphore, #tpu.memory_space<semaphore_mem>>
        %dma_wait3A_699 = tpu.memref_bitcast %arg5 : memref<16384x4096xf16, #tpu.memory_space<hbm>> -> memref<8192x4096xi32, #tpu.memory_space<hbm>>
        %dma_wait3A_700 = arith.constant 0 : i32
        %dma_wait3A_701 = tpu.memref_slice %dma_wait3A_699[%add3A_689, %dma_wait3A_700] : memref<8192x4096xi32, #tpu.memory_space<hbm>> -> memref<1x4096xi32, #tpu.memory_space<hbm>>
        %dma_wait3A_702 = tpu.memref_squeeze %dma_wait3A_701 : memref<1x4096xi32, #tpu.memory_space<hbm>> -> memref<4096xi32, #tpu.memory_space<hbm>>
        %dma_wait3A_703 = arith.constant 20480 : i32
        %dma_wait3A_704 = tpu.memref_slice %arg9[%dma_wait3A_703] : memref<32768xi32, #tpu.memory_space<vmem>> -> memref<4096xi32, #tpu.memory_space<vmem>>
        tpu.wait_dma2 semaphore(%dma_wait3A_698 : memref<!tpu.dma_semaphore, #tpu.memory_space<semaphore_mem>>) src(%dma_wait3A_704 : memref<4096xi32, #tpu.memory_space<vmem>>) dst(%dma_wait3A_702 : memref<4096xi32, #tpu.memory_space<hbm>>)
        %add3A_705 = arith.constant 2 : i32
        %add3A_706 = arith.addi %mul3A_2, %add3A_705 : i32
        %dma_wait3A_707 = arith.constant 1 : i32
        %dma_wait3A_708 = arith.constant 24576 : i32
        %dma_wait3A_709 = tpu.memref_slice %arg9[%dma_wait3A_708] : memref<32768xi32, #tpu.memory_space<vmem>> -> memref<4096xi32, #tpu.memory_space<vmem>>
        %dma_wait3A_710 = tpu.memref_bitcast %arg5 : memref<16384x4096xf16, #tpu.memory_space<hbm>> -> memref<8192x4096xi32, #tpu.memory_space<hbm>>
        %dma_wait3A_711 = arith.constant 0 : i32
        %dma_wait3A_712 = tpu.memref_slice %dma_wait3A_710[%add3A_706, %dma_wait3A_711] : memref<8192x4096xi32, #tpu.memory_space<hbm>> -> memref<1x4096xi32, #tpu.memory_space<hbm>>
        %dma_wait3A_713 = tpu.memref_squeeze %dma_wait3A_712 : memref<1x4096xi32, #tpu.memory_space<hbm>> -> memref<4096xi32, #tpu.memory_space<hbm>>
        %dma_wait3A_714 = tpu.memref_slice %arg11[%dma_wait3A_707] : memref<2x!tpu.dma_semaphore, #tpu.memory_space<semaphore_mem>> -> memref<1x!tpu.dma_semaphore, #tpu.memory_space<semaphore_mem>>
        %dma_wait3A_715 = tpu.memref_squeeze %dma_wait3A_714 : memref<1x!tpu.dma_semaphore, #tpu.memory_space<semaphore_mem>> -> memref<!tpu.dma_semaphore, #tpu.memory_space<semaphore_mem>>
        %dma_wait3A_716 = tpu.memref_bitcast %arg5 : memref<16384x4096xf16, #tpu.memory_space<hbm>> -> memref<8192x4096xi32, #tpu.memory_space<hbm>>
        %dma_wait3A_717 = arith.constant 0 : i32
        %dma_wait3A_718 = tpu.memref_slice %dma_wait3A_716[%add3A_706, %dma_wait3A_717] : memref<8192x4096xi32, #tpu.memory_space<hbm>> -> memref<1x4096xi32, #tpu.memory_space<hbm>>
        %dma_wait3A_719 = tpu.memref_squeeze %dma_wait3A_718 : memref<1x4096xi32, #tpu.memory_space<hbm>> -> memref<4096xi32, #tpu.memory_space<hbm>>
        %dma_wait3A_720 = arith.constant 24576 : i32
        %dma_wait3A_721 = tpu.memref_slice %arg9[%dma_wait3A_720] : memref<32768xi32, #tpu.memory_space<vmem>> -> memref<4096xi32, #tpu.memory_space<vmem>>
        tpu.wait_dma2 semaphore(%dma_wait3A_715 : memref<!tpu.dma_semaphore, #tpu.memory_space<semaphore_mem>>) src(%dma_wait3A_721 : memref<4096xi32, #tpu.memory_space<vmem>>) dst(%dma_wait3A_719 : memref<4096xi32, #tpu.memory_space<hbm>>)
        %add3A_722 = arith.constant 3 : i32
        %add3A_723 = arith.addi %mul3A_2, %add3A_722 : i32
        %dma_wait3A_724 = arith.constant 1 : i32
        %dma_wait3A_725 = arith.constant 28672 : i32
        %dma_wait3A_726 = tpu.memref_slice %arg9[%dma_wait3A_725] : memref<32768xi32, #tpu.memory_space<vmem>> -> memref<4096xi32, #tpu.memory_space<vmem>>
        %dma_wait3A_727 = tpu.memref_bitcast %arg5 : memref<16384x4096xf16, #tpu.memory_space<hbm>> -> memref<8192x4096xi32, #tpu.memory_space<hbm>>
        %dma_wait3A_728 = arith.constant 0 : i32
        %dma_wait3A_729 = tpu.memref_slice %dma_wait3A_727[%add3A_723, %dma_wait3A_728] : memref<8192x4096xi32, #tpu.memory_space<hbm>> -> memref<1x4096xi32, #tpu.memory_space<hbm>>
        %dma_wait3A_730 = tpu.memref_squeeze %dma_wait3A_729 : memref<1x4096xi32, #tpu.memory_space<hbm>> -> memref<4096xi32, #tpu.memory_space<hbm>>
        %dma_wait3A_731 = tpu.memref_slice %arg11[%dma_wait3A_724] : memref<2x!tpu.dma_semaphore, #tpu.memory_space<semaphore_mem>> -> memref<1x!tpu.dma_semaphore, #tpu.memory_space<semaphore_mem>>
        %dma_wait3A_732 = tpu.memref_squeeze %dma_wait3A_731 : memref<1x!tpu.dma_semaphore, #tpu.memory_space<semaphore_mem>> -> memref<!tpu.dma_semaphore, #tpu.memory_space<semaphore_mem>>
        %dma_wait3A_733 = tpu.memref_bitcast %arg5 : memref<16384x4096xf16, #tpu.memory_space<hbm>> -> memref<8192x4096xi32, #tpu.memory_space<hbm>>
        %dma_wait3A_734 = arith.constant 0 : i32
        %dma_wait3A_735 = tpu.memref_slice %dma_wait3A_733[%add3A_723, %dma_wait3A_734] : memref<8192x4096xi32, #tpu.memory_space<hbm>> -> memref<1x4096xi32, #tpu.memory_space<hbm>>
        %dma_wait3A_736 = tpu.memref_squeeze %dma_wait3A_735 : memref<1x4096xi32, #tpu.memory_space<hbm>> -> memref<4096xi32, #tpu.memory_space<hbm>>
        %dma_wait3A_737 = arith.constant 28672 : i32
        %dma_wait3A_738 = tpu.memref_slice %arg9[%dma_wait3A_737] : memref<32768xi32, #tpu.memory_space<vmem>> -> memref<4096xi32, #tpu.memory_space<vmem>>
        tpu.wait_dma2 semaphore(%dma_wait3A_732 : memref<!tpu.dma_semaphore, #tpu.memory_space<semaphore_mem>>) src(%dma_wait3A_738 : memref<4096xi32, #tpu.memory_space<vmem>>) dst(%dma_wait3A_736 : memref<4096xi32, #tpu.memory_space<hbm>>)
      } else {
      }
      %parallel_loop3A_587 = arith.constant 0 : i32
      %parallel_loop3A_588 = arith.constant 256 : i32
      %parallel_loop3A_589 = arith.constant 1 : i32
      scf.for %parallel_loop3A_671 = %parallel_loop3A_587 to %parallel_loop3A_588 step %parallel_loop3A_589  : i32 {
        %parallel_loop3A_672 = arith.constant 16 : i32
        %parallel_loop3A_673 = arith.muli %parallel_loop3A_671, %parallel_loop3A_672 : i32
        %parallel_loop3A_674 = arith.constant 32768 : i32
        %parallel_loop3A_675 = tpu.memref_slice %arg8[%parallel_loop3A_674] : memref<65536xf32, #tpu.memory_space<vmem>> -> memref<4096xf32, #tpu.memory_space<vmem>>
        %parallel_loop3A_676 = arith.index_cast %parallel_loop3A_673 : i32 to index
        %parallel_loop3A_677 = tpu.vector_load %parallel_loop3A_675[%parallel_loop3A_676] {strides = array<i32>} : memref<4096xf32, #tpu.memory_space<vmem>>, vector<16xf32>,
        %parallel_loop3A_678 = arith.constant -8.000000e+00 : f32
        %parallel_loop3A_679 = vector.broadcast %parallel_loop3A_678 : f32 to vector<16xf32>
        %parallel_loop3A_680 = arith.maximumf %parallel_loop3A_677, %parallel_loop3A_679 : vector<16xf32>
        %parallel_loop3A_681 = arith.constant 8.000000e+00 : f32
        %parallel_loop3A_682 = vector.broadcast %parallel_loop3A_681 : f32 to vector<16xf32>
        %parallel_loop3A_683 = arith.mulf %parallel_loop3A_680, %parallel_loop3A_682 : vector<16xf32>
        %parallel_loop3A_684 = arith.constant 0x4B000040 : f32
        %parallel_loop3A_685 = vector.broadcast %parallel_loop3A_684 : f32 to vector<16xf32>
        %parallel_loop3A_686 = arith.addf %parallel_loop3A_683, %parallel_loop3A_685 : vector<16xf32>
        %parallel_loop3A_687 = vector.bitcast %parallel_loop3A_686 : vector<16xf32> to vector<16xi32>
        %parallel_loop3A_688 = arith.constant 511 : i32
        %parallel_loop3A_689 = vector.broadcast %parallel_loop3A_688 : i32 to vector<16xi32>
        %parallel_loop3A_690 = arith.andi %parallel_loop3A_687, %parallel_loop3A_689 : vector<16xi32>
        %parallel_loop3A_691 = tpu.vector_load_idx %arg6[%parallel_loop3A_690] : memref<512xf32, #tpu.memory_space<vmem>>[vector<16xi32>], vector<16xf32>,
        %parallel_loop3A_692 = tpu.vector_load_idx %arg7[%parallel_loop3A_690] : memref<512xf32, #tpu.memory_space<vmem>>[vector<16xi32>], vector<16xf32>,
        %parallel_loop3A_693 = arith.mulf %parallel_loop3A_692, %parallel_loop3A_677 : vector<16xf32>
        %parallel_loop3A_694 = arith.addf %parallel_loop3A_691, %parallel_loop3A_693 : vector<16xf32>
        %parallel_loop3A_695 = vector.bitcast %parallel_loop3A_694 : vector<16xf32> to vector<16xi32>
        %parallel_loop3A_696 = arith.constant 4096 : i32
        %parallel_loop3A_697 = vector.broadcast %parallel_loop3A_696 : i32 to vector<16xi32>
        %parallel_loop3A_698 = arith.addi %parallel_loop3A_695, %parallel_loop3A_697 : vector<16xi32>
        %parallel_loop3A_699 = arith.constant 13 : i32
        %parallel_loop3A_700 = vector.broadcast %parallel_loop3A_699 : i32 to vector<16xi32>
        %parallel_loop3A_701 = arith.shrsi %parallel_loop3A_698, %parallel_loop3A_700 : vector<16xi32>
        %parallel_loop3A_702 = arith.constant 114688 : i32
        %parallel_loop3A_703 = vector.broadcast %parallel_loop3A_702 : i32 to vector<16xi32>
        %parallel_loop3A_704 = arith.subi %parallel_loop3A_701, %parallel_loop3A_703 : vector<16xi32>
        %parallel_loop3A_705 = arith.constant 0 : i32
        %parallel_loop3A_706 = vector.broadcast %parallel_loop3A_705 : i32 to vector<16xi32>
        %parallel_loop3A_707 = arith.maxsi %parallel_loop3A_704, %parallel_loop3A_706 : vector<16xi32>
        %parallel_loop3A_708 = arith.constant 36864 : i32
        %parallel_loop3A_709 = tpu.memref_slice %arg8[%parallel_loop3A_708] : memref<65536xf32, #tpu.memory_space<vmem>> -> memref<4096xf32, #tpu.memory_space<vmem>>
        %parallel_loop3A_710 = arith.index_cast %parallel_loop3A_673 : i32 to index
        %parallel_loop3A_711 = tpu.vector_load %parallel_loop3A_709[%parallel_loop3A_710] {strides = array<i32>} : memref<4096xf32, #tpu.memory_space<vmem>>, vector<16xf32>,
        %parallel_loop3A_712 = arith.constant -8.000000e+00 : f32
        %parallel_loop3A_713 = vector.broadcast %parallel_loop3A_712 : f32 to vector<16xf32>
        %parallel_loop3A_714 = arith.maximumf %parallel_loop3A_711, %parallel_loop3A_713 : vector<16xf32>
        %parallel_loop3A_715 = arith.constant 8.000000e+00 : f32
        %parallel_loop3A_716 = vector.broadcast %parallel_loop3A_715 : f32 to vector<16xf32>
        %parallel_loop3A_717 = arith.mulf %parallel_loop3A_714, %parallel_loop3A_716 : vector<16xf32>
        %parallel_loop3A_718 = arith.constant 0x4B000040 : f32
        %parallel_loop3A_719 = vector.broadcast %parallel_loop3A_718 : f32 to vector<16xf32>
        %parallel_loop3A_720 = arith.addf %parallel_loop3A_717, %parallel_loop3A_719 : vector<16xf32>
        %parallel_loop3A_721 = vector.bitcast %parallel_loop3A_720 : vector<16xf32> to vector<16xi32>
        %parallel_loop3A_722 = arith.constant 511 : i32
        %parallel_loop3A_723 = vector.broadcast %parallel_loop3A_722 : i32 to vector<16xi32>
        %parallel_loop3A_724 = arith.andi %parallel_loop3A_721, %parallel_loop3A_723 : vector<16xi32>
        %parallel_loop3A_725 = tpu.vector_load_idx %arg6[%parallel_loop3A_724] : memref<512xf32, #tpu.memory_space<vmem>>[vector<16xi32>], vector<16xf32>,
        %parallel_loop3A_726 = tpu.vector_load_idx %arg7[%parallel_loop3A_724] : memref<512xf32, #tpu.memory_space<vmem>>[vector<16xi32>], vector<16xf32>,
        %parallel_loop3A_727 = arith.mulf %parallel_loop3A_726, %parallel_loop3A_711 : vector<16xf32>
        %parallel_loop3A_728 = arith.addf %parallel_loop3A_725, %parallel_loop3A_727 : vector<16xf32>
        %parallel_loop3A_729 = vector.bitcast %parallel_loop3A_728 : vector<16xf32> to vector<16xi32>
        %parallel_loop3A_730 = arith.constant 4096 : i32
        %parallel_loop3A_731 = vector.broadcast %parallel_loop3A_730 : i32 to vector<16xi32>
        %parallel_loop3A_732 = arith.addi %parallel_loop3A_729, %parallel_loop3A_731 : vector<16xi32>
        %parallel_loop3A_733 = arith.constant 13 : i32
        %parallel_loop3A_734 = vector.broadcast %parallel_loop3A_733 : i32 to vector<16xi32>
        %parallel_loop3A_735 = arith.shrsi %parallel_loop3A_732, %parallel_loop3A_734 : vector<16xi32>
        %parallel_loop3A_736 = arith.constant 114688 : i32
        %parallel_loop3A_737 = vector.broadcast %parallel_loop3A_736 : i32 to vector<16xi32>
        %parallel_loop3A_738 = arith.subi %parallel_loop3A_735, %parallel_loop3A_737 : vector<16xi32>
        %parallel_loop3A_739 = arith.constant 0 : i32
        %parallel_loop3A_740 = vector.broadcast %parallel_loop3A_739 : i32 to vector<16xi32>
        %parallel_loop3A_741 = arith.maxsi %parallel_loop3A_738, %parallel_loop3A_740 : vector<16xi32>
        %parallel_loop3A_742 = arith.constant 16 : i32
        %parallel_loop3A_743 = vector.broadcast %parallel_loop3A_742 : i32 to vector<16xi32>
        %parallel_loop3A_744 = arith.shli %parallel_loop3A_741, %parallel_loop3A_743 : vector<16xi32>
        %parallel_loop3A_745 = arith.ori %parallel_loop3A_707, %parallel_loop3A_744 : vector<16xi32>
        %parallel_loop3A_746 = arith.constant 16384 : i32
        %parallel_loop3A_747 = tpu.memref_slice %arg9[%parallel_loop3A_746] : memref<32768xi32, #tpu.memory_space<vmem>> -> memref<4096xi32, #tpu.memory_space<vmem>>
        %parallel_loop3A_748 = arith.index_cast %parallel_loop3A_673 : i32 to index
        %parallel_loop3A_749 = tpu.vector_load %parallel_loop3A_747[%parallel_loop3A_748] {strides = array<i32>} : memref<4096xi32, #tpu.memory_space<vmem>>, vector<16xi32>,
        tpu.vector_store %parallel_loop3A_747[%parallel_loop3A_748], %parallel_loop3A_745 {strides = array<i32>} : memref<4096xi32, #tpu.memory_space<vmem>>, vector<16xi32>,
      } {sc.loop_unroll_factor = 8 : i64, sc.parallel_access}
      %parallel_loop3A_590 = arith.constant 0 : i32
      %parallel_loop3A_591 = arith.constant 256 : i32
      %parallel_loop3A_592 = arith.constant 1 : i32
      scf.for %parallel_loop3A_671 = %parallel_loop3A_590 to %parallel_loop3A_591 step %parallel_loop3A_592  : i32 {
        %parallel_loop3A_672 = arith.constant 16 : i32
        %parallel_loop3A_673 = arith.muli %parallel_loop3A_671, %parallel_loop3A_672 : i32
        %parallel_loop3A_674 = arith.constant 40960 : i32
        %parallel_loop3A_675 = tpu.memref_slice %arg8[%parallel_loop3A_674] : memref<65536xf32, #tpu.memory_space<vmem>> -> memref<4096xf32, #tpu.memory_space<vmem>>
        %parallel_loop3A_676 = arith.index_cast %parallel_loop3A_673 : i32 to index
        %parallel_loop3A_677 = tpu.vector_load %parallel_loop3A_675[%parallel_loop3A_676] {strides = array<i32>} : memref<4096xf32, #tpu.memory_space<vmem>>, vector<16xf32>,
        %parallel_loop3A_678 = arith.constant -8.000000e+00 : f32
        %parallel_loop3A_679 = vector.broadcast %parallel_loop3A_678 : f32 to vector<16xf32>
        %parallel_loop3A_680 = arith.maximumf %parallel_loop3A_677, %parallel_loop3A_679 : vector<16xf32>
        %parallel_loop3A_681 = arith.constant 8.000000e+00 : f32
        %parallel_loop3A_682 = vector.broadcast %parallel_loop3A_681 : f32 to vector<16xf32>
        %parallel_loop3A_683 = arith.mulf %parallel_loop3A_680, %parallel_loop3A_682 : vector<16xf32>
        %parallel_loop3A_684 = arith.constant 0x4B000040 : f32
        %parallel_loop3A_685 = vector.broadcast %parallel_loop3A_684 : f32 to vector<16xf32>
        %parallel_loop3A_686 = arith.addf %parallel_loop3A_683, %parallel_loop3A_685 : vector<16xf32>
        %parallel_loop3A_687 = vector.bitcast %parallel_loop3A_686 : vector<16xf32> to vector<16xi32>
        %parallel_loop3A_688 = arith.constant 511 : i32
        %parallel_loop3A_689 = vector.broadcast %parallel_loop3A_688 : i32 to vector<16xi32>
        %parallel_loop3A_690 = arith.andi %parallel_loop3A_687, %parallel_loop3A_689 : vector<16xi32>
        %parallel_loop3A_691 = tpu.vector_load_idx %arg6[%parallel_loop3A_690] : memref<512xf32, #tpu.memory_space<vmem>>[vector<16xi32>], vector<16xf32>,
        %parallel_loop3A_692 = tpu.vector_load_idx %arg7[%parallel_loop3A_690] : memref<512xf32, #tpu.memory_space<vmem>>[vector<16xi32>], vector<16xf32>,
        %parallel_loop3A_693 = arith.mulf %parallel_loop3A_692, %parallel_loop3A_677 : vector<16xf32>
        %parallel_loop3A_694 = arith.addf %parallel_loop3A_691, %parallel_loop3A_693 : vector<16xf32>
        %parallel_loop3A_695 = vector.bitcast %parallel_loop3A_694 : vector<16xf32> to vector<16xi32>
        %parallel_loop3A_696 = arith.constant 4096 : i32
        %parallel_loop3A_697 = vector.broadcast %parallel_loop3A_696 : i32 to vector<16xi32>
        %parallel_loop3A_698 = arith.addi %parallel_loop3A_695, %parallel_loop3A_697 : vector<16xi32>
        %parallel_loop3A_699 = arith.constant 13 : i32
        %parallel_loop3A_700 = vector.broadcast %parallel_loop3A_699 : i32 to vector<16xi32>
        %parallel_loop3A_701 = arith.shrsi %parallel_loop3A_698, %parallel_loop3A_700 : vector<16xi32>
        %parallel_loop3A_702 = arith.constant 114688 : i32
        %parallel_loop3A_703 = vector.broadcast %parallel_loop3A_702 : i32 to vector<16xi32>
        %parallel_loop3A_704 = arith.subi %parallel_loop3A_701, %parallel_loop3A_703 : vector<16xi32>
        %parallel_loop3A_705 = arith.constant 0 : i32
        %parallel_loop3A_706 = vector.broadcast %parallel_loop3A_705 : i32 to vector<16xi32>
        %parallel_loop3A_707 = arith.maxsi %parallel_loop3A_704, %parallel_loop3A_706 : vector<16xi32>
        %parallel_loop3A_708 = arith.constant 45056 : i32
        %parallel_loop3A_709 = tpu.memref_slice %arg8[%parallel_loop3A_708] : memref<65536xf32, #tpu.memory_space<vmem>> -> memref<4096xf32, #tpu.memory_space<vmem>>
        %parallel_loop3A_710 = arith.index_cast %parallel_loop3A_673 : i32 to index
        %parallel_loop3A_711 = tpu.vector_load %parallel_loop3A_709[%parallel_loop3A_710] {strides = array<i32>} : memref<4096xf32, #tpu.memory_space<vmem>>, vector<16xf32>,
        %parallel_loop3A_712 = arith.constant -8.000000e+00 : f32
        %parallel_loop3A_713 = vector.broadcast %parallel_loop3A_712 : f32 to vector<16xf32>
        %parallel_loop3A_714 = arith.maximumf %parallel_loop3A_711, %parallel_loop3A_713 : vector<16xf32>
        %parallel_loop3A_715 = arith.constant 8.000000e+00 : f32
        %parallel_loop3A_716 = vector.broadcast %parallel_loop3A_715 : f32 to vector<16xf32>
        %parallel_loop3A_717 = arith.mulf %parallel_loop3A_714, %parallel_loop3A_716 : vector<16xf32>
        %parallel_loop3A_718 = arith.constant 0x4B000040 : f32
        %parallel_loop3A_719 = vector.broadcast %parallel_loop3A_718 : f32 to vector<16xf32>
        %parallel_loop3A_720 = arith.addf %parallel_loop3A_717, %parallel_loop3A_719 : vector<16xf32>
        %parallel_loop3A_721 = vector.bitcast %parallel_loop3A_720 : vector<16xf32> to vector<16xi32>
        %parallel_loop3A_722 = arith.constant 511 : i32
        %parallel_loop3A_723 = vector.broadcast %parallel_loop3A_722 : i32 to vector<16xi32>
        %parallel_loop3A_724 = arith.andi %parallel_loop3A_721, %parallel_loop3A_723 : vector<16xi32>
        %parallel_loop3A_725 = tpu.vector_load_idx %arg6[%parallel_loop3A_724] : memref<512xf32, #tpu.memory_space<vmem>>[vector<16xi32>], vector<16xf32>,
        %parallel_loop3A_726 = tpu.vector_load_idx %arg7[%parallel_loop3A_724] : memref<512xf32, #tpu.memory_space<vmem>>[vector<16xi32>], vector<16xf32>,
        %parallel_loop3A_727 = arith.mulf %parallel_loop3A_726, %parallel_loop3A_711 : vector<16xf32>
        %parallel_loop3A_728 = arith.addf %parallel_loop3A_725, %parallel_loop3A_727 : vector<16xf32>
        %parallel_loop3A_729 = vector.bitcast %parallel_loop3A_728 : vector<16xf32> to vector<16xi32>
        %parallel_loop3A_730 = arith.constant 4096 : i32
        %parallel_loop3A_731 = vector.broadcast %parallel_loop3A_730 : i32 to vector<16xi32>
        %parallel_loop3A_732 = arith.addi %parallel_loop3A_729, %parallel_loop3A_731 : vector<16xi32>
        %parallel_loop3A_733 = arith.constant 13 : i32
        %parallel_loop3A_734 = vector.broadcast %parallel_loop3A_733 : i32 to vector<16xi32>
        %parallel_loop3A_735 = arith.shrsi %parallel_loop3A_732, %parallel_loop3A_734 : vector<16xi32>
        %parallel_loop3A_736 = arith.constant 114688 : i32
        %parallel_loop3A_737 = vector.broadcast %parallel_loop3A_736 : i32 to vector<16xi32>
        %parallel_loop3A_738 = arith.subi %parallel_loop3A_735, %parallel_loop3A_737 : vector<16xi32>
        %parallel_loop3A_739 = arith.constant 0 : i32
        %parallel_loop3A_740 = vector.broadcast %parallel_loop3A_739 : i32 to vector<16xi32>
        %parallel_loop3A_741 = arith.maxsi %parallel_loop3A_738, %parallel_loop3A_740 : vector<16xi32>
        %parallel_loop3A_742 = arith.constant 16 : i32
        %parallel_loop3A_743 = vector.broadcast %parallel_loop3A_742 : i32 to vector<16xi32>
        %parallel_loop3A_744 = arith.shli %parallel_loop3A_741, %parallel_loop3A_743 : vector<16xi32>
        %parallel_loop3A_745 = arith.ori %parallel_loop3A_707, %parallel_loop3A_744 : vector<16xi32>
        %parallel_loop3A_746 = arith.constant 20480 : i32
        %parallel_loop3A_747 = tpu.memref_slice %arg9[%parallel_loop3A_746] : memref<32768xi32, #tpu.memory_space<vmem>> -> memref<4096xi32, #tpu.memory_space<vmem>>
        %parallel_loop3A_748 = arith.index_cast %parallel_loop3A_673 : i32 to index
        %parallel_loop3A_749 = tpu.vector_load %parallel_loop3A_747[%parallel_loop3A_748] {strides = array<i32>} : memref<4096xi32, #tpu.memory_space<vmem>>, vector<16xi32>,
        tpu.vector_store %parallel_loop3A_747[%parallel_loop3A_748], %parallel_loop3A_745 {strides = array<i32>} : memref<4096xi32, #tpu.memory_space<vmem>>, vector<16xi32>,
      } {sc.loop_unroll_factor = 8 : i64, sc.parallel_access}
      %parallel_loop3A_593 = arith.constant 0 : i32
      %parallel_loop3A_594 = arith.constant 256 : i32
      %parallel_loop3A_595 = arith.constant 1 : i32
      scf.for %parallel_loop3A_671 = %parallel_loop3A_593 to %parallel_loop3A_594 step %parallel_loop3A_595  : i32 {
        %parallel_loop3A_672 = arith.constant 16 : i32
        %parallel_loop3A_673 = arith.muli %parallel_loop3A_671, %parallel_loop3A_672 : i32
        %parallel_loop3A_674 = arith.constant 49152 : i32
        %parallel_loop3A_675 = tpu.memref_slice %arg8[%parallel_loop3A_674] : memref<65536xf32, #tpu.memory_space<vmem>> -> memref<4096xf32, #tpu.memory_space<vmem>>
        %parallel_loop3A_676 = arith.index_cast %parallel_loop3A_673 : i32 to index
        %parallel_loop3A_677 = tpu.vector_load %parallel_loop3A_675[%parallel_loop3A_676] {strides = array<i32>} : memref<4096xf32, #tpu.memory_space<vmem>>, vector<16xf32>,
        %parallel_loop3A_678 = arith.constant -8.000000e+00 : f32
        %parallel_loop3A_679 = vector.broadcast %parallel_loop3A_678 : f32 to vector<16xf32>
        %parallel_loop3A_680 = arith.maximumf %parallel_loop3A_677, %parallel_loop3A_679 : vector<16xf32>
        %parallel_loop3A_681 = arith.constant 8.000000e+00 : f32
        %parallel_loop3A_682 = vector.broadcast %parallel_loop3A_681 : f32 to vector<16xf32>
        %parallel_loop3A_683 = arith.mulf %parallel_loop3A_680, %parallel_loop3A_682 : vector<16xf32>
        %parallel_loop3A_684 = arith.constant 0x4B000040 : f32
        %parallel_loop3A_685 = vector.broadcast %parallel_loop3A_684 : f32 to vector<16xf32>
        %parallel_loop3A_686 = arith.addf %parallel_loop3A_683, %parallel_loop3A_685 : vector<16xf32>
        %parallel_loop3A_687 = vector.bitcast %parallel_loop3A_686 : vector<16xf32> to vector<16xi32>
        %parallel_loop3A_688 = arith.constant 511 : i32
        %parallel_loop3A_689 = vector.broadcast %parallel_loop3A_688 : i32 to vector<16xi32>
        %parallel_loop3A_690 = arith.andi %parallel_loop3A_687, %parallel_loop3A_689 : vector<16xi32>
        %parallel_loop3A_691 = tpu.vector_load_idx %arg6[%parallel_loop3A_690] : memref<512xf32, #tpu.memory_space<vmem>>[vector<16xi32>], vector<16xf32>,
        %parallel_loop3A_692 = tpu.vector_load_idx %arg7[%parallel_loop3A_690] : memref<512xf32, #tpu.memory_space<vmem>>[vector<16xi32>], vector<16xf32>,
        %parallel_loop3A_693 = arith.mulf %parallel_loop3A_692, %parallel_loop3A_677 : vector<16xf32>
        %parallel_loop3A_694 = arith.addf %parallel_loop3A_691, %parallel_loop3A_693 : vector<16xf32>
        %parallel_loop3A_695 = vector.bitcast %parallel_loop3A_694 : vector<16xf32> to vector<16xi32>
        %parallel_loop3A_696 = arith.constant 4096 : i32
        %parallel_loop3A_697 = vector.broadcast %parallel_loop3A_696 : i32 to vector<16xi32>
        %parallel_loop3A_698 = arith.addi %parallel_loop3A_695, %parallel_loop3A_697 : vector<16xi32>
        %parallel_loop3A_699 = arith.constant 13 : i32
        %parallel_loop3A_700 = vector.broadcast %parallel_loop3A_699 : i32 to vector<16xi32>
        %parallel_loop3A_701 = arith.shrsi %parallel_loop3A_698, %parallel_loop3A_700 : vector<16xi32>
        %parallel_loop3A_702 = arith.constant 114688 : i32
        %parallel_loop3A_703 = vector.broadcast %parallel_loop3A_702 : i32 to vector<16xi32>
        %parallel_loop3A_704 = arith.subi %parallel_loop3A_701, %parallel_loop3A_703 : vector<16xi32>
        %parallel_loop3A_705 = arith.constant 0 : i32
        %parallel_loop3A_706 = vector.broadcast %parallel_loop3A_705 : i32 to vector<16xi32>
        %parallel_loop3A_707 = arith.maxsi %parallel_loop3A_704, %parallel_loop3A_706 : vector<16xi32>
        %parallel_loop3A_708 = arith.constant 53248 : i32
        %parallel_loop3A_709 = tpu.memref_slice %arg8[%parallel_loop3A_708] : memref<65536xf32, #tpu.memory_space<vmem>> -> memref<4096xf32, #tpu.memory_space<vmem>>
        %parallel_loop3A_710 = arith.index_cast %parallel_loop3A_673 : i32 to index
        %parallel_loop3A_711 = tpu.vector_load %parallel_loop3A_709[%parallel_loop3A_710] {strides = array<i32>} : memref<4096xf32, #tpu.memory_space<vmem>>, vector<16xf32>,
        %parallel_loop3A_712 = arith.constant -8.000000e+00 : f32
        %parallel_loop3A_713 = vector.broadcast %parallel_loop3A_712 : f32 to vector<16xf32>
        %parallel_loop3A_714 = arith.maximumf %parallel_loop3A_711, %parallel_loop3A_713 : vector<16xf32>
        %parallel_loop3A_715 = arith.constant 8.000000e+00 : f32
        %parallel_loop3A_716 = vector.broadcast %parallel_loop3A_715 : f32 to vector<16xf32>
        %parallel_loop3A_717 = arith.mulf %parallel_loop3A_714, %parallel_loop3A_716 : vector<16xf32>
        %parallel_loop3A_718 = arith.constant 0x4B000040 : f32
        %parallel_loop3A_719 = vector.broadcast %parallel_loop3A_718 : f32 to vector<16xf32>
        %parallel_loop3A_720 = arith.addf %parallel_loop3A_717, %parallel_loop3A_719 : vector<16xf32>
        %parallel_loop3A_721 = vector.bitcast %parallel_loop3A_720 : vector<16xf32> to vector<16xi32>
        %parallel_loop3A_722 = arith.constant 511 : i32
        %parallel_loop3A_723 = vector.broadcast %parallel_loop3A_722 : i32 to vector<16xi32>
        %parallel_loop3A_724 = arith.andi %parallel_loop3A_721, %parallel_loop3A_723 : vector<16xi32>
        %parallel_loop3A_725 = tpu.vector_load_idx %arg6[%parallel_loop3A_724] : memref<512xf32, #tpu.memory_space<vmem>>[vector<16xi32>], vector<16xf32>,
        %parallel_loop3A_726 = tpu.vector_load_idx %arg7[%parallel_loop3A_724] : memref<512xf32, #tpu.memory_space<vmem>>[vector<16xi32>], vector<16xf32>,
        %parallel_loop3A_727 = arith.mulf %parallel_loop3A_726, %parallel_loop3A_711 : vector<16xf32>
        %parallel_loop3A_728 = arith.addf %parallel_loop3A_725, %parallel_loop3A_727 : vector<16xf32>
        %parallel_loop3A_729 = vector.bitcast %parallel_loop3A_728 : vector<16xf32> to vector<16xi32>
        %parallel_loop3A_730 = arith.constant 4096 : i32
        %parallel_loop3A_731 = vector.broadcast %parallel_loop3A_730 : i32 to vector<16xi32>
        %parallel_loop3A_732 = arith.addi %parallel_loop3A_729, %parallel_loop3A_731 : vector<16xi32>
        %parallel_loop3A_733 = arith.constant 13 : i32
        %parallel_loop3A_734 = vector.broadcast %parallel_loop3A_733 : i32 to vector<16xi32>
        %parallel_loop3A_735 = arith.shrsi %parallel_loop3A_732, %parallel_loop3A_734 : vector<16xi32>
        %parallel_loop3A_736 = arith.constant 114688 : i32
        %parallel_loop3A_737 = vector.broadcast %parallel_loop3A_736 : i32 to vector<16xi32>
        %parallel_loop3A_738 = arith.subi %parallel_loop3A_735, %parallel_loop3A_737 : vector<16xi32>
        %parallel_loop3A_739 = arith.constant 0 : i32
        %parallel_loop3A_740 = vector.broadcast %parallel_loop3A_739 : i32 to vector<16xi32>
        %parallel_loop3A_741 = arith.maxsi %parallel_loop3A_738, %parallel_loop3A_740 : vector<16xi32>
        %parallel_loop3A_742 = arith.constant 16 : i32
        %parallel_loop3A_743 = vector.broadcast %parallel_loop3A_742 : i32 to vector<16xi32>
        %parallel_loop3A_744 = arith.shli %parallel_loop3A_741, %parallel_loop3A_743 : vector<16xi32>
        %parallel_loop3A_745 = arith.ori %parallel_loop3A_707, %parallel_loop3A_744 : vector<16xi32>
        %parallel_loop3A_746 = arith.constant 24576 : i32
        %parallel_loop3A_747 = tpu.memref_slice %arg9[%parallel_loop3A_746] : memref<32768xi32, #tpu.memory_space<vmem>> -> memref<4096xi32, #tpu.memory_space<vmem>>
        %parallel_loop3A_748 = arith.index_cast %parallel_loop3A_673 : i32 to index
        %parallel_loop3A_749 = tpu.vector_load %parallel_loop3A_747[%parallel_loop3A_748] {strides = array<i32>} : memref<4096xi32, #tpu.memory_space<vmem>>, vector<16xi32>,
        tpu.vector_store %parallel_loop3A_747[%parallel_loop3A_748], %parallel_loop3A_745 {strides = array<i32>} : memref<4096xi32, #tpu.memory_space<vmem>>, vector<16xi32>,
      } {sc.loop_unroll_factor = 8 : i64, sc.parallel_access}
      %parallel_loop3A_596 = arith.constant 0 : i32
      %parallel_loop3A_597 = arith.constant 256 : i32
      %parallel_loop3A_598 = arith.constant 1 : i32
      scf.for %parallel_loop3A_671 = %parallel_loop3A_596 to %parallel_loop3A_597 step %parallel_loop3A_598  : i32 {
        %parallel_loop3A_672 = arith.constant 16 : i32
        %parallel_loop3A_673 = arith.muli %parallel_loop3A_671, %parallel_loop3A_672 : i32
        %parallel_loop3A_674 = arith.constant 57344 : i32
        %parallel_loop3A_675 = tpu.memref_slice %arg8[%parallel_loop3A_674] : memref<65536xf32, #tpu.memory_space<vmem>> -> memref<4096xf32, #tpu.memory_space<vmem>>
        %parallel_loop3A_676 = arith.index_cast %parallel_loop3A_673 : i32 to index
        %parallel_loop3A_677 = tpu.vector_load %parallel_loop3A_675[%parallel_loop3A_676] {strides = array<i32>} : memref<4096xf32, #tpu.memory_space<vmem>>, vector<16xf32>,
        %parallel_loop3A_678 = arith.constant -8.000000e+00 : f32
        %parallel_loop3A_679 = vector.broadcast %parallel_loop3A_678 : f32 to vector<16xf32>
        %parallel_loop3A_680 = arith.maximumf %parallel_loop3A_677, %parallel_loop3A_679 : vector<16xf32>
        %parallel_loop3A_681 = arith.constant 8.000000e+00 : f32
        %parallel_loop3A_682 = vector.broadcast %parallel_loop3A_681 : f32 to vector<16xf32>
        %parallel_loop3A_683 = arith.mulf %parallel_loop3A_680, %parallel_loop3A_682 : vector<16xf32>
        %parallel_loop3A_684 = arith.constant 0x4B000040 : f32
        %parallel_loop3A_685 = vector.broadcast %parallel_loop3A_684 : f32 to vector<16xf32>
        %parallel_loop3A_686 = arith.addf %parallel_loop3A_683, %parallel_loop3A_685 : vector<16xf32>
        %parallel_loop3A_687 = vector.bitcast %parallel_loop3A_686 : vector<16xf32> to vector<16xi32>
        %parallel_loop3A_688 = arith.constant 511 : i32
        %parallel_loop3A_689 = vector.broadcast %parallel_loop3A_688 : i32 to vector<16xi32>
        %parallel_loop3A_690 = arith.andi %parallel_loop3A_687, %parallel_loop3A_689 : vector<16xi32>
        %parallel_loop3A_691 = tpu.vector_load_idx %arg6[%parallel_loop3A_690] : memref<512xf32, #tpu.memory_space<vmem>>[vector<16xi32>], vector<16xf32>,
        %parallel_loop3A_692 = tpu.vector_load_idx %arg7[%parallel_loop3A_690] : memref<512xf32, #tpu.memory_space<vmem>>[vector<16xi32>], vector<16xf32>,
        %parallel_loop3A_693 = arith.mulf %parallel_loop3A_692, %parallel_loop3A_677 : vector<16xf32>
        %parallel_loop3A_694 = arith.addf %parallel_loop3A_691, %parallel_loop3A_693 : vector<16xf32>
        %parallel_loop3A_695 = vector.bitcast %parallel_loop3A_694 : vector<16xf32> to vector<16xi32>
        %parallel_loop3A_696 = arith.constant 4096 : i32
        %parallel_loop3A_697 = vector.broadcast %parallel_loop3A_696 : i32 to vector<16xi32>
        %parallel_loop3A_698 = arith.addi %parallel_loop3A_695, %parallel_loop3A_697 : vector<16xi32>
        %parallel_loop3A_699 = arith.constant 13 : i32
        %parallel_loop3A_700 = vector.broadcast %parallel_loop3A_699 : i32 to vector<16xi32>
        %parallel_loop3A_701 = arith.shrsi %parallel_loop3A_698, %parallel_loop3A_700 : vector<16xi32>
        %parallel_loop3A_702 = arith.constant 114688 : i32
        %parallel_loop3A_703 = vector.broadcast %parallel_loop3A_702 : i32 to vector<16xi32>
        %parallel_loop3A_704 = arith.subi %parallel_loop3A_701, %parallel_loop3A_703 : vector<16xi32>
        %parallel_loop3A_705 = arith.constant 0 : i32
        %parallel_loop3A_706 = vector.broadcast %parallel_loop3A_705 : i32 to vector<16xi32>
        %parallel_loop3A_707 = arith.maxsi %parallel_loop3A_704, %parallel_loop3A_706 : vector<16xi32>
        %parallel_loop3A_708 = arith.constant 61440 : i32
        %parallel_loop3A_709 = tpu.memref_slice %arg8[%parallel_loop3A_708] : memref<65536xf32, #tpu.memory_space<vmem>> -> memref<4096xf32, #tpu.memory_space<vmem>>
        %parallel_loop3A_710 = arith.index_cast %parallel_loop3A_673 : i32 to index
        %parallel_loop3A_711 = tpu.vector_load %parallel_loop3A_709[%parallel_loop3A_710] {strides = array<i32>} : memref<4096xf32, #tpu.memory_space<vmem>>, vector<16xf32>,
        %parallel_loop3A_712 = arith.constant -8.000000e+00 : f32
        %parallel_loop3A_713 = vector.broadcast %parallel_loop3A_712 : f32 to vector<16xf32>
        %parallel_loop3A_714 = arith.maximumf %parallel_loop3A_711, %parallel_loop3A_713 : vector<16xf32>
        %parallel_loop3A_715 = arith.constant 8.000000e+00 : f32
        %parallel_loop3A_716 = vector.broadcast %parallel_loop3A_715 : f32 to vector<16xf32>
        %parallel_loop3A_717 = arith.mulf %parallel_loop3A_714, %parallel_loop3A_716 : vector<16xf32>
        %parallel_loop3A_718 = arith.constant 0x4B000040 : f32
        %parallel_loop3A_719 = vector.broadcast %parallel_loop3A_718 : f32 to vector<16xf32>
        %parallel_loop3A_720 = arith.addf %parallel_loop3A_717, %parallel_loop3A_719 : vector<16xf32>
        %parallel_loop3A_721 = vector.bitcast %parallel_loop3A_720 : vector<16xf32> to vector<16xi32>
        %parallel_loop3A_722 = arith.constant 511 : i32
        %parallel_loop3A_723 = vector.broadcast %parallel_loop3A_722 : i32 to vector<16xi32>
        %parallel_loop3A_724 = arith.andi %parallel_loop3A_721, %parallel_loop3A_723 : vector<16xi32>
        %parallel_loop3A_725 = tpu.vector_load_idx %arg6[%parallel_loop3A_724] : memref<512xf32, #tpu.memory_space<vmem>>[vector<16xi32>], vector<16xf32>,
        %parallel_loop3A_726 = tpu.vector_load_idx %arg7[%parallel_loop3A_724] : memref<512xf32, #tpu.memory_space<vmem>>[vector<16xi32>], vector<16xf32>,
        %parallel_loop3A_727 = arith.mulf %parallel_loop3A_726, %parallel_loop3A_711 : vector<16xf32>
        %parallel_loop3A_728 = arith.addf %parallel_loop3A_725, %parallel_loop3A_727 : vector<16xf32>
        %parallel_loop3A_729 = vector.bitcast %parallel_loop3A_728 : vector<16xf32> to vector<16xi32>
        %parallel_loop3A_730 = arith.constant 4096 : i32
        %parallel_loop3A_731 = vector.broadcast %parallel_loop3A_730 : i32 to vector<16xi32>
        %parallel_loop3A_732 = arith.addi %parallel_loop3A_729, %parallel_loop3A_731 : vector<16xi32>
        %parallel_loop3A_733 = arith.constant 13 : i32
        %parallel_loop3A_734 = vector.broadcast %parallel_loop3A_733 : i32 to vector<16xi32>
        %parallel_loop3A_735 = arith.shrsi %parallel_loop3A_732, %parallel_loop3A_734 : vector<16xi32>
        %parallel_loop3A_736 = arith.constant 114688 : i32
        %parallel_loop3A_737 = vector.broadcast %parallel_loop3A_736 : i32 to vector<16xi32>
        %parallel_loop3A_738 = arith.subi %parallel_loop3A_735, %parallel_loop3A_737 : vector<16xi32>
        %parallel_loop3A_739 = arith.constant 0 : i32
        %parallel_loop3A_740 = vector.broadcast %parallel_loop3A_739 : i32 to vector<16xi32>
        %parallel_loop3A_741 = arith.maxsi %parallel_loop3A_738, %parallel_loop3A_740 : vector<16xi32>
        %parallel_loop3A_742 = arith.constant 16 : i32
        %parallel_loop3A_743 = vector.broadcast %parallel_loop3A_742 : i32 to vector<16xi32>
        %parallel_loop3A_744 = arith.shli %parallel_loop3A_741, %parallel_loop3A_743 : vector<16xi32>
        %parallel_loop3A_745 = arith.ori %parallel_loop3A_707, %parallel_loop3A_744 : vector<16xi32>
        %parallel_loop3A_746 = arith.constant 28672 : i32
        %parallel_loop3A_747 = tpu.memref_slice %arg9[%parallel_loop3A_746] : memref<32768xi32, #tpu.memory_space<vmem>> -> memref<4096xi32, #tpu.memory_space<vmem>>
        %parallel_loop3A_748 = arith.index_cast %parallel_loop3A_673 : i32 to index
        %parallel_loop3A_749 = tpu.vector_load %parallel_loop3A_747[%parallel_loop3A_748] {strides = array<i32>} : memref<4096xi32, #tpu.memory_space<vmem>>, vector<16xi32>,
        tpu.vector_store %parallel_loop3A_747[%parallel_loop3A_748], %parallel_loop3A_745 {strides = array<i32>} : memref<4096xi32, #tpu.memory_space<vmem>>, vector<16xi32>,
      } {sc.loop_unroll_factor = 8 : i64, sc.parallel_access}
      %mul3A_599 = arith.constant 4 : i32
      %mul3A_600 = arith.muli %add3A_470, %mul3A_599 : i32
      %add3A_601 = arith.addi %mul3A_2, %mul3A_600 : i32
      %add3A_602 = arith.constant 0 : i32
      %add3A_603 = arith.addi %add3A_601, %add3A_602 : i32
      %dma_start3A_604 = arith.constant 1 : i32
      %dma_start3A_605 = arith.constant 16384 : i32
      %dma_start3A_606 = tpu.memref_slice %arg9[%dma_start3A_605] : memref<32768xi32, #tpu.memory_space<vmem>> -> memref<4096xi32, #tpu.memory_space<vmem>>
      %dma_start3A_607 = tpu.memref_bitcast %arg5 : memref<16384x4096xf16, #tpu.memory_space<hbm>> -> memref<8192x4096xi32, #tpu.memory_space<hbm>>
      %dma_start3A_608 = arith.constant 0 : i32
      %dma_start3A_609 = tpu.memref_slice %dma_start3A_607[%add3A_603, %dma_start3A_608] : memref<8192x4096xi32, #tpu.memory_space<hbm>> -> memref<1x4096xi32, #tpu.memory_space<hbm>>
      %dma_start3A_610 = tpu.memref_squeeze %dma_start3A_609 : memref<1x4096xi32, #tpu.memory_space<hbm>> -> memref<4096xi32, #tpu.memory_space<hbm>>
      %dma_start3A_611 = tpu.memref_slice %arg11[%dma_start3A_604] : memref<2x!tpu.dma_semaphore, #tpu.memory_space<semaphore_mem>> -> memref<1x!tpu.dma_semaphore, #tpu.memory_space<semaphore_mem>>
      %dma_start3A_612 = tpu.memref_squeeze %dma_start3A_611 : memref<1x!tpu.dma_semaphore, #tpu.memory_space<semaphore_mem>> -> memref<!tpu.dma_semaphore, #tpu.memory_space<semaphore_mem>>
      %dma_start3A_613 = tpu.memref_bitcast %arg5 : memref<16384x4096xf16, #tpu.memory_space<hbm>> -> memref<8192x4096xi32, #tpu.memory_space<hbm>>
      %dma_start3A_614 = arith.constant 0 : i32
      %dma_start3A_615 = tpu.memref_slice %dma_start3A_613[%add3A_603, %dma_start3A_614] : memref<8192x4096xi32, #tpu.memory_space<hbm>> -> memref<1x4096xi32, #tpu.memory_space<hbm>>
      %dma_start3A_616 = tpu.memref_squeeze %dma_start3A_615 : memref<1x4096xi32, #tpu.memory_space<hbm>> -> memref<4096xi32, #tpu.memory_space<hbm>>
      %dma_start3A_617 = arith.constant 16384 : i32
      %dma_start3A_618 = tpu.memref_slice %arg9[%dma_start3A_617] : memref<32768xi32, #tpu.memory_space<vmem>> -> memref<4096xi32, #tpu.memory_space<vmem>>
      tpu.enqueue_dma source(%dma_start3A_618 : memref<4096xi32, #tpu.memory_space<vmem>>) target(%dma_start3A_616 : memref<4096xi32, #tpu.memory_space<hbm>>) target_semaphore(%dma_start3A_612 : memref<!tpu.dma_semaphore, #tpu.memory_space<semaphore_mem>>)
      %add3A_619 = arith.constant 1 : i32
      %add3A_620 = arith.addi %add3A_601, %add3A_619 : i32
      %dma_start3A_621 = arith.constant 1 : i32
      %dma_start3A_622 = arith.constant 20480 : i32
      %dma_start3A_623 = tpu.memref_slice %arg9[%dma_start3A_622] : memref<32768xi32, #tpu.memory_space<vmem>> -> memref<4096xi32, #tpu.memory_space<vmem>>
      %dma_start3A_624 = tpu.memref_bitcast %arg5 : memref<16384x4096xf16, #tpu.memory_space<hbm>> -> memref<8192x4096xi32, #tpu.memory_space<hbm>>
      %dma_start3A_625 = arith.constant 0 : i32
      %dma_start3A_626 = tpu.memref_slice %dma_start3A_624[%add3A_620, %dma_start3A_625] : memref<8192x4096xi32, #tpu.memory_space<hbm>> -> memref<1x4096xi32, #tpu.memory_space<hbm>>
      %dma_start3A_627 = tpu.memref_squeeze %dma_start3A_626 : memref<1x4096xi32, #tpu.memory_space<hbm>> -> memref<4096xi32, #tpu.memory_space<hbm>>
      %dma_start3A_628 = tpu.memref_slice %arg11[%dma_start3A_621] : memref<2x!tpu.dma_semaphore, #tpu.memory_space<semaphore_mem>> -> memref<1x!tpu.dma_semaphore, #tpu.memory_space<semaphore_mem>>
      %dma_start3A_629 = tpu.memref_squeeze %dma_start3A_628 : memref<1x!tpu.dma_semaphore, #tpu.memory_space<semaphore_mem>> -> memref<!tpu.dma_semaphore, #tpu.memory_space<semaphore_mem>>
      %dma_start3A_630 = tpu.memref_bitcast %arg5 : memref<16384x4096xf16, #tpu.memory_space<hbm>> -> memref<8192x4096xi32, #tpu.memory_space<hbm>>
      %dma_start3A_631 = arith.constant 0 : i32
      %dma_start3A_632 = tpu.memref_slice %dma_start3A_630[%add3A_620, %dma_start3A_631] : memref<8192x4096xi32, #tpu.memory_space<hbm>> -> memref<1x4096xi32, #tpu.memory_space<hbm>>
      %dma_start3A_633 = tpu.memref_squeeze %dma_start3A_632 : memref<1x4096xi32, #tpu.memory_space<hbm>> -> memref<4096xi32, #tpu.memory_space<hbm>>
      %dma_start3A_634 = arith.constant 20480 : i32
      %dma_start3A_635 = tpu.memref_slice %arg9[%dma_start3A_634] : memref<32768xi32, #tpu.memory_space<vmem>> -> memref<4096xi32, #tpu.memory_space<vmem>>
      tpu.enqueue_dma source(%dma_start3A_635 : memref<4096xi32, #tpu.memory_space<vmem>>) target(%dma_start3A_633 : memref<4096xi32, #tpu.memory_space<hbm>>) target_semaphore(%dma_start3A_629 : memref<!tpu.dma_semaphore, #tpu.memory_space<semaphore_mem>>)
      %add3A_636 = arith.constant 2 : i32
      %add3A_637 = arith.addi %add3A_601, %add3A_636 : i32
      %dma_start3A_638 = arith.constant 1 : i32
      %dma_start3A_639 = arith.constant 24576 : i32
      %dma_start3A_640 = tpu.memref_slice %arg9[%dma_start3A_639] : memref<32768xi32, #tpu.memory_space<vmem>> -> memref<4096xi32, #tpu.memory_space<vmem>>
      %dma_start3A_641 = tpu.memref_bitcast %arg5 : memref<16384x4096xf16, #tpu.memory_space<hbm>> -> memref<8192x4096xi32, #tpu.memory_space<hbm>>
      %dma_start3A_642 = arith.constant 0 : i32
      %dma_start3A_643 = tpu.memref_slice %dma_start3A_641[%add3A_637, %dma_start3A_642] : memref<8192x4096xi32, #tpu.memory_space<hbm>> -> memref<1x4096xi32, #tpu.memory_space<hbm>>
      %dma_start3A_644 = tpu.memref_squeeze %dma_start3A_643 : memref<1x4096xi32, #tpu.memory_space<hbm>> -> memref<4096xi32, #tpu.memory_space<hbm>>
      %dma_start3A_645 = tpu.memref_slice %arg11[%dma_start3A_638] : memref<2x!tpu.dma_semaphore, #tpu.memory_space<semaphore_mem>> -> memref<1x!tpu.dma_semaphore, #tpu.memory_space<semaphore_mem>>
      %dma_start3A_646 = tpu.memref_squeeze %dma_start3A_645 : memref<1x!tpu.dma_semaphore, #tpu.memory_space<semaphore_mem>> -> memref<!tpu.dma_semaphore, #tpu.memory_space<semaphore_mem>>
      %dma_start3A_647 = tpu.memref_bitcast %arg5 : memref<16384x4096xf16, #tpu.memory_space<hbm>> -> memref<8192x4096xi32, #tpu.memory_space<hbm>>
      %dma_start3A_648 = arith.constant 0 : i32
      %dma_start3A_649 = tpu.memref_slice %dma_start3A_647[%add3A_637, %dma_start3A_648] : memref<8192x4096xi32, #tpu.memory_space<hbm>> -> memref<1x4096xi32, #tpu.memory_space<hbm>>
      %dma_start3A_650 = tpu.memref_squeeze %dma_start3A_649 : memref<1x4096xi32, #tpu.memory_space<hbm>> -> memref<4096xi32, #tpu.memory_space<hbm>>
      %dma_start3A_651 = arith.constant 24576 : i32
      %dma_start3A_652 = tpu.memref_slice %arg9[%dma_start3A_651] : memref<32768xi32, #tpu.memory_space<vmem>> -> memref<4096xi32, #tpu.memory_space<vmem>>
      tpu.enqueue_dma source(%dma_start3A_652 : memref<4096xi32, #tpu.memory_space<vmem>>) target(%dma_start3A_650 : memref<4096xi32, #tpu.memory_space<hbm>>) target_semaphore(%dma_start3A_646 : memref<!tpu.dma_semaphore, #tpu.memory_space<semaphore_mem>>)
      %add3A_653 = arith.constant 3 : i32
      %add3A_654 = arith.addi %add3A_601, %add3A_653 : i32
      %dma_start3A_655 = arith.constant 1 : i32
      %dma_start3A_656 = arith.constant 28672 : i32
      %dma_start3A_657 = tpu.memref_slice %arg9[%dma_start3A_656] : memref<32768xi32, #tpu.memory_space<vmem>> -> memref<4096xi32, #tpu.memory_space<vmem>>
      %dma_start3A_658 = tpu.memref_bitcast %arg5 : memref<16384x4096xf16, #tpu.memory_space<hbm>> -> memref<8192x4096xi32, #tpu.memory_space<hbm>>
      %dma_start3A_659 = arith.constant 0 : i32
      %dma_start3A_660 = tpu.memref_slice %dma_start3A_658[%add3A_654, %dma_start3A_659] : memref<8192x4096xi32, #tpu.memory_space<hbm>> -> memref<1x4096xi32, #tpu.memory_space<hbm>>
      %dma_start3A_661 = tpu.memref_squeeze %dma_start3A_660 : memref<1x4096xi32, #tpu.memory_space<hbm>> -> memref<4096xi32, #tpu.memory_space<hbm>>
      %dma_start3A_662 = tpu.memref_slice %arg11[%dma_start3A_655] : memref<2x!tpu.dma_semaphore, #tpu.memory_space<semaphore_mem>> -> memref<1x!tpu.dma_semaphore, #tpu.memory_space<semaphore_mem>>
      %dma_start3A_663 = tpu.memref_squeeze %dma_start3A_662 : memref<1x!tpu.dma_semaphore, #tpu.memory_space<semaphore_mem>> -> memref<!tpu.dma_semaphore, #tpu.memory_space<semaphore_mem>>
      %dma_start3A_664 = tpu.memref_bitcast %arg5 : memref<16384x4096xf16, #tpu.memory_space<hbm>> -> memref<8192x4096xi32, #tpu.memory_space<hbm>>
      %dma_start3A_665 = arith.constant 0 : i32
      %dma_start3A_666 = tpu.memref_slice %dma_start3A_664[%add3A_654, %dma_start3A_665] : memref<8192x4096xi32, #tpu.memory_space<hbm>> -> memref<1x4096xi32, #tpu.memory_space<hbm>>
      %dma_start3A_667 = tpu.memref_squeeze %dma_start3A_666 : memref<1x4096xi32, #tpu.memory_space<hbm>> -> memref<4096xi32, #tpu.memory_space<hbm>>
      %dma_start3A_668 = arith.constant 28672 : i32
      %dma_start3A_669 = tpu.memref_slice %arg9[%dma_start3A_668] : memref<32768xi32, #tpu.memory_space<vmem>> -> memref<4096xi32, #tpu.memory_space<vmem>>
      tpu.enqueue_dma source(%dma_start3A_669 : memref<4096xi32, #tpu.memory_space<vmem>>) target(%dma_start3A_667 : memref<4096xi32, #tpu.memory_space<hbm>>) target_semaphore(%dma_start3A_663 : memref<!tpu.dma_semaphore, #tpu.memory_space<semaphore_mem>>)
      %scan3A_670 = arith.constant 0 : i32
      scf.yield %scan3A_670 : i32
    }
    %scan3A_131 = arith.constant 32 : i32
    %add3A_132 = arith.constant 0 : i32
    %add3A_133 = arith.addi %mul3A_2, %add3A_132 : i32
    %dma_wait3A = arith.constant 0 : i32
    %dma_wait3A_134 = arith.constant 0 : i32
    %dma_wait3A_135 = tpu.memref_slice %arg9[%dma_wait3A_134] : memref<32768xi32, #tpu.memory_space<vmem>> -> memref<4096xi32, #tpu.memory_space<vmem>>
    %dma_wait3A_136 = tpu.memref_bitcast %arg5 : memref<16384x4096xf16, #tpu.memory_space<hbm>> -> memref<8192x4096xi32, #tpu.memory_space<hbm>>
    %dma_wait3A_137 = arith.constant 0 : i32
    %dma_wait3A_138 = tpu.memref_slice %dma_wait3A_136[%add3A_133, %dma_wait3A_137] : memref<8192x4096xi32, #tpu.memory_space<hbm>> -> memref<1x4096xi32, #tpu.memory_space<hbm>>
    %dma_wait3A_139 = tpu.memref_squeeze %dma_wait3A_138 : memref<1x4096xi32, #tpu.memory_space<hbm>> -> memref<4096xi32, #tpu.memory_space<hbm>>
    %dma_wait3A_140 = tpu.memref_slice %arg11[%dma_wait3A] : memref<2x!tpu.dma_semaphore, #tpu.memory_space<semaphore_mem>> -> memref<1x!tpu.dma_semaphore, #tpu.memory_space<semaphore_mem>>
    %dma_wait3A_141 = tpu.memref_squeeze %dma_wait3A_140 : memref<1x!tpu.dma_semaphore, #tpu.memory_space<semaphore_mem>> -> memref<!tpu.dma_semaphore, #tpu.memory_space<semaphore_mem>>
    %dma_wait3A_142 = tpu.memref_bitcast %arg5 : memref<16384x4096xf16, #tpu.memory_space<hbm>> -> memref<8192x4096xi32, #tpu.memory_space<hbm>>
    %dma_wait3A_143 = arith.constant 0 : i32
    %dma_wait3A_144 = tpu.memref_slice %dma_wait3A_142[%add3A_133, %dma_wait3A_143] : memref<8192x4096xi32, #tpu.memory_space<hbm>> -> memref<1x4096xi32, #tpu.memory_space<hbm>>
    %dma_wait3A_145 = tpu.memref_squeeze %dma_wait3A_144 : memref<1x4096xi32, #tpu.memory_space<hbm>> -> memref<4096xi32, #tpu.memory_space<hbm>>
    %dma_wait3A_146 = arith.constant 0 : i32
    %dma_wait3A_147 = tpu.memref_slice %arg9[%dma_wait3A_146] : memref<32768xi32, #tpu.memory_space<vmem>> -> memref<4096xi32, #tpu.memory_space<vmem>>
    tpu.wait_dma2 semaphore(%dma_wait3A_141 : memref<!tpu.dma_semaphore, #tpu.memory_space<semaphore_mem>>) src(%dma_wait3A_147 : memref<4096xi32, #tpu.memory_space<vmem>>) dst(%dma_wait3A_145 : memref<4096xi32, #tpu.memory_space<hbm>>)
    %add3A_148 = arith.constant 1 : i32
    %add3A_149 = arith.addi %mul3A_2, %add3A_148 : i32
    %dma_wait3A_150 = arith.constant 0 : i32
    %dma_wait3A_151 = arith.constant 4096 : i32
    %dma_wait3A_152 = tpu.memref_slice %arg9[%dma_wait3A_151] : memref<32768xi32, #tpu.memory_space<vmem>> -> memref<4096xi32, #tpu.memory_space<vmem>>
    %dma_wait3A_153 = tpu.memref_bitcast %arg5 : memref<16384x4096xf16, #tpu.memory_space<hbm>> -> memref<8192x4096xi32, #tpu.memory_space<hbm>>
    %dma_wait3A_154 = arith.constant 0 : i32
    %dma_wait3A_155 = tpu.memref_slice %dma_wait3A_153[%add3A_149, %dma_wait3A_154] : memref<8192x4096xi32, #tpu.memory_space<hbm>> -> memref<1x4096xi32, #tpu.memory_space<hbm>>
    %dma_wait3A_156 = tpu.memref_squeeze %dma_wait3A_155 : memref<1x4096xi32, #tpu.memory_space<hbm>> -> memref<4096xi32, #tpu.memory_space<hbm>>
    %dma_wait3A_157 = tpu.memref_slice %arg11[%dma_wait3A_150] : memref<2x!tpu.dma_semaphore, #tpu.memory_space<semaphore_mem>> -> memref<1x!tpu.dma_semaphore, #tpu.memory_space<semaphore_mem>>
    %dma_wait3A_158 = tpu.memref_squeeze %dma_wait3A_157 : memref<1x!tpu.dma_semaphore, #tpu.memory_space<semaphore_mem>> -> memref<!tpu.dma_semaphore, #tpu.memory_space<semaphore_mem>>
    %dma_wait3A_159 = tpu.memref_bitcast %arg5 : memref<16384x4096xf16, #tpu.memory_space<hbm>> -> memref<8192x4096xi32, #tpu.memory_space<hbm>>
    %dma_wait3A_160 = arith.constant 0 : i32
    %dma_wait3A_161 = tpu.memref_slice %dma_wait3A_159[%add3A_149, %dma_wait3A_160] : memref<8192x4096xi32, #tpu.memory_space<hbm>> -> memref<1x4096xi32, #tpu.memory_space<hbm>>
    %dma_wait3A_162 = tpu.memref_squeeze %dma_wait3A_161 : memref<1x4096xi32, #tpu.memory_space<hbm>> -> memref<4096xi32, #tpu.memory_space<hbm>>
    %dma_wait3A_163 = arith.constant 4096 : i32
    %dma_wait3A_164 = tpu.memref_slice %arg9[%dma_wait3A_163] : memref<32768xi32, #tpu.memory_space<vmem>> -> memref<4096xi32, #tpu.memory_space<vmem>>
    tpu.wait_dma2 semaphore(%dma_wait3A_158 : memref<!tpu.dma_semaphore, #tpu.memory_space<semaphore_mem>>) src(%dma_wait3A_164 : memref<4096xi32, #tpu.memory_space<vmem>>) dst(%dma_wait3A_162 : memref<4096xi32, #tpu.memory_space<hbm>>)
    %add3A_165 = arith.constant 2 : i32
    %add3A_166 = arith.addi %mul3A_2, %add3A_165 : i32
    %dma_wait3A_167 = arith.constant 0 : i32
    %dma_wait3A_168 = arith.constant 8192 : i32
    %dma_wait3A_169 = tpu.memref_slice %arg9[%dma_wait3A_168] : memref<32768xi32, #tpu.memory_space<vmem>> -> memref<4096xi32, #tpu.memory_space<vmem>>
    %dma_wait3A_170 = tpu.memref_bitcast %arg5 : memref<16384x4096xf16, #tpu.memory_space<hbm>> -> memref<8192x4096xi32, #tpu.memory_space<hbm>>
    %dma_wait3A_171 = arith.constant 0 : i32
    %dma_wait3A_172 = tpu.memref_slice %dma_wait3A_170[%add3A_166, %dma_wait3A_171] : memref<8192x4096xi32, #tpu.memory_space<hbm>> -> memref<1x4096xi32, #tpu.memory_space<hbm>>
    %dma_wait3A_173 = tpu.memref_squeeze %dma_wait3A_172 : memref<1x4096xi32, #tpu.memory_space<hbm>> -> memref<4096xi32, #tpu.memory_space<hbm>>
    %dma_wait3A_174 = tpu.memref_slice %arg11[%dma_wait3A_167] : memref<2x!tpu.dma_semaphore, #tpu.memory_space<semaphore_mem>> -> memref<1x!tpu.dma_semaphore, #tpu.memory_space<semaphore_mem>>
    %dma_wait3A_175 = tpu.memref_squeeze %dma_wait3A_174 : memref<1x!tpu.dma_semaphore, #tpu.memory_space<semaphore_mem>> -> memref<!tpu.dma_semaphore, #tpu.memory_space<semaphore_mem>>
    %dma_wait3A_176 = tpu.memref_bitcast %arg5 : memref<16384x4096xf16, #tpu.memory_space<hbm>> -> memref<8192x4096xi32, #tpu.memory_space<hbm>>
    %dma_wait3A_177 = arith.constant 0 : i32
    %dma_wait3A_178 = tpu.memref_slice %dma_wait3A_176[%add3A_166, %dma_wait3A_177] : memref<8192x4096xi32, #tpu.memory_space<hbm>> -> memref<1x4096xi32, #tpu.memory_space<hbm>>
    %dma_wait3A_179 = tpu.memref_squeeze %dma_wait3A_178 : memref<1x4096xi32, #tpu.memory_space<hbm>> -> memref<4096xi32, #tpu.memory_space<hbm>>
    %dma_wait3A_180 = arith.constant 8192 : i32
    %dma_wait3A_181 = tpu.memref_slice %arg9[%dma_wait3A_180] : memref<32768xi32, #tpu.memory_space<vmem>> -> memref<4096xi32, #tpu.memory_space<vmem>>
    tpu.wait_dma2 semaphore(%dma_wait3A_175 : memref<!tpu.dma_semaphore, #tpu.memory_space<semaphore_mem>>) src(%dma_wait3A_181 : memref<4096xi32, #tpu.memory_space<vmem>>) dst(%dma_wait3A_179 : memref<4096xi32, #tpu.memory_space<hbm>>)
    %add3A_182 = arith.constant 3 : i32
    %add3A_183 = arith.addi %mul3A_2, %add3A_182 : i32
    %dma_wait3A_184 = arith.constant 0 : i32
    %dma_wait3A_185 = arith.constant 12288 : i32
    %dma_wait3A_186 = tpu.memref_slice %arg9[%dma_wait3A_185] : memref<32768xi32, #tpu.memory_space<vmem>> -> memref<4096xi32, #tpu.memory_space<vmem>>
    %dma_wait3A_187 = tpu.memref_bitcast %arg5 : memref<16384x4096xf16, #tpu.memory_space<hbm>> -> memref<8192x4096xi32, #tpu.memory_space<hbm>>
    %dma_wait3A_188 = arith.constant 0 : i32
    %dma_wait3A_189 = tpu.memref_slice %dma_wait3A_187[%add3A_183, %dma_wait3A_188] : memref<8192x4096xi32, #tpu.memory_space<hbm>> -> memref<1x4096xi32, #tpu.memory_space<hbm>>
    %dma_wait3A_190 = tpu.memref_squeeze %dma_wait3A_189 : memref<1x4096xi32, #tpu.memory_space<hbm>> -> memref<4096xi32, #tpu.memory_space<hbm>>
    %dma_wait3A_191 = tpu.memref_slice %arg11[%dma_wait3A_184] : memref<2x!tpu.dma_semaphore, #tpu.memory_space<semaphore_mem>> -> memref<1x!tpu.dma_semaphore, #tpu.memory_space<semaphore_mem>>
    %dma_wait3A_192 = tpu.memref_squeeze %dma_wait3A_191 : memref<1x!tpu.dma_semaphore, #tpu.memory_space<semaphore_mem>> -> memref<!tpu.dma_semaphore, #tpu.memory_space<semaphore_mem>>
    %dma_wait3A_193 = tpu.memref_bitcast %arg5 : memref<16384x4096xf16, #tpu.memory_space<hbm>> -> memref<8192x4096xi32, #tpu.memory_space<hbm>>
    %dma_wait3A_194 = arith.constant 0 : i32
    %dma_wait3A_195 = tpu.memref_slice %dma_wait3A_193[%add3A_183, %dma_wait3A_194] : memref<8192x4096xi32, #tpu.memory_space<hbm>> -> memref<1x4096xi32, #tpu.memory_space<hbm>>
    %dma_wait3A_196 = tpu.memref_squeeze %dma_wait3A_195 : memref<1x4096xi32, #tpu.memory_space<hbm>> -> memref<4096xi32, #tpu.memory_space<hbm>>
    %dma_wait3A_197 = arith.constant 12288 : i32
    %dma_wait3A_198 = tpu.memref_slice %arg9[%dma_wait3A_197] : memref<32768xi32, #tpu.memory_space<vmem>> -> memref<4096xi32, #tpu.memory_space<vmem>>
    tpu.wait_dma2 semaphore(%dma_wait3A_192 : memref<!tpu.dma_semaphore, #tpu.memory_space<semaphore_mem>>) src(%dma_wait3A_198 : memref<4096xi32, #tpu.memory_space<vmem>>) dst(%dma_wait3A_196 : memref<4096xi32, #tpu.memory_space<hbm>>)
    %add3A_199 = arith.constant 0 : i32
    %add3A_200 = arith.addi %mul3A_2, %add3A_199 : i32
    %dma_wait3A_201 = arith.constant 1 : i32
    %dma_wait3A_202 = arith.constant 16384 : i32
    %dma_wait3A_203 = tpu.memref_slice %arg9[%dma_wait3A_202] : memref<32768xi32, #tpu.memory_space<vmem>> -> memref<4096xi32, #tpu.memory_space<vmem>>
    %dma_wait3A_204 = tpu.memref_bitcast %arg5 : memref<16384x4096xf16, #tpu.memory_space<hbm>> -> memref<8192x4096xi32, #tpu.memory_space<hbm>>
    %dma_wait3A_205 = arith.constant 0 : i32
    %dma_wait3A_206 = tpu.memref_slice %dma_wait3A_204[%add3A_200, %dma_wait3A_205] : memref<8192x4096xi32, #tpu.memory_space<hbm>> -> memref<1x4096xi32, #tpu.memory_space<hbm>>
    %dma_wait3A_207 = tpu.memref_squeeze %dma_wait3A_206 : memref<1x4096xi32, #tpu.memory_space<hbm>> -> memref<4096xi32, #tpu.memory_space<hbm>>
    %dma_wait3A_208 = tpu.memref_slice %arg11[%dma_wait3A_201] : memref<2x!tpu.dma_semaphore, #tpu.memory_space<semaphore_mem>> -> memref<1x!tpu.dma_semaphore, #tpu.memory_space<semaphore_mem>>
    %dma_wait3A_209 = tpu.memref_squeeze %dma_wait3A_208 : memref<1x!tpu.dma_semaphore, #tpu.memory_space<semaphore_mem>> -> memref<!tpu.dma_semaphore, #tpu.memory_space<semaphore_mem>>
    %dma_wait3A_210 = tpu.memref_bitcast %arg5 : memref<16384x4096xf16, #tpu.memory_space<hbm>> -> memref<8192x4096xi32, #tpu.memory_space<hbm>>
    %dma_wait3A_211 = arith.constant 0 : i32
    %dma_wait3A_212 = tpu.memref_slice %dma_wait3A_210[%add3A_200, %dma_wait3A_211] : memref<8192x4096xi32, #tpu.memory_space<hbm>> -> memref<1x4096xi32, #tpu.memory_space<hbm>>
    %dma_wait3A_213 = tpu.memref_squeeze %dma_wait3A_212 : memref<1x4096xi32, #tpu.memory_space<hbm>> -> memref<4096xi32, #tpu.memory_space<hbm>>
    %dma_wait3A_214 = arith.constant 16384 : i32
    %dma_wait3A_215 = tpu.memref_slice %arg9[%dma_wait3A_214] : memref<32768xi32, #tpu.memory_space<vmem>> -> memref<4096xi32, #tpu.memory_space<vmem>>
    tpu.wait_dma2 semaphore(%dma_wait3A_209 : memref<!tpu.dma_semaphore, #tpu.memory_space<semaphore_mem>>) src(%dma_wait3A_215 : memref<4096xi32, #tpu.memory_space<vmem>>) dst(%dma_wait3A_213 : memref<4096xi32, #tpu.memory_space<hbm>>)
    %add3A_216 = arith.constant 1 : i32
    %add3A_217 = arith.addi %mul3A_2, %add3A_216 : i32
    %dma_wait3A_218 = arith.constant 1 : i32
    %dma_wait3A_219 = arith.constant 20480 : i32
    %dma_wait3A_220 = tpu.memref_slice %arg9[%dma_wait3A_219] : memref<32768xi32, #tpu.memory_space<vmem>> -> memref<4096xi32, #tpu.memory_space<vmem>>
    %dma_wait3A_221 = tpu.memref_bitcast %arg5 : memref<16384x4096xf16, #tpu.memory_space<hbm>> -> memref<8192x4096xi32, #tpu.memory_space<hbm>>
    %dma_wait3A_222 = arith.constant 0 : i32
    %dma_wait3A_223 = tpu.memref_slice %dma_wait3A_221[%add3A_217, %dma_wait3A_222] : memref<8192x4096xi32, #tpu.memory_space<hbm>> -> memref<1x4096xi32, #tpu.memory_space<hbm>>
    %dma_wait3A_224 = tpu.memref_squeeze %dma_wait3A_223 : memref<1x4096xi32, #tpu.memory_space<hbm>> -> memref<4096xi32, #tpu.memory_space<hbm>>
    %dma_wait3A_225 = tpu.memref_slice %arg11[%dma_wait3A_218] : memref<2x!tpu.dma_semaphore, #tpu.memory_space<semaphore_mem>> -> memref<1x!tpu.dma_semaphore, #tpu.memory_space<semaphore_mem>>
    %dma_wait3A_226 = tpu.memref_squeeze %dma_wait3A_225 : memref<1x!tpu.dma_semaphore, #tpu.memory_space<semaphore_mem>> -> memref<!tpu.dma_semaphore, #tpu.memory_space<semaphore_mem>>
    %dma_wait3A_227 = tpu.memref_bitcast %arg5 : memref<16384x4096xf16, #tpu.memory_space<hbm>> -> memref<8192x4096xi32, #tpu.memory_space<hbm>>
    %dma_wait3A_228 = arith.constant 0 : i32
    %dma_wait3A_229 = tpu.memref_slice %dma_wait3A_227[%add3A_217, %dma_wait3A_228] : memref<8192x4096xi32, #tpu.memory_space<hbm>> -> memref<1x4096xi32, #tpu.memory_space<hbm>>
    %dma_wait3A_230 = tpu.memref_squeeze %dma_wait3A_229 : memref<1x4096xi32, #tpu.memory_space<hbm>> -> memref<4096xi32, #tpu.memory_space<hbm>>
    %dma_wait3A_231 = arith.constant 20480 : i32
    %dma_wait3A_232 = tpu.memref_slice %arg9[%dma_wait3A_231] : memref<32768xi32, #tpu.memory_space<vmem>> -> memref<4096xi32, #tpu.memory_space<vmem>>
    tpu.wait_dma2 semaphore(%dma_wait3A_226 : memref<!tpu.dma_semaphore, #tpu.memory_space<semaphore_mem>>) src(%dma_wait3A_232 : memref<4096xi32, #tpu.memory_space<vmem>>) dst(%dma_wait3A_230 : memref<4096xi32, #tpu.memory_space<hbm>>)
    %add3A_233 = arith.constant 2 : i32
    %add3A_234 = arith.addi %mul3A_2, %add3A_233 : i32
    %dma_wait3A_235 = arith.constant 1 : i32
    %dma_wait3A_236 = arith.constant 24576 : i32
    %dma_wait3A_237 = tpu.memref_slice %arg9[%dma_wait3A_236] : memref<32768xi32, #tpu.memory_space<vmem>> -> memref<4096xi32, #tpu.memory_space<vmem>>
    %dma_wait3A_238 = tpu.memref_bitcast %arg5 : memref<16384x4096xf16, #tpu.memory_space<hbm>> -> memref<8192x4096xi32, #tpu.memory_space<hbm>>
    %dma_wait3A_239 = arith.constant 0 : i32
    %dma_wait3A_240 = tpu.memref_slice %dma_wait3A_238[%add3A_234, %dma_wait3A_239] : memref<8192x4096xi32, #tpu.memory_space<hbm>> -> memref<1x4096xi32, #tpu.memory_space<hbm>>
    %dma_wait3A_241 = tpu.memref_squeeze %dma_wait3A_240 : memref<1x4096xi32, #tpu.memory_space<hbm>> -> memref<4096xi32, #tpu.memory_space<hbm>>
    %dma_wait3A_242 = tpu.memref_slice %arg11[%dma_wait3A_235] : memref<2x!tpu.dma_semaphore, #tpu.memory_space<semaphore_mem>> -> memref<1x!tpu.dma_semaphore, #tpu.memory_space<semaphore_mem>>
    %dma_wait3A_243 = tpu.memref_squeeze %dma_wait3A_242 : memref<1x!tpu.dma_semaphore, #tpu.memory_space<semaphore_mem>> -> memref<!tpu.dma_semaphore, #tpu.memory_space<semaphore_mem>>
    %dma_wait3A_244 = tpu.memref_bitcast %arg5 : memref<16384x4096xf16, #tpu.memory_space<hbm>> -> memref<8192x4096xi32, #tpu.memory_space<hbm>>
    %dma_wait3A_245 = arith.constant 0 : i32
    %dma_wait3A_246 = tpu.memref_slice %dma_wait3A_244[%add3A_234, %dma_wait3A_245] : memref<8192x4096xi32, #tpu.memory_space<hbm>> -> memref<1x4096xi32, #tpu.memory_space<hbm>>
    %dma_wait3A_247 = tpu.memref_squeeze %dma_wait3A_246 : memref<1x4096xi32, #tpu.memory_space<hbm>> -> memref<4096xi32, #tpu.memory_space<hbm>>
    %dma_wait3A_248 = arith.constant 24576 : i32
    %dma_wait3A_249 = tpu.memref_slice %arg9[%dma_wait3A_248] : memref<32768xi32, #tpu.memory_space<vmem>> -> memref<4096xi32, #tpu.memory_space<vmem>>
    tpu.wait_dma2 semaphore(%dma_wait3A_243 : memref<!tpu.dma_semaphore, #tpu.memory_space<semaphore_mem>>) src(%dma_wait3A_249 : memref<4096xi32, #tpu.memory_space<vmem>>) dst(%dma_wait3A_247 : memref<4096xi32, #tpu.memory_space<hbm>>)
    %add3A_250 = arith.constant 3 : i32
    %add3A_251 = arith.addi %mul3A_2, %add3A_250 : i32
    %dma_wait3A_252 = arith.constant 1 : i32
    %dma_wait3A_253 = arith.constant 28672 : i32
    %dma_wait3A_254 = tpu.memref_slice %arg9[%dma_wait3A_253] : memref<32768xi32, #tpu.memory_space<vmem>> -> memref<4096xi32, #tpu.memory_space<vmem>>
    %dma_wait3A_255 = tpu.memref_bitcast %arg5 : memref<16384x4096xf16, #tpu.memory_space<hbm>> -> memref<8192x4096xi32, #tpu.memory_space<hbm>>
    %dma_wait3A_256 = arith.constant 0 : i32
    %dma_wait3A_257 = tpu.memref_slice %dma_wait3A_255[%add3A_251, %dma_wait3A_256] : memref<8192x4096xi32, #tpu.memory_space<hbm>> -> memref<1x4096xi32, #tpu.memory_space<hbm>>
    %dma_wait3A_258 = tpu.memref_squeeze %dma_wait3A_257 : memref<1x4096xi32, #tpu.memory_space<hbm>> -> memref<4096xi32, #tpu.memory_space<hbm>>
    %dma_wait3A_259 = tpu.memref_slice %arg11[%dma_wait3A_252] : memref<2x!tpu.dma_semaphore, #tpu.memory_space<semaphore_mem>> -> memref<1x!tpu.dma_semaphore, #tpu.memory_space<semaphore_mem>>
    %dma_wait3A_260 = tpu.memref_squeeze %dma_wait3A_259 : memref<1x!tpu.dma_semaphore, #tpu.memory_space<semaphore_mem>> -> memref<!tpu.dma_semaphore, #tpu.memory_space<semaphore_mem>>
    %dma_wait3A_261 = tpu.memref_bitcast %arg5 : memref<16384x4096xf16, #tpu.memory_space<hbm>> -> memref<8192x4096xi32, #tpu.memory_space<hbm>>
    %dma_wait3A_262 = arith.constant 0 : i32
    %dma_wait3A_263 = tpu.memref_slice %dma_wait3A_261[%add3A_251, %dma_wait3A_262] : memref<8192x4096xi32, #tpu.memory_space<hbm>> -> memref<1x4096xi32, #tpu.memory_space<hbm>>
    %dma_wait3A_264 = tpu.memref_squeeze %dma_wait3A_263 : memref<1x4096xi32, #tpu.memory_space<hbm>> -> memref<4096xi32, #tpu.memory_space<hbm>>
    %dma_wait3A_265 = arith.constant 28672 : i32
    %dma_wait3A_266 = tpu.memref_slice %arg9[%dma_wait3A_265] : memref<32768xi32, #tpu.memory_space<vmem>> -> memref<4096xi32, #tpu.memory_space<vmem>>
    tpu.wait_dma2 semaphore(%dma_wait3A_260 : memref<!tpu.dma_semaphore, #tpu.memory_space<semaphore_mem>>) src(%dma_wait3A_266 : memref<4096xi32, #tpu.memory_space<vmem>>) dst(%dma_wait3A_264 : memref<4096xi32, #tpu.memory_space<hbm>>)
    return
  }
}

</mosaic_0001>

<sc_bundles>
// kernel: kernel.3.cloned.1.call-start
scs
__scs_entry_jumppad:
0x0: {  	(pc) =	sbr.rel $0x88, $3  }
0x1: {  	(tag) =	ssettag $0x0;
	lr =	simm.s32 $0x1  }
0x2: {  	[smem:$0x3F9E] =	sst lr;
	_ =	strace $0xD0000000  }
0x3: {  	_ = 	snop  }
0x4: {  	_ = 	snop  }
0x5: {  	_ = 	snop  }
0x6: {  	_ = 	snop  }
0x7: {  	_ = 	snop  }
__scs_overlays_trampoline_lowered:
0x8: {  	[smem:$0x3FAD] =	sst s0  }
0x9: {  	[smem:$0x3FAE] =	sst s1  }
0xa: {  	[smem:$0x3FAF] =	sst s2  }
0xb: {  	[smem:$0x3FB0] =	sst s3  }
0xc: {  	[smem:$0x3FB1] =	sst s4  }
0xd: {  	[smem:$0x3FB2] =	sst s5  }
0xe: {  	[smem:$0x3FB3] =	sst s6  }
0xf: {  	[smem:$0x3FB4] =	sst s7  }
0x10: {  	[smem:$0x3FB5] =	sst s8  }
0x11: {  	[smem:$0x3FB6] =	sst s9;
	s0 =	simm.s32 @!p0 $0x0  }
0x12: {  	s1 =	sld [smem:$0x3F9C];
	s0 =	simm.s32 @p0 $0x1  }
0x13: {  	[smem:$0x3FB7] =	sst s0;
	s0 =	simm.s32 @!p1 $0x0  }
0x14: {  	s2 =	sld [smem:$0x3F9B];
	s0 =	simm.s32 @p1 $0x1  }
0x15: {  	[smem:$0x3FB8] =	sst s0;
	s0 =	simm.s32 @!p2 $0x0  }
0x16: {  	s3 =	sld [smem:$0x3FDB];
	s0 =	simm.s32 @p2 $0x1  }
0x17: {  	s4 =	simm.s32 $0x1BF5;
	[smem:$0x3FBA] =	sst s0  }
0x18: {  	s0 =	sld [smem:$0x3F9D];
	_ =	swait.ge [sflag:s4], $0x0  }
0x19: {  	s7 =	sld [smem:$0x3F9E]  }
0x1a: {  	s8 =	sadd.s32 $0xFFFFE003, lr  }
0x1b: {  	s9 =	sadd.s32 $0xFFFFFEF7, lr;
	s5 =	simm.s32 $0xFFFFFFFF;
	p2 =	slt.u32 s8, $0xFFFFF086  }
0x1c: {  	p1 =	slt.u32 s9, $0xF7A;
	s5 =	simm.s32 @!p2 $0x0  }
0x1d: {  	s5 =	simm.s32 @p1 $0x1;
	p0 =	seq.s32 s7, s2  }
0x1e: {  	s7 =	smul.u32 @!p0 $0xF7A, s2;
	p2 =	seq.s32 @!p0 s5, $0x0  }
0x1f: {  	s9 =	smul.u32 $0xF7A, s1;
	s8 =	simm.s32 @!p0 $0x1BF5;
	p2 =	por !p2, p0  }
0x20: {  	[sflag:s8] =	ssyncset.s32 @!p0 $0xFFFFF086;
	s6 =	sadd.s32 @!p0 s3, s7;
	s7 =	simm.s32 @!p0 $0x108  }
0x21: {  	s3 =	sadd.s32 s3, s9;
	s6 =	sadd.s32 @!p0 $0x88, s6;
	s7 =	simm.s32 @p2 $0x1082  }
0x22: {  	[simem:s7], [sflag:s8] =	dma.local @!p0 [hbm:s6], $0xF7A  }
0x23: {  	s9 =	sor.u32 $0xD0000000, s2;
	s6 =	simm.s32 $0x108;
	_ =	swait.ge @!p0 [sflag:s8], $0x0  }
0x24: {  	s3 =	sadd.s32 $0x88, s3;
	s6 =	simm.s32 @!p1 $0x1082;
	[sflag:s4] =	ssyncset.s32 $0xFFFFF086  }
0x25: {  	[simem:s6], [sflag:s4] =	dma.local [hbm:s3], $0xF7A  }
0x26: {  	[smem:$0x3F9E] =	sst s1;
	(tag) =	ssettag s2;
	_ =	strace s9  }
0x27: {  	s1 =	sld [smem:$0x3FAE]  }
0x28: {  	s2 =	sld [smem:$0x3FAF]  }
0x29: {  	s4 =	sld [smem:$0x3FB1]  }
0x2a: {  	p0 =	seq.s32 s5, $0x0;
	s5 =	sld [smem:$0x3FB2]  }
0x2b: {  	s6 =	sld [smem:$0x3FB3]  }
0x2c: {  	s7 =	sld [smem:$0x3FB4]  }
0x2d: {  	s3 =	simm.s32 $0x108;
	s8 =	sld [smem:$0x3FB5]  }
0x2e: {  	s3 =	simm.s32 @!p0 $0x1082;
	s9 =	sld [smem:$0x3FB6]  }
0x2f: {  	lr =	sadd.s32 s0, s3;
	s0 =	sld [smem:$0x3FAD]  }
0x30: {  	s3 =	sld [smem:$0x3FB0]  }
0x31: {  	[smem:$0x3FB9] =	sst s10  }
0x32: {  	s10 =	sld [smem:$0x3FB7];
	_ =	sdelay $0x3  }
0x33: {  	p0 =	seq.s32 s10, $0x1;
	s10 =	sld [smem:$0x3FB9];
	_ =	sdelay $0x3  }
0x34: {  	[smem:$0x3FB9] =	sst s10  }
0x35: {  	s10 =	sld [smem:$0x3FB8];
	_ =	sdelay $0x3  }
0x36: {  	p1 =	seq.s32 s10, $0x1;
	s10 =	sld [smem:$0x3FB9];
	_ =	sdelay $0x3  }
0x37: {  	[smem:$0x3FB9] =	sst s10  }
0x38: {  	s10 =	sld [smem:$0x3FBA]  }
0x39: {  	_ = 	snop;
	(pc) =	sbr.ind lr, $3  }
0x3a: {  	_ = 	snop  }
0x3b: {  	_ = 	snop  }
0x3c: {  	p2 =	seq.s32 s10, $0x1;
	s10 =	sld [smem:$0x3FB9]  }
0x3d: {  	_ =	shalt  }
0x3e: {  	_ =	shalt  }
0x3f: {  	_ =	shalt  }
0x40: {  	_ =	shalt  }
0x41: {  	_ =	shalt  }
0x42: {  	_ =	shalt  }
0x43: {  	_ =	shalt  }
0x44: {  	_ =	shalt  }
0x45: {  	_ =	shalt  }
0x46: {  	_ =	shalt  }
0x47: {  	_ =	shalt  }
0x48: {  	_ =	shalt  }
0x49: {  	_ =	shalt  }
0x4a: {  	_ =	shalt  }
0x4b: {  	_ =	shalt  }
0x4c: {  	_ =	shalt  }
0x4d: {  	_ =	shalt  }
0x4e: {  	_ =	shalt  }
0x4f: {  	_ =	shalt  }
0x50: {  	_ =	shalt  }
0x51: {  	_ =	shalt  }
0x52: {  	_ =	shalt  }
0x53: {  	_ =	shalt  }
0x54: {  	_ =	shalt  }
0x55: {  	_ =	shalt  }
0x56: {  	_ =	shalt  }
0x57: {  	_ =	shalt  }
0x58: {  	_ =	shalt  }
0x59: {  	_ =	shalt  }
0x5a: {  	_ =	shalt  }
0x5b: {  	_ =	shalt  }
0x5c: {  	_ =	shalt  }
0x5d: {  	_ =	shalt  }
0x5e: {  	_ =	shalt  }
0x5f: {  	_ =	shalt  }
0x60: {  	_ =	shalt  }
0x61: {  	_ =	shalt  }
0x62: {  	_ =	shalt  }
0x63: {  	_ =	shalt  }
0x64: {  	_ =	shalt  }
0x65: {  	_ =	shalt  }
0x66: {  	_ =	shalt  }
0x67: {  	_ =	shalt  }
0x68: {  	_ =	shalt  }
0x69: {  	_ =	shalt  }
0x6a: {  	_ =	shalt  }
0x6b: {  	_ =	shalt  }
0x6c: {  	_ =	shalt  }
0x6d: {  	_ =	shalt  }
0x6e: {  	_ =	shalt  }
0x6f: {  	_ =	shalt  }
0x70: {  	_ =	shalt  }
0x71: {  	_ =	shalt  }
0x72: {  	_ =	shalt  }
0x73: {  	_ =	shalt  }
0x74: {  	_ =	shalt  }
0x75: {  	_ =	shalt  }
0x76: {  	_ =	shalt  }
0x77: {  	_ =	shalt  }
0x78: {  	_ =	shalt  }
0x79: {  	_ =	shalt  }
0x7a: {  	_ =	shalt  }
0x7b: {  	_ =	shalt  }
0x7c: {  	_ =	shalt  }
0x7d: {  	_ =	shalt  }
0x7e: {  	_ =	shalt  }
0x7f: {  	_ =	shalt  }
0x80: {  	_ =	shalt  }
0x81: {  	_ =	shalt  }
0x82: {  	_ =	shalt  }
0x83: {  	_ =	shalt  }
0x84: {  	_ =	shalt  }
0x85: {  	_ =	shalt  }
0x86: {  	_ =	shalt  }
0x87: {  	_ =	shalt  }
.Lfunc_end0:
.L_simem_size_0:
called_computation_lowered:
.L_overlay_start_0:
0x88: {  	s2 =	sld [smem:$0x3FD9]  }
0x89: {  	s3 =	sld [smem:$0x3FFE];
	_ =	sdelay $0x1  }
0x8a: {  	s1 =	srdreg.scid  }
0x8b: {  	s0 =	sand.u32 $0x1, s1  }
0x8c: {  	s17 =	sshll.u32 s0, $0xA;
	s2 =	sadd.s32 s3, s2  }
0x8d: {  	s2 =	sadd.s32 s2, s17  }
0x8e: {  	[smem:$0x3FC5] =	sst s2  }
0x8f: {  	_ = 	snop  }
0x90: {  	s2 =	sld [smem:$0x3FC9]  }
0x91: {  	s18 =	sld [smem:$0x3FD0];
	(tm) =	ssettm $0x1  }
0x92: {  	s4 =	sld [smem:$0x3FFB];
	_ =	sdelay $0x3  }
0x93: {  	_ =	strace s4  }
0x94: {  	s4 =	sld [smem:$0x3FFC];
	_ =	sdelay $0x3  }
0x95: {  	_ =	strace s4  }
0x96: {  	s4 =	sld [smem:$0x3FFD];
	_ =	sdelay $0x3  }
0x97: {  	_ =	strace s4  }
0x98: {  	_ =	strace $0x8FFFFFFF  }
0x99: {  	s19 =	sld [smem:$0x3FDB];
	_ =	sdelay $0x1  }
0x9a: {  	s5 =	simm.s32 $_scs_section_size  }
0x9b: {  	s6 =	simm.s32 $_size__tile_overlayer_lowered;
	s7 =	simm.s32 $_tile_overlayer_lowered  }
0x9c: {  	s22 =	simm.s32 $0x1BFF;
	s21 =	sshll.u32 s7, $0x1;
	s4 =	sadd.s32 s5, s19  }
0x9d: {  	s8 =	simm.s32 $0x0;
	s20 =	sshll.u32 s6, $0x1;
	s6 =	sadd.s32 s21, s4  }
0x9e: {  	[timem:s8], [sflag:s22] =	dma.local [hbm:s6], s20  }
0x9f: {  	_ =	swait.ge [sflag:s22], s20  }
0xa0: {  	s5 =	ssub.s32 $0x0, s20;
	[sflag:s22] =	ssyncset.done $0x0  }
0xa1: {  	[sflag:s22] =	ssyncadd.s32 s5;
	_ =	sdelay $0x1  }
0xa2: {  	s23 =	simm.s32 $0x1B8B  }
0xa3: {  	_ =	swait.ge [sflag:s23], $0x1  }
0xa4: {  	[sflag:s23] =	ssyncset.done $0x0  }
0xa5: {  	s25 =	simm.s32 $0x1B8E;
	s24 =	sld [smem:$0x3FFE];
	[sflag:s23] =	ssyncadd.s32 $0xFFFFFFFF  }
0xa6: {  	s26 =	simm.s32 $execute0_lowered;
	[smem:$0x3FD2] =	sst s25  }
0xa7: {  	s6 =	sshll.u32 s26, $0x1;
	_ =	strace $0x80000046;
	[dreg:$0x1] =	wrdreg $0xFFFFFFFF  }
0xa8: {  	s28 =	simm.s32 $_size_execute0_lowered;
	s4 =	sadd.s32 s4, s6;
	[dreg:$0x0] =	wrdreg $0x0  }
0xa9: {  	s6 =	sshll.u32 s28, $0x1;
	[dreg:$0x2] =	wrdreg s4  }
0xaa: {  	[dreg:$0x3] =	wrdreg s6  }
0xab: {  	[dreg:$0x4] =	wrdreg $0xC0  }
0xac: {  	_ =	task [dreg:s8], $0x5FFFF  }
0xad: {  	[dreg:$0x1] =	wrdreg $0xFFFFFFFF  }
0xae: {  	[dreg:$0x0] =	wrdreg $0x60  }
0xaf: {  	[dreg:$0x2] =	wrdreg s2  }
0xb0: {  	[dreg:$0x3] =	wrdreg s24  }
0xb1: {  	[dreg:$0x4] =	wrdreg s18  }
0xb2: {  	[dreg:$0x5] =	wrdreg $0x9  }
0xb3: {  	_ =	task.clear_ibuf [dreg:s8], $0x6FFFF;
	_ =	strace $0x90000046  }
0xb4: {  	s29 =	simm.s32 $0x9;
	_ =	strace $0x80000048  }
0xb5: {  	_ =	swait.ge [sflag:s29], $0x1  }
0xb6: {  	[sflag:s29] =	ssyncadd.s32 $0xFFFFFFFF  }
0xb7: {  	_ =	strace $0x90000048  }
0xb8: {  	_ =	sfence  }
0xb9: {  	s30 =	sld [smem:$0x0];
	_ =	sdelay $0x2  }
0xba: {  	s31 =	sshll.u32 s1, $0xD;
	s1 =	sshrl.u32 s1, $0x2  }
0xbb: {  	s3 =	sand.u32 $0x4000, s31;
	s1 =	sadd.s32 s1, s30  }
0xbc: {  	s0 =	sor.u32 s3, s0;
	s1 =	sshll.u32 s1, $0x11  }
0xbd: {  	s0 =	sor.u32 s1, s0  }
0xbe: {  	s0 =	sadd.s32 $0x8F2B, s0  }
0xbf: {  	[sflag:s0] =	ssyncadd.remote.s32 $0x1  }
0xc0: {  	_ =	sfence.sel $0xFFFF  }
0xc1: {  	[dreg:$0x0] =	wrdreg $0xFFFFFFFF;
	(pc) =	sbr.abs _section_cstart, $3  }
0xc2: {  	[dreg:$0x1] =	wrdreg $0xFFFFFFFF  }
0xc3: {  	_ =	task.clear_ibuf [dreg:s8], $0x2FFFF;
	_ =	strace $0x9FFFFFFF  }
0xc4: {  	(tm) =	ssettm $0x7FFFFFFF  }
0xc5: {  	_ =	shalt  }
tec
execute0_lowered:
.L_overlay_start_1:
0x0: {  	(tag) =	ssettag $0x1  }
0x1: {  	s1 =	rddreg [dreg:$0x0]  }
0x2: {  	s0 =	rddreg [dreg:$0x1]  }
0x3: {  	s2 =	rddreg [dreg:$0x2]  }
0x4: {  	s3 =	simm.s32 $0x0;
	s4 =	srdreg.scid;
	s7 =	stileid.u32  }
0x5: {  	s31 =	simm.s32 $0x200;
	s13 =	simm.s32 $0x16400;
	s16 =	simm.s32 $0x17400  }
0x6: {  	s11 =	simm.s32 $0x0;
	[smem:$0x7FF] =	sst s3;
	s4 =	sand.u32 $0x1, s4  }
0x7: {  	s6 =	sadd.s32 $0x800, s0;
	s7 =	sshll.u32 s7, $0x1;
	s0 =	sadd.s32 $0xA00, s0  }
0x8: {  	s9 =	sadd.s32 $0x10, s1;
	s12 =	sadd.s32 $0x20, s1;
	s14 =	sadd.s32 $0x30, s1  }
0x9: {  	s15 =	sadd.s32 $0x40, s1;
	s20 =	sadd.s32 $0x60, s1;
	_ =	strace $0x80000047  }
0xa: {  	s5 =	ssub.s32 $0x2, s4;
	[dreg:$0x4] =	wrdreg s6;
	s4 =	sor.u32 s4, s7  }
0xb: {  	s28 =	sadd.s32 $0x30, s2;
	[dreg:$0x5] =	wrdreg s0;
	s8 =	sshll.u32 s4, $0x12  }
0xc: {  	s6 =	simm.s32 $0x2;
	s7 =	sshll.u32 s4, $0x11;
	s4 =	sadd.s32 s1, s8  }
0xd: {  	s18 =	sshrl.u32 s5, $0x1;
	s21 =	sadd.s32 s8, s9;
	[dreg:$0x6] =	wrdreg s4  }
0xe: {  	s19 =	ssub.s32 s5, s18;
	s22 =	sadd.s32 s8, s12;
	[dreg:$0x7] =	wrdreg s21  }
0xf: {  	s23 =	sadd.s32 s8, s14;
	s24 =	sadd.s32 s8, s15;
	[dreg:$0x8] =	wrdreg s22  }
0x10: {  	s18 =	sadd.s32 $0x50, s1;
	s26 =	sadd.s32 s8, s20;
	[dreg:$0x9] =	wrdreg s23  }
0x11: {  	s29 =	sor.u32 $0x2000, s8;
	[dreg:$0xa] =	wrdreg s24;
	s25 =	sadd.s32 s8, s18  }
0x12: {  	s21 =	sadd.s32 $0x70, s1;
	[dreg:$0xc] =	wrdreg s26;
	s24 =	sadd.s32 $0x10, s2  }
0x13: {  	s0 =	smax.u32 s19, $0x1;
	s26 =	sadd.s32 $0x20, s2;
	[dreg:$0xb] =	wrdreg s25  }
0x14: {  	s4 =	simm.s32 $0x400;
	s30 =	sadd.s32 s8, s21;
	[dreg:$0xe] =	wrdreg s0  }
0x15: {  	s22 =	simm.s32 $0x1;
	s0 =	simm.s32 $0x80;
	[dreg:$0xd] =	wrdreg s30  }
.LBB2_1:
0x16: {  	[dreg:$0xf] =	wrdreg s11  }
0x17: {  	s5 =	rddreg [dreg:$0x4];
	s10 =	simm.s32 $0x5  }
0x18: {  	[tilespmem:s3], [sflag:$0x5] =	stream.linear.gather [hbm4b:s5+s3], $0x200, $0x38;
	[tilespmem:$0x18400] =	vst v63  }
0x19: {  	_ =	swait.ge [sflag:s10], $0x200  }
0x1a: {  	[sflag:s10] =	ssyncset.done $0x0  }
0x1b: {  	s19 =	rddreg [dreg:$0x5];
	[sflag:s10] =	ssyncadd.s32 $0xFFFFFE00  }
0x1c: {  	[tilespmem:s31], [sflag:$0x5] =	stream.linear.gather [hbm4b:s19+s3], $0x200, $0x38;
	[tilespmem:$0x18400] =	vst v63  }
0x1d: {  	_ =	swait.ge [sflag:s10], $0x200  }
0x1e: {  	[sflag:s10] =	ssyncset.done $0x0  }
0x1f: {  	s23 =	rddreg [dreg:$0x6];
	[sflag:s10] =	ssyncadd.s32 $0xFFFFFE00  }
0x20: {  	[tilespmem:s4], [sflag:$0x1] =	stream.strided.gather [hbm4b:s23+s0], $0x1000, s4, s0, $0x38;
	[tilespmem:$0x18400] =	vst v63  }
0x21: {  	s30 =	simm.s32 $0x1400;
	s25 =	rddreg [dreg:$0x7]  }
0x22: {  	[tilespmem:s30], [sflag:$0x1] =	stream.strided.gather [hbm4b:s25+s0], $0x1000, s4, s0, $0x38;
	[tilespmem:$0x18400] =	vst v63  }
0x23: {  	s17 =	simm.s32 $0x2400;
	s11 =	rddreg [dreg:$0x8]  }
0x24: {  	[tilespmem:s17], [sflag:$0x1] =	stream.strided.gather [hbm4b:s11+s0], $0x1000, s4, s0, $0x38;
	[tilespmem:$0x18400] =	vst v63  }
0x25: {  	s19 =	rddreg [dreg:$0x9];
	s23 =	simm.s32 $0x3400  }
0x26: {  	[tilespmem:s23], [sflag:$0x1] =	stream.strided.gather [hbm4b:s19+s0], $0x1000, s4, s0, $0x38;
	[tilespmem:$0x18400] =	vst v63  }
0x27: {  	s25 =	rddreg [dreg:$0xa];
	s30 =	simm.s32 $0x4400  }
0x28: {  	[tilespmem:s30], [sflag:$0x1] =	stream.strided.gather [hbm4b:s25+s0], $0x1000, s4, s0, $0x38;
	[tilespmem:$0x18400] =	vst v63  }
0x29: {  	s11 =	rddreg [dreg:$0xb];
	s17 =	simm.s32 $0x5400  }
0x2a: {  	[tilespmem:s17], [sflag:$0x1] =	stream.strided.gather [hbm4b:s11+s0], $0x1000, s4, s0, $0x38;
	[tilespmem:$0x18400] =	vst v63  }
0x2b: {  	s19 =	rddreg [dreg:$0xc];
	s23 =	simm.s32 $0x6400  }
0x2c: {  	[tilespmem:s23], [sflag:$0x1] =	stream.strided.gather [hbm4b:s19+s0], $0x1000, s4, s0, $0x38;
	[tilespmem:$0x18400] =	vst v63  }
0x2d: {  	s25 =	rddreg [dreg:$0xd];
	s30 =	simm.s32 $0x7400;
	s17 =	simm.s32 $0x0  }
0x2e: {  	[tilespmem:s30], [sflag:$0x1] =	stream.strided.gather [hbm4b:s25+s0], $0x1000, s4, s0, $0x38;
	[tilespmem:$0x18400] =	vst v63  }
.LBB2_2:
0x2f: {  	s19 =	sshllo.u32 s17, $0x1  }
0x30: {  	s5 =	sshll.u32 s19, $0xC  }
0x31: {  	s5 =	sadd.s32 s8, s5  }
0x32: {  	s11 =	simm.s32 $0x8400;
	s10 =	sadd.s32 s1, s5  }
0x33: {  	[tilespmem:s11], [sflag:$0x2] =	stream.strided.gather [hbm4b:s10+s0], $0x1000, s4, s0, $0x38;
	[tilespmem:$0x18400] =	vst v63  }
0x34: {  	s25 =	simm.s32 $0x9400;
	s23 =	sadd.s32 s5, s9  }
0x35: {  	[tilespmem:s25], [sflag:$0x2] =	stream.strided.gather [hbm4b:s23+s0], $0x1000, s4, s0, $0x38;
	[tilespmem:$0x18400] =	vst v63  }
0x36: {  	s23 =	sadd.s32 s5, s12;
	s25 =	simm.s32 $0xA400  }
0x37: {  	[tilespmem:s25], [sflag:$0x2] =	stream.strided.gather [hbm4b:s23+s0], $0x1000, s4, s0, $0x38;
	[tilespmem:$0x18400] =	vst v63  }
0x38: {  	s23 =	sadd.s32 s5, s14;
	s25 =	simm.s32 $0xB400  }
0x39: {  	[tilespmem:s25], [sflag:$0x2] =	stream.strided.gather [hbm4b:s23+s0], $0x1000, s4, s0, $0x38;
	[tilespmem:$0x18400] =	vst v63  }
0x3a: {  	s23 =	sadd.s32 s5, s15;
	s25 =	simm.s32 $0xC400  }
0x3b: {  	[tilespmem:s25], [sflag:$0x2] =	stream.strided.gather [hbm4b:s23+s0], $0x1000, s4, s0, $0x38;
	[tilespmem:$0x18400] =	vst v63  }
0x3c: {  	s23 =	sadd.s32 s5, s18;
	s25 =	simm.s32 $0xD400  }
0x3d: {  	[tilespmem:s25], [sflag:$0x2] =	stream.strided.gather [hbm4b:s23+s0], $0x1000, s4, s0, $0x38;
	[tilespmem:$0x18400] =	vst v63  }
0x3e: {  	s23 =	sadd.s32 s5, s20;
	s25 =	simm.s32 $0xE400  }
0x3f: {  	[tilespmem:s25], [sflag:$0x2] =	stream.strided.gather [hbm4b:s23+s0], $0x1000, s4, s0, $0x38;
	[tilespmem:$0x18400] =	vst v63  }
0x40: {  	s5 =	sadd.s32 s5, s21;
	s23 =	simm.s32 $0xF400  }
0x41: {  	[tilespmem:s23], [sflag:$0x2] =	stream.strided.gather [hbm4b:s5+s0], $0x1000, s4, s0, $0x38;
	[tilespmem:$0x18400] =	vst v63  }
0x42: {  	_ =	swait.ge [sflag:s22], $0x1000  }
0x43: {  	[sflag:s22] =	ssyncset.done $0x0  }
0x44: {  	[sflag:s22] =	ssyncadd.s32 $0xFFFFF000  }
0x45: {  	_ =	swait.ge [sflag:s22], $0x1000  }
0x46: {  	[sflag:s22] =	ssyncset.done $0x0  }
0x47: {  	[sflag:s22] =	ssyncadd.s32 $0xFFFFF000  }
0x48: {  	_ =	swait.ge [sflag:s22], $0x1000  }
0x49: {  	[sflag:s22] =	ssyncset.done $0x0  }
0x4a: {  	[sflag:s22] =	ssyncadd.s32 $0xFFFFF000  }
0x4b: {  	_ =	swait.ge [sflag:s22], $0x1000  }
0x4c: {  	[sflag:s22] =	ssyncset.done $0x0  }
0x4d: {  	[sflag:s22] =	ssyncadd.s32 $0xFFFFF000  }
0x4e: {  	_ =	swait.ge [sflag:s22], $0x1000  }
0x4f: {  	[sflag:s22] =	ssyncset.done $0x0  }
0x50: {  	[sflag:s22] =	ssyncadd.s32 $0xFFFFF000  }
0x51: {  	_ =	swait.ge [sflag:s22], $0x1000  }
0x52: {  	[sflag:s22] =	ssyncset.done $0x0  }
0x53: {  	[sflag:s22] =	ssyncadd.s32 $0xFFFFF000  }
0x54: {  	_ =	swait.ge [sflag:s22], $0x1000  }
0x55: {  	[sflag:s22] =	ssyncset.done $0x0  }
0x56: {  	[sflag:s22] =	ssyncadd.s32 $0xFFFFF000  }
0x57: {  	_ =	swait.ge [sflag:s22], $0x1000  }
0x58: {  	p0 =	seq.s32 s17, $0x0;
	[sflag:s22] =	ssyncset.done $0x0  }
0x59: {  	s5 =	simm.s32 @!p0 $0x3;
	[sflag:s22] =	ssyncadd.s32 $0xFFFFF000  }
0x5a: {  	_ =	swait.ge @!p0 [sflag:s5], $0x1000  }
0x5b: {  	[sflag:s5] =	ssyncset.done @!p0 $0x0  }
0x5c: {  	[sflag:s5] =	ssyncadd.s32 @!p0 $0xFFFFF000  }
0x5d: {  	_ =	swait.ge @!p0 [sflag:s5], $0x1000  }
0x5e: {  	[sflag:s5] =	ssyncset.done @!p0 $0x0  }
0x5f: {  	[sflag:s5] =	ssyncadd.s32 @!p0 $0xFFFFF000  }
0x60: {  	_ =	swait.ge @!p0 [sflag:s5], $0x1000  }
0x61: {  	[sflag:s5] =	ssyncset.done @!p0 $0x0  }
0x62: {  	[sflag:s5] =	ssyncadd.s32 @!p0 $0xFFFFF000  }
0x63: {  	_ =	swait.ge @!p0 [sflag:s5], $0x1000  }
0x64: {  	[sflag:s5] =	ssyncset.done @!p0 $0x0  }
0x65: {  	s25 =	simm.s32 $0x1400;
	[sflag:s5] =	ssyncadd.s32 @!p0 $0xFFFFF000  }
0x66: {  	v0 =	vld [tilespmem:s25+$0x70]  }
0x67: {  	v1 =	vld [tilespmem:s25+$0xFFFFF070]  }
0x68: {  	v2 =	vld [tilespmem:s25+$0x0]  }
0x69: {  	v3 =	vld [tilespmem:s25+$0x10]  }
0x6a: {  	v4 =	vld [tilespmem:s25+$0x20]  }
0x6b: {  	v5 =	vld [tilespmem:s25+$0x30]  }
0x6c: {  	v7 =	vld [tilespmem:s25+$0x40]  }
0x6d: {  	v10 =	vld [tilespmem:s25+$0x50]  }
0x6e: {  	v12 =	vld [tilespmem:s25+$0x60]  }
0x6f: {  	v13 =	vld [tilespmem:s25+$0xFFFFF010];
	v6 =	vmax.f32 v0, $-8.000000000e+00  }
0x70: {  	v15 =	vld [tilespmem:s25+$0xFFFFF020];
	v8 =	vmax.f32 v1, $-8.000000000e+00;
	v9 =	vmax.f32 v2, $-8.000000000e+00;
	v6 =	vmul.f32 $8.000000000e+00, v6  }
0x71: {  	v24 =	vld [tilespmem:s25+$0xFFFFF050];
	v11 =	vmax.f32 v3, $-8.000000000e+00;
	v14 =	vmax.f32 v4, $-8.000000000e+00;
	v8 =	vmul.f32 $8.000000000e+00, v8  }
0x72: {  	v26 =	vld [tilespmem:s25+$0xFFFFF060];
	v16 =	vmax.f32 v5, $-8.000000000e+00;
	v17 =	vmax.f32 v7, $-8.000000000e+00;
	v6 =	vadd.f32 $8.388672000e+06, v6  }
0x73: {  	v19 =	vmax.f32 v10, $-8.000000000e+00;
	v22 =	vmax.f32 v12, $-8.000000000e+00;
	v8 =	vadd.f32 $8.388672000e+06, v8  }
0x74: {  	v23 =	vmax.f32 v13, $-8.000000000e+00;
	v9 =	vmul.f32 $8.000000000e+00, v9;
	v6 =	vand.u32 $0x1FF, v6  }
0x75: {  	v25 =	vmax.f32 v15, $-8.000000000e+00;
	v11 =	vmul.f32 $8.000000000e+00, v11;
	v8 =	vand.u32 $0x1FF, v8  }
0x76: {  	v18 =	vld [tilespmem:s25+$0xFFFFF030];
	v33 =	vmax.f32 v24, $-8.000000000e+00;
	v14 =	vmul.f32 $8.000000000e+00, v14;
	v9 =	vadd.f32 $8.388672000e+06, v9  }
0x77: {  	v20 =	vld [tilespmem:s25+$0xFFFFF000];
	v36 =	vmax.f32 v26, $-8.000000000e+00;
	v16 =	vmul.f32 $8.000000000e+00, v16;
	v11 =	vadd.f32 $8.388672000e+06, v11  }
0x78: {  	v21 =	vld [tilespmem:s25+$0xFFFFF040];
	v17 =	vmul.f32 $8.000000000e+00, v17;
	v14 =	vadd.f32 $8.388672000e+06, v14;
	v9 =	vand.u32 $0x1FF, v9  }
0x79: {  	v19 =	vmul.f32 $8.000000000e+00, v19;
	v16 =	vadd.f32 $8.388672000e+06, v16;
	v11 =	vand.u32 $0x1FF, v11;
	v27 =	vld.idx.msk [tilespmem:v6+s31+$0x0], $0xffff  }
0x7a: {  	v22 =	vmul.f32 $8.000000000e+00, v22;
	v17 =	vadd.f32 $8.388672000e+06, v17;
	v14 =	vand.u32 $0x1FF, v14;
	v29 =	vld.idx.msk [tilespmem:v8+s31+$0x0], $0xffff  }
0x7b: {  	v23 =	vmul.f32 $8.000000000e+00, v23;
	v19 =	vadd.f32 $8.388672000e+06, v19;
	v16 =	vand.u32 $0x1FF, v16;
	v6 =	vld.idx.msk [tilespmem:v6+s3+$0x0], $0xffff  }
0x7c: {  	v25 =	vmul.f32 $8.000000000e+00, v25;
	v22 =	vadd.f32 $8.388672000e+06, v22;
	v17 =	vand.u32 $0x1FF, v17;
	v8 =	vld.idx.msk [tilespmem:v8+s3+$0x0], $0xffff  }
0x7d: {  	v33 =	vmul.f32 $8.000000000e+00, v33;
	v23 =	vadd.f32 $8.388672000e+06, v23;
	v19 =	vand.u32 $0x1FF, v19;
	v32 =	vld.idx.msk [tilespmem:v9+s31+$0x0], $0xffff  }
0x7e: {  	v36 =	vmul.f32 $8.000000000e+00, v36;
	v25 =	vadd.f32 $8.388672000e+06, v25;
	v22 =	vand.u32 $0x1FF, v22;
	v34 =	vld.idx.msk [tilespmem:v11+s31+$0x0], $0xffff  }
0x7f: {  	v33 =	vadd.f32 $8.388672000e+06, v33;
	v23 =	vand.u32 $0x1FF, v23;
	v35 =	vld.idx.msk [tilespmem:v14+s31+$0x0], $0xffff  }
0x80: {  	v36 =	vadd.f32 $8.388672000e+06, v36;
	v25 =	vand.u32 $0x1FF, v25;
	v37 =	vld.idx.msk [tilespmem:v16+s31+$0x0], $0xffff  }
0x81: {  	v33 =	vand.u32 $0x1FF, v33;
	v38 =	vld.idx.msk [tilespmem:v17+s31+$0x0], $0xffff  }
0x82: {  	v28 =	vmax.f32 v18, $-8.000000000e+00;
	v48 =	vand.u32 $0x1FF, v36;
	v39 =	vld.idx.msk [tilespmem:v19+s31+$0x0], $0xffff  }
0x83: {  	v31 =	vmax.f32 v21, $-8.000000000e+00;
	v28 =	vmul.f32 $8.000000000e+00, v28;
	v40 =	vld.idx.msk [tilespmem:v22+s31+$0x0], $0xffff  }
0x84: {  	v31 =	vmul.f32 $8.000000000e+00, v31;
	v49 =	vld.idx.msk [tilespmem:v23+s31+$0x0], $0xffff  }
0x85: {  	v30 =	vmax.f32 v20, $-8.000000000e+00;
	v28 =	vadd.f32 $8.388672000e+06, v28;
	v50 =	vld.idx.msk [tilespmem:v25+s31+$0x0], $0xffff  }
0x86: {  	v30 =	vmul.f32 $8.000000000e+00, v30;
	v31 =	vadd.f32 $8.388672000e+06, v31;
	v51 =	vld.idx.msk [tilespmem:v33+s31+$0x0], $0xffff  }
0x87: {  	v28 =	vand.u32 $0x1FF, v28;
	v52 =	vld.idx.msk [tilespmem:v48+s31+$0x0], $0xffff;
	v0 =	vmul.f32 v27, v0;
	v1 =	vmul.f32 v29, v1  }
0x88: {  	v31 =	vand.u32 $0x1FF, v31;
	v9 =	vld.idx.msk [tilespmem:v9+s3+$0x0], $0xffff;
	v2 =	vmul.f32 v32, v2;
	v3 =	vmul.f32 v34, v3  }
0x89: {  	v30 =	vadd.f32 $8.388672000e+06, v30;
	v23 =	vld.idx.msk [tilespmem:v23+s3+$0x0], $0xffff;
	v4 =	vmul.f32 v35, v4;
	v5 =	vmul.f32 v37, v5  }
0x8a: {  	v53 =	vmul.f32 v38, v7;
	v7 =	vld.idx.msk [tilespmem:v11+s3+$0x0], $0xffff;
	v10 =	vmul.f32 v39, v10  }
0x8b: {  	v30 =	vand.u32 $0x1FF, v30;
	v11 =	vld.idx.msk [tilespmem:v14+s3+$0x0], $0xffff;
	v12 =	vmul.f32 v40, v12;
	v13 =	vmul.f32 v49, v13  }
0x8c: {  	v15 =	vmul.f32 v50, v15;
	v0 =	vadd.f32 v0, v6;
	v6 =	vld.idx.msk [tilespmem:v28+s31+$0x0], $0xffff;
	v1 =	vadd.f32 v1, v8  }
0x8d: {  	v57 =	vmul.f32 v51, v24;
	v59 =	vmul.f32 v52, v26;
	v8 =	vld.idx.msk [tilespmem:v31+s31+$0x0], $0xffff;
	v2 =	vadd.f32 v2, v9  }
0x8e: {  	v14 =	vld.idx.msk [tilespmem:v16+s3+$0x0], $0xffff;
	v13 =	vadd.f32 v13, v23;
	v0 =	vadd.s32 $0x1000, v0;
	v1 =	vadd.s32 $0x1000, v1  }
0x8f: {  	v54 =	vld.idx.msk [tilespmem:v17+s3+$0x0], $0xffff;
	v2 =	vadd.s32 $0x1000, v2;
	v0 =	vshra.s32 v0, $0xD;
	v1 =	vshra.s32 v1, $0xD  }
0x90: {  	v3 =	vadd.f32 v3, v7;
	v4 =	vadd.f32 v4, v11;
	vm0 =	vgt.s32 v0, $0x1C000  }
0x91: {  	v55 =	vld.idx.msk [tilespmem:v19+s3+$0x0], $0xffff;
	v7 =	vshra.s32 v2, $0xD;
	v0 =	vnsel vm0, $0x1C000, v0;
	vm0 =	vgt.s32 v1, $0x1C000  }
0x92: {  	v41 =	vld.idx.msk [tilespmem:v30+s31+$0x0], $0xffff;
	v6 =	vmul.f32 v6, v18;
	v56 =	vmul.f32 v8, v21;
	v2 =	vadd.s32 $0x1000, v3  }
0x93: {  	v58 =	vld.idx.msk [tilespmem:v22+s3+$0x0], $0xffff;
	v3 =	vadd.f32 v5, v14;
	v1 =	vnsel vm0, $0x1C000, v1;
	v0 =	vshll.u32 v0, $0x10  }
0x94: {  	v60 =	vld.idx.msk [tilespmem:v30+s3+$0x0], $0xffff;
	v8 =	vshra.s32 v2, $0xD;
	v2 =	vadd.s32 $0x1000, v4;
	v4 =	vadd.f32 v53, v54  }
0x95: {  	v61 =	vld.idx.msk [tilespmem:v28+s3+$0x0], $0xffff;
	vm0 =	vgt.s32 v7, $0x1C000;
	v1 =	vadd.s32 $0xFFFE4000, v1;
	v0 =	vadd.s32 $0x40000000, v0  }
0x96: {  	v5 =	vld.idx.msk [tilespmem:v25+s3+$0x0], $0xffff;
	v9 =	vshra.s32 v2, $0xD;
	v2 =	vadd.s32 $0x1000, v3;
	v3 =	vadd.f32 v10, v55  }
0x97: {  	vm1 =	vgt.s32 v8, $0x1C000;
	v0 =	vor.u32 v1, v0;
	v1 =	vmul.f32 v41, v20  }
0x98: {  	v62 =	vld.idx.msk [tilespmem:v31+s3+$0x0], $0xffff;
	v10 =	vshra.s32 v2, $0xD;
	v2 =	vadd.s32 $0x1000, v4;
	v4 =	vadd.f32 v12, v58  }
0x99: {  	v63 =	vld.idx.msk [tilespmem:v33+s3+$0x0], $0xffff;
	vm2 =	vgt.s32 v9, $0x1C000;
	v11 =	vshra.s32 v2, $0xD;
	v2 =	vadd.s32 $0x1000, v3  }
0x9a: {  	v3 =	vld.idx.msk [tilespmem:v48+s3+$0x0], $0xffff;
	vm3 =	vgt.s32 v10, $0x1C000;
	v1 =	vadd.f32 v1, v60;
	v12 =	vshra.s32 v2, $0xD  }
0x9b: {  	v2 =	vadd.s32 $0x1000, v4;
	v4 =	vadd.f32 v15, v5;
	v5 =	vadd.f32 v6, v61  }
0x9c: {  	vm4 =	vgt.s32 v11, $0x1C000;
	v14 =	vshra.s32 v2, $0xD;
	v2 =	vadd.s32 $0x1000, v13  }
0x9d: {  	vm5 =	vgt.s32 v12, $0x1C000;
	v1 =	vadd.s32 $0x1000, v1;
	v6 =	vadd.s32 $0x1000, v4  }
0x9e: {  	v4 =	vadd.f32 v56, v62;
	v15 =	vadd.s32 $0x1000, v5;
	v5 =	vadd.f32 v57, v63  }
0x9f: {  	s5 =	simm.s32 $0x10440;
	vm7 =	vgt.s32 v14, $0x1C000;
	v2 =	vshra.s32 v2, $0xD;
	v3 =	vadd.f32 v59, v3  }
0xa0: {  	s30 =	simm.s32 $0x10440;
	s10 =	simm.s32 $0x0;
	[tilespmem:s5+$0x30] =	vst v0;
	v1 =	vshra.s32 v1, $0xD;
	v0 =	vshra.s32 v15, $0xD;
	v4 =	vadd.s32 $0x1000, v4  }
0xa1: {  	s11 =	simm.s32 $0x1480;
	s23 =	simm.s32 $0x11470;
	s25 =	simm.s32 $0x3470;
	v5 =	vadd.s32 $0x1000, v5;
	v13 =	vadd.s32 $0x1000, v3;
	v3 =	vshra.s32 v6, $0xD  }
.LBB2_3:
0xa2: {  	v27 =	vld [tilespmem:s11+$0x70];
	s10 =	sadd.s32 $0x8, s10;
	v6 =	vshra.s32 v4, $0xD;
	v4 =	vshra.s32 v5, $0xD;
	v5 =	vshra.s32 v13, $0xD  }
0xa3: {  	v7 =	vnsel vm0, $0x1C000, v7;
	v8 =	vnsel vm1, $0x1C000, v8;
	v17 =	vnsel vm2, $0x1C000, v9;
	v28 =	vld [tilespmem:s11+$0xFFFFF070];
	p1 =	slt.u32 s10, $0xF8  }
0xa4: {  	v19 =	vnsel vm3, $0x1C000, v10;
	v13 =	vnsel vm4, $0x1C000, v11;
	v15 =	vnsel vm5, $0x1C000, v12;
	v24 =	vld [tilespmem:s11+$0x0]  }
0xa5: {  	vm6 =	vgt.s32 v1, $0x1C000;
	vm0 =	vgt.s32 v2, $0x1C000;
	v16 =	vnsel vm7, $0x1C000, v14;
	v20 =	vld [tilespmem:s11+$0x10]  }
0xa6: {  	vm5 =	vgt.s32 v3, $0x1C000;
	vm1 =	vgt.s32 v0, $0x1C000;
	vm2 =	vgt.s32 v6, $0x1C000;
	v21 =	vld [tilespmem:s11+$0x20]  }
0xa7: {  	vm3 =	vgt.s32 v4, $0x1C000;
	vm4 =	vgt.s32 v5, $0x1C000;
	v22 =	vld [tilespmem:s11+$0x30];
	v9 =	vmax.f32 v27, $-8.000000000e+00  }
0xa8: {  	v7 =	vshll.u32 v7, $0x10;
	v23 =	vld [tilespmem:s11+$0x40];
	v10 =	vmax.f32 v28, $-8.000000000e+00;
	v9 =	vmul.f32 $8.000000000e+00, v9  }
0xa9: {  	v11 =	vshll.u32 v8, $0x10;
	v12 =	vmax.f32 v24, $-8.000000000e+00;
	v25 =	vld [tilespmem:s11+$0x50];
	v10 =	vmul.f32 $8.000000000e+00, v10  }
0xaa: {  	v12 =	vmul.f32 $8.000000000e+00, v12;
	v14 =	vmax.f32 v20, $-8.000000000e+00;
	v26 =	vld [tilespmem:s11+$0x60];
	v18 =	vadd.f32 $8.388672000e+06, v9  }
0xab: {  	v8 =	vld [tilespmem:s11+$0xFFFFF010];
	v14 =	vmul.f32 $8.000000000e+00, v14;
	v29 =	vmax.f32 v21, $-8.000000000e+00;
	v30 =	vadd.f32 $8.388672000e+06, v10  }
0xac: {  	v9 =	vld [tilespmem:s11+$0xFFFFF020];
	v29 =	vmul.f32 $8.000000000e+00, v29;
	v31 =	vmax.f32 v22, $-8.000000000e+00;
	v32 =	vand.u32 $0x1FF, v18  }
0xad: {  	v10 =	vld [tilespmem:s11+$0xFFFFF030];
	v31 =	vmul.f32 $8.000000000e+00, v31;
	v18 =	vmax.f32 v23, $-8.000000000e+00;
	v30 =	vand.u32 $0x1FF, v30  }
0xae: {  	v33 =	vadd.f32 $8.388672000e+06, v12;
	v12 =	vld [tilespmem:s11+$0xFFFFF040];
	v34 =	vmul.f32 $8.000000000e+00, v18;
	v18 =	vmax.f32 v25, $-8.000000000e+00  }
0xaf: {  	v35 =	vadd.f32 $8.388672000e+06, v14;
	v14 =	vld [tilespmem:s11+$0xFFFFF050];
	v36 =	vmul.f32 $8.000000000e+00, v18;
	v37 =	vmax.f32 v26, $-8.000000000e+00  }
0xb0: {  	v29 =	vadd.f32 $8.388672000e+06, v29;
	v38 =	vmax.f32 v8, $-8.000000000e+00;
	v18 =	vld [tilespmem:s11+$0xFFFFF060];
	v37 =	vmul.f32 $8.000000000e+00, v37  }
0xb1: {  	v31 =	vadd.f32 $8.388672000e+06, v31;
	v38 =	vmul.f32 $8.000000000e+00, v38;
	v39 =	vmax.f32 v9, $-8.000000000e+00;
	v40 =	vld.idx.msk [tilespmem:v32+s31+$0x0], $0xffff  }
0xb2: {  	v34 =	vadd.f32 $8.388672000e+06, v34;
	v39 =	vmul.f32 $8.000000000e+00, v39;
	v41 =	vmax.f32 v10, $-8.000000000e+00;
	v42 =	vld.idx.msk [tilespmem:v30+s31+$0x0], $0xffff  }
0xb3: {  	v36 =	vadd.f32 $8.388672000e+06, v36;
	v41 =	vmul.f32 $8.000000000e+00, v41;
	v43 =	vmax.f32 v12, $-8.000000000e+00;
	v32 =	vld.idx.msk [tilespmem:v32+s3+$0x0], $0xffff  }
0xb4: {  	v37 =	vadd.f32 $8.388672000e+06, v37;
	v43 =	vmul.f32 $8.000000000e+00, v43;
	v44 =	vmax.f32 v14, $-8.000000000e+00;
	v30 =	vld.idx.msk [tilespmem:v30+s3+$0x0], $0xffff  }
0xb5: {  	v38 =	vadd.f32 $8.388672000e+06, v38;
	v45 =	vld [tilespmem:s11+$0xFFFFF000];
	v44 =	vmul.f32 $8.000000000e+00, v44;
	v46 =	vmax.f32 v18, $-8.000000000e+00  }
0xb6: {  	v39 =	vadd.f32 $8.388672000e+06, v39;
	v41 =	vadd.f32 $8.388672000e+06, v41;
	v46 =	vmul.f32 $8.000000000e+00, v46  }
0xb7: {  	v43 =	vadd.f32 $8.388672000e+06, v43;
	v27 =	vmul.f32 v40, v27;
	v44 =	vadd.f32 $8.388672000e+06, v44  }
0xb8: {  	v33 =	vand.u32 $0x1FF, v33;
	v28 =	vmul.f32 v42, v28;
	v40 =	vadd.f32 $8.388672000e+06, v46  }
0xb9: {  	v35 =	vand.u32 $0x1FF, v35;
	v29 =	vand.u32 $0x1FF, v29;
	v27 =	vadd.f32 v27, v32  }
0xba: {  	v31 =	vand.u32 $0x1FF, v31;
	v28 =	vadd.f32 v28, v30;
	v32 =	vmax.f32 v45, $-8.000000000e+00  }
0xbb: {  	v27 =	vadd.s32 $0x1000, v27;
	v30 =	vmul.f32 $8.000000000e+00, v32;
	v32 =	vand.u32 $0x1FF, v34  }
0xbc: {  	v34 =	vand.u32 $0x1FF, v36;
	v28 =	vadd.s32 $0x1000, v28;
	v27 =	vshra.s32 v27, $0xD  }
0xbd: {  	v28 =	vshra.s32 v28, $0xD;
	vm7 =	vgt.s32 v27, $0x1C000;
	v30 =	vadd.f32 $8.388672000e+06, v30;
	v36 =	vld.idx.msk [tilespmem:v33+s31+$0x0], $0xffff  }
0xbe: {  	v37 =	vand.u32 $0x1FF, v37;
	vm8 =	vgt.s32 v28, $0x1C000;
	v27 =	vnsel vm7, $0x1C000, v27;
	v42 =	vld.idx.msk [tilespmem:v35+s31+$0x0], $0xffff  }
0xbf: {  	v28 =	vnsel vm8, $0x1C000, v28;
	v27 =	vshll.u32 v27, $0x10;
	v30 =	vand.u32 $0x1FF, v30;
	v46 =	vld.idx.msk [tilespmem:v29+s31+$0x0], $0xffff  }
0xc0: {  	v38 =	vand.u32 $0x1FF, v38;
	v28 =	vadd.s32 $0xFFFE4000, v28;
	v27 =	vadd.s32 $0x40000000, v27;
	v47 =	vld.idx.msk [tilespmem:v31+s31+$0x0], $0xffff  }
0xc1: {  	s5 =	sadd.s32 $0x80, s5;
	v39 =	vand.u32 $0x1FF, v39;
	v41 =	vand.u32 $0x1FF, v41;
	v27 =	vor.u32 v28, v27;
	v48 =	vld.idx.msk [tilespmem:v32+s31+$0x0], $0xffff  }
0xc2: {  	v40 =	vand.u32 $0x1FF, v40;
	v28 =	vand.u32 $0x1FF, v43;
	v43 =	vand.u32 $0x1FF, v44;
	v44 =	vld.idx.msk [tilespmem:v34+s31+$0x0], $0xffff;
	[tilespmem:s5+$0x30] =	vst v27  }
0xc3: {  	v17 =	vshll.u32 v17, $0x10;
	v19 =	vshll.u32 v19, $0x10;
	v24 =	vmul.f32 v36, v24;
	v27 =	vld.idx.msk [tilespmem:v37+s31+$0x0], $0xffff  }
0xc4: {  	v13 =	vshll.u32 v13, $0x10;
	v15 =	vshll.u32 v15, $0x10;
	v20 =	vmul.f32 v42, v20;
	v36 =	vld.idx.msk [tilespmem:v30+s31+$0x0], $0xffff  }
0xc5: {  	v1 =	vnsel vm6, $0x1C000, v1;
	v16 =	vshll.u32 v16, $0x10;
	v21 =	vmul.f32 v46, v21;
	v42 =	vld.idx.msk [tilespmem:v38+s31+$0x0], $0xffff  }
0xc6: {  	v2 =	vnsel vm0, $0x1C000, v2;
	v3 =	vnsel vm5, $0x1C000, v3;
	v22 =	vmul.f32 v47, v22;
	v46 =	vld.idx.msk [tilespmem:v39+s31+$0x0], $0xffff  }
0xc7: {  	v0 =	vnsel vm1, $0x1C000, v0;
	v6 =	vnsel vm2, $0x1C000, v6;
	v23 =	vmul.f32 v48, v23;
	v47 =	vld.idx.msk [tilespmem:v41+s31+$0x0], $0xffff  }
0xc8: {  	v4 =	vnsel vm3, $0x1C000, v4;
	v5 =	vnsel vm4, $0x1C000, v5;
	v25 =	vmul.f32 v44, v25;
	v48 =	vld.idx.msk [tilespmem:v28+s31+$0x0], $0xffff  }
0xc9: {  	v7 =	vadd.s32 $0x40000000, v7;
	v11 =	vadd.s32 $0x40000000, v11;
	v26 =	vmul.f32 v27, v26;
	v44 =	vld.idx.msk [tilespmem:v43+s31+$0x0], $0xffff  }
0xca: {  	v17 =	vadd.s32 $0x40000000, v17;
	v19 =	vadd.s32 $0x40000000, v19;
	v27 =	vmul.f32 v36, v45;
	v36 =	vld.idx.msk [tilespmem:v40+s31+$0x0], $0xffff  }
0xcb: {  	v42 =	vmul.f32 v42, v8;
	v8 =	vadd.s32 $0x40000000, v13;
	v13 =	vadd.s32 $0x40000000, v15;
	v33 =	vld.idx.msk [tilespmem:v33+s3+$0x0], $0xffff  }
0xcc: {  	v1 =	vadd.s32 $0xFFFE4000, v1;
	v15 =	vld.idx.msk [tilespmem:v35+s3+$0x0], $0xffff;
	v35 =	vmul.f32 v46, v9;
	v9 =	vadd.s32 $0x40000000, v16  }
0xcd: {  	v2 =	vadd.s32 $0xFFFE4000, v2;
	v3 =	vadd.s32 $0xFFFE4000, v3;
	v16 =	vld.idx.msk [tilespmem:v29+s3+$0x0], $0xffff;
	v29 =	vmul.f32 v47, v10  }
0xce: {  	v0 =	vadd.s32 $0xFFFE4000, v0;
	v6 =	vadd.s32 $0xFFFE4000, v6;
	v10 =	vld.idx.msk [tilespmem:v31+s3+$0x0], $0xffff;
	v31 =	vmul.f32 v48, v12  }
0xcf: {  	v4 =	vadd.s32 $0xFFFE4000, v4;
	v5 =	vadd.s32 $0xFFFE4000, v5;
	v12 =	vld.idx.msk [tilespmem:v32+s3+$0x0], $0xffff;
	v32 =	vmul.f32 v44, v14  }
0xd0: {  	v1 =	vor.u32 v1, v7;
	v2 =	vor.u32 v2, v11;
	v18 =	vmul.f32 v36, v18;
	v14 =	vld.idx.msk [tilespmem:v34+s3+$0x0], $0xffff  }
0xd1: {  	v3 =	vor.u32 v3, v17;
	v0 =	vor.u32 v0, v19;
	v7 =	vadd.f32 v24, v33;
	v11 =	vld.idx.msk [tilespmem:v37+s3+$0x0], $0xffff  }
0xd2: {  	v6 =	vor.u32 v6, v8;
	v4 =	vor.u32 v4, v13;
	v15 =	vadd.f32 v20, v15;
	v17 =	vld.idx.msk [tilespmem:v30+s3+$0x0], $0xffff  }
0xd3: {  	v7 =	vadd.s32 $0x1000, v7;
	v16 =	vadd.f32 v21, v16;
	v13 =	vld.idx.msk [tilespmem:v38+s3+$0x0], $0xffff;
	[tilespmem:s30+$0xFFFFFFC0] =	vst v1;
	v1 =	vor.u32 v5, v9  }
0xd4: {  	v7 =	vshra.s32 v7, $0xD;
	v5 =	vadd.s32 $0x1000, v15;
	v10 =	vadd.f32 v22, v10;
	v15 =	vld.idx.msk [tilespmem:v39+s3+$0x0], $0xffff;
	[tilespmem:s30+$0xFFFFFFD0] =	vst v2  }
0xd5: {  	v8 =	vshra.s32 v5, $0xD;
	v2 =	vadd.s32 $0x1000, v16;
	v12 =	vadd.f32 v23, v12;
	v5 =	vld.idx.msk [tilespmem:v41+s3+$0x0], $0xffff;
	[tilespmem:s30+$0xFFFFFFE0] =	vst v3  }
0xd6: {  	v9 =	vshra.s32 v2, $0xD;
	v2 =	vadd.s32 $0x1000, v10;
	v14 =	vadd.f32 v25, v14;
	v3 =	vld.idx.msk [tilespmem:v28+s3+$0x0], $0xffff;
	[tilespmem:s30+$0xFFFFFFF0] =	vst v0  }
0xd7: {  	v10 =	vshra.s32 v2, $0xD;
	v0 =	vadd.s32 $0x1000, v12;
	v16 =	vadd.f32 v26, v11;
	v2 =	vld.idx.msk [tilespmem:v43+s3+$0x0], $0xffff;
	[tilespmem:s30+$0x0] =	vst v6  }
0xd8: {  	v6 =	vadd.f32 v27, v17;
	v11 =	vshra.s32 v0, $0xD;
	v0 =	vadd.s32 $0x1000, v14;
	v17 =	vld.idx.msk [tilespmem:v40+s3+$0x0], $0xffff;
	[tilespmem:s30+$0x10] =	vst v4  }
0xd9: {  	v4 =	vadd.f32 v42, v13;
	v12 =	vshra.s32 v0, $0xD;
	v0 =	vadd.s32 $0x1000, v16;
	[tilespmem:s30+$0x20] =	vst v1;
	s30 =	smov.u32 s5  }
0xda: {  	v1 =	vadd.s32 $0x1000, v6;
	v6 =	vadd.f32 v35, v15;
	v14 =	vshra.s32 v0, $0xD  }
0xdb: {  	vm0 =	vgt.s32 v7, $0x1C000;
	v0 =	vadd.s32 $0x1000, v4;
	v4 =	vadd.f32 v29, v5  }
0xdc: {  	vm1 =	vgt.s32 v8, $0x1C000;
	v6 =	vadd.s32 $0x1000, v6;
	v3 =	vadd.f32 v31, v3  }
.Ltmp0:
0xdd: {  	vm2 =	vgt.s32 v9, $0x1C000;
	v15 =	vadd.s32 $0x1000, v4;
	v2 =	vadd.f32 v32, v2;
	(pc) =	sbr.rel @p1 .LBB2_3-.Ltmp0, $4  }
0xde: {  	vm3 =	vgt.s32 v10, $0x1C000;
	v4 =	vadd.s32 $0x1000, v3;
	v3 =	vadd.f32 v18, v17  }
0xdf: {  	vm4 =	vgt.s32 v11, $0x1C000;
	vm5 =	vgt.s32 v12, $0x1C000;
	v5 =	vadd.s32 $0x1000, v2  }
0xe0: {  	v1 =	vshra.s32 v1, $0xD;
	vm7 =	vgt.s32 v14, $0x1C000;
	v13 =	vadd.s32 $0x1000, v3  }
0xe1: {  	s11 =	sadd.s32 $0x80, s11;
	v2 =	vshra.s32 v0, $0xD;
	v0 =	vshra.s32 v15, $0xD;
	v3 =	vshra.s32 v6, $0xD  }
0xe2: {  	v4 =	vshra.s32 v4, $0xD;
	v5 =	vshra.s32 v5, $0xD;
	v6 =	vshra.s32 v13, $0xD  }
0xe3: {  	v7 =	vnsel vm0, $0x1C000, v7;
	v8 =	vnsel vm1, $0x1C000, v8;
	v9 =	vnsel vm2, $0x1C000, v9  }
0xe4: {  	v10 =	vnsel vm3, $0x1C000, v10;
	v11 =	vnsel vm4, $0x1C000, v11;
	v12 =	vnsel vm5, $0x1C000, v12  }
0xe5: {  	vm0 =	vgt.s32 v1, $0x1C000;
	vm1 =	vgt.s32 v2, $0x1C000;
	v13 =	vnsel vm7, $0x1C000, v14  }
0xe6: {  	vm2 =	vgt.s32 v3, $0x1C000;
	vm3 =	vgt.s32 v0, $0x1C000;
	vm4 =	vgt.s32 v4, $0x1C000  }
0xe7: {  	vm5 =	vgt.s32 v5, $0x1C000;
	vm6 =	vgt.s32 v6, $0x1C000;
	v7 =	vshll.u32 v7, $0x10  }
0xe8: {  	v8 =	vshll.u32 v8, $0x10;
	v9 =	vshll.u32 v9, $0x10;
	v10 =	vshll.u32 v10, $0x10  }
0xe9: {  	v11 =	vshll.u32 v11, $0x10;
	v12 =	vshll.u32 v12, $0x10;
	v1 =	vnsel vm0, $0x1C000, v1  }
0xea: {  	v13 =	vshll.u32 v13, $0x10;
	v2 =	vnsel vm1, $0x1C000, v2;
	v3 =	vnsel vm2, $0x1C000, v3  }
0xeb: {  	v0 =	vnsel vm3, $0x1C000, v0;
	v4 =	vnsel vm4, $0x1C000, v4;
	v5 =	vnsel vm5, $0x1C000, v5  }
0xec: {  	v6 =	vnsel vm6, $0x1C000, v6;
	v7 =	vadd.s32 $0x40000000, v7;
	v1 =	vadd.s32 $0xFFFE4000, v1  }
0xed: {  	v8 =	vadd.s32 $0x40000000, v8;
	v2 =	vadd.s32 $0xFFFE4000, v2;
	v1 =	vor.u32 v1, v7  }
0xee: {  	v3 =	vadd.s32 $0xFFFE4000, v3;
	v7 =	vadd.s32 $0x40000000, v9;
	v2 =	vor.u32 v2, v8;
	[tilespmem:s30+$0xFFFFFFC0] =	vst v1  }
0xef: {  	v0 =	vadd.s32 $0xFFFE4000, v0;
	v1 =	vadd.s32 $0x40000000, v10;
	v3 =	vor.u32 v3, v7;
	[tilespmem:s30+$0xFFFFFFD0] =	vst v2  }
0xf0: {  	v4 =	vadd.s32 $0xFFFE4000, v4;
	v2 =	vadd.s32 $0x40000000, v11;
	v0 =	vor.u32 v0, v1;
	[tilespmem:s30+$0xFFFFFFE0] =	vst v3  }
0xf1: {  	v1 =	vadd.s32 $0x40000000, v12;
	v3 =	vadd.s32 $0xFFFE4000, v5;
	v2 =	vor.u32 v4, v2;
	[tilespmem:s30+$0xFFFFFFF0] =	vst v0  }
0xf2: {  	v4 =	vadd.s32 $0xFFFE4000, v6;
	v0 =	vadd.s32 $0x40000000, v13;
	v1 =	vor.u32 v3, v1;
	[tilespmem:s30+$0x0] =	vst v2  }
0xf3: {  	v0 =	vor.u32 v4, v0;
	[tilespmem:s30+$0x10] =	vst v1  }
0xf4: {  	[tilespmem:s30+$0x20] =	vst v0  }
0xf5: {  	v0 =	vld [tilespmem:s25+$0x0]  }
0xf6: {  	v1 =	vld [tilespmem:s25+$0xFFFFF000]  }
0xf7: {  	v2 =	vld [tilespmem:s25+$0xFFFFFF90]  }
0xf8: {  	v3 =	vld [tilespmem:s25+$0xFFFFFFA0]  }
0xf9: {  	v4 =	vld [tilespmem:s25+$0xFFFFFFB0]  }
0xfa: {  	v5 =	vld [tilespmem:s25+$0xFFFFFFC0]  }
0xfb: {  	v7 =	vld [tilespmem:s25+$0xFFFFFFD0]  }
0xfc: {  	v10 =	vld [tilespmem:s25+$0xFFFFFFE0]  }
0xfd: {  	v12 =	vld [tilespmem:s25+$0xFFFFFFF0]  }
0xfe: {  	v13 =	vld [tilespmem:s25+$0xFFFFEFA0];
	v6 =	vmax.f32 v0, $-8.000000000e+00  }
0xff: {  	v15 =	vld [tilespmem:s25+$0xFFFFEFB0];
	v8 =	vmax.f32 v1, $-8.000000000e+00;
	v9 =	vmax.f32 v2, $-8.000000000e+00;
	v6 =	vmul.f32 $8.000000000e+00, v6  }
0x100: {  	v24 =	vld [tilespmem:s25+$0xFFFFEFE0];
	v11 =	vmax.f32 v3, $-8.000000000e+00;
	v14 =	vmax.f32 v4, $-8.000000000e+00;
	v8 =	vmul.f32 $8.000000000e+00, v8  }
0x101: {  	v26 =	vld [tilespmem:s25+$0xFFFFEFF0];
	v16 =	vmax.f32 v5, $-8.000000000e+00;
	v17 =	vmax.f32 v7, $-8.000000000e+00;
	v6 =	vadd.f32 $8.388672000e+06, v6  }
0x102: {  	v19 =	vmax.f32 v10, $-8.000000000e+00;
	v22 =	vmax.f32 v12, $-8.000000000e+00;
	v8 =	vadd.f32 $8.388672000e+06, v8  }
0x103: {  	v23 =	vmax.f32 v13, $-8.000000000e+00;
	v9 =	vmul.f32 $8.000000000e+00, v9;
	v6 =	vand.u32 $0x1FF, v6  }
0x104: {  	v25 =	vmax.f32 v15, $-8.000000000e+00;
	v11 =	vmul.f32 $8.000000000e+00, v11;
	v8 =	vand.u32 $0x1FF, v8  }
0x105: {  	v18 =	vld [tilespmem:s25+$0xFFFFEFC0];
	v33 =	vmax.f32 v24, $-8.000000000e+00;
	v14 =	vmul.f32 $8.000000000e+00, v14;
	v9 =	vadd.f32 $8.388672000e+06, v9  }
0x106: {  	v20 =	vld [tilespmem:s25+$0xFFFFEF90];
	v36 =	vmax.f32 v26, $-8.000000000e+00;
	v16 =	vmul.f32 $8.000000000e+00, v16;
	v11 =	vadd.f32 $8.388672000e+06, v11  }
0x107: {  	v21 =	vld [tilespmem:s25+$0xFFFFEFD0];
	v17 =	vmul.f32 $8.000000000e+00, v17;
	v14 =	vadd.f32 $8.388672000e+06, v14;
	v9 =	vand.u32 $0x1FF, v9  }
0x108: {  	v19 =	vmul.f32 $8.000000000e+00, v19;
	v16 =	vadd.f32 $8.388672000e+06, v16;
	v11 =	vand.u32 $0x1FF, v11;
	v27 =	vld.idx.msk [tilespmem:v6+s31+$0x0], $0xffff  }
0x109: {  	s25 =	simm.s32 $0x0;
	v22 =	vmul.f32 $8.000000000e+00, v22;
	v17 =	vadd.f32 $8.388672000e+06, v17;
	v14 =	vand.u32 $0x1FF, v14;
	v29 =	vld.idx.msk [tilespmem:v8+s31+$0x0], $0xffff  }
0x10a: {  	v23 =	vmul.f32 $8.000000000e+00, v23;
	v19 =	vadd.f32 $8.388672000e+06, v19;
	v16 =	vand.u32 $0x1FF, v16;
	v6 =	vld.idx.msk [tilespmem:v6+s25+$0x0], $0xffff  }
0x10b: {  	v25 =	vmul.f32 $8.000000000e+00, v25;
	v22 =	vadd.f32 $8.388672000e+06, v22;
	v17 =	vand.u32 $0x1FF, v17;
	v8 =	vld.idx.msk [tilespmem:v8+s25+$0x0], $0xffff  }
0x10c: {  	v33 =	vmul.f32 $8.000000000e+00, v33;
	v23 =	vadd.f32 $8.388672000e+06, v23;
	v19 =	vand.u32 $0x1FF, v19;
	v32 =	vld.idx.msk [tilespmem:v9+s31+$0x0], $0xffff  }
0x10d: {  	v36 =	vmul.f32 $8.000000000e+00, v36;
	v25 =	vadd.f32 $8.388672000e+06, v25;
	v22 =	vand.u32 $0x1FF, v22;
	v34 =	vld.idx.msk [tilespmem:v11+s31+$0x0], $0xffff  }
0x10e: {  	v33 =	vadd.f32 $8.388672000e+06, v33;
	v23 =	vand.u32 $0x1FF, v23;
	v35 =	vld.idx.msk [tilespmem:v14+s31+$0x0], $0xffff  }
0x10f: {  	v36 =	vadd.f32 $8.388672000e+06, v36;
	v25 =	vand.u32 $0x1FF, v25;
	v37 =	vld.idx.msk [tilespmem:v16+s31+$0x0], $0xffff  }
0x110: {  	v33 =	vand.u32 $0x1FF, v33;
	v38 =	vld.idx.msk [tilespmem:v17+s31+$0x0], $0xffff  }
0x111: {  	v28 =	vmax.f32 v18, $-8.000000000e+00;
	v48 =	vand.u32 $0x1FF, v36;
	v39 =	vld.idx.msk [tilespmem:v19+s31+$0x0], $0xffff  }
0x112: {  	v31 =	vmax.f32 v21, $-8.000000000e+00;
	v28 =	vmul.f32 $8.000000000e+00, v28;
	v40 =	vld.idx.msk [tilespmem:v22+s31+$0x0], $0xffff  }
0x113: {  	v31 =	vmul.f32 $8.000000000e+00, v31;
	v49 =	vld.idx.msk [tilespmem:v23+s31+$0x0], $0xffff  }
0x114: {  	v30 =	vmax.f32 v20, $-8.000000000e+00;
	v28 =	vadd.f32 $8.388672000e+06, v28;
	v50 =	vld.idx.msk [tilespmem:v25+s31+$0x0], $0xffff  }
0x115: {  	v30 =	vmul.f32 $8.000000000e+00, v30;
	v31 =	vadd.f32 $8.388672000e+06, v31;
	v51 =	vld.idx.msk [tilespmem:v33+s31+$0x0], $0xffff  }
0x116: {  	v28 =	vand.u32 $0x1FF, v28;
	v52 =	vld.idx.msk [tilespmem:v48+s31+$0x0], $0xffff;
	v0 =	vmul.f32 v27, v0;
	v1 =	vmul.f32 v29, v1  }
0x117: {  	v31 =	vand.u32 $0x1FF, v31;
	v9 =	vld.idx.msk [tilespmem:v9+s25+$0x0], $0xffff;
	v2 =	vmul.f32 v32, v2;
	v3 =	vmul.f32 v34, v3  }
0x118: {  	v30 =	vadd.f32 $8.388672000e+06, v30;
	v23 =	vld.idx.msk [tilespmem:v23+s25+$0x0], $0xffff;
	v4 =	vmul.f32 v35, v4;
	v5 =	vmul.f32 v37, v5  }
0x119: {  	v53 =	vmul.f32 v38, v7;
	v7 =	vld.idx.msk [tilespmem:v11+s25+$0x0], $0xffff;
	v10 =	vmul.f32 v39, v10  }
0x11a: {  	v30 =	vand.u32 $0x1FF, v30;
	v11 =	vld.idx.msk [tilespmem:v14+s25+$0x0], $0xffff;
	v12 =	vmul.f32 v40, v12;
	v13 =	vmul.f32 v49, v13  }
0x11b: {  	v15 =	vmul.f32 v50, v15;
	v0 =	vadd.f32 v0, v6;
	v6 =	vld.idx.msk [tilespmem:v28+s31+$0x0], $0xffff;
	v1 =	vadd.f32 v1, v8  }
0x11c: {  	v57 =	vmul.f32 v51, v24;
	v59 =	vmul.f32 v52, v26;
	v8 =	vld.idx.msk [tilespmem:v31+s31+$0x0], $0xffff;
	v2 =	vadd.f32 v2, v9  }
0x11d: {  	v14 =	vld.idx.msk [tilespmem:v16+s25+$0x0], $0xffff;
	v13 =	vadd.f32 v13, v23;
	v0 =	vadd.s32 $0x1000, v0;
	v1 =	vadd.s32 $0x1000, v1  }
0x11e: {  	v54 =	vld.idx.msk [tilespmem:v17+s25+$0x0], $0xffff;
	v2 =	vadd.s32 $0x1000, v2;
	v0 =	vshra.s32 v0, $0xD;
	v1 =	vshra.s32 v1, $0xD  }
0x11f: {  	v3 =	vadd.f32 v3, v7;
	v4 =	vadd.f32 v4, v11;
	vm0 =	vgt.s32 v0, $0x1C000  }
0x120: {  	v55 =	vld.idx.msk [tilespmem:v19+s25+$0x0], $0xffff;
	v7 =	vshra.s32 v2, $0xD;
	v0 =	vnsel vm0, $0x1C000, v0;
	vm0 =	vgt.s32 v1, $0x1C000  }
0x121: {  	v41 =	vld.idx.msk [tilespmem:v30+s31+$0x0], $0xffff;
	v6 =	vmul.f32 v6, v18;
	v56 =	vmul.f32 v8, v21;
	v2 =	vadd.s32 $0x1000, v3  }
0x122: {  	v58 =	vld.idx.msk [tilespmem:v22+s25+$0x0], $0xffff;
	v3 =	vadd.f32 v5, v14;
	v1 =	vnsel vm0, $0x1C000, v1;
	v0 =	vshll.u32 v0, $0x10  }
0x123: {  	v60 =	vld.idx.msk [tilespmem:v30+s25+$0x0], $0xffff;
	v8 =	vshra.s32 v2, $0xD;
	v2 =	vadd.s32 $0x1000, v4;
	v4 =	vadd.f32 v53, v54  }
0x124: {  	v61 =	vld.idx.msk [tilespmem:v28+s25+$0x0], $0xffff;
	vm0 =	vgt.s32 v7, $0x1C000;
	v1 =	vadd.s32 $0xFFFE4000, v1;
	v0 =	vadd.s32 $0x40000000, v0  }
0x125: {  	v5 =	vld.idx.msk [tilespmem:v25+s25+$0x0], $0xffff;
	v9 =	vshra.s32 v2, $0xD;
	v2 =	vadd.s32 $0x1000, v3;
	v3 =	vadd.f32 v10, v55  }
0x126: {  	vm1 =	vgt.s32 v8, $0x1C000;
	v0 =	vor.u32 v1, v0;
	v1 =	vmul.f32 v41, v20  }
0x127: {  	v62 =	vld.idx.msk [tilespmem:v31+s25+$0x0], $0xffff;
	v10 =	vshra.s32 v2, $0xD;
	v2 =	vadd.s32 $0x1000, v4;
	v4 =	vadd.f32 v12, v58  }
0x128: {  	v63 =	vld.idx.msk [tilespmem:v33+s25+$0x0], $0xffff;
	vm2 =	vgt.s32 v9, $0x1C000;
	v11 =	vshra.s32 v2, $0xD;
	v2 =	vadd.s32 $0x1000, v3  }
0x129: {  	v3 =	vld.idx.msk [tilespmem:v48+s25+$0x0], $0xffff;
	vm3 =	vgt.s32 v10, $0x1C000;
	v1 =	vadd.f32 v1, v60;
	v12 =	vshra.s32 v2, $0xD  }
0x12a: {  	v2 =	vadd.s32 $0x1000, v4;
	v4 =	vadd.f32 v15, v5;
	v5 =	vadd.f32 v6, v61  }
0x12b: {  	vm4 =	vgt.s32 v11, $0x1C000;
	v14 =	vshra.s32 v2, $0xD;
	v2 =	vadd.s32 $0x1000, v13  }
0x12c: {  	vm6 =	vgt.s32 v12, $0x1C000;
	v1 =	vadd.s32 $0x1000, v1;
	v6 =	vadd.s32 $0x1000, v4  }
0x12d: {  	v4 =	vadd.f32 v56, v62;
	v15 =	vadd.s32 $0x1000, v5;
	v5 =	vadd.f32 v57, v63  }
0x12e: {  	vm5 =	vgt.s32 v14, $0x1C000;
	v2 =	vshra.s32 v2, $0xD;
	v3 =	vadd.f32 v59, v3  }
0x12f: {  	[tilespmem:s23+$0x0] =	vst v0;
	v1 =	vshra.s32 v1, $0xD;
	v0 =	vshra.s32 v15, $0xD;
	v4 =	vadd.s32 $0x1000, v4  }
0x130: {  	s5 =	simm.s32 $0x0;
	s10 =	simm.s32 $0x34F0;
	s30 =	simm.s32 $0x11470;
	v5 =	vadd.s32 $0x1000, v5;
	v13 =	vadd.s32 $0x1000, v3;
	v3 =	vshra.s32 v6, $0xD  }
.LBB2_5:
0x131: {  	v27 =	vld [tilespmem:s10+$0x0];
	s5 =	sadd.s32 $0x8, s5;
	v6 =	vshra.s32 v4, $0xD;
	v4 =	vshra.s32 v5, $0xD;
	v5 =	vshra.s32 v13, $0xD  }
0x132: {  	v7 =	vnsel vm0, $0x1C000, v7;
	v8 =	vnsel vm1, $0x1C000, v8;
	v17 =	vnsel vm2, $0x1C000, v9;
	v28 =	vld [tilespmem:s10+$0xFFFFF000];
	p1 =	slt.u32 s5, $0xF8  }
0x133: {  	v19 =	vnsel vm3, $0x1C000, v10;
	v13 =	vnsel vm4, $0x1C000, v11;
	v15 =	vnsel vm6, $0x1C000, v12;
	v24 =	vld [tilespmem:s10+$0xFFFFFF90]  }
0x134: {  	vm6 =	vgt.s32 v1, $0x1C000;
	vm0 =	vgt.s32 v2, $0x1C000;
	v16 =	vnsel vm5, $0x1C000, v14;
	v20 =	vld [tilespmem:s10+$0xFFFFFFA0]  }
0x135: {  	vm5 =	vgt.s32 v3, $0x1C000;
	vm1 =	vgt.s32 v0, $0x1C000;
	vm2 =	vgt.s32 v6, $0x1C000;
	v21 =	vld [tilespmem:s10+$0xFFFFFFB0]  }
0x136: {  	vm3 =	vgt.s32 v4, $0x1C000;
	vm4 =	vgt.s32 v5, $0x1C000;
	v22 =	vld [tilespmem:s10+$0xFFFFFFC0];
	v9 =	vmax.f32 v27, $-8.000000000e+00  }
0x137: {  	v7 =	vshll.u32 v7, $0x10;
	v23 =	vld [tilespmem:s10+$0xFFFFFFD0];
	v10 =	vmax.f32 v28, $-8.000000000e+00;
	v9 =	vmul.f32 $8.000000000e+00, v9  }
0x138: {  	v11 =	vshll.u32 v8, $0x10;
	v12 =	vmax.f32 v24, $-8.000000000e+00;
	v25 =	vld [tilespmem:s10+$0xFFFFFFE0];
	v10 =	vmul.f32 $8.000000000e+00, v10  }
0x139: {  	v12 =	vmul.f32 $8.000000000e+00, v12;
	v14 =	vmax.f32 v20, $-8.000000000e+00;
	v26 =	vld [tilespmem:s10+$0xFFFFFFF0];
	v18 =	vadd.f32 $8.388672000e+06, v9  }
0x13a: {  	v8 =	vld [tilespmem:s10+$0xFFFFEFA0];
	v14 =	vmul.f32 $8.000000000e+00, v14;
	v29 =	vmax.f32 v21, $-8.000000000e+00;
	v30 =	vadd.f32 $8.388672000e+06, v10  }
0x13b: {  	v9 =	vld [tilespmem:s10+$0xFFFFEFB0];
	v29 =	vmul.f32 $8.000000000e+00, v29;
	v31 =	vmax.f32 v22, $-8.000000000e+00;
	v32 =	vand.u32 $0x1FF, v18  }
0x13c: {  	v10 =	vld [tilespmem:s10+$0xFFFFEFC0];
	v31 =	vmul.f32 $8.000000000e+00, v31;
	v18 =	vmax.f32 v23, $-8.000000000e+00;
	v30 =	vand.u32 $0x1FF, v30  }
0x13d: {  	v33 =	vadd.f32 $8.388672000e+06, v12;
	v12 =	vld [tilespmem:s10+$0xFFFFEFD0];
	v34 =	vmul.f32 $8.000000000e+00, v18;
	v18 =	vmax.f32 v25, $-8.000000000e+00  }
0x13e: {  	v35 =	vadd.f32 $8.388672000e+06, v14;
	v14 =	vld [tilespmem:s10+$0xFFFFEFE0];
	v36 =	vmul.f32 $8.000000000e+00, v18;
	v37 =	vmax.f32 v26, $-8.000000000e+00  }
0x13f: {  	v29 =	vadd.f32 $8.388672000e+06, v29;
	v38 =	vmax.f32 v8, $-8.000000000e+00;
	v18 =	vld [tilespmem:s10+$0xFFFFEFF0];
	v37 =	vmul.f32 $8.000000000e+00, v37  }
0x140: {  	v31 =	vadd.f32 $8.388672000e+06, v31;
	v38 =	vmul.f32 $8.000000000e+00, v38;
	v39 =	vmax.f32 v9, $-8.000000000e+00;
	v40 =	vld.idx.msk [tilespmem:v32+s31+$0x0], $0xffff  }
0x141: {  	v34 =	vadd.f32 $8.388672000e+06, v34;
	v39 =	vmul.f32 $8.000000000e+00, v39;
	v41 =	vmax.f32 v10, $-8.000000000e+00;
	v42 =	vld.idx.msk [tilespmem:v30+s31+$0x0], $0xffff  }
0x142: {  	v36 =	vadd.f32 $8.388672000e+06, v36;
	v41 =	vmul.f32 $8.000000000e+00, v41;
	v43 =	vmax.f32 v12, $-8.000000000e+00;
	v32 =	vld.idx.msk [tilespmem:v32+s25+$0x0], $0xffff  }
0x143: {  	v37 =	vadd.f32 $8.388672000e+06, v37;
	v43 =	vmul.f32 $8.000000000e+00, v43;
	v44 =	vmax.f32 v14, $-8.000000000e+00;
	v30 =	vld.idx.msk [tilespmem:v30+s25+$0x0], $0xffff  }
0x144: {  	v38 =	vadd.f32 $8.388672000e+06, v38;
	v45 =	vld [tilespmem:s10+$0xFFFFEF90];
	v44 =	vmul.f32 $8.000000000e+00, v44;
	v46 =	vmax.f32 v18, $-8.000000000e+00  }
0x145: {  	v39 =	vadd.f32 $8.388672000e+06, v39;
	v41 =	vadd.f32 $8.388672000e+06, v41;
	v46 =	vmul.f32 $8.000000000e+00, v46  }
0x146: {  	v43 =	vadd.f32 $8.388672000e+06, v43;
	v27 =	vmul.f32 v40, v27;
	v44 =	vadd.f32 $8.388672000e+06, v44  }
0x147: {  	v33 =	vand.u32 $0x1FF, v33;
	v28 =	vmul.f32 v42, v28;
	v40 =	vadd.f32 $8.388672000e+06, v46  }
0x148: {  	v35 =	vand.u32 $0x1FF, v35;
	v29 =	vand.u32 $0x1FF, v29;
	v27 =	vadd.f32 v27, v32  }
0x149: {  	v31 =	vand.u32 $0x1FF, v31;
	v28 =	vadd.f32 v28, v30;
	v32 =	vmax.f32 v45, $-8.000000000e+00  }
0x14a: {  	v27 =	vadd.s32 $0x1000, v27;
	v30 =	vmul.f32 $8.000000000e+00, v32;
	v32 =	vand.u32 $0x1FF, v34  }
0x14b: {  	v34 =	vand.u32 $0x1FF, v36;
	v28 =	vadd.s32 $0x1000, v28;
	v27 =	vshra.s32 v27, $0xD  }
0x14c: {  	v28 =	vshra.s32 v28, $0xD;
	vm7 =	vgt.s32 v27, $0x1C000;
	v30 =	vadd.f32 $8.388672000e+06, v30;
	v36 =	vld.idx.msk [tilespmem:v33+s31+$0x0], $0xffff  }
0x14d: {  	v37 =	vand.u32 $0x1FF, v37;
	vm8 =	vgt.s32 v28, $0x1C000;
	v27 =	vnsel vm7, $0x1C000, v27;
	v42 =	vld.idx.msk [tilespmem:v35+s31+$0x0], $0xffff  }
0x14e: {  	v28 =	vnsel vm8, $0x1C000, v28;
	v27 =	vshll.u32 v27, $0x10;
	v30 =	vand.u32 $0x1FF, v30;
	v46 =	vld.idx.msk [tilespmem:v29+s31+$0x0], $0xffff  }
0x14f: {  	v38 =	vand.u32 $0x1FF, v38;
	v28 =	vadd.s32 $0xFFFE4000, v28;
	v27 =	vadd.s32 $0x40000000, v27;
	v47 =	vld.idx.msk [tilespmem:v31+s31+$0x0], $0xffff  }
0x150: {  	s23 =	sadd.s32 $0x80, s23;
	v39 =	vand.u32 $0x1FF, v39;
	v41 =	vand.u32 $0x1FF, v41;
	v27 =	vor.u32 v28, v27;
	v48 =	vld.idx.msk [tilespmem:v32+s31+$0x0], $0xffff  }
0x151: {  	v40 =	vand.u32 $0x1FF, v40;
	v28 =	vand.u32 $0x1FF, v43;
	v43 =	vand.u32 $0x1FF, v44;
	v44 =	vld.idx.msk [tilespmem:v34+s31+$0x0], $0xffff;
	[tilespmem:s23+$0x0] =	vst v27  }
0x152: {  	v17 =	vshll.u32 v17, $0x10;
	v19 =	vshll.u32 v19, $0x10;
	v24 =	vmul.f32 v36, v24;
	v27 =	vld.idx.msk [tilespmem:v37+s31+$0x0], $0xffff  }
0x153: {  	v13 =	vshll.u32 v13, $0x10;
	v15 =	vshll.u32 v15, $0x10;
	v20 =	vmul.f32 v42, v20;
	v36 =	vld.idx.msk [tilespmem:v30+s31+$0x0], $0xffff  }
0x154: {  	v1 =	vnsel vm6, $0x1C000, v1;
	v16 =	vshll.u32 v16, $0x10;
	v21 =	vmul.f32 v46, v21;
	v42 =	vld.idx.msk [tilespmem:v38+s31+$0x0], $0xffff  }
0x155: {  	v2 =	vnsel vm0, $0x1C000, v2;
	v3 =	vnsel vm5, $0x1C000, v3;
	v22 =	vmul.f32 v47, v22;
	v46 =	vld.idx.msk [tilespmem:v39+s31+$0x0], $0xffff  }
0x156: {  	v0 =	vnsel vm1, $0x1C000, v0;
	v6 =	vnsel vm2, $0x1C000, v6;
	v23 =	vmul.f32 v48, v23;
	v47 =	vld.idx.msk [tilespmem:v41+s31+$0x0], $0xffff  }
0x157: {  	v4 =	vnsel vm3, $0x1C000, v4;
	v5 =	vnsel vm4, $0x1C000, v5;
	v25 =	vmul.f32 v44, v25;
	v48 =	vld.idx.msk [tilespmem:v28+s31+$0x0], $0xffff  }
0x158: {  	v7 =	vadd.s32 $0x40000000, v7;
	v11 =	vadd.s32 $0x40000000, v11;
	v26 =	vmul.f32 v27, v26;
	v44 =	vld.idx.msk [tilespmem:v43+s31+$0x0], $0xffff  }
0x159: {  	v17 =	vadd.s32 $0x40000000, v17;
	v19 =	vadd.s32 $0x40000000, v19;
	v27 =	vmul.f32 v36, v45;
	v36 =	vld.idx.msk [tilespmem:v40+s31+$0x0], $0xffff  }
0x15a: {  	v42 =	vmul.f32 v42, v8;
	v8 =	vadd.s32 $0x40000000, v13;
	v13 =	vadd.s32 $0x40000000, v15;
	v33 =	vld.idx.msk [tilespmem:v33+s25+$0x0], $0xffff  }
0x15b: {  	v1 =	vadd.s32 $0xFFFE4000, v1;
	v15 =	vld.idx.msk [tilespmem:v35+s25+$0x0], $0xffff;
	v35 =	vmul.f32 v46, v9;
	v9 =	vadd.s32 $0x40000000, v16  }
0x15c: {  	v2 =	vadd.s32 $0xFFFE4000, v2;
	v3 =	vadd.s32 $0xFFFE4000, v3;
	v16 =	vld.idx.msk [tilespmem:v29+s25+$0x0], $0xffff;
	v29 =	vmul.f32 v47, v10  }
0x15d: {  	v0 =	vadd.s32 $0xFFFE4000, v0;
	v6 =	vadd.s32 $0xFFFE4000, v6;
	v10 =	vld.idx.msk [tilespmem:v31+s25+$0x0], $0xffff;
	v31 =	vmul.f32 v48, v12  }
0x15e: {  	v4 =	vadd.s32 $0xFFFE4000, v4;
	v5 =	vadd.s32 $0xFFFE4000, v5;
	v12 =	vld.idx.msk [tilespmem:v32+s25+$0x0], $0xffff;
	v32 =	vmul.f32 v44, v14  }
0x15f: {  	v1 =	vor.u32 v1, v7;
	v2 =	vor.u32 v2, v11;
	v18 =	vmul.f32 v36, v18;
	v14 =	vld.idx.msk [tilespmem:v34+s25+$0x0], $0xffff  }
0x160: {  	v3 =	vor.u32 v3, v17;
	v0 =	vor.u32 v0, v19;
	v7 =	vadd.f32 v24, v33;
	v11 =	vld.idx.msk [tilespmem:v37+s25+$0x0], $0xffff  }
0x161: {  	v6 =	vor.u32 v6, v8;
	v4 =	vor.u32 v4, v13;
	v15 =	vadd.f32 v20, v15;
	v17 =	vld.idx.msk [tilespmem:v30+s25+$0x0], $0xffff  }
0x162: {  	v7 =	vadd.s32 $0x1000, v7;
	v16 =	vadd.f32 v21, v16;
	v13 =	vld.idx.msk [tilespmem:v38+s25+$0x0], $0xffff;
	[tilespmem:s30+$0xFFFFFF90] =	vst v1;
	v1 =	vor.u32 v5, v9  }
0x163: {  	v7 =	vshra.s32 v7, $0xD;
	v5 =	vadd.s32 $0x1000, v15;
	v10 =	vadd.f32 v22, v10;
	v15 =	vld.idx.msk [tilespmem:v39+s25+$0x0], $0xffff;
	[tilespmem:s30+$0xFFFFFFA0] =	vst v2  }
0x164: {  	v8 =	vshra.s32 v5, $0xD;
	v2 =	vadd.s32 $0x1000, v16;
	v12 =	vadd.f32 v23, v12;
	v5 =	vld.idx.msk [tilespmem:v41+s25+$0x0], $0xffff;
	[tilespmem:s30+$0xFFFFFFB0] =	vst v3  }
0x165: {  	v9 =	vshra.s32 v2, $0xD;
	v2 =	vadd.s32 $0x1000, v10;
	v14 =	vadd.f32 v25, v14;
	v3 =	vld.idx.msk [tilespmem:v28+s25+$0x0], $0xffff;
	[tilespmem:s30+$0xFFFFFFC0] =	vst v0  }
0x166: {  	v10 =	vshra.s32 v2, $0xD;
	v0 =	vadd.s32 $0x1000, v12;
	v16 =	vadd.f32 v26, v11;
	v2 =	vld.idx.msk [tilespmem:v43+s25+$0x0], $0xffff;
	[tilespmem:s30+$0xFFFFFFD0] =	vst v6  }
0x167: {  	v6 =	vadd.f32 v27, v17;
	v11 =	vshra.s32 v0, $0xD;
	v0 =	vadd.s32 $0x1000, v14;
	v17 =	vld.idx.msk [tilespmem:v40+s25+$0x0], $0xffff;
	[tilespmem:s30+$0xFFFFFFE0] =	vst v4  }
0x168: {  	v4 =	vadd.f32 v42, v13;
	v12 =	vshra.s32 v0, $0xD;
	v0 =	vadd.s32 $0x1000, v16;
	[tilespmem:s30+$0xFFFFFFF0] =	vst v1;
	s30 =	smov.u32 s23  }
0x169: {  	v1 =	vadd.s32 $0x1000, v6;
	v6 =	vadd.f32 v35, v15;
	v14 =	vshra.s32 v0, $0xD  }
0x16a: {  	vm0 =	vgt.s32 v7, $0x1C000;
	v0 =	vadd.s32 $0x1000, v4;
	v4 =	vadd.f32 v29, v5  }
0x16b: {  	vm1 =	vgt.s32 v8, $0x1C000;
	v6 =	vadd.s32 $0x1000, v6;
	v3 =	vadd.f32 v31, v3  }
.Ltmp1:
0x16c: {  	vm2 =	vgt.s32 v9, $0x1C000;
	v15 =	vadd.s32 $0x1000, v4;
	v2 =	vadd.f32 v32, v2;
	(pc) =	sbr.rel @p1 .LBB2_5-.Ltmp1, $4  }
0x16d: {  	vm3 =	vgt.s32 v10, $0x1C000;
	v4 =	vadd.s32 $0x1000, v3;
	v3 =	vadd.f32 v18, v17  }
0x16e: {  	vm4 =	vgt.s32 v11, $0x1C000;
	vm6 =	vgt.s32 v12, $0x1C000;
	v5 =	vadd.s32 $0x1000, v2  }
0x16f: {  	v1 =	vshra.s32 v1, $0xD;
	vm5 =	vgt.s32 v14, $0x1C000;
	v13 =	vadd.s32 $0x1000, v3  }
0x170: {  	s10 =	sadd.s32 $0x80, s10;
	v2 =	vshra.s32 v0, $0xD;
	v0 =	vshra.s32 v15, $0xD;
	v3 =	vshra.s32 v6, $0xD  }
0x171: {  	v4 =	vshra.s32 v4, $0xD;
	v5 =	vshra.s32 v5, $0xD;
	v6 =	vshra.s32 v13, $0xD  }
0x172: {  	v7 =	vnsel vm0, $0x1C000, v7;
	v8 =	vnsel vm1, $0x1C000, v8;
	v9 =	vnsel vm2, $0x1C000, v9  }
0x173: {  	v10 =	vnsel vm3, $0x1C000, v10;
	v11 =	vnsel vm4, $0x1C000, v11;
	v12 =	vnsel vm6, $0x1C000, v12  }
0x174: {  	vm0 =	vgt.s32 v1, $0x1C000;
	vm1 =	vgt.s32 v2, $0x1C000;
	v13 =	vnsel vm5, $0x1C000, v14  }
0x175: {  	vm2 =	vgt.s32 v3, $0x1C000;
	vm3 =	vgt.s32 v0, $0x1C000;
	vm4 =	vgt.s32 v4, $0x1C000  }
0x176: {  	vm5 =	vgt.s32 v5, $0x1C000;
	vm6 =	vgt.s32 v6, $0x1C000;
	v7 =	vshll.u32 v7, $0x10  }
0x177: {  	v8 =	vshll.u32 v8, $0x10;
	v9 =	vshll.u32 v9, $0x10;
	v10 =	vshll.u32 v10, $0x10  }
0x178: {  	v11 =	vshll.u32 v11, $0x10;
	v12 =	vshll.u32 v12, $0x10;
	v1 =	vnsel vm0, $0x1C000, v1  }
0x179: {  	v13 =	vshll.u32 v13, $0x10;
	v2 =	vnsel vm1, $0x1C000, v2;
	v3 =	vnsel vm2, $0x1C000, v3  }
0x17a: {  	v0 =	vnsel vm3, $0x1C000, v0;
	v4 =	vnsel vm4, $0x1C000, v4;
	v5 =	vnsel vm5, $0x1C000, v5  }
0x17b: {  	v6 =	vnsel vm6, $0x1C000, v6;
	v7 =	vadd.s32 $0x40000000, v7;
	v1 =	vadd.s32 $0xFFFE4000, v1  }
0x17c: {  	v8 =	vadd.s32 $0x40000000, v8;
	v2 =	vadd.s32 $0xFFFE4000, v2;
	v1 =	vor.u32 v1, v7  }
0x17d: {  	v3 =	vadd.s32 $0xFFFE4000, v3;
	v7 =	vadd.s32 $0x40000000, v9;
	v2 =	vor.u32 v2, v8;
	[tilespmem:s30+$0xFFFFFF90] =	vst v1  }
0x17e: {  	v0 =	vadd.s32 $0xFFFE4000, v0;
	v1 =	vadd.s32 $0x40000000, v10;
	v3 =	vor.u32 v3, v7;
	[tilespmem:s30+$0xFFFFFFA0] =	vst v2  }
0x17f: {  	v4 =	vadd.s32 $0xFFFE4000, v4;
	v2 =	vadd.s32 $0x40000000, v11;
	v0 =	vor.u32 v0, v1;
	[tilespmem:s30+$0xFFFFFFB0] =	vst v3  }
0x180: {  	v1 =	vadd.s32 $0x40000000, v12;
	v3 =	vadd.s32 $0xFFFE4000, v5;
	v2 =	vor.u32 v4, v2;
	[tilespmem:s30+$0xFFFFFFC0] =	vst v0  }
0x181: {  	v4 =	vadd.s32 $0xFFFE4000, v6;
	v0 =	vadd.s32 $0x40000000, v13;
	v1 =	vor.u32 v3, v1;
	[tilespmem:s30+$0xFFFFFFD0] =	vst v2  }
0x182: {  	v0 =	vor.u32 v4, v0;
	[tilespmem:s30+$0xFFFFFFE0] =	vst v1  }
0x183: {  	s23 =	simm.s32 $0x0;
	[tilespmem:s30+$0xFFFFFFF0] =	vst v0  }
0x184: {  	v0 =	vld [tilespmem:s23+$0x5470]  }
0x185: {  	v1 =	vld [tilespmem:s23+$0x4470]  }
0x186: {  	v2 =	vld [tilespmem:s23+$0x5400]  }
0x187: {  	v3 =	vld [tilespmem:s23+$0x5410]  }
0x188: {  	v4 =	vld [tilespmem:s23+$0x5420]  }
0x189: {  	v5 =	vld [tilespmem:s23+$0x5430]  }
0x18a: {  	v7 =	vld [tilespmem:s23+$0x5440]  }
0x18b: {  	v10 =	vld [tilespmem:s23+$0x5450]  }
0x18c: {  	v12 =	vld [tilespmem:s23+$0x5460]  }
0x18d: {  	v13 =	vld [tilespmem:s23+$0x4400]  }
0x18e: {  	v15 =	vld [tilespmem:s23+$0x4410];
	v6 =	vmax.f32 v0, $-8.000000000e+00;
	v8 =	vmax.f32 v1, $-8.000000000e+00  }
0x18f: {  	v18 =	vld [tilespmem:s23+$0x4420];
	v9 =	vmax.f32 v2, $-8.000000000e+00;
	v11 =	vmax.f32 v3, $-8.000000000e+00;
	v6 =	vmul.f32 $8.000000000e+00, v6  }
0x190: {  	v24 =	vld [tilespmem:s23+$0x4450];
	v14 =	vmax.f32 v4, $-8.000000000e+00;
	v16 =	vmax.f32 v5, $-8.000000000e+00;
	v8 =	vmul.f32 $8.000000000e+00, v8  }
0x191: {  	v30 =	vld [tilespmem:s23+$0x4460];
	v17 =	vmax.f32 v7, $-8.000000000e+00;
	v19 =	vmax.f32 v10, $-8.000000000e+00;
	v6 =	vadd.f32 $8.388672000e+06, v6  }
0x192: {  	v22 =	vmax.f32 v12, $-8.000000000e+00;
	v23 =	vmax.f32 v13, $-8.000000000e+00;
	v8 =	vadd.f32 $8.388672000e+06, v8  }
0x193: {  	v25 =	vmax.f32 v15, $-8.000000000e+00;
	v9 =	vmul.f32 $8.000000000e+00, v9;
	v6 =	vand.u32 $0x1FF, v6  }
0x194: {  	v27 =	vmax.f32 v18, $-8.000000000e+00;
	v11 =	vmul.f32 $8.000000000e+00, v11;
	v8 =	vand.u32 $0x1FF, v8  }
0x195: {  	v33 =	vmax.f32 v24, $-8.000000000e+00;
	v14 =	vmul.f32 $8.000000000e+00, v14;
	v9 =	vadd.f32 $8.388672000e+06, v9  }
0x196: {  	v20 =	vld [tilespmem:s23+$0x4430];
	v36 =	vmax.f32 v30, $-8.000000000e+00;
	v16 =	vmul.f32 $8.000000000e+00, v16;
	v11 =	vadd.f32 $8.388672000e+06, v11  }
0x197: {  	v21 =	vld [tilespmem:s23+$0x4440];
	v17 =	vmul.f32 $8.000000000e+00, v17;
	v14 =	vadd.f32 $8.388672000e+06, v14;
	v9 =	vand.u32 $0x1FF, v9  }
0x198: {  	v19 =	vmul.f32 $8.000000000e+00, v19;
	v16 =	vadd.f32 $8.388672000e+06, v16;
	v11 =	vand.u32 $0x1FF, v11;
	v26 =	vld.idx.msk [tilespmem:v6+s31+$0x0], $0xffff  }
0x199: {  	v22 =	vmul.f32 $8.000000000e+00, v22;
	v17 =	vadd.f32 $8.388672000e+06, v17;
	v14 =	vand.u32 $0x1FF, v14;
	v28 =	vld.idx.msk [tilespmem:v8+s31+$0x0], $0xffff  }
0x19a: {  	v23 =	vmul.f32 $8.000000000e+00, v23;
	v19 =	vadd.f32 $8.388672000e+06, v19;
	v16 =	vand.u32 $0x1FF, v16;
	v6 =	vld.idx.msk [tilespmem:v6+s25+$0x0], $0xffff  }
0x19b: {  	v25 =	vmul.f32 $8.000000000e+00, v25;
	v22 =	vadd.f32 $8.388672000e+06, v22;
	v17 =	vand.u32 $0x1FF, v17;
	v8 =	vld.idx.msk [tilespmem:v8+s25+$0x0], $0xffff  }
0x19c: {  	v27 =	vmul.f32 $8.000000000e+00, v27;
	v23 =	vadd.f32 $8.388672000e+06, v23;
	v19 =	vand.u32 $0x1FF, v19;
	v32 =	vld.idx.msk [tilespmem:v9+s31+$0x0], $0xffff  }
0x19d: {  	v33 =	vmul.f32 $8.000000000e+00, v33;
	v25 =	vadd.f32 $8.388672000e+06, v25;
	v22 =	vand.u32 $0x1FF, v22;
	v34 =	vld.idx.msk [tilespmem:v11+s31+$0x0], $0xffff  }
0x19e: {  	v36 =	vmul.f32 $8.000000000e+00, v36;
	v27 =	vadd.f32 $8.388672000e+06, v27;
	v23 =	vand.u32 $0x1FF, v23;
	v35 =	vld.idx.msk [tilespmem:v14+s31+$0x0], $0xffff  }
0x19f: {  	v33 =	vadd.f32 $8.388672000e+06, v33;
	v25 =	vand.u32 $0x1FF, v25;
	v37 =	vld.idx.msk [tilespmem:v16+s31+$0x0], $0xffff  }
0x1a0: {  	v36 =	vadd.f32 $8.388672000e+06, v36;
	v27 =	vand.u32 $0x1FF, v27;
	v38 =	vld.idx.msk [tilespmem:v17+s31+$0x0], $0xffff  }
0x1a1: {  	v29 =	vmax.f32 v20, $-8.000000000e+00;
	v33 =	vand.u32 $0x1FF, v33;
	v39 =	vld.idx.msk [tilespmem:v19+s31+$0x0], $0xffff  }
0x1a2: {  	v31 =	vmax.f32 v21, $-8.000000000e+00;
	v29 =	vmul.f32 $8.000000000e+00, v29;
	v53 =	vand.u32 $0x1FF, v36;
	v40 =	vld.idx.msk [tilespmem:v22+s31+$0x0], $0xffff  }
0x1a3: {  	v31 =	vmul.f32 $8.000000000e+00, v31;
	v41 =	vld.idx.msk [tilespmem:v23+s31+$0x0], $0xffff  }
0x1a4: {  	v29 =	vadd.f32 $8.388672000e+06, v29;
	v54 =	vld.idx.msk [tilespmem:v25+s31+$0x0], $0xffff  }
0x1a5: {  	v31 =	vadd.f32 $8.388672000e+06, v31;
	v55 =	vld.idx.msk [tilespmem:v27+s31+$0x0], $0xffff;
	v0 =	vmul.f32 v26, v0  }
0x1a6: {  	v29 =	vand.u32 $0x1FF, v29;
	v56 =	vld.idx.msk [tilespmem:v33+s31+$0x0], $0xffff;
	v1 =	vmul.f32 v28, v1  }
0x1a7: {  	v31 =	vand.u32 $0x1FF, v31;
	v57 =	vld.idx.msk [tilespmem:v53+s31+$0x0], $0xffff;
	v2 =	vmul.f32 v32, v2;
	v0 =	vadd.f32 v0, v6  }
0x1a8: {  	v9 =	vld.idx.msk [tilespmem:v9+s25+$0x0], $0xffff;
	v3 =	vmul.f32 v34, v3;
	v4 =	vmul.f32 v35, v4;
	v1 =	vadd.f32 v1, v8  }
0x1a9: {  	v5 =	vmul.f32 v37, v5;
	v58 =	vmul.f32 v38, v7;
	v7 =	vld.idx.msk [tilespmem:v11+s25+$0x0], $0xffff;
	v0 =	vadd.s32 $0x1000, v0  }
0x1aa: {  	v61 =	vld.idx.msk [tilespmem:v23+s25+$0x0], $0xffff;
	v10 =	vmul.f32 v39, v10;
	v1 =	vadd.s32 $0x1000, v1;
	v0 =	vshra.s32 v0, $0xD  }
0x1ab: {  	v11 =	vld.idx.msk [tilespmem:v14+s25+$0x0], $0xffff;
	v12 =	vmul.f32 v40, v12;
	v1 =	vshra.s32 v1, $0xD;
	vm0 =	vgt.s32 v0, $0x1C000  }
0x1ac: {  	v14 =	vld.idx.msk [tilespmem:v16+s25+$0x0], $0xffff;
	v16 =	vmul.f32 v55, v18;
	v0 =	vnsel vm0, $0x1C000, v0;
	vm0 =	vgt.s32 v1, $0x1C000  }
0x1ad: {  	v8 =	vld.idx.msk [tilespmem:v31+s31+$0x0], $0xffff;
	v2 =	vadd.f32 v2, v9;
	v1 =	vnsel vm0, $0x1C000, v1;
	v0 =	vshll.u32 v0, $0x10  }
0x1ae: {  	v6 =	vld.idx.msk [tilespmem:v29+s31+$0x0], $0xffff;
	v3 =	vadd.f32 v3, v7;
	v1 =	vadd.s32 $0xFFFE4000, v1;
	v0 =	vadd.s32 $0x40000000, v0  }
0x1af: {  	v0 =	vor.u32 v1, v0;
	v1 =	vmul.f32 v41, v13;
	v13 =	vmul.f32 v54, v15;
	v15 =	vld.idx.msk [tilespmem:v17+s25+$0x0], $0xffff  }
0x1b0: {  	v60 =	vmul.f32 v57, v30;
	v2 =	vadd.s32 $0x1000, v2;
	v4 =	vadd.f32 v4, v11;
	v17 =	vld.idx.msk [tilespmem:v19+s25+$0x0], $0xffff  }
0x1b1: {  	v7 =	vshra.s32 v2, $0xD;
	v2 =	vadd.s32 $0x1000, v3;
	v3 =	vadd.f32 v5, v14;
	v5 =	vld.idx.msk [tilespmem:v27+s25+$0x0], $0xffff  }
0x1b2: {  	v59 =	vld.idx.msk [tilespmem:v22+s25+$0x0], $0xffff;
	v18 =	vmul.f32 v8, v21;
	v8 =	vshra.s32 v2, $0xD;
	v2 =	vadd.s32 $0x1000, v4  }
0x1b3: {  	v62 =	vld.idx.msk [tilespmem:v25+s25+$0x0], $0xffff;
	v6 =	vmul.f32 v6, v20;
	vm0 =	vgt.s32 v7, $0x1C000;
	v9 =	vshra.s32 v2, $0xD  }
0x1b4: {  	v63 =	vld.idx.msk [tilespmem:v53+s25+$0x0], $0xffff;
	v2 =	vadd.s32 $0x1000, v3;
	vm1 =	vgt.s32 v8, $0x1C000;
	v19 =	vmul.f32 v56, v24  }
0x1b5: {  	vm2 =	vgt.s32 v9, $0x1C000;
	v4 =	vadd.f32 v58, v15;
	v3 =	vadd.f32 v10, v17;
	v17 =	vld.idx.msk [tilespmem:v31+s25+$0x0], $0xffff  }
0x1b6: {  	v1 =	vadd.f32 v1, v61;
	v5 =	vadd.f32 v16, v5;
	v15 =	vld.idx.msk [tilespmem:v29+s25+$0x0], $0xffff;
	v10 =	vshra.s32 v2, $0xD  }
0x1b7: {  	vm3 =	vgt.s32 v10, $0x1C000;
	v2 =	vadd.s32 $0x1000, v4;
	v4 =	vadd.f32 v12, v59;
	v12 =	vld.idx.msk [tilespmem:v33+s25+$0x0], $0xffff  }
0x1b8: {  	v11 =	vshra.s32 v2, $0xD;
	v2 =	vadd.s32 $0x1000, v3;
	v3 =	vadd.f32 v13, v62  }
0x1b9: {  	v14 =	vshra.s32 v2, $0xD;
	v2 =	vadd.s32 $0x1000, v4;
	v4 =	vadd.s32 $0x1000, v1  }
0x1ba: {  	v16 =	vshra.s32 v2, $0xD;
	v2 =	vadd.s32 $0x1000, v5;
	v5 =	vadd.f32 v18, v17  }
0x1bb: {  	vm4 =	vgt.s32 v11, $0x1C000;
	v1 =	vadd.s32 $0x1000, v3;
	v3 =	vadd.f32 v6, v15  }
0x1bc: {  	v12 =	vadd.f32 v19, v12;
	v6 =	vadd.s32 $0x1000, v5;
	v5 =	vadd.f32 v60, v63  }
0x1bd: {  	[tilespmem:s23+$0x12470] =	vst v0;
	vm5 =	vgt.s32 v14, $0x1C000;
	v0 =	vshra.s32 v4, $0xD;
	vm7 =	vgt.s32 v16, $0x1C000  }
0x1be: {  	s5 =	simm.s32 $0x0;
	s10 =	simm.s32 $0x200;
	s30 =	simm.s32 $0x0;
	v3 =	vadd.s32 $0x1000, v3;
	v12 =	vadd.s32 $0x1000, v12;
	v13 =	vadd.s32 $0x1000, v5  }
.LBB2_7:
0x1bf: {  	s11 =	sshra.s32 s10, $0x2;
	s5 =	sadd.s32 $0x8, s5;
	v4 =	vshra.s32 v1, $0xD;
	v5 =	vshra.s32 v2, $0xD;
	v1 =	vshra.s32 v3, $0xD  }
0x1c0: {  	v6 =	vshra.s32 v6, $0xD;
	v2 =	vshra.s32 v12, $0xD;
	v3 =	vshra.s32 v13, $0xD;
	v27 =	vld [tilespmem:s11+$0x5470];
	p1 =	slt.u32 s5, $0xF8  }
0x1c1: {  	v7 =	vnsel vm0, $0x1C000, v7;
	v8 =	vnsel vm1, $0x1C000, v8;
	v12 =	vnsel vm2, $0x1C000, v9;
	v28 =	vld [tilespmem:s11+$0x4470]  }
0x1c2: {  	v13 =	vnsel vm3, $0x1C000, v10;
	v9 =	vnsel vm4, $0x1C000, v11;
	v10 =	vnsel vm5, $0x1C000, v14;
	v21 =	vld [tilespmem:s11+$0x5400]  }
0x1c3: {  	vm6 =	vgt.s32 v0, $0x1C000;
	v11 =	vnsel vm7, $0x1C000, v16;
	vm0 =	vgt.s32 v4, $0x1C000;
	v15 =	vld [tilespmem:s11+$0x5410]  }
0x1c4: {  	vm5 =	vgt.s32 v5, $0x1C000;
	vm1 =	vgt.s32 v1, $0x1C000;
	vm2 =	vgt.s32 v6, $0x1C000;
	v17 =	vld [tilespmem:s11+$0x5420]  }
0x1c5: {  	vm3 =	vgt.s32 v2, $0x1C000;
	vm4 =	vgt.s32 v3, $0x1C000;
	v18 =	vld [tilespmem:s11+$0x5430];
	v14 =	vmax.f32 v27, $-8.000000000e+00  }
0x1c6: {  	v7 =	vshll.u32 v7, $0x10;
	v19 =	vld [tilespmem:s11+$0x5440];
	v16 =	vmax.f32 v28, $-8.000000000e+00;
	v14 =	vmul.f32 $8.000000000e+00, v14  }
0x1c7: {  	v8 =	vshll.u32 v8, $0x10;
	v20 =	vmax.f32 v21, $-8.000000000e+00;
	v24 =	vld [tilespmem:s11+$0x5450];
	v16 =	vmul.f32 $8.000000000e+00, v16  }
0x1c8: {  	v22 =	vmul.f32 $8.000000000e+00, v20;
	v23 =	vmax.f32 v15, $-8.000000000e+00;
	v26 =	vld [tilespmem:s11+$0x5460];
	v25 =	vadd.f32 $8.388672000e+06, v14  }
0x1c9: {  	v20 =	vld [tilespmem:s11+$0x4400];
	v23 =	vmul.f32 $8.000000000e+00, v23;
	v29 =	vmax.f32 v17, $-8.000000000e+00;
	v30 =	vadd.f32 $8.388672000e+06, v16  }
0x1ca: {  	v14 =	vld [tilespmem:s11+$0x4410];
	v29 =	vmul.f32 $8.000000000e+00, v29;
	v31 =	vmax.f32 v18, $-8.000000000e+00;
	v32 =	vand.u32 $0x1FF, v25  }
0x1cb: {  	v16 =	vld [tilespmem:s11+$0x4420];
	v31 =	vmul.f32 $8.000000000e+00, v31;
	v25 =	vmax.f32 v19, $-8.000000000e+00;
	v30 =	vand.u32 $0x1FF, v30  }
0x1cc: {  	v33 =	vadd.f32 $8.388672000e+06, v22;
	v22 =	vld [tilespmem:s11+$0x4430];
	v34 =	vmul.f32 $8.000000000e+00, v25;
	v25 =	vmax.f32 v24, $-8.000000000e+00  }
0x1cd: {  	v35 =	vadd.f32 $8.388672000e+06, v23;
	v23 =	vld [tilespmem:s11+$0x4440];
	v36 =	vmul.f32 $8.000000000e+00, v25;
	v37 =	vmax.f32 v26, $-8.000000000e+00  }
0x1ce: {  	v29 =	vadd.f32 $8.388672000e+06, v29;
	v38 =	vmax.f32 v20, $-8.000000000e+00;
	v25 =	vld [tilespmem:s11+$0x4450];
	v37 =	vmul.f32 $8.000000000e+00, v37  }
0x1cf: {  	v31 =	vadd.f32 $8.388672000e+06, v31;
	v38 =	vmul.f32 $8.000000000e+00, v38;
	v39 =	vmax.f32 v14, $-8.000000000e+00;
	v40 =	vld.idx.msk [tilespmem:v32+s31+$0x0], $0xffff  }
0x1d0: {  	v34 =	vadd.f32 $8.388672000e+06, v34;
	v39 =	vmul.f32 $8.000000000e+00, v39;
	v41 =	vmax.f32 v16, $-8.000000000e+00;
	v42 =	vld.idx.msk [tilespmem:v30+s31+$0x0], $0xffff  }
0x1d1: {  	v36 =	vadd.f32 $8.388672000e+06, v36;
	v41 =	vmul.f32 $8.000000000e+00, v41;
	v43 =	vmax.f32 v22, $-8.000000000e+00;
	v32 =	vld.idx.msk [tilespmem:v32+s25+$0x0], $0xffff  }
0x1d2: {  	v37 =	vadd.f32 $8.388672000e+06, v37;
	v43 =	vmul.f32 $8.000000000e+00, v43;
	v44 =	vmax.f32 v23, $-8.000000000e+00;
	v30 =	vld.idx.msk [tilespmem:v30+s25+$0x0], $0xffff  }
0x1d3: {  	v38 =	vadd.f32 $8.388672000e+06, v38;
	v44 =	vmul.f32 $8.000000000e+00, v44;
	v45 =	vmax.f32 v25, $-8.000000000e+00;
	v46 =	vld [tilespmem:s11+$0x4460]  }
0x1d4: {  	v39 =	vadd.f32 $8.388672000e+06, v39;
	v41 =	vadd.f32 $8.388672000e+06, v41;
	v45 =	vmul.f32 $8.000000000e+00, v45  }
0x1d5: {  	v43 =	vadd.f32 $8.388672000e+06, v43;
	v27 =	vmul.f32 v40, v27;
	v44 =	vadd.f32 $8.388672000e+06, v44  }
0x1d6: {  	v33 =	vand.u32 $0x1FF, v33;
	v28 =	vmul.f32 v42, v28;
	v40 =	vadd.f32 $8.388672000e+06, v45  }
0x1d7: {  	v35 =	vand.u32 $0x1FF, v35;
	v29 =	vand.u32 $0x1FF, v29;
	v27 =	vadd.f32 v27, v32  }
0x1d8: {  	v31 =	vand.u32 $0x1FF, v31;
	v28 =	vadd.f32 v28, v30;
	v32 =	vmax.f32 v46, $-8.000000000e+00  }
0x1d9: {  	v30 =	vand.u32 $0x1FF, v34;
	v27 =	vadd.s32 $0x1000, v27;
	v32 =	vmul.f32 $8.000000000e+00, v32  }
0x1da: {  	v34 =	vand.u32 $0x1FF, v36;
	v28 =	vadd.s32 $0x1000, v28;
	v27 =	vshra.s32 v27, $0xD  }
0x1db: {  	v28 =	vshra.s32 v28, $0xD;
	vm7 =	vgt.s32 v27, $0x1C000;
	v36 =	vld.idx.msk [tilespmem:v33+s31+$0x0], $0xffff;
	v32 =	vadd.f32 $8.388672000e+06, v32  }
0x1dc: {  	v37 =	vand.u32 $0x1FF, v37;
	vm8 =	vgt.s32 v28, $0x1C000;
	v27 =	vnsel vm7, $0x1C000, v27;
	v42 =	vld.idx.msk [tilespmem:v35+s31+$0x0], $0xffff  }
0x1dd: {  	v38 =	vand.u32 $0x1FF, v38;
	v28 =	vnsel vm8, $0x1C000, v28;
	v27 =	vshll.u32 v27, $0x10;
	v45 =	vld.idx.msk [tilespmem:v29+s31+$0x0], $0xffff  }
0x1de: {  	v39 =	vand.u32 $0x1FF, v39;
	v28 =	vadd.s32 $0xFFFE4000, v28;
	v27 =	vadd.s32 $0x40000000, v27;
	v47 =	vld.idx.msk [tilespmem:v31+s31+$0x0], $0xffff  }
0x1df: {  	v41 =	vand.u32 $0x1FF, v41;
	v43 =	vand.u32 $0x1FF, v43;
	v27 =	vor.u32 v28, v27;
	v48 =	vld.idx.msk [tilespmem:v30+s31+$0x0], $0xffff  }
0x1e0: {  	v40 =	vand.u32 $0x1FF, v40;
	v32 =	vand.u32 $0x1FF, v32;
	v28 =	vand.u32 $0x1FF, v44;
	v44 =	vld.idx.msk [tilespmem:v34+s31+$0x0], $0xffff;
	[tilespmem:s11+$0x12470] =	vst v27  }
0x1e1: {  	v12 =	vshll.u32 v12, $0x10;
	v13 =	vshll.u32 v13, $0x10;
	v21 =	vmul.f32 v36, v21;
	v27 =	vld.idx.msk [tilespmem:v37+s31+$0x0], $0xffff  }
0x1e2: {  	v9 =	vshll.u32 v9, $0x10;
	v10 =	vshll.u32 v10, $0x10;
	v15 =	vmul.f32 v42, v15;
	v36 =	vld.idx.msk [tilespmem:v38+s31+$0x0], $0xffff  }
0x1e3: {  	v0 =	vnsel vm6, $0x1C000, v0;
	v11 =	vshll.u32 v11, $0x10;
	v17 =	vmul.f32 v45, v17;
	v42 =	vld.idx.msk [tilespmem:v39+s31+$0x0], $0xffff  }
0x1e4: {  	v4 =	vnsel vm0, $0x1C000, v4;
	v5 =	vnsel vm5, $0x1C000, v5;
	v18 =	vmul.f32 v47, v18;
	v45 =	vld.idx.msk [tilespmem:v41+s31+$0x0], $0xffff  }
0x1e5: {  	v1 =	vnsel vm1, $0x1C000, v1;
	v6 =	vnsel vm2, $0x1C000, v6;
	v19 =	vmul.f32 v48, v19;
	v47 =	vld.idx.msk [tilespmem:v43+s31+$0x0], $0xffff  }
0x1e6: {  	v2 =	vnsel vm3, $0x1C000, v2;
	v3 =	vnsel vm4, $0x1C000, v3;
	v24 =	vmul.f32 v44, v24;
	v48 =	vld.idx.msk [tilespmem:v28+s31+$0x0], $0xffff  }
0x1e7: {  	v7 =	vadd.s32 $0x40000000, v7;
	v8 =	vadd.s32 $0x40000000, v8;
	v26 =	vmul.f32 v27, v26;
	v44 =	vld.idx.msk [tilespmem:v40+s31+$0x0], $0xffff  }
0x1e8: {  	v12 =	vadd.s32 $0x40000000, v12;
	v13 =	vadd.s32 $0x40000000, v13;
	v20 =	vmul.f32 v36, v20;
	v27 =	vld.idx.msk [tilespmem:v32+s31+$0x0], $0xffff  }
0x1e9: {  	v9 =	vadd.s32 $0x40000000, v9;
	v10 =	vadd.s32 $0x40000000, v10;
	v14 =	vmul.f32 v42, v14;
	v33 =	vld.idx.msk [tilespmem:v33+s25+$0x0], $0xffff  }
0x1ea: {  	v0 =	vadd.s32 $0xFFFE4000, v0;
	v11 =	vadd.s32 $0x40000000, v11;
	v16 =	vmul.f32 v45, v16;
	v35 =	vld.idx.msk [tilespmem:v35+s25+$0x0], $0xffff  }
0x1eb: {  	v4 =	vadd.s32 $0xFFFE4000, v4;
	v5 =	vadd.s32 $0xFFFE4000, v5;
	v22 =	vmul.f32 v47, v22;
	v29 =	vld.idx.msk [tilespmem:v29+s25+$0x0], $0xffff  }
0x1ec: {  	v1 =	vadd.s32 $0xFFFE4000, v1;
	v6 =	vadd.s32 $0xFFFE4000, v6;
	v23 =	vmul.f32 v48, v23;
	v31 =	vld.idx.msk [tilespmem:v31+s25+$0x0], $0xffff  }
0x1ed: {  	v2 =	vadd.s32 $0xFFFE4000, v2;
	v3 =	vadd.s32 $0xFFFE4000, v3;
	v25 =	vmul.f32 v44, v25;
	v30 =	vld.idx.msk [tilespmem:v30+s25+$0x0], $0xffff  }
0x1ee: {  	v0 =	vor.u32 v0, v7;
	v4 =	vor.u32 v4, v8;
	v27 =	vmul.f32 v27, v46;
	v34 =	vld.idx.msk [tilespmem:v34+s25+$0x0], $0xffff  }
0x1ef: {  	v5 =	vor.u32 v5, v12;
	v1 =	vor.u32 v1, v13;
	v7 =	vadd.f32 v21, v33;
	v21 =	vld.idx.msk [tilespmem:v37+s25+$0x0], $0xffff  }
0x1f0: {  	v6 =	vor.u32 v6, v9;
	v2 =	vor.u32 v2, v10;
	v8 =	vadd.f32 v15, v35;
	v12 =	vld.idx.msk [tilespmem:v38+s25+$0x0], $0xffff  }
0x1f1: {  	v7 =	vadd.s32 $0x1000, v7;
	v9 =	vadd.f32 v17, v29;
	v13 =	vld.idx.msk [tilespmem:v39+s25+$0x0], $0xffff;
	[tilespmem:s30+$0x12400] =	vst v0;
	v0 =	vor.u32 v3, v11  }
0x1f2: {  	v7 =	vshra.s32 v7, $0xD;
	v3 =	vadd.s32 $0x1000, v8;
	v10 =	vadd.f32 v18, v31;
	v15 =	vld.idx.msk [tilespmem:v41+s25+$0x0], $0xffff;
	[tilespmem:s30+$0x12410] =	vst v4  }
0x1f3: {  	v8 =	vshra.s32 v3, $0xD;
	v3 =	vadd.s32 $0x1000, v9;
	v11 =	vadd.f32 v19, v30;
	v4 =	vld.idx.msk [tilespmem:v43+s25+$0x0], $0xffff;
	[tilespmem:s30+$0x12420] =	vst v5  }
0x1f4: {  	v9 =	vshra.s32 v3, $0xD;
	v3 =	vadd.s32 $0x1000, v10;
	v17 =	vadd.f32 v24, v34;
	v5 =	vld.idx.msk [tilespmem:v28+s25+$0x0], $0xffff;
	[tilespmem:s30+$0x12430] =	vst v1  }
0x1f5: {  	v10 =	vshra.s32 v3, $0xD;
	v1 =	vadd.s32 $0x1000, v11;
	v3 =	vadd.f32 v26, v21;
	v18 =	vld.idx.msk [tilespmem:v40+s25+$0x0], $0xffff;
	[tilespmem:s30+$0x12440] =	vst v6  }
0x1f6: {  	v6 =	vadd.f32 v20, v12;
	v11 =	vshra.s32 v1, $0xD;
	v1 =	vadd.s32 $0x1000, v17;
	v12 =	vld.idx.msk [tilespmem:v32+s25+$0x0], $0xffff;
	[tilespmem:s30+$0x12450] =	vst v2  }
0x1f7: {  	v2 =	vadd.f32 v14, v13;
	v14 =	vshra.s32 v1, $0xD;
	v1 =	vadd.s32 $0x1000, v3;
	[tilespmem:s30+$0x12460] =	vst v0;
	s30 =	smov.u32 s11  }
0x1f8: {  	v0 =	vadd.s32 $0x1000, v6;
	v3 =	vadd.f32 v16, v15;
	v16 =	vshra.s32 v1, $0xD  }
0x1f9: {  	vm0 =	vgt.s32 v7, $0x1C000;
	v1 =	vadd.s32 $0x1000, v2;
	v4 =	vadd.f32 v22, v4  }
.Ltmp2:
0x1fa: {  	vm1 =	vgt.s32 v8, $0x1C000;
	v2 =	vadd.s32 $0x1000, v3;
	v5 =	vadd.f32 v23, v5;
	(pc) =	sbr.rel @p1 .LBB2_7-.Ltmp2, $4  }
0x1fb: {  	vm2 =	vgt.s32 v9, $0x1C000;
	v3 =	vadd.s32 $0x1000, v4;
	v4 =	vadd.f32 v25, v18  }
0x1fc: {  	vm3 =	vgt.s32 v10, $0x1C000;
	v6 =	vadd.s32 $0x1000, v5;
	v5 =	vadd.f32 v27, v12  }
0x1fd: {  	vm4 =	vgt.s32 v11, $0x1C000;
	vm5 =	vgt.s32 v14, $0x1C000;
	v12 =	vadd.s32 $0x1000, v4  }
0x1fe: {  	s10 =	sadd.s32 $0x200, s10;
	v0 =	vshra.s32 v0, $0xD;
	vm7 =	vgt.s32 v16, $0x1C000;
	v13 =	vadd.s32 $0x1000, v5  }
0x1ff: {  	v1 =	vshra.s32 v1, $0xD;
	v2 =	vshra.s32 v2, $0xD;
	v3 =	vshra.s32 v3, $0xD  }
0x200: {  	v4 =	vshra.s32 v6, $0xD;
	v5 =	vshra.s32 v12, $0xD;
	v6 =	vshra.s32 v13, $0xD  }
0x201: {  	v7 =	vnsel vm0, $0x1C000, v7;
	v8 =	vnsel vm1, $0x1C000, v8;
	v9 =	vnsel vm2, $0x1C000, v9  }
0x202: {  	v10 =	vnsel vm3, $0x1C000, v10;
	v11 =	vnsel vm4, $0x1C000, v11;
	v12 =	vnsel vm5, $0x1C000, v14  }
0x203: {  	vm0 =	vgt.s32 v0, $0x1C000;
	v13 =	vnsel vm7, $0x1C000, v16;
	vm1 =	vgt.s32 v1, $0x1C000  }
0x204: {  	vm2 =	vgt.s32 v2, $0x1C000;
	vm3 =	vgt.s32 v3, $0x1C000;
	vm4 =	vgt.s32 v4, $0x1C000  }
0x205: {  	vm5 =	vgt.s32 v5, $0x1C000;
	vm6 =	vgt.s32 v6, $0x1C000;
	v7 =	vshll.u32 v7, $0x10  }
0x206: {  	v8 =	vshll.u32 v8, $0x10;
	v9 =	vshll.u32 v9, $0x10;
	v10 =	vshll.u32 v10, $0x10  }
0x207: {  	v11 =	vshll.u32 v11, $0x10;
	v12 =	vshll.u32 v12, $0x10;
	v0 =	vnsel vm0, $0x1C000, v0  }
0x208: {  	v13 =	vshll.u32 v13, $0x10;
	v1 =	vnsel vm1, $0x1C000, v1;
	v2 =	vnsel vm2, $0x1C000, v2  }
0x209: {  	v3 =	vnsel vm3, $0x1C000, v3;
	v4 =	vnsel vm4, $0x1C000, v4;
	v5 =	vnsel vm5, $0x1C000, v5  }
0x20a: {  	v6 =	vnsel vm6, $0x1C000, v6;
	v7 =	vadd.s32 $0x40000000, v7;
	v0 =	vadd.s32 $0xFFFE4000, v0  }
0x20b: {  	v8 =	vadd.s32 $0x40000000, v8;
	v1 =	vadd.s32 $0xFFFE4000, v1;
	v0 =	vor.u32 v0, v7  }
0x20c: {  	v7 =	vadd.s32 $0x40000000, v9;
	v2 =	vadd.s32 $0xFFFE4000, v2;
	v1 =	vor.u32 v1, v8;
	[tilespmem:s30+$0x12400] =	vst v0  }
0x20d: {  	v3 =	vadd.s32 $0xFFFE4000, v3;
	v0 =	vadd.s32 $0x40000000, v10;
	v2 =	vor.u32 v2, v7;
	[tilespmem:s30+$0x12410] =	vst v1  }
0x20e: {  	v4 =	vadd.s32 $0xFFFE4000, v4;
	v1 =	vadd.s32 $0x40000000, v11;
	v0 =	vor.u32 v3, v0;
	[tilespmem:s30+$0x12420] =	vst v2  }
0x20f: {  	v2 =	vadd.s32 $0x40000000, v12;
	v3 =	vadd.s32 $0xFFFE4000, v5;
	v1 =	vor.u32 v4, v1;
	[tilespmem:s30+$0x12430] =	vst v0  }
0x210: {  	v0 =	vadd.s32 $0x40000000, v13;
	v4 =	vadd.s32 $0xFFFE4000, v6;
	v2 =	vor.u32 v3, v2;
	[tilespmem:s30+$0x12440] =	vst v1  }
0x211: {  	v0 =	vor.u32 v4, v0;
	[tilespmem:s30+$0x12450] =	vst v2  }
0x212: {  	[tilespmem:s30+$0x12460] =	vst v0  }
0x213: {  	v0 =	vld [tilespmem:s23+$0x7470]  }
0x214: {  	v1 =	vld [tilespmem:s23+$0x6470]  }
0x215: {  	v2 =	vld [tilespmem:s23+$0x7400]  }
0x216: {  	v3 =	vld [tilespmem:s23+$0x7410]  }
0x217: {  	v4 =	vld [tilespmem:s23+$0x7420]  }
0x218: {  	v5 =	vld [tilespmem:s23+$0x7430]  }
0x219: {  	v7 =	vld [tilespmem:s23+$0x7440]  }
0x21a: {  	v10 =	vld [tilespmem:s23+$0x7450]  }
0x21b: {  	v12 =	vld [tilespmem:s23+$0x7460]  }
0x21c: {  	v13 =	vld [tilespmem:s23+$0x6400]  }
0x21d: {  	v15 =	vld [tilespmem:s23+$0x6410];
	v6 =	vmax.f32 v0, $-8.000000000e+00;
	v8 =	vmax.f32 v1, $-8.000000000e+00  }
0x21e: {  	v18 =	vld [tilespmem:s23+$0x6420];
	v9 =	vmax.f32 v2, $-8.000000000e+00;
	v11 =	vmax.f32 v3, $-8.000000000e+00;
	v6 =	vmul.f32 $8.000000000e+00, v6  }
0x21f: {  	v24 =	vld [tilespmem:s23+$0x6450];
	v14 =	vmax.f32 v4, $-8.000000000e+00;
	v16 =	vmax.f32 v5, $-8.000000000e+00;
	v8 =	vmul.f32 $8.000000000e+00, v8  }
0x220: {  	v30 =	vld [tilespmem:s23+$0x6460];
	v17 =	vmax.f32 v7, $-8.000000000e+00;
	v19 =	vmax.f32 v10, $-8.000000000e+00;
	v6 =	vadd.f32 $8.388672000e+06, v6  }
0x221: {  	v22 =	vmax.f32 v12, $-8.000000000e+00;
	v23 =	vmax.f32 v13, $-8.000000000e+00;
	v8 =	vadd.f32 $8.388672000e+06, v8  }
0x222: {  	v25 =	vmax.f32 v15, $-8.000000000e+00;
	v9 =	vmul.f32 $8.000000000e+00, v9;
	v6 =	vand.u32 $0x1FF, v6  }
0x223: {  	v27 =	vmax.f32 v18, $-8.000000000e+00;
	v11 =	vmul.f32 $8.000000000e+00, v11;
	v8 =	vand.u32 $0x1FF, v8  }
0x224: {  	v33 =	vmax.f32 v24, $-8.000000000e+00;
	v14 =	vmul.f32 $8.000000000e+00, v14;
	v9 =	vadd.f32 $8.388672000e+06, v9  }
0x225: {  	v20 =	vld [tilespmem:s23+$0x6430];
	v36 =	vmax.f32 v30, $-8.000000000e+00;
	v16 =	vmul.f32 $8.000000000e+00, v16;
	v11 =	vadd.f32 $8.388672000e+06, v11  }
0x226: {  	v21 =	vld [tilespmem:s23+$0x6440];
	v17 =	vmul.f32 $8.000000000e+00, v17;
	v14 =	vadd.f32 $8.388672000e+06, v14;
	v9 =	vand.u32 $0x1FF, v9  }
0x227: {  	v19 =	vmul.f32 $8.000000000e+00, v19;
	v16 =	vadd.f32 $8.388672000e+06, v16;
	v11 =	vand.u32 $0x1FF, v11;
	v26 =	vld.idx.msk [tilespmem:v6+s31+$0x0], $0xffff  }
0x228: {  	v22 =	vmul.f32 $8.000000000e+00, v22;
	v17 =	vadd.f32 $8.388672000e+06, v17;
	v14 =	vand.u32 $0x1FF, v14;
	v28 =	vld.idx.msk [tilespmem:v8+s31+$0x0], $0xffff  }
0x229: {  	v23 =	vmul.f32 $8.000000000e+00, v23;
	v19 =	vadd.f32 $8.388672000e+06, v19;
	v16 =	vand.u32 $0x1FF, v16;
	v6 =	vld.idx.msk [tilespmem:v6+s3+$0x0], $0xffff  }
0x22a: {  	v25 =	vmul.f32 $8.000000000e+00, v25;
	v22 =	vadd.f32 $8.388672000e+06, v22;
	v17 =	vand.u32 $0x1FF, v17;
	v8 =	vld.idx.msk [tilespmem:v8+s3+$0x0], $0xffff  }
0x22b: {  	v27 =	vmul.f32 $8.000000000e+00, v27;
	v23 =	vadd.f32 $8.388672000e+06, v23;
	v19 =	vand.u32 $0x1FF, v19;
	v32 =	vld.idx.msk [tilespmem:v9+s31+$0x0], $0xffff  }
0x22c: {  	v33 =	vmul.f32 $8.000000000e+00, v33;
	v25 =	vadd.f32 $8.388672000e+06, v25;
	v22 =	vand.u32 $0x1FF, v22;
	v34 =	vld.idx.msk [tilespmem:v11+s31+$0x0], $0xffff  }
0x22d: {  	v36 =	vmul.f32 $8.000000000e+00, v36;
	v27 =	vadd.f32 $8.388672000e+06, v27;
	v23 =	vand.u32 $0x1FF, v23;
	v35 =	vld.idx.msk [tilespmem:v14+s31+$0x0], $0xffff  }
0x22e: {  	v33 =	vadd.f32 $8.388672000e+06, v33;
	v25 =	vand.u32 $0x1FF, v25;
	v37 =	vld.idx.msk [tilespmem:v16+s31+$0x0], $0xffff  }
0x22f: {  	v36 =	vadd.f32 $8.388672000e+06, v36;
	v27 =	vand.u32 $0x1FF, v27;
	v38 =	vld.idx.msk [tilespmem:v17+s31+$0x0], $0xffff  }
0x230: {  	v29 =	vmax.f32 v20, $-8.000000000e+00;
	v33 =	vand.u32 $0x1FF, v33;
	v39 =	vld.idx.msk [tilespmem:v19+s31+$0x0], $0xffff  }
0x231: {  	v31 =	vmax.f32 v21, $-8.000000000e+00;
	v29 =	vmul.f32 $8.000000000e+00, v29;
	v53 =	vand.u32 $0x1FF, v36;
	v40 =	vld.idx.msk [tilespmem:v22+s31+$0x0], $0xffff  }
0x232: {  	v31 =	vmul.f32 $8.000000000e+00, v31;
	v41 =	vld.idx.msk [tilespmem:v23+s31+$0x0], $0xffff  }
0x233: {  	v29 =	vadd.f32 $8.388672000e+06, v29;
	v54 =	vld.idx.msk [tilespmem:v25+s31+$0x0], $0xffff  }
0x234: {  	v31 =	vadd.f32 $8.388672000e+06, v31;
	v55 =	vld.idx.msk [tilespmem:v27+s31+$0x0], $0xffff;
	v0 =	vmul.f32 v26, v0  }
0x235: {  	v29 =	vand.u32 $0x1FF, v29;
	v56 =	vld.idx.msk [tilespmem:v33+s31+$0x0], $0xffff;
	v1 =	vmul.f32 v28, v1  }
0x236: {  	v31 =	vand.u32 $0x1FF, v31;
	v57 =	vld.idx.msk [tilespmem:v53+s31+$0x0], $0xffff;
	v2 =	vmul.f32 v32, v2;
	v0 =	vadd.f32 v0, v6  }
0x237: {  	v9 =	vld.idx.msk [tilespmem:v9+s3+$0x0], $0xffff;
	v3 =	vmul.f32 v34, v3;
	v4 =	vmul.f32 v35, v4;
	v1 =	vadd.f32 v1, v8  }
0x238: {  	v5 =	vmul.f32 v37, v5;
	v58 =	vmul.f32 v38, v7;
	v7 =	vld.idx.msk [tilespmem:v11+s3+$0x0], $0xffff;
	v0 =	vadd.s32 $0x1000, v0  }
0x239: {  	v61 =	vld.idx.msk [tilespmem:v23+s3+$0x0], $0xffff;
	v10 =	vmul.f32 v39, v10;
	v1 =	vadd.s32 $0x1000, v1;
	v0 =	vshra.s32 v0, $0xD  }
0x23a: {  	v11 =	vld.idx.msk [tilespmem:v14+s3+$0x0], $0xffff;
	v12 =	vmul.f32 v40, v12;
	v1 =	vshra.s32 v1, $0xD;
	vm0 =	vgt.s32 v0, $0x1C000  }
0x23b: {  	v14 =	vld.idx.msk [tilespmem:v16+s3+$0x0], $0xffff;
	v16 =	vmul.f32 v55, v18;
	v0 =	vnsel vm0, $0x1C000, v0;
	vm0 =	vgt.s32 v1, $0x1C000  }
0x23c: {  	v8 =	vld.idx.msk [tilespmem:v31+s31+$0x0], $0xffff;
	v2 =	vadd.f32 v2, v9;
	v1 =	vnsel vm0, $0x1C000, v1;
	v0 =	vshll.u32 v0, $0x10  }
0x23d: {  	v6 =	vld.idx.msk [tilespmem:v29+s31+$0x0], $0xffff;
	v3 =	vadd.f32 v3, v7;
	v1 =	vadd.s32 $0xFFFE4000, v1;
	v0 =	vadd.s32 $0x40000000, v0  }
0x23e: {  	v0 =	vor.u32 v1, v0;
	v1 =	vmul.f32 v41, v13;
	v13 =	vmul.f32 v54, v15;
	v15 =	vld.idx.msk [tilespmem:v17+s3+$0x0], $0xffff  }
0x23f: {  	v60 =	vmul.f32 v57, v30;
	v2 =	vadd.s32 $0x1000, v2;
	v4 =	vadd.f32 v4, v11;
	v17 =	vld.idx.msk [tilespmem:v19+s3+$0x0], $0xffff  }
0x240: {  	v7 =	vshra.s32 v2, $0xD;
	v2 =	vadd.s32 $0x1000, v3;
	v3 =	vadd.f32 v5, v14;
	v5 =	vld.idx.msk [tilespmem:v27+s3+$0x0], $0xffff  }
0x241: {  	v59 =	vld.idx.msk [tilespmem:v22+s3+$0x0], $0xffff;
	v18 =	vmul.f32 v8, v21;
	v8 =	vshra.s32 v2, $0xD;
	v2 =	vadd.s32 $0x1000, v4  }
0x242: {  	v62 =	vld.idx.msk [tilespmem:v25+s3+$0x0], $0xffff;
	v6 =	vmul.f32 v6, v20;
	vm0 =	vgt.s32 v7, $0x1C000;
	v9 =	vshra.s32 v2, $0xD  }
0x243: {  	v63 =	vld.idx.msk [tilespmem:v53+s3+$0x0], $0xffff;
	v2 =	vadd.s32 $0x1000, v3;
	vm1 =	vgt.s32 v8, $0x1C000;
	v19 =	vmul.f32 v56, v24  }
0x244: {  	vm2 =	vgt.s32 v9, $0x1C000;
	v4 =	vadd.f32 v58, v15;
	v3 =	vadd.f32 v10, v17;
	v17 =	vld.idx.msk [tilespmem:v31+s3+$0x0], $0xffff  }
0x245: {  	v1 =	vadd.f32 v1, v61;
	v5 =	vadd.f32 v16, v5;
	v15 =	vld.idx.msk [tilespmem:v29+s3+$0x0], $0xffff;
	v10 =	vshra.s32 v2, $0xD  }
0x246: {  	vm3 =	vgt.s32 v10, $0x1C000;
	v2 =	vadd.s32 $0x1000, v4;
	v4 =	vadd.f32 v12, v59;
	v12 =	vld.idx.msk [tilespmem:v33+s3+$0x0], $0xffff  }
0x247: {  	v11 =	vshra.s32 v2, $0xD;
	v2 =	vadd.s32 $0x1000, v3;
	v3 =	vadd.f32 v13, v62  }
0x248: {  	v14 =	vshra.s32 v2, $0xD;
	v2 =	vadd.s32 $0x1000, v4;
	v4 =	vadd.s32 $0x1000, v1  }
0x249: {  	v16 =	vshra.s32 v2, $0xD;
	v2 =	vadd.s32 $0x1000, v5;
	v5 =	vadd.f32 v18, v17  }
0x24a: {  	vm4 =	vgt.s32 v11, $0x1C000;
	v1 =	vadd.s32 $0x1000, v3;
	v3 =	vadd.f32 v6, v15  }
0x24b: {  	v12 =	vadd.f32 v19, v12;
	v6 =	vadd.s32 $0x1000, v5;
	v5 =	vadd.f32 v60, v63  }
0x24c: {  	[tilespmem:s23+$0x13470] =	vst v0;
	vm5 =	vgt.s32 v14, $0x1C000;
	v0 =	vshra.s32 v4, $0xD;
	vm7 =	vgt.s32 v16, $0x1C000  }
0x24d: {  	s5 =	simm.s32 $0x0;
	s10 =	simm.s32 $0x200;
	v3 =	vadd.s32 $0x1000, v3;
	v12 =	vadd.s32 $0x1000, v12;
	v13 =	vadd.s32 $0x1000, v5  }
.LBB2_9:
0x24e: {  	s11 =	sshra.s32 s10, $0x2;
	s5 =	sadd.s32 $0x8, s5;
	v4 =	vshra.s32 v1, $0xD;
	v5 =	vshra.s32 v2, $0xD;
	v1 =	vshra.s32 v3, $0xD  }
0x24f: {  	v6 =	vshra.s32 v6, $0xD;
	v2 =	vshra.s32 v12, $0xD;
	v3 =	vshra.s32 v13, $0xD;
	v27 =	vld [tilespmem:s11+$0x7470];
	p1 =	slt.u32 s5, $0xF8  }
0x250: {  	v7 =	vnsel vm0, $0x1C000, v7;
	v8 =	vnsel vm1, $0x1C000, v8;
	v12 =	vnsel vm2, $0x1C000, v9;
	v28 =	vld [tilespmem:s11+$0x6470]  }
0x251: {  	v13 =	vnsel vm3, $0x1C000, v10;
	v9 =	vnsel vm4, $0x1C000, v11;
	v10 =	vnsel vm5, $0x1C000, v14;
	v21 =	vld [tilespmem:s11+$0x7400]  }
0x252: {  	vm6 =	vgt.s32 v0, $0x1C000;
	v11 =	vnsel vm7, $0x1C000, v16;
	vm0 =	vgt.s32 v4, $0x1C000;
	v15 =	vld [tilespmem:s11+$0x7410]  }
0x253: {  	vm5 =	vgt.s32 v5, $0x1C000;
	vm1 =	vgt.s32 v1, $0x1C000;
	vm2 =	vgt.s32 v6, $0x1C000;
	v17 =	vld [tilespmem:s11+$0x7420]  }
0x254: {  	vm3 =	vgt.s32 v2, $0x1C000;
	vm4 =	vgt.s32 v3, $0x1C000;
	v18 =	vld [tilespmem:s11+$0x7430];
	v14 =	vmax.f32 v27, $-8.000000000e+00  }
0x255: {  	v7 =	vshll.u32 v7, $0x10;
	v19 =	vld [tilespmem:s11+$0x7440];
	v16 =	vmax.f32 v28, $-8.000000000e+00;
	v14 =	vmul.f32 $8.000000000e+00, v14  }
0x256: {  	v8 =	vshll.u32 v8, $0x10;
	v20 =	vmax.f32 v21, $-8.000000000e+00;
	v24 =	vld [tilespmem:s11+$0x7450];
	v16 =	vmul.f32 $8.000000000e+00, v16  }
0x257: {  	v22 =	vmul.f32 $8.000000000e+00, v20;
	v23 =	vmax.f32 v15, $-8.000000000e+00;
	v26 =	vld [tilespmem:s11+$0x7460];
	v25 =	vadd.f32 $8.388672000e+06, v14  }
0x258: {  	v20 =	vld [tilespmem:s11+$0x6400];
	v23 =	vmul.f32 $8.000000000e+00, v23;
	v29 =	vmax.f32 v17, $-8.000000000e+00;
	v30 =	vadd.f32 $8.388672000e+06, v16  }
0x259: {  	v14 =	vld [tilespmem:s11+$0x6410];
	v29 =	vmul.f32 $8.000000000e+00, v29;
	v31 =	vmax.f32 v18, $-8.000000000e+00;
	v32 =	vand.u32 $0x1FF, v25  }
0x25a: {  	v16 =	vld [tilespmem:s11+$0x6420];
	v31 =	vmul.f32 $8.000000000e+00, v31;
	v25 =	vmax.f32 v19, $-8.000000000e+00;
	v30 =	vand.u32 $0x1FF, v30  }
0x25b: {  	v33 =	vadd.f32 $8.388672000e+06, v22;
	v22 =	vld [tilespmem:s11+$0x6430];
	v34 =	vmul.f32 $8.000000000e+00, v25;
	v25 =	vmax.f32 v24, $-8.000000000e+00  }
0x25c: {  	v35 =	vadd.f32 $8.388672000e+06, v23;
	v23 =	vld [tilespmem:s11+$0x6440];
	v36 =	vmul.f32 $8.000000000e+00, v25;
	v37 =	vmax.f32 v26, $-8.000000000e+00  }
0x25d: {  	v29 =	vadd.f32 $8.388672000e+06, v29;
	v38 =	vmax.f32 v20, $-8.000000000e+00;
	v25 =	vld [tilespmem:s11+$0x6450];
	v37 =	vmul.f32 $8.000000000e+00, v37  }
0x25e: {  	v31 =	vadd.f32 $8.388672000e+06, v31;
	v38 =	vmul.f32 $8.000000000e+00, v38;
	v39 =	vmax.f32 v14, $-8.000000000e+00;
	v40 =	vld.idx.msk [tilespmem:v32+s31+$0x0], $0xffff  }
0x25f: {  	v34 =	vadd.f32 $8.388672000e+06, v34;
	v39 =	vmul.f32 $8.000000000e+00, v39;
	v41 =	vmax.f32 v16, $-8.000000000e+00;
	v42 =	vld.idx.msk [tilespmem:v30+s31+$0x0], $0xffff  }
0x260: {  	v36 =	vadd.f32 $8.388672000e+06, v36;
	v41 =	vmul.f32 $8.000000000e+00, v41;
	v43 =	vmax.f32 v22, $-8.000000000e+00;
	v32 =	vld.idx.msk [tilespmem:v32+s3+$0x0], $0xffff  }
0x261: {  	v37 =	vadd.f32 $8.388672000e+06, v37;
	v43 =	vmul.f32 $8.000000000e+00, v43;
	v44 =	vmax.f32 v23, $-8.000000000e+00;
	v30 =	vld.idx.msk [tilespmem:v30+s3+$0x0], $0xffff  }
0x262: {  	v38 =	vadd.f32 $8.388672000e+06, v38;
	v44 =	vmul.f32 $8.000000000e+00, v44;
	v45 =	vmax.f32 v25, $-8.000000000e+00;
	v46 =	vld [tilespmem:s11+$0x6460]  }
0x263: {  	v39 =	vadd.f32 $8.388672000e+06, v39;
	v41 =	vadd.f32 $8.388672000e+06, v41;
	v45 =	vmul.f32 $8.000000000e+00, v45  }
0x264: {  	v43 =	vadd.f32 $8.388672000e+06, v43;
	v27 =	vmul.f32 v40, v27;
	v44 =	vadd.f32 $8.388672000e+06, v44  }
0x265: {  	v33 =	vand.u32 $0x1FF, v33;
	v28 =	vmul.f32 v42, v28;
	v40 =	vadd.f32 $8.388672000e+06, v45  }
0x266: {  	v35 =	vand.u32 $0x1FF, v35;
	v29 =	vand.u32 $0x1FF, v29;
	v27 =	vadd.f32 v27, v32  }
0x267: {  	v31 =	vand.u32 $0x1FF, v31;
	v28 =	vadd.f32 v28, v30;
	v32 =	vmax.f32 v46, $-8.000000000e+00  }
0x268: {  	v30 =	vand.u32 $0x1FF, v34;
	v27 =	vadd.s32 $0x1000, v27;
	v32 =	vmul.f32 $8.000000000e+00, v32  }
0x269: {  	v34 =	vand.u32 $0x1FF, v36;
	v28 =	vadd.s32 $0x1000, v28;
	v27 =	vshra.s32 v27, $0xD  }
0x26a: {  	v28 =	vshra.s32 v28, $0xD;
	vm7 =	vgt.s32 v27, $0x1C000;
	v36 =	vld.idx.msk [tilespmem:v33+s31+$0x0], $0xffff;
	v32 =	vadd.f32 $8.388672000e+06, v32  }
0x26b: {  	v37 =	vand.u32 $0x1FF, v37;
	vm8 =	vgt.s32 v28, $0x1C000;
	v27 =	vnsel vm7, $0x1C000, v27;
	v42 =	vld.idx.msk [tilespmem:v35+s31+$0x0], $0xffff  }
0x26c: {  	v38 =	vand.u32 $0x1FF, v38;
	v28 =	vnsel vm8, $0x1C000, v28;
	v27 =	vshll.u32 v27, $0x10;
	v45 =	vld.idx.msk [tilespmem:v29+s31+$0x0], $0xffff  }
0x26d: {  	v39 =	vand.u32 $0x1FF, v39;
	v28 =	vadd.s32 $0xFFFE4000, v28;
	v27 =	vadd.s32 $0x40000000, v27;
	v47 =	vld.idx.msk [tilespmem:v31+s31+$0x0], $0xffff  }
0x26e: {  	v41 =	vand.u32 $0x1FF, v41;
	v43 =	vand.u32 $0x1FF, v43;
	v27 =	vor.u32 v28, v27;
	v48 =	vld.idx.msk [tilespmem:v30+s31+$0x0], $0xffff  }
0x26f: {  	v40 =	vand.u32 $0x1FF, v40;
	v32 =	vand.u32 $0x1FF, v32;
	v28 =	vand.u32 $0x1FF, v44;
	v44 =	vld.idx.msk [tilespmem:v34+s31+$0x0], $0xffff;
	[tilespmem:s11+$0x13470] =	vst v27  }
0x270: {  	v12 =	vshll.u32 v12, $0x10;
	v13 =	vshll.u32 v13, $0x10;
	v21 =	vmul.f32 v36, v21;
	v27 =	vld.idx.msk [tilespmem:v37+s31+$0x0], $0xffff  }
0x271: {  	v9 =	vshll.u32 v9, $0x10;
	v10 =	vshll.u32 v10, $0x10;
	v15 =	vmul.f32 v42, v15;
	v36 =	vld.idx.msk [tilespmem:v38+s31+$0x0], $0xffff  }
0x272: {  	v0 =	vnsel vm6, $0x1C000, v0;
	v11 =	vshll.u32 v11, $0x10;
	v17 =	vmul.f32 v45, v17;
	v42 =	vld.idx.msk [tilespmem:v39+s31+$0x0], $0xffff  }
0x273: {  	v4 =	vnsel vm0, $0x1C000, v4;
	v5 =	vnsel vm5, $0x1C000, v5;
	v18 =	vmul.f32 v47, v18;
	v45 =	vld.idx.msk [tilespmem:v41+s31+$0x0], $0xffff  }
0x274: {  	v1 =	vnsel vm1, $0x1C000, v1;
	v6 =	vnsel vm2, $0x1C000, v6;
	v19 =	vmul.f32 v48, v19;
	v47 =	vld.idx.msk [tilespmem:v43+s31+$0x0], $0xffff  }
0x275: {  	v2 =	vnsel vm3, $0x1C000, v2;
	v3 =	vnsel vm4, $0x1C000, v3;
	v24 =	vmul.f32 v44, v24;
	v48 =	vld.idx.msk [tilespmem:v28+s31+$0x0], $0xffff  }
0x276: {  	v7 =	vadd.s32 $0x40000000, v7;
	v8 =	vadd.s32 $0x40000000, v8;
	v26 =	vmul.f32 v27, v26;
	v44 =	vld.idx.msk [tilespmem:v40+s31+$0x0], $0xffff  }
0x277: {  	v12 =	vadd.s32 $0x40000000, v12;
	v13 =	vadd.s32 $0x40000000, v13;
	v20 =	vmul.f32 v36, v20;
	v27 =	vld.idx.msk [tilespmem:v32+s31+$0x0], $0xffff  }
0x278: {  	v9 =	vadd.s32 $0x40000000, v9;
	v10 =	vadd.s32 $0x40000000, v10;
	v14 =	vmul.f32 v42, v14;
	v33 =	vld.idx.msk [tilespmem:v33+s3+$0x0], $0xffff  }
0x279: {  	v0 =	vadd.s32 $0xFFFE4000, v0;
	v11 =	vadd.s32 $0x40000000, v11;
	v16 =	vmul.f32 v45, v16;
	v35 =	vld.idx.msk [tilespmem:v35+s3+$0x0], $0xffff  }
0x27a: {  	v4 =	vadd.s32 $0xFFFE4000, v4;
	v5 =	vadd.s32 $0xFFFE4000, v5;
	v22 =	vmul.f32 v47, v22;
	v29 =	vld.idx.msk [tilespmem:v29+s3+$0x0], $0xffff  }
0x27b: {  	v1 =	vadd.s32 $0xFFFE4000, v1;
	v6 =	vadd.s32 $0xFFFE4000, v6;
	v23 =	vmul.f32 v48, v23;
	v31 =	vld.idx.msk [tilespmem:v31+s3+$0x0], $0xffff  }
0x27c: {  	v2 =	vadd.s32 $0xFFFE4000, v2;
	v3 =	vadd.s32 $0xFFFE4000, v3;
	v25 =	vmul.f32 v44, v25;
	v30 =	vld.idx.msk [tilespmem:v30+s3+$0x0], $0xffff  }
0x27d: {  	v0 =	vor.u32 v0, v7;
	v4 =	vor.u32 v4, v8;
	v27 =	vmul.f32 v27, v46;
	v34 =	vld.idx.msk [tilespmem:v34+s3+$0x0], $0xffff  }
0x27e: {  	v5 =	vor.u32 v5, v12;
	v1 =	vor.u32 v1, v13;
	v7 =	vadd.f32 v21, v33;
	v21 =	vld.idx.msk [tilespmem:v37+s3+$0x0], $0xffff  }
0x27f: {  	v6 =	vor.u32 v6, v9;
	v2 =	vor.u32 v2, v10;
	v8 =	vadd.f32 v15, v35;
	v12 =	vld.idx.msk [tilespmem:v38+s3+$0x0], $0xffff  }
0x280: {  	v7 =	vadd.s32 $0x1000, v7;
	v9 =	vadd.f32 v17, v29;
	v13 =	vld.idx.msk [tilespmem:v39+s3+$0x0], $0xffff;
	[tilespmem:s23+$0x13400] =	vst v0;
	v0 =	vor.u32 v3, v11  }
0x281: {  	v7 =	vshra.s32 v7, $0xD;
	v3 =	vadd.s32 $0x1000, v8;
	v10 =	vadd.f32 v18, v31;
	v15 =	vld.idx.msk [tilespmem:v41+s3+$0x0], $0xffff;
	[tilespmem:s23+$0x13410] =	vst v4  }
0x282: {  	v8 =	vshra.s32 v3, $0xD;
	v3 =	vadd.s32 $0x1000, v9;
	v11 =	vadd.f32 v19, v30;
	v4 =	vld.idx.msk [tilespmem:v43+s3+$0x0], $0xffff;
	[tilespmem:s23+$0x13420] =	vst v5  }
0x283: {  	v9 =	vshra.s32 v3, $0xD;
	v3 =	vadd.s32 $0x1000, v10;
	v17 =	vadd.f32 v24, v34;
	v5 =	vld.idx.msk [tilespmem:v28+s3+$0x0], $0xffff;
	[tilespmem:s23+$0x13430] =	vst v1  }
0x284: {  	v10 =	vshra.s32 v3, $0xD;
	v1 =	vadd.s32 $0x1000, v11;
	v3 =	vadd.f32 v26, v21;
	v18 =	vld.idx.msk [tilespmem:v40+s3+$0x0], $0xffff;
	[tilespmem:s23+$0x13440] =	vst v6  }
0x285: {  	v6 =	vadd.f32 v20, v12;
	v11 =	vshra.s32 v1, $0xD;
	v1 =	vadd.s32 $0x1000, v17;
	v12 =	vld.idx.msk [tilespmem:v32+s3+$0x0], $0xffff;
	[tilespmem:s23+$0x13450] =	vst v2  }
0x286: {  	v2 =	vadd.f32 v14, v13;
	v14 =	vshra.s32 v1, $0xD;
	v1 =	vadd.s32 $0x1000, v3;
	[tilespmem:s23+$0x13460] =	vst v0;
	s23 =	smov.u32 s11  }
0x287: {  	v0 =	vadd.s32 $0x1000, v6;
	v3 =	vadd.f32 v16, v15;
	v16 =	vshra.s32 v1, $0xD  }
0x288: {  	vm0 =	vgt.s32 v7, $0x1C000;
	v1 =	vadd.s32 $0x1000, v2;
	v4 =	vadd.f32 v22, v4  }
.Ltmp3:
0x289: {  	vm1 =	vgt.s32 v8, $0x1C000;
	v2 =	vadd.s32 $0x1000, v3;
	v5 =	vadd.f32 v23, v5;
	(pc) =	sbr.rel @p1 .LBB2_9-.Ltmp3, $4  }
0x28a: {  	vm2 =	vgt.s32 v9, $0x1C000;
	v3 =	vadd.s32 $0x1000, v4;
	v4 =	vadd.f32 v25, v18  }
0x28b: {  	vm3 =	vgt.s32 v10, $0x1C000;
	v6 =	vadd.s32 $0x1000, v5;
	v5 =	vadd.f32 v27, v12  }
0x28c: {  	vm4 =	vgt.s32 v11, $0x1C000;
	vm5 =	vgt.s32 v14, $0x1C000;
	v12 =	vadd.s32 $0x1000, v4  }
0x28d: {  	s10 =	sadd.s32 $0x200, s10;
	v0 =	vshra.s32 v0, $0xD;
	vm7 =	vgt.s32 v16, $0x1C000;
	v13 =	vadd.s32 $0x1000, v5  }
0x28e: {  	v1 =	vshra.s32 v1, $0xD;
	v2 =	vshra.s32 v2, $0xD;
	v3 =	vshra.s32 v3, $0xD  }
0x28f: {  	v4 =	vshra.s32 v6, $0xD;
	v5 =	vshra.s32 v12, $0xD;
	v6 =	vshra.s32 v13, $0xD  }
0x290: {  	v7 =	vnsel vm0, $0x1C000, v7;
	v8 =	vnsel vm1, $0x1C000, v8;
	v9 =	vnsel vm2, $0x1C000, v9  }
0x291: {  	v10 =	vnsel vm3, $0x1C000, v10;
	v11 =	vnsel vm4, $0x1C000, v11;
	v12 =	vnsel vm5, $0x1C000, v14  }
0x292: {  	vm0 =	vgt.s32 v0, $0x1C000;
	v13 =	vnsel vm7, $0x1C000, v16;
	vm1 =	vgt.s32 v1, $0x1C000  }
0x293: {  	vm2 =	vgt.s32 v2, $0x1C000;
	vm3 =	vgt.s32 v3, $0x1C000;
	vm4 =	vgt.s32 v4, $0x1C000  }
0x294: {  	vm5 =	vgt.s32 v5, $0x1C000;
	vm6 =	vgt.s32 v6, $0x1C000;
	v7 =	vshll.u32 v7, $0x10  }
0x295: {  	v8 =	vshll.u32 v8, $0x10;
	v9 =	vshll.u32 v9, $0x10;
	v10 =	vshll.u32 v10, $0x10  }
0x296: {  	v11 =	vshll.u32 v11, $0x10;
	v12 =	vshll.u32 v12, $0x10;
	v0 =	vnsel vm0, $0x1C000, v0  }
0x297: {  	v13 =	vshll.u32 v13, $0x10;
	v1 =	vnsel vm1, $0x1C000, v1;
	v2 =	vnsel vm2, $0x1C000, v2  }
0x298: {  	v3 =	vnsel vm3, $0x1C000, v3;
	v4 =	vnsel vm4, $0x1C000, v4;
	v5 =	vnsel vm5, $0x1C000, v5  }
0x299: {  	v6 =	vnsel vm6, $0x1C000, v6;
	v7 =	vadd.s32 $0x40000000, v7;
	v0 =	vadd.s32 $0xFFFE4000, v0  }
0x29a: {  	v8 =	vadd.s32 $0x40000000, v8;
	v1 =	vadd.s32 $0xFFFE4000, v1;
	v0 =	vor.u32 v0, v7  }
0x29b: {  	v7 =	vadd.s32 $0x40000000, v9;
	v2 =	vadd.s32 $0xFFFE4000, v2;
	v1 =	vor.u32 v1, v8;
	[tilespmem:s23+$0x13400] =	vst v0  }
0x29c: {  	v3 =	vadd.s32 $0xFFFE4000, v3;
	v0 =	vadd.s32 $0x40000000, v10;
	v2 =	vor.u32 v2, v7;
	[tilespmem:s23+$0x13410] =	vst v1  }
0x29d: {  	v4 =	vadd.s32 $0xFFFE4000, v4;
	v1 =	vadd.s32 $0x40000000, v11;
	v0 =	vor.u32 v3, v0;
	[tilespmem:s23+$0x13420] =	vst v2  }
0x29e: {  	v2 =	vadd.s32 $0x40000000, v12;
	v3 =	vadd.s32 $0xFFFE4000, v5;
	v1 =	vor.u32 v4, v1;
	[tilespmem:s23+$0x13430] =	vst v0  }
0x29f: {  	s5 =	sshll.u32 s17, $0xC;
	v0 =	vadd.s32 $0x40000000, v13;
	v4 =	vadd.s32 $0xFFFE4000, v6;
	v2 =	vor.u32 v3, v2;
	[tilespmem:s23+$0x13440] =	vst v1  }
0x2a0: {  	s5 =	sadd.s32 s7, s5;
	v0 =	vor.u32 v4, v0;
	[tilespmem:s23+$0x13450] =	vst v2  }
0x2a1: {  	s11 =	simm.s32 $0x10400;
	s10 =	sadd.s32 s2, s5;
	[tilespmem:s23+$0x13460] =	vst v0  }
0x2a2: {  	[hbm4b:s10+s0] =	stream.strided.scatter [tilespmem:s11], [sflag:$0x3], $0x1000, s31, s0, $0x38;
	[tilespmem:$0x18400] =	vst v63  }
0x2a3: {  	s25 =	simm.s32 $0x11400;
	s23 =	sadd.s32 s5, s24  }
0x2a4: {  	[hbm4b:s23+s0] =	stream.strided.scatter [tilespmem:s25], [sflag:$0x3], $0x1000, s31, s0, $0x38;
	[tilespmem:$0x18400] =	vst v63  }
0x2a5: {  	s11 =	sadd.s32 s5, s26;
	s23 =	simm.s32 $0x12400  }
0x2a6: {  	[hbm4b:s11+s0] =	stream.strided.scatter [tilespmem:s23], [sflag:$0x3], $0x1000, s31, s0, $0x38;
	[tilespmem:$0x18400] =	vst v63  }
0x2a7: {  	p1 =	seq.s32 s17, $0x1F;
	s5 =	sadd.s32 s5, s28;
	s25 =	simm.s32 $0x13400  }
0x2a8: {  	[hbm4b:s5+s0] =	stream.strided.scatter [tilespmem:s25], [sflag:$0x3], $0x1000, s31, s0, $0x38;
	[tilespmem:$0x18400] =	vst v63  }
0x2a9: {  	s5 =	sshll.u32 @!p1 s17, $0xD  }
0x2aa: {  	s5 =	sadd.s32 @!p1 s5, s29  }
0x2ab: {  	s11 =	simm.s32 @!p1 $0x80;
	s23 =	simm.s32 @!p1 $0x400;
	s10 =	sadd.s32 @!p1 s1, s5  }
0x2ac: {  	[tilespmem:s23], [sflag:$0x1] =	stream.strided.gather @!p1 [hbm4b:s10+s11], $0x1000, s23, s11, $0x38;
	[tilespmem:$0x18400] =	vst v63  }
0x2ad: {  	s25 =	simm.s32 @!p1 $0x1400;
	s10 =	sadd.s32 @!p1 s5, s9  }
0x2ae: {  	[tilespmem:s25], [sflag:$0x1] =	stream.strided.gather @!p1 [hbm4b:s10+s11], $0x1000, s23, s11, $0x38;
	[tilespmem:$0x18400] =	vst v63  }
0x2af: {  	s10 =	sadd.s32 @!p1 s5, s12;
	s25 =	simm.s32 @!p1 $0x2400  }
0x2b0: {  	[tilespmem:s25], [sflag:$0x1] =	stream.strided.gather @!p1 [hbm4b:s10+s11], $0x1000, s23, s11, $0x38;
	[tilespmem:$0x18400] =	vst v63  }
0x2b1: {  	s10 =	sadd.s32 @!p1 s5, s14;
	s25 =	simm.s32 @!p1 $0x3400  }
0x2b2: {  	[tilespmem:s25], [sflag:$0x1] =	stream.strided.gather @!p1 [hbm4b:s10+s11], $0x1000, s23, s11, $0x38;
	[tilespmem:$0x18400] =	vst v63  }
0x2b3: {  	s10 =	sadd.s32 @!p1 s5, s15;
	s25 =	simm.s32 @!p1 $0x4400  }
0x2b4: {  	[tilespmem:s25], [sflag:$0x1] =	stream.strided.gather @!p1 [hbm4b:s10+s11], $0x1000, s23, s11, $0x38;
	[tilespmem:$0x18400] =	vst v63  }
0x2b5: {  	s10 =	sadd.s32 @!p1 s5, s18;
	s25 =	simm.s32 @!p1 $0x5400  }
0x2b6: {  	[tilespmem:s25], [sflag:$0x1] =	stream.strided.gather @!p1 [hbm4b:s10+s11], $0x1000, s23, s11, $0x38;
	[tilespmem:$0x18400] =	vst v63  }
0x2b7: {  	s10 =	sadd.s32 @!p1 s5, s20;
	s25 =	simm.s32 @!p1 $0x6400  }
0x2b8: {  	[tilespmem:s25], [sflag:$0x1] =	stream.strided.gather @!p1 [hbm4b:s10+s11], $0x1000, s23, s11, $0x38;
	[tilespmem:$0x18400] =	vst v63  }
0x2b9: {  	s5 =	sadd.s32 @!p1 s5, s21;
	s10 =	simm.s32 @!p1 $0x7400  }
0x2ba: {  	[tilespmem:s10], [sflag:$0x1] =	stream.strided.gather @!p1 [hbm4b:s5+s11], $0x1000, s23, s11, $0x38;
	[tilespmem:$0x18400] =	vst v63  }
0x2bb: {  	_ =	swait.ge [sflag:s6], $0x1000  }
0x2bc: {  	[sflag:s6] =	ssyncset.done $0x0  }
0x2bd: {  	[sflag:s6] =	ssyncadd.s32 $0xFFFFF000  }
0x2be: {  	_ =	swait.ge [sflag:s6], $0x1000  }
0x2bf: {  	[sflag:s6] =	ssyncset.done $0x0  }
0x2c0: {  	[sflag:s6] =	ssyncadd.s32 $0xFFFFF000  }
0x2c1: {  	_ =	swait.ge [sflag:s6], $0x1000  }
0x2c2: {  	[sflag:s6] =	ssyncset.done $0x0  }
0x2c3: {  	[sflag:s6] =	ssyncadd.s32 $0xFFFFF000  }
0x2c4: {  	_ =	swait.ge [sflag:s6], $0x1000  }
0x2c5: {  	[sflag:s6] =	ssyncset.done $0x0  }
0x2c6: {  	[sflag:s6] =	ssyncadd.s32 $0xFFFFF000  }
0x2c7: {  	_ =	swait.ge [sflag:s6], $0x1000  }
0x2c8: {  	[sflag:s6] =	ssyncset.done $0x0  }
0x2c9: {  	[sflag:s6] =	ssyncadd.s32 $0xFFFFF000  }
0x2ca: {  	_ =	swait.ge [sflag:s6], $0x1000  }
0x2cb: {  	[sflag:s6] =	ssyncset.done $0x0  }
0x2cc: {  	[sflag:s6] =	ssyncadd.s32 $0xFFFFF000  }
0x2cd: {  	_ =	swait.ge [sflag:s6], $0x1000  }
0x2ce: {  	[sflag:s6] =	ssyncset.done $0x0  }
0x2cf: {  	[sflag:s6] =	ssyncadd.s32 $0xFFFFF000  }
0x2d0: {  	_ =	swait.ge [sflag:s6], $0x1000  }
0x2d1: {  	[sflag:s6] =	ssyncset.done $0x0  }
0x2d2: {  	s5 =	simm.s32 @!p0 $0x4;
	[sflag:s6] =	ssyncadd.s32 $0xFFFFF000  }
0x2d3: {  	_ =	swait.ge @!p0 [sflag:s5], $0x1000  }
0x2d4: {  	[sflag:s5] =	ssyncset.done @!p0 $0x0  }
0x2d5: {  	[sflag:s5] =	ssyncadd.s32 @!p0 $0xFFFFF000  }
0x2d6: {  	_ =	swait.ge @!p0 [sflag:s5], $0x1000  }
0x2d7: {  	[sflag:s5] =	ssyncset.done @!p0 $0x0  }
0x2d8: {  	[sflag:s5] =	ssyncadd.s32 @!p0 $0xFFFFF000  }
0x2d9: {  	_ =	swait.ge @!p0 [sflag:s5], $0x1000  }
0x2da: {  	[sflag:s5] =	ssyncset.done @!p0 $0x0  }
0x2db: {  	[sflag:s5] =	ssyncadd.s32 @!p0 $0xFFFFF000  }
0x2dc: {  	_ =	swait.ge @!p0 [sflag:s5], $0x1000  }
0x2dd: {  	[sflag:s5] =	ssyncset.done @!p0 $0x0  }
0x2de: {  	s23 =	simm.s32 $0x0;
	[sflag:s5] =	ssyncadd.s32 @!p0 $0xFFFFF000  }
0x2df: {  	v0 =	vld [tilespmem:s23+$0x9470]  }
0x2e0: {  	v1 =	vld [tilespmem:s23+$0x8470]  }
0x2e1: {  	v2 =	vld [tilespmem:s23+$0x9400]  }
0x2e2: {  	v3 =	vld [tilespmem:s23+$0x9410]  }
0x2e3: {  	v4 =	vld [tilespmem:s23+$0x9420]  }
0x2e4: {  	v5 =	vld [tilespmem:s23+$0x9430]  }
0x2e5: {  	v7 =	vld [tilespmem:s23+$0x9440]  }
0x2e6: {  	v10 =	vld [tilespmem:s23+$0x9450]  }
0x2e7: {  	v12 =	vld [tilespmem:s23+$0x9460]  }
0x2e8: {  	v13 =	vld [tilespmem:s23+$0x8400]  }
0x2e9: {  	v15 =	vld [tilespmem:s23+$0x8410];
	v6 =	vmax.f32 v0, $-8.000000000e+00;
	v8 =	vmax.f32 v1, $-8.000000000e+00  }
0x2ea: {  	v18 =	vld [tilespmem:s23+$0x8420];
	v9 =	vmax.f32 v2, $-8.000000000e+00;
	v11 =	vmax.f32 v3, $-8.000000000e+00;
	v6 =	vmul.f32 $8.000000000e+00, v6  }
0x2eb: {  	v24 =	vld [tilespmem:s23+$0x8450];
	v14 =	vmax.f32 v4, $-8.000000000e+00;
	v16 =	vmax.f32 v5, $-8.000000000e+00;
	v8 =	vmul.f32 $8.000000000e+00, v8  }
0x2ec: {  	v30 =	vld [tilespmem:s23+$0x8460];
	v17 =	vmax.f32 v7, $-8.000000000e+00;
	v19 =	vmax.f32 v10, $-8.000000000e+00;
	v6 =	vadd.f32 $8.388672000e+06, v6  }
0x2ed: {  	v22 =	vmax.f32 v12, $-8.000000000e+00;
	v23 =	vmax.f32 v13, $-8.000000000e+00;
	v8 =	vadd.f32 $8.388672000e+06, v8  }
0x2ee: {  	v25 =	vmax.f32 v15, $-8.000000000e+00;
	v9 =	vmul.f32 $8.000000000e+00, v9;
	v6 =	vand.u32 $0x1FF, v6  }
0x2ef: {  	v27 =	vmax.f32 v18, $-8.000000000e+00;
	v11 =	vmul.f32 $8.000000000e+00, v11;
	v8 =	vand.u32 $0x1FF, v8  }
0x2f0: {  	v33 =	vmax.f32 v24, $-8.000000000e+00;
	v14 =	vmul.f32 $8.000000000e+00, v14;
	v9 =	vadd.f32 $8.388672000e+06, v9  }
0x2f1: {  	v20 =	vld [tilespmem:s23+$0x8430];
	v36 =	vmax.f32 v30, $-8.000000000e+00;
	v16 =	vmul.f32 $8.000000000e+00, v16;
	v11 =	vadd.f32 $8.388672000e+06, v11  }
0x2f2: {  	v21 =	vld [tilespmem:s23+$0x8440];
	v17 =	vmul.f32 $8.000000000e+00, v17;
	v14 =	vadd.f32 $8.388672000e+06, v14;
	v9 =	vand.u32 $0x1FF, v9  }
0x2f3: {  	v19 =	vmul.f32 $8.000000000e+00, v19;
	v16 =	vadd.f32 $8.388672000e+06, v16;
	v11 =	vand.u32 $0x1FF, v11;
	v26 =	vld.idx.msk [tilespmem:v6+s31+$0x0], $0xffff  }
0x2f4: {  	s25 =	simm.s32 $0x0;
	v22 =	vmul.f32 $8.000000000e+00, v22;
	v17 =	vadd.f32 $8.388672000e+06, v17;
	v14 =	vand.u32 $0x1FF, v14;
	v28 =	vld.idx.msk [tilespmem:v8+s31+$0x0], $0xffff  }
0x2f5: {  	v23 =	vmul.f32 $8.000000000e+00, v23;
	v19 =	vadd.f32 $8.388672000e+06, v19;
	v16 =	vand.u32 $0x1FF, v16;
	v6 =	vld.idx.msk [tilespmem:v6+s25+$0x0], $0xffff  }
0x2f6: {  	v25 =	vmul.f32 $8.000000000e+00, v25;
	v22 =	vadd.f32 $8.388672000e+06, v22;
	v17 =	vand.u32 $0x1FF, v17;
	v8 =	vld.idx.msk [tilespmem:v8+s25+$0x0], $0xffff  }
0x2f7: {  	v27 =	vmul.f32 $8.000000000e+00, v27;
	v23 =	vadd.f32 $8.388672000e+06, v23;
	v19 =	vand.u32 $0x1FF, v19;
	v32 =	vld.idx.msk [tilespmem:v9+s31+$0x0], $0xffff  }
0x2f8: {  	v33 =	vmul.f32 $8.000000000e+00, v33;
	v25 =	vadd.f32 $8.388672000e+06, v25;
	v22 =	vand.u32 $0x1FF, v22;
	v34 =	vld.idx.msk [tilespmem:v11+s31+$0x0], $0xffff  }
0x2f9: {  	v36 =	vmul.f32 $8.000000000e+00, v36;
	v27 =	vadd.f32 $8.388672000e+06, v27;
	v23 =	vand.u32 $0x1FF, v23;
	v35 =	vld.idx.msk [tilespmem:v14+s31+$0x0], $0xffff  }
0x2fa: {  	v33 =	vadd.f32 $8.388672000e+06, v33;
	v25 =	vand.u32 $0x1FF, v25;
	v37 =	vld.idx.msk [tilespmem:v16+s31+$0x0], $0xffff  }
0x2fb: {  	v36 =	vadd.f32 $8.388672000e+06, v36;
	v27 =	vand.u32 $0x1FF, v27;
	v38 =	vld.idx.msk [tilespmem:v17+s31+$0x0], $0xffff  }
0x2fc: {  	v29 =	vmax.f32 v20, $-8.000000000e+00;
	v33 =	vand.u32 $0x1FF, v33;
	v39 =	vld.idx.msk [tilespmem:v19+s31+$0x0], $0xffff  }
0x2fd: {  	v31 =	vmax.f32 v21, $-8.000000000e+00;
	v29 =	vmul.f32 $8.000000000e+00, v29;
	v53 =	vand.u32 $0x1FF, v36;
	v40 =	vld.idx.msk [tilespmem:v22+s31+$0x0], $0xffff  }
0x2fe: {  	v31 =	vmul.f32 $8.000000000e+00, v31;
	v41 =	vld.idx.msk [tilespmem:v23+s31+$0x0], $0xffff  }
0x2ff: {  	v29 =	vadd.f32 $8.388672000e+06, v29;
	v54 =	vld.idx.msk [tilespmem:v25+s31+$0x0], $0xffff  }
0x300: {  	v31 =	vadd.f32 $8.388672000e+06, v31;
	v55 =	vld.idx.msk [tilespmem:v27+s31+$0x0], $0xffff;
	v0 =	vmul.f32 v26, v0  }
0x301: {  	v29 =	vand.u32 $0x1FF, v29;
	v56 =	vld.idx.msk [tilespmem:v33+s31+$0x0], $0xffff;
	v1 =	vmul.f32 v28, v1  }
0x302: {  	v31 =	vand.u32 $0x1FF, v31;
	v57 =	vld.idx.msk [tilespmem:v53+s31+$0x0], $0xffff;
	v2 =	vmul.f32 v32, v2;
	v0 =	vadd.f32 v0, v6  }
0x303: {  	v9 =	vld.idx.msk [tilespmem:v9+s25+$0x0], $0xffff;
	v3 =	vmul.f32 v34, v3;
	v4 =	vmul.f32 v35, v4;
	v1 =	vadd.f32 v1, v8  }
0x304: {  	v5 =	vmul.f32 v37, v5;
	v58 =	vmul.f32 v38, v7;
	v7 =	vld.idx.msk [tilespmem:v11+s25+$0x0], $0xffff;
	v0 =	vadd.s32 $0x1000, v0  }
0x305: {  	v61 =	vld.idx.msk [tilespmem:v23+s25+$0x0], $0xffff;
	v10 =	vmul.f32 v39, v10;
	v1 =	vadd.s32 $0x1000, v1;
	v0 =	vshra.s32 v0, $0xD  }
0x306: {  	v11 =	vld.idx.msk [tilespmem:v14+s25+$0x0], $0xffff;
	v12 =	vmul.f32 v40, v12;
	v1 =	vshra.s32 v1, $0xD;
	vm0 =	vgt.s32 v0, $0x1C000  }
0x307: {  	v14 =	vld.idx.msk [tilespmem:v16+s25+$0x0], $0xffff;
	v16 =	vmul.f32 v55, v18;
	v0 =	vnsel vm0, $0x1C000, v0;
	vm0 =	vgt.s32 v1, $0x1C000  }
0x308: {  	v8 =	vld.idx.msk [tilespmem:v31+s31+$0x0], $0xffff;
	v2 =	vadd.f32 v2, v9;
	v1 =	vnsel vm0, $0x1C000, v1;
	v0 =	vshll.u32 v0, $0x10  }
0x309: {  	v6 =	vld.idx.msk [tilespmem:v29+s31+$0x0], $0xffff;
	v3 =	vadd.f32 v3, v7;
	v1 =	vadd.s32 $0xFFFE4000, v1;
	v0 =	vadd.s32 $0x40000000, v0  }
0x30a: {  	v0 =	vor.u32 v1, v0;
	v1 =	vmul.f32 v41, v13;
	v13 =	vmul.f32 v54, v15;
	v15 =	vld.idx.msk [tilespmem:v17+s25+$0x0], $0xffff  }
0x30b: {  	v60 =	vmul.f32 v57, v30;
	v2 =	vadd.s32 $0x1000, v2;
	v4 =	vadd.f32 v4, v11;
	v17 =	vld.idx.msk [tilespmem:v19+s25+$0x0], $0xffff  }
0x30c: {  	v7 =	vshra.s32 v2, $0xD;
	v2 =	vadd.s32 $0x1000, v3;
	v3 =	vadd.f32 v5, v14;
	v5 =	vld.idx.msk [tilespmem:v27+s25+$0x0], $0xffff  }
0x30d: {  	v59 =	vld.idx.msk [tilespmem:v22+s25+$0x0], $0xffff;
	v18 =	vmul.f32 v8, v21;
	v8 =	vshra.s32 v2, $0xD;
	v2 =	vadd.s32 $0x1000, v4  }
0x30e: {  	v62 =	vld.idx.msk [tilespmem:v25+s25+$0x0], $0xffff;
	v6 =	vmul.f32 v6, v20;
	vm0 =	vgt.s32 v7, $0x1C000;
	v9 =	vshra.s32 v2, $0xD  }
0x30f: {  	v63 =	vld.idx.msk [tilespmem:v53+s25+$0x0], $0xffff;
	v2 =	vadd.s32 $0x1000, v3;
	vm1 =	vgt.s32 v8, $0x1C000;
	v19 =	vmul.f32 v56, v24  }
0x310: {  	vm2 =	vgt.s32 v9, $0x1C000;
	v4 =	vadd.f32 v58, v15;
	v3 =	vadd.f32 v10, v17;
	v17 =	vld.idx.msk [tilespmem:v31+s25+$0x0], $0xffff  }
0x311: {  	v1 =	vadd.f32 v1, v61;
	v5 =	vadd.f32 v16, v5;
	v15 =	vld.idx.msk [tilespmem:v29+s25+$0x0], $0xffff;
	v10 =	vshra.s32 v2, $0xD  }
0x312: {  	vm3 =	vgt.s32 v10, $0x1C000;
	v2 =	vadd.s32 $0x1000, v4;
	v4 =	vadd.f32 v12, v59;
	v12 =	vld.idx.msk [tilespmem:v33+s25+$0x0], $0xffff  }
0x313: {  	v11 =	vshra.s32 v2, $0xD;
	v2 =	vadd.s32 $0x1000, v3;
	v3 =	vadd.f32 v13, v62  }
0x314: {  	v14 =	vshra.s32 v2, $0xD;
	v2 =	vadd.s32 $0x1000, v4;
	v4 =	vadd.s32 $0x1000, v1  }
0x315: {  	v16 =	vshra.s32 v2, $0xD;
	v2 =	vadd.s32 $0x1000, v5;
	v5 =	vadd.f32 v18, v17  }
0x316: {  	vm4 =	vgt.s32 v11, $0x1C000;
	v1 =	vadd.s32 $0x1000, v3;
	v3 =	vadd.f32 v6, v15  }
0x317: {  	v12 =	vadd.f32 v19, v12;
	v6 =	vadd.s32 $0x1000, v5;
	v5 =	vadd.f32 v60, v63  }
0x318: {  	[tilespmem:s23+$0x14470] =	vst v0;
	vm5 =	vgt.s32 v14, $0x1C000;
	v0 =	vshra.s32 v4, $0xD;
	vm7 =	vgt.s32 v16, $0x1C000  }
0x319: {  	s30 =	simm.s32 $0x0;
	s10 =	simm.s32 $0x200;
	s5 =	simm.s32 $0x0;
	v3 =	vadd.s32 $0x1000, v3;
	v12 =	vadd.s32 $0x1000, v12;
	v13 =	vadd.s32 $0x1000, v5  }
.LBB2_11:
0x31a: {  	s11 =	sshra.s32 s10, $0x2;
	s5 =	sadd.s32 $0x8, s5;
	v4 =	vshra.s32 v1, $0xD;
	v5 =	vshra.s32 v2, $0xD;
	v1 =	vshra.s32 v3, $0xD  }
0x31b: {  	v6 =	vshra.s32 v6, $0xD;
	v2 =	vshra.s32 v12, $0xD;
	v3 =	vshra.s32 v13, $0xD;
	v27 =	vld [tilespmem:s11+$0x9470];
	p0 =	slt.u32 s5, $0xF8  }
0x31c: {  	v7 =	vnsel vm0, $0x1C000, v7;
	v8 =	vnsel vm1, $0x1C000, v8;
	v12 =	vnsel vm2, $0x1C000, v9;
	v28 =	vld [tilespmem:s11+$0x8470]  }
0x31d: {  	v13 =	vnsel vm3, $0x1C000, v10;
	v9 =	vnsel vm4, $0x1C000, v11;
	v10 =	vnsel vm5, $0x1C000, v14;
	v21 =	vld [tilespmem:s11+$0x9400]  }
0x31e: {  	vm6 =	vgt.s32 v0, $0x1C000;
	v11 =	vnsel vm7, $0x1C000, v16;
	vm0 =	vgt.s32 v4, $0x1C000;
	v15 =	vld [tilespmem:s11+$0x9410]  }
0x31f: {  	vm5 =	vgt.s32 v5, $0x1C000;
	vm1 =	vgt.s32 v1, $0x1C000;
	vm2 =	vgt.s32 v6, $0x1C000;
	v17 =	vld [tilespmem:s11+$0x9420]  }
0x320: {  	vm3 =	vgt.s32 v2, $0x1C000;
	vm4 =	vgt.s32 v3, $0x1C000;
	v18 =	vld [tilespmem:s11+$0x9430];
	v14 =	vmax.f32 v27, $-8.000000000e+00  }
0x321: {  	v7 =	vshll.u32 v7, $0x10;
	v19 =	vld [tilespmem:s11+$0x9440];
	v16 =	vmax.f32 v28, $-8.000000000e+00;
	v14 =	vmul.f32 $8.000000000e+00, v14  }
0x322: {  	v8 =	vshll.u32 v8, $0x10;
	v20 =	vmax.f32 v21, $-8.000000000e+00;
	v24 =	vld [tilespmem:s11+$0x9450];
	v16 =	vmul.f32 $8.000000000e+00, v16  }
0x323: {  	v22 =	vmul.f32 $8.000000000e+00, v20;
	v23 =	vmax.f32 v15, $-8.000000000e+00;
	v26 =	vld [tilespmem:s11+$0x9460];
	v25 =	vadd.f32 $8.388672000e+06, v14  }
0x324: {  	v20 =	vld [tilespmem:s11+$0x8400];
	v23 =	vmul.f32 $8.000000000e+00, v23;
	v29 =	vmax.f32 v17, $-8.000000000e+00;
	v30 =	vadd.f32 $8.388672000e+06, v16  }
0x325: {  	v14 =	vld [tilespmem:s11+$0x8410];
	v29 =	vmul.f32 $8.000000000e+00, v29;
	v31 =	vmax.f32 v18, $-8.000000000e+00;
	v32 =	vand.u32 $0x1FF, v25  }
0x326: {  	v16 =	vld [tilespmem:s11+$0x8420];
	v31 =	vmul.f32 $8.000000000e+00, v31;
	v25 =	vmax.f32 v19, $-8.000000000e+00;
	v30 =	vand.u32 $0x1FF, v30  }
0x327: {  	v33 =	vadd.f32 $8.388672000e+06, v22;
	v22 =	vld [tilespmem:s11+$0x8430];
	v34 =	vmul.f32 $8.000000000e+00, v25;
	v25 =	vmax.f32 v24, $-8.000000000e+00  }
0x328: {  	v35 =	vadd.f32 $8.388672000e+06, v23;
	v23 =	vld [tilespmem:s11+$0x8440];
	v36 =	vmul.f32 $8.000000000e+00, v25;
	v37 =	vmax.f32 v26, $-8.000000000e+00  }
0x329: {  	v29 =	vadd.f32 $8.388672000e+06, v29;
	v38 =	vmax.f32 v20, $-8.000000000e+00;
	v25 =	vld [tilespmem:s11+$0x8450];
	v37 =	vmul.f32 $8.000000000e+00, v37  }
0x32a: {  	v31 =	vadd.f32 $8.388672000e+06, v31;
	v38 =	vmul.f32 $8.000000000e+00, v38;
	v39 =	vmax.f32 v14, $-8.000000000e+00;
	v40 =	vld.idx.msk [tilespmem:v32+s31+$0x0], $0xffff  }
0x32b: {  	v34 =	vadd.f32 $8.388672000e+06, v34;
	v39 =	vmul.f32 $8.000000000e+00, v39;
	v41 =	vmax.f32 v16, $-8.000000000e+00;
	v42 =	vld.idx.msk [tilespmem:v30+s31+$0x0], $0xffff  }
0x32c: {  	v36 =	vadd.f32 $8.388672000e+06, v36;
	v41 =	vmul.f32 $8.000000000e+00, v41;
	v43 =	vmax.f32 v22, $-8.000000000e+00;
	v32 =	vld.idx.msk [tilespmem:v32+s25+$0x0], $0xffff  }
0x32d: {  	v37 =	vadd.f32 $8.388672000e+06, v37;
	v43 =	vmul.f32 $8.000000000e+00, v43;
	v44 =	vmax.f32 v23, $-8.000000000e+00;
	v30 =	vld.idx.msk [tilespmem:v30+s25+$0x0], $0xffff  }
0x32e: {  	v38 =	vadd.f32 $8.388672000e+06, v38;
	v44 =	vmul.f32 $8.000000000e+00, v44;
	v45 =	vmax.f32 v25, $-8.000000000e+00;
	v46 =	vld [tilespmem:s11+$0x8460]  }
0x32f: {  	v39 =	vadd.f32 $8.388672000e+06, v39;
	v41 =	vadd.f32 $8.388672000e+06, v41;
	v45 =	vmul.f32 $8.000000000e+00, v45  }
0x330: {  	v43 =	vadd.f32 $8.388672000e+06, v43;
	v27 =	vmul.f32 v40, v27;
	v44 =	vadd.f32 $8.388672000e+06, v44  }
0x331: {  	v33 =	vand.u32 $0x1FF, v33;
	v28 =	vmul.f32 v42, v28;
	v40 =	vadd.f32 $8.388672000e+06, v45  }
0x332: {  	v35 =	vand.u32 $0x1FF, v35;
	v29 =	vand.u32 $0x1FF, v29;
	v27 =	vadd.f32 v27, v32  }
0x333: {  	v31 =	vand.u32 $0x1FF, v31;
	v28 =	vadd.f32 v28, v30;
	v32 =	vmax.f32 v46, $-8.000000000e+00  }
0x334: {  	v30 =	vand.u32 $0x1FF, v34;
	v27 =	vadd.s32 $0x1000, v27;
	v32 =	vmul.f32 $8.000000000e+00, v32  }
0x335: {  	v34 =	vand.u32 $0x1FF, v36;
	v28 =	vadd.s32 $0x1000, v28;
	v27 =	vshra.s32 v27, $0xD  }
0x336: {  	v28 =	vshra.s32 v28, $0xD;
	vm7 =	vgt.s32 v27, $0x1C000;
	v36 =	vld.idx.msk [tilespmem:v33+s31+$0x0], $0xffff;
	v32 =	vadd.f32 $8.388672000e+06, v32  }
0x337: {  	v37 =	vand.u32 $0x1FF, v37;
	vm8 =	vgt.s32 v28, $0x1C000;
	v27 =	vnsel vm7, $0x1C000, v27;
	v42 =	vld.idx.msk [tilespmem:v35+s31+$0x0], $0xffff  }
0x338: {  	v38 =	vand.u32 $0x1FF, v38;
	v28 =	vnsel vm8, $0x1C000, v28;
	v27 =	vshll.u32 v27, $0x10;
	v45 =	vld.idx.msk [tilespmem:v29+s31+$0x0], $0xffff  }
0x339: {  	v39 =	vand.u32 $0x1FF, v39;
	v28 =	vadd.s32 $0xFFFE4000, v28;
	v27 =	vadd.s32 $0x40000000, v27;
	v47 =	vld.idx.msk [tilespmem:v31+s31+$0x0], $0xffff  }
0x33a: {  	v41 =	vand.u32 $0x1FF, v41;
	v43 =	vand.u32 $0x1FF, v43;
	v27 =	vor.u32 v28, v27;
	v48 =	vld.idx.msk [tilespmem:v30+s31+$0x0], $0xffff  }
0x33b: {  	v40 =	vand.u32 $0x1FF, v40;
	v32 =	vand.u32 $0x1FF, v32;
	v28 =	vand.u32 $0x1FF, v44;
	v44 =	vld.idx.msk [tilespmem:v34+s31+$0x0], $0xffff;
	[tilespmem:s11+$0x14470] =	vst v27  }
0x33c: {  	v12 =	vshll.u32 v12, $0x10;
	v13 =	vshll.u32 v13, $0x10;
	v21 =	vmul.f32 v36, v21;
	v27 =	vld.idx.msk [tilespmem:v37+s31+$0x0], $0xffff  }
0x33d: {  	v9 =	vshll.u32 v9, $0x10;
	v10 =	vshll.u32 v10, $0x10;
	v15 =	vmul.f32 v42, v15;
	v36 =	vld.idx.msk [tilespmem:v38+s31+$0x0], $0xffff  }
0x33e: {  	v0 =	vnsel vm6, $0x1C000, v0;
	v11 =	vshll.u32 v11, $0x10;
	v17 =	vmul.f32 v45, v17;
	v42 =	vld.idx.msk [tilespmem:v39+s31+$0x0], $0xffff  }
0x33f: {  	v4 =	vnsel vm0, $0x1C000, v4;
	v5 =	vnsel vm5, $0x1C000, v5;
	v18 =	vmul.f32 v47, v18;
	v45 =	vld.idx.msk [tilespmem:v41+s31+$0x0], $0xffff  }
0x340: {  	v1 =	vnsel vm1, $0x1C000, v1;
	v6 =	vnsel vm2, $0x1C000, v6;
	v19 =	vmul.f32 v48, v19;
	v47 =	vld.idx.msk [tilespmem:v43+s31+$0x0], $0xffff  }
0x341: {  	v2 =	vnsel vm3, $0x1C000, v2;
	v3 =	vnsel vm4, $0x1C000, v3;
	v24 =	vmul.f32 v44, v24;
	v48 =	vld.idx.msk [tilespmem:v28+s31+$0x0], $0xffff  }
0x342: {  	v7 =	vadd.s32 $0x40000000, v7;
	v8 =	vadd.s32 $0x40000000, v8;
	v26 =	vmul.f32 v27, v26;
	v44 =	vld.idx.msk [tilespmem:v40+s31+$0x0], $0xffff  }
0x343: {  	v12 =	vadd.s32 $0x40000000, v12;
	v13 =	vadd.s32 $0x40000000, v13;
	v20 =	vmul.f32 v36, v20;
	v27 =	vld.idx.msk [tilespmem:v32+s31+$0x0], $0xffff  }
0x344: {  	v9 =	vadd.s32 $0x40000000, v9;
	v10 =	vadd.s32 $0x40000000, v10;
	v14 =	vmul.f32 v42, v14;
	v33 =	vld.idx.msk [tilespmem:v33+s25+$0x0], $0xffff  }
0x345: {  	v0 =	vadd.s32 $0xFFFE4000, v0;
	v11 =	vadd.s32 $0x40000000, v11;
	v16 =	vmul.f32 v45, v16;
	v35 =	vld.idx.msk [tilespmem:v35+s25+$0x0], $0xffff  }
0x346: {  	v4 =	vadd.s32 $0xFFFE4000, v4;
	v5 =	vadd.s32 $0xFFFE4000, v5;
	v22 =	vmul.f32 v47, v22;
	v29 =	vld.idx.msk [tilespmem:v29+s25+$0x0], $0xffff  }
0x347: {  	v1 =	vadd.s32 $0xFFFE4000, v1;
	v6 =	vadd.s32 $0xFFFE4000, v6;
	v23 =	vmul.f32 v48, v23;
	v31 =	vld.idx.msk [tilespmem:v31+s25+$0x0], $0xffff  }
0x348: {  	v2 =	vadd.s32 $0xFFFE4000, v2;
	v3 =	vadd.s32 $0xFFFE4000, v3;
	v25 =	vmul.f32 v44, v25;
	v30 =	vld.idx.msk [tilespmem:v30+s25+$0x0], $0xffff  }
0x349: {  	v0 =	vor.u32 v0, v7;
	v4 =	vor.u32 v4, v8;
	v27 =	vmul.f32 v27, v46;
	v34 =	vld.idx.msk [tilespmem:v34+s25+$0x0], $0xffff  }
0x34a: {  	v5 =	vor.u32 v5, v12;
	v1 =	vor.u32 v1, v13;
	v7 =	vadd.f32 v21, v33;
	v21 =	vld.idx.msk [tilespmem:v37+s25+$0x0], $0xffff  }
0x34b: {  	v6 =	vor.u32 v6, v9;
	v2 =	vor.u32 v2, v10;
	v8 =	vadd.f32 v15, v35;
	v12 =	vld.idx.msk [tilespmem:v38+s25+$0x0], $0xffff  }
0x34c: {  	v7 =	vadd.s32 $0x1000, v7;
	v9 =	vadd.f32 v17, v29;
	v13 =	vld.idx.msk [tilespmem:v39+s25+$0x0], $0xffff;
	[tilespmem:s30+$0x14400] =	vst v0;
	v0 =	vor.u32 v3, v11  }
0x34d: {  	v7 =	vshra.s32 v7, $0xD;
	v3 =	vadd.s32 $0x1000, v8;
	v10 =	vadd.f32 v18, v31;
	v15 =	vld.idx.msk [tilespmem:v41+s25+$0x0], $0xffff;
	[tilespmem:s30+$0x14410] =	vst v4  }
0x34e: {  	v8 =	vshra.s32 v3, $0xD;
	v3 =	vadd.s32 $0x1000, v9;
	v11 =	vadd.f32 v19, v30;
	v4 =	vld.idx.msk [tilespmem:v43+s25+$0x0], $0xffff;
	[tilespmem:s30+$0x14420] =	vst v5  }
0x34f: {  	v9 =	vshra.s32 v3, $0xD;
	v3 =	vadd.s32 $0x1000, v10;
	v17 =	vadd.f32 v24, v34;
	v5 =	vld.idx.msk [tilespmem:v28+s25+$0x0], $0xffff;
	[tilespmem:s30+$0x14430] =	vst v1  }
0x350: {  	v10 =	vshra.s32 v3, $0xD;
	v1 =	vadd.s32 $0x1000, v11;
	v3 =	vadd.f32 v26, v21;
	v18 =	vld.idx.msk [tilespmem:v40+s25+$0x0], $0xffff;
	[tilespmem:s30+$0x14440] =	vst v6  }
0x351: {  	v6 =	vadd.f32 v20, v12;
	v11 =	vshra.s32 v1, $0xD;
	v1 =	vadd.s32 $0x1000, v17;
	v12 =	vld.idx.msk [tilespmem:v32+s25+$0x0], $0xffff;
	[tilespmem:s30+$0x14450] =	vst v2  }
0x352: {  	v2 =	vadd.f32 v14, v13;
	v14 =	vshra.s32 v1, $0xD;
	v1 =	vadd.s32 $0x1000, v3;
	[tilespmem:s30+$0x14460] =	vst v0;
	s30 =	smov.u32 s11  }
0x353: {  	v0 =	vadd.s32 $0x1000, v6;
	v3 =	vadd.f32 v16, v15;
	v16 =	vshra.s32 v1, $0xD  }
0x354: {  	vm0 =	vgt.s32 v7, $0x1C000;
	v1 =	vadd.s32 $0x1000, v2;
	v4 =	vadd.f32 v22, v4  }
.Ltmp4:
0x355: {  	vm1 =	vgt.s32 v8, $0x1C000;
	v2 =	vadd.s32 $0x1000, v3;
	v5 =	vadd.f32 v23, v5;
	(pc) =	sbr.rel @p0 .LBB2_11-.Ltmp4, $4  }
0x356: {  	vm2 =	vgt.s32 v9, $0x1C000;
	v3 =	vadd.s32 $0x1000, v4;
	v4 =	vadd.f32 v25, v18  }
0x357: {  	vm3 =	vgt.s32 v10, $0x1C000;
	v6 =	vadd.s32 $0x1000, v5;
	v5 =	vadd.f32 v27, v12  }
0x358: {  	vm4 =	vgt.s32 v11, $0x1C000;
	vm5 =	vgt.s32 v14, $0x1C000;
	v12 =	vadd.s32 $0x1000, v4  }
0x359: {  	s10 =	sadd.s32 $0x200, s10;
	v0 =	vshra.s32 v0, $0xD;
	vm7 =	vgt.s32 v16, $0x1C000;
	v13 =	vadd.s32 $0x1000, v5  }
0x35a: {  	v1 =	vshra.s32 v1, $0xD;
	v2 =	vshra.s32 v2, $0xD;
	v3 =	vshra.s32 v3, $0xD  }
0x35b: {  	v4 =	vshra.s32 v6, $0xD;
	v5 =	vshra.s32 v12, $0xD;
	v6 =	vshra.s32 v13, $0xD  }
0x35c: {  	v7 =	vnsel vm0, $0x1C000, v7;
	v8 =	vnsel vm1, $0x1C000, v8;
	v9 =	vnsel vm2, $0x1C000, v9  }
0x35d: {  	v10 =	vnsel vm3, $0x1C000, v10;
	v11 =	vnsel vm4, $0x1C000, v11;
	v12 =	vnsel vm5, $0x1C000, v14  }
0x35e: {  	vm0 =	vgt.s32 v0, $0x1C000;
	v13 =	vnsel vm7, $0x1C000, v16;
	vm1 =	vgt.s32 v1, $0x1C000  }
0x35f: {  	vm2 =	vgt.s32 v2, $0x1C000;
	vm3 =	vgt.s32 v3, $0x1C000;
	vm4 =	vgt.s32 v4, $0x1C000  }
0x360: {  	vm5 =	vgt.s32 v5, $0x1C000;
	vm6 =	vgt.s32 v6, $0x1C000;
	v7 =	vshll.u32 v7, $0x10  }
0x361: {  	v8 =	vshll.u32 v8, $0x10;
	v9 =	vshll.u32 v9, $0x10;
	v10 =	vshll.u32 v10, $0x10  }
0x362: {  	v11 =	vshll.u32 v11, $0x10;
	v12 =	vshll.u32 v12, $0x10;
	v0 =	vnsel vm0, $0x1C000, v0  }
0x363: {  	v13 =	vshll.u32 v13, $0x10;
	v1 =	vnsel vm1, $0x1C000, v1;
	v2 =	vnsel vm2, $0x1C000, v2  }
0x364: {  	v3 =	vnsel vm3, $0x1C000, v3;
	v4 =	vnsel vm4, $0x1C000, v4;
	v5 =	vnsel vm5, $0x1C000, v5  }
0x365: {  	v6 =	vnsel vm6, $0x1C000, v6;
	v7 =	vadd.s32 $0x40000000, v7;
	v0 =	vadd.s32 $0xFFFE4000, v0  }
0x366: {  	v8 =	vadd.s32 $0x40000000, v8;
	v1 =	vadd.s32 $0xFFFE4000, v1;
	v0 =	vor.u32 v0, v7  }
0x367: {  	v7 =	vadd.s32 $0x40000000, v9;
	v2 =	vadd.s32 $0xFFFE4000, v2;
	v1 =	vor.u32 v1, v8;
	[tilespmem:s30+$0x14400] =	vst v0  }
0x368: {  	v3 =	vadd.s32 $0xFFFE4000, v3;
	v0 =	vadd.s32 $0x40000000, v10;
	v2 =	vor.u32 v2, v7;
	[tilespmem:s30+$0x14410] =	vst v1  }
0x369: {  	v4 =	vadd.s32 $0xFFFE4000, v4;
	v1 =	vadd.s32 $0x40000000, v11;
	v0 =	vor.u32 v3, v0;
	[tilespmem:s30+$0x14420] =	vst v2  }
0x36a: {  	v2 =	vadd.s32 $0x40000000, v12;
	v3 =	vadd.s32 $0xFFFE4000, v5;
	v1 =	vor.u32 v4, v1;
	[tilespmem:s30+$0x14430] =	vst v0  }
0x36b: {  	v0 =	vadd.s32 $0x40000000, v13;
	v4 =	vadd.s32 $0xFFFE4000, v6;
	v2 =	vor.u32 v3, v2;
	[tilespmem:s30+$0x14440] =	vst v1  }
0x36c: {  	v0 =	vor.u32 v4, v0;
	[tilespmem:s30+$0x14450] =	vst v2  }
0x36d: {  	[tilespmem:s30+$0x14460] =	vst v0  }
0x36e: {  	v0 =	vld [tilespmem:s23+$0xB470]  }
0x36f: {  	v1 =	vld [tilespmem:s23+$0xA470]  }
0x370: {  	v2 =	vld [tilespmem:s23+$0xB400]  }
0x371: {  	v3 =	vld [tilespmem:s23+$0xB410]  }
0x372: {  	v4 =	vld [tilespmem:s23+$0xB420]  }
0x373: {  	v5 =	vld [tilespmem:s23+$0xB430]  }
0x374: {  	v7 =	vld [tilespmem:s23+$0xB440]  }
0x375: {  	v10 =	vld [tilespmem:s23+$0xB450]  }
0x376: {  	v12 =	vld [tilespmem:s23+$0xB460]  }
0x377: {  	v13 =	vld [tilespmem:s23+$0xA400]  }
0x378: {  	v15 =	vld [tilespmem:s23+$0xA410];
	v6 =	vmax.f32 v0, $-8.000000000e+00;
	v8 =	vmax.f32 v1, $-8.000000000e+00  }
0x379: {  	v18 =	vld [tilespmem:s23+$0xA420];
	v9 =	vmax.f32 v2, $-8.000000000e+00;
	v11 =	vmax.f32 v3, $-8.000000000e+00;
	v6 =	vmul.f32 $8.000000000e+00, v6  }
0x37a: {  	v24 =	vld [tilespmem:s23+$0xA450];
	v14 =	vmax.f32 v4, $-8.000000000e+00;
	v16 =	vmax.f32 v5, $-8.000000000e+00;
	v8 =	vmul.f32 $8.000000000e+00, v8  }
0x37b: {  	v30 =	vld [tilespmem:s23+$0xA460];
	v17 =	vmax.f32 v7, $-8.000000000e+00;
	v19 =	vmax.f32 v10, $-8.000000000e+00;
	v6 =	vadd.f32 $8.388672000e+06, v6  }
0x37c: {  	v22 =	vmax.f32 v12, $-8.000000000e+00;
	v23 =	vmax.f32 v13, $-8.000000000e+00;
	v8 =	vadd.f32 $8.388672000e+06, v8  }
0x37d: {  	v25 =	vmax.f32 v15, $-8.000000000e+00;
	v9 =	vmul.f32 $8.000000000e+00, v9;
	v6 =	vand.u32 $0x1FF, v6  }
0x37e: {  	v27 =	vmax.f32 v18, $-8.000000000e+00;
	v11 =	vmul.f32 $8.000000000e+00, v11;
	v8 =	vand.u32 $0x1FF, v8  }
0x37f: {  	v33 =	vmax.f32 v24, $-8.000000000e+00;
	v14 =	vmul.f32 $8.000000000e+00, v14;
	v9 =	vadd.f32 $8.388672000e+06, v9  }
0x380: {  	v20 =	vld [tilespmem:s23+$0xA430];
	v36 =	vmax.f32 v30, $-8.000000000e+00;
	v16 =	vmul.f32 $8.000000000e+00, v16;
	v11 =	vadd.f32 $8.388672000e+06, v11  }
0x381: {  	v21 =	vld [tilespmem:s23+$0xA440];
	v17 =	vmul.f32 $8.000000000e+00, v17;
	v14 =	vadd.f32 $8.388672000e+06, v14;
	v9 =	vand.u32 $0x1FF, v9  }
0x382: {  	v19 =	vmul.f32 $8.000000000e+00, v19;
	v16 =	vadd.f32 $8.388672000e+06, v16;
	v11 =	vand.u32 $0x1FF, v11;
	v26 =	vld.idx.msk [tilespmem:v6+s31+$0x0], $0xffff  }
0x383: {  	s25 =	simm.s32 $0x0;
	v22 =	vmul.f32 $8.000000000e+00, v22;
	v17 =	vadd.f32 $8.388672000e+06, v17;
	v14 =	vand.u32 $0x1FF, v14;
	v28 =	vld.idx.msk [tilespmem:v8+s31+$0x0], $0xffff  }
0x384: {  	v23 =	vmul.f32 $8.000000000e+00, v23;
	v19 =	vadd.f32 $8.388672000e+06, v19;
	v16 =	vand.u32 $0x1FF, v16;
	v6 =	vld.idx.msk [tilespmem:v6+s25+$0x0], $0xffff  }
0x385: {  	v25 =	vmul.f32 $8.000000000e+00, v25;
	v22 =	vadd.f32 $8.388672000e+06, v22;
	v17 =	vand.u32 $0x1FF, v17;
	v8 =	vld.idx.msk [tilespmem:v8+s25+$0x0], $0xffff  }
0x386: {  	v27 =	vmul.f32 $8.000000000e+00, v27;
	v23 =	vadd.f32 $8.388672000e+06, v23;
	v19 =	vand.u32 $0x1FF, v19;
	v32 =	vld.idx.msk [tilespmem:v9+s31+$0x0], $0xffff  }
0x387: {  	v33 =	vmul.f32 $8.000000000e+00, v33;
	v25 =	vadd.f32 $8.388672000e+06, v25;
	v22 =	vand.u32 $0x1FF, v22;
	v34 =	vld.idx.msk [tilespmem:v11+s31+$0x0], $0xffff  }
0x388: {  	v36 =	vmul.f32 $8.000000000e+00, v36;
	v27 =	vadd.f32 $8.388672000e+06, v27;
	v23 =	vand.u32 $0x1FF, v23;
	v35 =	vld.idx.msk [tilespmem:v14+s31+$0x0], $0xffff  }
0x389: {  	v33 =	vadd.f32 $8.388672000e+06, v33;
	v25 =	vand.u32 $0x1FF, v25;
	v37 =	vld.idx.msk [tilespmem:v16+s31+$0x0], $0xffff  }
0x38a: {  	v36 =	vadd.f32 $8.388672000e+06, v36;
	v27 =	vand.u32 $0x1FF, v27;
	v38 =	vld.idx.msk [tilespmem:v17+s31+$0x0], $0xffff  }
0x38b: {  	v29 =	vmax.f32 v20, $-8.000000000e+00;
	v33 =	vand.u32 $0x1FF, v33;
	v39 =	vld.idx.msk [tilespmem:v19+s31+$0x0], $0xffff  }
0x38c: {  	v31 =	vmax.f32 v21, $-8.000000000e+00;
	v29 =	vmul.f32 $8.000000000e+00, v29;
	v53 =	vand.u32 $0x1FF, v36;
	v40 =	vld.idx.msk [tilespmem:v22+s31+$0x0], $0xffff  }
0x38d: {  	v31 =	vmul.f32 $8.000000000e+00, v31;
	v41 =	vld.idx.msk [tilespmem:v23+s31+$0x0], $0xffff  }
0x38e: {  	v29 =	vadd.f32 $8.388672000e+06, v29;
	v54 =	vld.idx.msk [tilespmem:v25+s31+$0x0], $0xffff  }
0x38f: {  	v31 =	vadd.f32 $8.388672000e+06, v31;
	v55 =	vld.idx.msk [tilespmem:v27+s31+$0x0], $0xffff;
	v0 =	vmul.f32 v26, v0  }
0x390: {  	v29 =	vand.u32 $0x1FF, v29;
	v56 =	vld.idx.msk [tilespmem:v33+s31+$0x0], $0xffff;
	v1 =	vmul.f32 v28, v1  }
0x391: {  	v31 =	vand.u32 $0x1FF, v31;
	v57 =	vld.idx.msk [tilespmem:v53+s31+$0x0], $0xffff;
	v2 =	vmul.f32 v32, v2;
	v0 =	vadd.f32 v0, v6  }
0x392: {  	v9 =	vld.idx.msk [tilespmem:v9+s25+$0x0], $0xffff;
	v3 =	vmul.f32 v34, v3;
	v4 =	vmul.f32 v35, v4;
	v1 =	vadd.f32 v1, v8  }
0x393: {  	v5 =	vmul.f32 v37, v5;
	v58 =	vmul.f32 v38, v7;
	v7 =	vld.idx.msk [tilespmem:v11+s25+$0x0], $0xffff;
	v0 =	vadd.s32 $0x1000, v0  }
0x394: {  	v61 =	vld.idx.msk [tilespmem:v23+s25+$0x0], $0xffff;
	v10 =	vmul.f32 v39, v10;
	v1 =	vadd.s32 $0x1000, v1;
	v0 =	vshra.s32 v0, $0xD  }
0x395: {  	v11 =	vld.idx.msk [tilespmem:v14+s25+$0x0], $0xffff;
	v12 =	vmul.f32 v40, v12;
	v1 =	vshra.s32 v1, $0xD;
	vm0 =	vgt.s32 v0, $0x1C000  }
0x396: {  	v14 =	vld.idx.msk [tilespmem:v16+s25+$0x0], $0xffff;
	v16 =	vmul.f32 v55, v18;
	v0 =	vnsel vm0, $0x1C000, v0;
	vm0 =	vgt.s32 v1, $0x1C000  }
0x397: {  	v8 =	vld.idx.msk [tilespmem:v31+s31+$0x0], $0xffff;
	v2 =	vadd.f32 v2, v9;
	v1 =	vnsel vm0, $0x1C000, v1;
	v0 =	vshll.u32 v0, $0x10  }
0x398: {  	v6 =	vld.idx.msk [tilespmem:v29+s31+$0x0], $0xffff;
	v3 =	vadd.f32 v3, v7;
	v1 =	vadd.s32 $0xFFFE4000, v1;
	v0 =	vadd.s32 $0x40000000, v0  }
0x399: {  	v0 =	vor.u32 v1, v0;
	v1 =	vmul.f32 v41, v13;
	v13 =	vmul.f32 v54, v15;
	v15 =	vld.idx.msk [tilespmem:v17+s25+$0x0], $0xffff  }
0x39a: {  	v60 =	vmul.f32 v57, v30;
	v2 =	vadd.s32 $0x1000, v2;
	v4 =	vadd.f32 v4, v11;
	v17 =	vld.idx.msk [tilespmem:v19+s25+$0x0], $0xffff  }
0x39b: {  	v7 =	vshra.s32 v2, $0xD;
	v2 =	vadd.s32 $0x1000, v3;
	v3 =	vadd.f32 v5, v14;
	v5 =	vld.idx.msk [tilespmem:v27+s25+$0x0], $0xffff  }
0x39c: {  	v59 =	vld.idx.msk [tilespmem:v22+s25+$0x0], $0xffff;
	v18 =	vmul.f32 v8, v21;
	v8 =	vshra.s32 v2, $0xD;
	v2 =	vadd.s32 $0x1000, v4  }
0x39d: {  	v62 =	vld.idx.msk [tilespmem:v25+s25+$0x0], $0xffff;
	v6 =	vmul.f32 v6, v20;
	vm0 =	vgt.s32 v7, $0x1C000;
	v9 =	vshra.s32 v2, $0xD  }
0x39e: {  	v63 =	vld.idx.msk [tilespmem:v53+s25+$0x0], $0xffff;
	v2 =	vadd.s32 $0x1000, v3;
	vm1 =	vgt.s32 v8, $0x1C000;
	v19 =	vmul.f32 v56, v24  }
0x39f: {  	vm2 =	vgt.s32 v9, $0x1C000;
	v4 =	vadd.f32 v58, v15;
	v3 =	vadd.f32 v10, v17;
	v17 =	vld.idx.msk [tilespmem:v31+s25+$0x0], $0xffff  }
0x3a0: {  	v1 =	vadd.f32 v1, v61;
	v5 =	vadd.f32 v16, v5;
	v15 =	vld.idx.msk [tilespmem:v29+s25+$0x0], $0xffff;
	v10 =	vshra.s32 v2, $0xD  }
0x3a1: {  	vm3 =	vgt.s32 v10, $0x1C000;
	v2 =	vadd.s32 $0x1000, v4;
	v4 =	vadd.f32 v12, v59;
	v12 =	vld.idx.msk [tilespmem:v33+s25+$0x0], $0xffff  }
0x3a2: {  	v11 =	vshra.s32 v2, $0xD;
	v2 =	vadd.s32 $0x1000, v3;
	v3 =	vadd.f32 v13, v62  }
0x3a3: {  	v14 =	vshra.s32 v2, $0xD;
	v2 =	vadd.s32 $0x1000, v4;
	v4 =	vadd.s32 $0x1000, v1  }
0x3a4: {  	v16 =	vshra.s32 v2, $0xD;
	v2 =	vadd.s32 $0x1000, v5;
	v5 =	vadd.f32 v18, v17  }
0x3a5: {  	vm4 =	vgt.s32 v11, $0x1C000;
	v1 =	vadd.s32 $0x1000, v3;
	v3 =	vadd.f32 v6, v15  }
0x3a6: {  	v12 =	vadd.f32 v19, v12;
	v6 =	vadd.s32 $0x1000, v5;
	v5 =	vadd.f32 v60, v63  }
0x3a7: {  	[tilespmem:s23+$0x15470] =	vst v0;
	vm5 =	vgt.s32 v14, $0x1C000;
	v0 =	vshra.s32 v4, $0xD;
	vm7 =	vgt.s32 v16, $0x1C000  }
0x3a8: {  	s5 =	simm.s32 $0x0;
	s10 =	simm.s32 $0x200;
	v3 =	vadd.s32 $0x1000, v3;
	v12 =	vadd.s32 $0x1000, v12;
	v13 =	vadd.s32 $0x1000, v5  }
.LBB2_13:
0x3a9: {  	s11 =	sshra.s32 s10, $0x2;
	s5 =	sadd.s32 $0x8, s5;
	v4 =	vshra.s32 v1, $0xD;
	v5 =	vshra.s32 v2, $0xD;
	v1 =	vshra.s32 v3, $0xD  }
0x3aa: {  	v6 =	vshra.s32 v6, $0xD;
	v2 =	vshra.s32 v12, $0xD;
	v3 =	vshra.s32 v13, $0xD;
	v27 =	vld [tilespmem:s11+$0xB470];
	p0 =	slt.u32 s5, $0xF8  }
0x3ab: {  	v7 =	vnsel vm0, $0x1C000, v7;
	v8 =	vnsel vm1, $0x1C000, v8;
	v12 =	vnsel vm2, $0x1C000, v9;
	v28 =	vld [tilespmem:s11+$0xA470]  }
0x3ac: {  	v13 =	vnsel vm3, $0x1C000, v10;
	v9 =	vnsel vm4, $0x1C000, v11;
	v10 =	vnsel vm5, $0x1C000, v14;
	v21 =	vld [tilespmem:s11+$0xB400]  }
0x3ad: {  	vm6 =	vgt.s32 v0, $0x1C000;
	v11 =	vnsel vm7, $0x1C000, v16;
	vm0 =	vgt.s32 v4, $0x1C000;
	v15 =	vld [tilespmem:s11+$0xB410]  }
0x3ae: {  	vm5 =	vgt.s32 v5, $0x1C000;
	vm1 =	vgt.s32 v1, $0x1C000;
	vm2 =	vgt.s32 v6, $0x1C000;
	v17 =	vld [tilespmem:s11+$0xB420]  }
0x3af: {  	vm3 =	vgt.s32 v2, $0x1C000;
	vm4 =	vgt.s32 v3, $0x1C000;
	v18 =	vld [tilespmem:s11+$0xB430];
	v14 =	vmax.f32 v27, $-8.000000000e+00  }
0x3b0: {  	v7 =	vshll.u32 v7, $0x10;
	v19 =	vld [tilespmem:s11+$0xB440];
	v16 =	vmax.f32 v28, $-8.000000000e+00;
	v14 =	vmul.f32 $8.000000000e+00, v14  }
0x3b1: {  	v8 =	vshll.u32 v8, $0x10;
	v20 =	vmax.f32 v21, $-8.000000000e+00;
	v24 =	vld [tilespmem:s11+$0xB450];
	v16 =	vmul.f32 $8.000000000e+00, v16  }
0x3b2: {  	v22 =	vmul.f32 $8.000000000e+00, v20;
	v23 =	vmax.f32 v15, $-8.000000000e+00;
	v26 =	vld [tilespmem:s11+$0xB460];
	v25 =	vadd.f32 $8.388672000e+06, v14  }
0x3b3: {  	v20 =	vld [tilespmem:s11+$0xA400];
	v23 =	vmul.f32 $8.000000000e+00, v23;
	v29 =	vmax.f32 v17, $-8.000000000e+00;
	v30 =	vadd.f32 $8.388672000e+06, v16  }
0x3b4: {  	v14 =	vld [tilespmem:s11+$0xA410];
	v29 =	vmul.f32 $8.000000000e+00, v29;
	v31 =	vmax.f32 v18, $-8.000000000e+00;
	v32 =	vand.u32 $0x1FF, v25  }
0x3b5: {  	v16 =	vld [tilespmem:s11+$0xA420];
	v31 =	vmul.f32 $8.000000000e+00, v31;
	v25 =	vmax.f32 v19, $-8.000000000e+00;
	v30 =	vand.u32 $0x1FF, v30  }
0x3b6: {  	v33 =	vadd.f32 $8.388672000e+06, v22;
	v22 =	vld [tilespmem:s11+$0xA430];
	v34 =	vmul.f32 $8.000000000e+00, v25;
	v25 =	vmax.f32 v24, $-8.000000000e+00  }
0x3b7: {  	v35 =	vadd.f32 $8.388672000e+06, v23;
	v23 =	vld [tilespmem:s11+$0xA440];
	v36 =	vmul.f32 $8.000000000e+00, v25;
	v37 =	vmax.f32 v26, $-8.000000000e+00  }
0x3b8: {  	v29 =	vadd.f32 $8.388672000e+06, v29;
	v38 =	vmax.f32 v20, $-8.000000000e+00;
	v25 =	vld [tilespmem:s11+$0xA450];
	v37 =	vmul.f32 $8.000000000e+00, v37  }
0x3b9: {  	v31 =	vadd.f32 $8.388672000e+06, v31;
	v38 =	vmul.f32 $8.000000000e+00, v38;
	v39 =	vmax.f32 v14, $-8.000000000e+00;
	v40 =	vld.idx.msk [tilespmem:v32+s31+$0x0], $0xffff  }
0x3ba: {  	v34 =	vadd.f32 $8.388672000e+06, v34;
	v39 =	vmul.f32 $8.000000000e+00, v39;
	v41 =	vmax.f32 v16, $-8.000000000e+00;
	v42 =	vld.idx.msk [tilespmem:v30+s31+$0x0], $0xffff  }
0x3bb: {  	v36 =	vadd.f32 $8.388672000e+06, v36;
	v41 =	vmul.f32 $8.000000000e+00, v41;
	v43 =	vmax.f32 v22, $-8.000000000e+00;
	v32 =	vld.idx.msk [tilespmem:v32+s25+$0x0], $0xffff  }
0x3bc: {  	v37 =	vadd.f32 $8.388672000e+06, v37;
	v43 =	vmul.f32 $8.000000000e+00, v43;
	v44 =	vmax.f32 v23, $-8.000000000e+00;
	v30 =	vld.idx.msk [tilespmem:v30+s25+$0x0], $0xffff  }
0x3bd: {  	v38 =	vadd.f32 $8.388672000e+06, v38;
	v44 =	vmul.f32 $8.000000000e+00, v44;
	v45 =	vmax.f32 v25, $-8.000000000e+00;
	v46 =	vld [tilespmem:s11+$0xA460]  }
0x3be: {  	v39 =	vadd.f32 $8.388672000e+06, v39;
	v41 =	vadd.f32 $8.388672000e+06, v41;
	v45 =	vmul.f32 $8.000000000e+00, v45  }
0x3bf: {  	v43 =	vadd.f32 $8.388672000e+06, v43;
	v27 =	vmul.f32 v40, v27;
	v44 =	vadd.f32 $8.388672000e+06, v44  }
0x3c0: {  	v33 =	vand.u32 $0x1FF, v33;
	v28 =	vmul.f32 v42, v28;
	v40 =	vadd.f32 $8.388672000e+06, v45  }
0x3c1: {  	v35 =	vand.u32 $0x1FF, v35;
	v29 =	vand.u32 $0x1FF, v29;
	v27 =	vadd.f32 v27, v32  }
0x3c2: {  	v31 =	vand.u32 $0x1FF, v31;
	v28 =	vadd.f32 v28, v30;
	v32 =	vmax.f32 v46, $-8.000000000e+00  }
0x3c3: {  	v30 =	vand.u32 $0x1FF, v34;
	v27 =	vadd.s32 $0x1000, v27;
	v32 =	vmul.f32 $8.000000000e+00, v32  }
0x3c4: {  	v34 =	vand.u32 $0x1FF, v36;
	v28 =	vadd.s32 $0x1000, v28;
	v27 =	vshra.s32 v27, $0xD  }
0x3c5: {  	v28 =	vshra.s32 v28, $0xD;
	vm7 =	vgt.s32 v27, $0x1C000;
	v36 =	vld.idx.msk [tilespmem:v33+s31+$0x0], $0xffff;
	v32 =	vadd.f32 $8.388672000e+06, v32  }
0x3c6: {  	v37 =	vand.u32 $0x1FF, v37;
	vm8 =	vgt.s32 v28, $0x1C000;
	v27 =	vnsel vm7, $0x1C000, v27;
	v42 =	vld.idx.msk [tilespmem:v35+s31+$0x0], $0xffff  }
0x3c7: {  	v38 =	vand.u32 $0x1FF, v38;
	v28 =	vnsel vm8, $0x1C000, v28;
	v27 =	vshll.u32 v27, $0x10;
	v45 =	vld.idx.msk [tilespmem:v29+s31+$0x0], $0xffff  }
0x3c8: {  	v39 =	vand.u32 $0x1FF, v39;
	v28 =	vadd.s32 $0xFFFE4000, v28;
	v27 =	vadd.s32 $0x40000000, v27;
	v47 =	vld.idx.msk [tilespmem:v31+s31+$0x0], $0xffff  }
0x3c9: {  	v41 =	vand.u32 $0x1FF, v41;
	v43 =	vand.u32 $0x1FF, v43;
	v27 =	vor.u32 v28, v27;
	v48 =	vld.idx.msk [tilespmem:v30+s31+$0x0], $0xffff  }
0x3ca: {  	v40 =	vand.u32 $0x1FF, v40;
	v32 =	vand.u32 $0x1FF, v32;
	v28 =	vand.u32 $0x1FF, v44;
	v44 =	vld.idx.msk [tilespmem:v34+s31+$0x0], $0xffff;
	[tilespmem:s11+$0x15470] =	vst v27  }
0x3cb: {  	v12 =	vshll.u32 v12, $0x10;
	v13 =	vshll.u32 v13, $0x10;
	v21 =	vmul.f32 v36, v21;
	v27 =	vld.idx.msk [tilespmem:v37+s31+$0x0], $0xffff  }
0x3cc: {  	v9 =	vshll.u32 v9, $0x10;
	v10 =	vshll.u32 v10, $0x10;
	v15 =	vmul.f32 v42, v15;
	v36 =	vld.idx.msk [tilespmem:v38+s31+$0x0], $0xffff  }
0x3cd: {  	v0 =	vnsel vm6, $0x1C000, v0;
	v11 =	vshll.u32 v11, $0x10;
	v17 =	vmul.f32 v45, v17;
	v42 =	vld.idx.msk [tilespmem:v39+s31+$0x0], $0xffff  }
0x3ce: {  	v4 =	vnsel vm0, $0x1C000, v4;
	v5 =	vnsel vm5, $0x1C000, v5;
	v18 =	vmul.f32 v47, v18;
	v45 =	vld.idx.msk [tilespmem:v41+s31+$0x0], $0xffff  }
0x3cf: {  	v1 =	vnsel vm1, $0x1C000, v1;
	v6 =	vnsel vm2, $0x1C000, v6;
	v19 =	vmul.f32 v48, v19;
	v47 =	vld.idx.msk [tilespmem:v43+s31+$0x0], $0xffff  }
0x3d0: {  	v2 =	vnsel vm3, $0x1C000, v2;
	v3 =	vnsel vm4, $0x1C000, v3;
	v24 =	vmul.f32 v44, v24;
	v48 =	vld.idx.msk [tilespmem:v28+s31+$0x0], $0xffff  }
0x3d1: {  	v7 =	vadd.s32 $0x40000000, v7;
	v8 =	vadd.s32 $0x40000000, v8;
	v26 =	vmul.f32 v27, v26;
	v44 =	vld.idx.msk [tilespmem:v40+s31+$0x0], $0xffff  }
0x3d2: {  	v12 =	vadd.s32 $0x40000000, v12;
	v13 =	vadd.s32 $0x40000000, v13;
	v20 =	vmul.f32 v36, v20;
	v27 =	vld.idx.msk [tilespmem:v32+s31+$0x0], $0xffff  }
0x3d3: {  	v9 =	vadd.s32 $0x40000000, v9;
	v10 =	vadd.s32 $0x40000000, v10;
	v14 =	vmul.f32 v42, v14;
	v33 =	vld.idx.msk [tilespmem:v33+s25+$0x0], $0xffff  }
0x3d4: {  	v0 =	vadd.s32 $0xFFFE4000, v0;
	v11 =	vadd.s32 $0x40000000, v11;
	v16 =	vmul.f32 v45, v16;
	v35 =	vld.idx.msk [tilespmem:v35+s25+$0x0], $0xffff  }
0x3d5: {  	v4 =	vadd.s32 $0xFFFE4000, v4;
	v5 =	vadd.s32 $0xFFFE4000, v5;
	v22 =	vmul.f32 v47, v22;
	v29 =	vld.idx.msk [tilespmem:v29+s25+$0x0], $0xffff  }
0x3d6: {  	v1 =	vadd.s32 $0xFFFE4000, v1;
	v6 =	vadd.s32 $0xFFFE4000, v6;
	v23 =	vmul.f32 v48, v23;
	v31 =	vld.idx.msk [tilespmem:v31+s25+$0x0], $0xffff  }
0x3d7: {  	v2 =	vadd.s32 $0xFFFE4000, v2;
	v3 =	vadd.s32 $0xFFFE4000, v3;
	v25 =	vmul.f32 v44, v25;
	v30 =	vld.idx.msk [tilespmem:v30+s25+$0x0], $0xffff  }
0x3d8: {  	v0 =	vor.u32 v0, v7;
	v4 =	vor.u32 v4, v8;
	v27 =	vmul.f32 v27, v46;
	v34 =	vld.idx.msk [tilespmem:v34+s25+$0x0], $0xffff  }
0x3d9: {  	v5 =	vor.u32 v5, v12;
	v1 =	vor.u32 v1, v13;
	v7 =	vadd.f32 v21, v33;
	v21 =	vld.idx.msk [tilespmem:v37+s25+$0x0], $0xffff  }
0x3da: {  	v6 =	vor.u32 v6, v9;
	v2 =	vor.u32 v2, v10;
	v8 =	vadd.f32 v15, v35;
	v12 =	vld.idx.msk [tilespmem:v38+s25+$0x0], $0xffff  }
0x3db: {  	v7 =	vadd.s32 $0x1000, v7;
	v9 =	vadd.f32 v17, v29;
	v13 =	vld.idx.msk [tilespmem:v39+s25+$0x0], $0xffff;
	[tilespmem:s23+$0x15400] =	vst v0;
	v0 =	vor.u32 v3, v11  }
0x3dc: {  	v7 =	vshra.s32 v7, $0xD;
	v3 =	vadd.s32 $0x1000, v8;
	v10 =	vadd.f32 v18, v31;
	v15 =	vld.idx.msk [tilespmem:v41+s25+$0x0], $0xffff;
	[tilespmem:s23+$0x15410] =	vst v4  }
0x3dd: {  	v8 =	vshra.s32 v3, $0xD;
	v3 =	vadd.s32 $0x1000, v9;
	v11 =	vadd.f32 v19, v30;
	v4 =	vld.idx.msk [tilespmem:v43+s25+$0x0], $0xffff;
	[tilespmem:s23+$0x15420] =	vst v5  }
0x3de: {  	v9 =	vshra.s32 v3, $0xD;
	v3 =	vadd.s32 $0x1000, v10;
	v17 =	vadd.f32 v24, v34;
	v5 =	vld.idx.msk [tilespmem:v28+s25+$0x0], $0xffff;
	[tilespmem:s23+$0x15430] =	vst v1  }
0x3df: {  	v10 =	vshra.s32 v3, $0xD;
	v1 =	vadd.s32 $0x1000, v11;
	v3 =	vadd.f32 v26, v21;
	v18 =	vld.idx.msk [tilespmem:v40+s25+$0x0], $0xffff;
	[tilespmem:s23+$0x15440] =	vst v6  }
0x3e0: {  	v6 =	vadd.f32 v20, v12;
	v11 =	vshra.s32 v1, $0xD;
	v1 =	vadd.s32 $0x1000, v17;
	v12 =	vld.idx.msk [tilespmem:v32+s25+$0x0], $0xffff;
	[tilespmem:s23+$0x15450] =	vst v2  }
0x3e1: {  	v2 =	vadd.f32 v14, v13;
	v14 =	vshra.s32 v1, $0xD;
	v1 =	vadd.s32 $0x1000, v3;
	[tilespmem:s23+$0x15460] =	vst v0;
	s23 =	smov.u32 s11  }
0x3e2: {  	v0 =	vadd.s32 $0x1000, v6;
	v3 =	vadd.f32 v16, v15;
	v16 =	vshra.s32 v1, $0xD  }
0x3e3: {  	vm0 =	vgt.s32 v7, $0x1C000;
	v1 =	vadd.s32 $0x1000, v2;
	v4 =	vadd.f32 v22, v4  }
.Ltmp5:
0x3e4: {  	vm1 =	vgt.s32 v8, $0x1C000;
	v2 =	vadd.s32 $0x1000, v3;
	v5 =	vadd.f32 v23, v5;
	(pc) =	sbr.rel @p0 .LBB2_13-.Ltmp5, $4  }
0x3e5: {  	vm2 =	vgt.s32 v9, $0x1C000;
	v3 =	vadd.s32 $0x1000, v4;
	v4 =	vadd.f32 v25, v18  }
0x3e6: {  	vm3 =	vgt.s32 v10, $0x1C000;
	v6 =	vadd.s32 $0x1000, v5;
	v5 =	vadd.f32 v27, v12  }
0x3e7: {  	vm4 =	vgt.s32 v11, $0x1C000;
	vm5 =	vgt.s32 v14, $0x1C000;
	v12 =	vadd.s32 $0x1000, v4  }
0x3e8: {  	s10 =	sadd.s32 $0x200, s10;
	v0 =	vshra.s32 v0, $0xD;
	vm7 =	vgt.s32 v16, $0x1C000;
	v13 =	vadd.s32 $0x1000, v5  }
0x3e9: {  	v1 =	vshra.s32 v1, $0xD;
	v2 =	vshra.s32 v2, $0xD;
	v3 =	vshra.s32 v3, $0xD  }
0x3ea: {  	v4 =	vshra.s32 v6, $0xD;
	v5 =	vshra.s32 v12, $0xD;
	v6 =	vshra.s32 v13, $0xD  }
0x3eb: {  	v7 =	vnsel vm0, $0x1C000, v7;
	v8 =	vnsel vm1, $0x1C000, v8;
	v9 =	vnsel vm2, $0x1C000, v9  }
0x3ec: {  	v10 =	vnsel vm3, $0x1C000, v10;
	v11 =	vnsel vm4, $0x1C000, v11;
	v12 =	vnsel vm5, $0x1C000, v14  }
0x3ed: {  	vm0 =	vgt.s32 v0, $0x1C000;
	v13 =	vnsel vm7, $0x1C000, v16;
	vm1 =	vgt.s32 v1, $0x1C000  }
0x3ee: {  	vm2 =	vgt.s32 v2, $0x1C000;
	vm3 =	vgt.s32 v3, $0x1C000;
	vm4 =	vgt.s32 v4, $0x1C000  }
0x3ef: {  	vm5 =	vgt.s32 v5, $0x1C000;
	vm6 =	vgt.s32 v6, $0x1C000;
	v7 =	vshll.u32 v7, $0x10  }
0x3f0: {  	v8 =	vshll.u32 v8, $0x10;
	v9 =	vshll.u32 v9, $0x10;
	v10 =	vshll.u32 v10, $0x10  }
0x3f1: {  	v11 =	vshll.u32 v11, $0x10;
	v12 =	vshll.u32 v12, $0x10;
	v0 =	vnsel vm0, $0x1C000, v0  }
0x3f2: {  	v13 =	vshll.u32 v13, $0x10;
	v1 =	vnsel vm1, $0x1C000, v1;
	v2 =	vnsel vm2, $0x1C000, v2  }
0x3f3: {  	v3 =	vnsel vm3, $0x1C000, v3;
	v4 =	vnsel vm4, $0x1C000, v4;
	v5 =	vnsel vm5, $0x1C000, v5  }
0x3f4: {  	v6 =	vnsel vm6, $0x1C000, v6;
	v7 =	vadd.s32 $0x40000000, v7;
	v0 =	vadd.s32 $0xFFFE4000, v0  }
0x3f5: {  	v8 =	vadd.s32 $0x40000000, v8;
	v1 =	vadd.s32 $0xFFFE4000, v1;
	v0 =	vor.u32 v0, v7  }
0x3f6: {  	v7 =	vadd.s32 $0x40000000, v9;
	v2 =	vadd.s32 $0xFFFE4000, v2;
	v1 =	vor.u32 v1, v8;
	[tilespmem:s23+$0x15400] =	vst v0  }
0x3f7: {  	v3 =	vadd.s32 $0xFFFE4000, v3;
	v0 =	vadd.s32 $0x40000000, v10;
	v2 =	vor.u32 v2, v7;
	[tilespmem:s23+$0x15410] =	vst v1  }
0x3f8: {  	v4 =	vadd.s32 $0xFFFE4000, v4;
	v1 =	vadd.s32 $0x40000000, v11;
	v0 =	vor.u32 v3, v0;
	[tilespmem:s23+$0x15420] =	vst v2  }
0x3f9: {  	v2 =	vadd.s32 $0x40000000, v12;
	v3 =	vadd.s32 $0xFFFE4000, v5;
	v1 =	vor.u32 v4, v1;
	[tilespmem:s23+$0x15430] =	vst v0  }
0x3fa: {  	v0 =	vadd.s32 $0x40000000, v13;
	v4 =	vadd.s32 $0xFFFE4000, v6;
	v2 =	vor.u32 v3, v2;
	[tilespmem:s23+$0x15440] =	vst v1  }
0x3fb: {  	v0 =	vor.u32 v4, v0;
	[tilespmem:s23+$0x15450] =	vst v2  }
0x3fc: {  	[tilespmem:s23+$0x15460] =	vst v0;
	s23 =	simm.s32 $0x0  }
0x3fd: {  	v0 =	vld [tilespmem:s23+$0xD470]  }
0x3fe: {  	v1 =	vld [tilespmem:s23+$0xC470]  }
0x3ff: {  	v2 =	vld [tilespmem:s23+$0xD400]  }
0x400: {  	v3 =	vld [tilespmem:s23+$0xD410]  }
0x401: {  	v4 =	vld [tilespmem:s23+$0xD420]  }
0x402: {  	v5 =	vld [tilespmem:s23+$0xD430]  }
0x403: {  	v7 =	vld [tilespmem:s23+$0xD440]  }
0x404: {  	v10 =	vld [tilespmem:s23+$0xD450]  }
0x405: {  	v12 =	vld [tilespmem:s23+$0xD460]  }
0x406: {  	v13 =	vld [tilespmem:s23+$0xC400]  }
0x407: {  	v15 =	vld [tilespmem:s23+$0xC410];
	v6 =	vmax.f32 v0, $-8.000000000e+00;
	v8 =	vmax.f32 v1, $-8.000000000e+00  }
0x408: {  	v18 =	vld [tilespmem:s23+$0xC420];
	v9 =	vmax.f32 v2, $-8.000000000e+00;
	v11 =	vmax.f32 v3, $-8.000000000e+00;
	v6 =	vmul.f32 $8.000000000e+00, v6  }
0x409: {  	v24 =	vld [tilespmem:s23+$0xC450];
	v14 =	vmax.f32 v4, $-8.000000000e+00;
	v16 =	vmax.f32 v5, $-8.000000000e+00;
	v8 =	vmul.f32 $8.000000000e+00, v8  }
0x40a: {  	v30 =	vld [tilespmem:s23+$0xC460];
	v17 =	vmax.f32 v7, $-8.000000000e+00;
	v19 =	vmax.f32 v10, $-8.000000000e+00;
	v6 =	vadd.f32 $8.388672000e+06, v6  }
0x40b: {  	v22 =	vmax.f32 v12, $-8.000000000e+00;
	v23 =	vmax.f32 v13, $-8.000000000e+00;
	v8 =	vadd.f32 $8.388672000e+06, v8  }
0x40c: {  	v25 =	vmax.f32 v15, $-8.000000000e+00;
	v9 =	vmul.f32 $8.000000000e+00, v9;
	v6 =	vand.u32 $0x1FF, v6  }
0x40d: {  	v27 =	vmax.f32 v18, $-8.000000000e+00;
	v11 =	vmul.f32 $8.000000000e+00, v11;
	v8 =	vand.u32 $0x1FF, v8  }
0x40e: {  	v33 =	vmax.f32 v24, $-8.000000000e+00;
	v14 =	vmul.f32 $8.000000000e+00, v14;
	v9 =	vadd.f32 $8.388672000e+06, v9  }
0x40f: {  	v20 =	vld [tilespmem:s23+$0xC430];
	v36 =	vmax.f32 v30, $-8.000000000e+00;
	v16 =	vmul.f32 $8.000000000e+00, v16;
	v11 =	vadd.f32 $8.388672000e+06, v11  }
0x410: {  	v21 =	vld [tilespmem:s23+$0xC440];
	v17 =	vmul.f32 $8.000000000e+00, v17;
	v14 =	vadd.f32 $8.388672000e+06, v14;
	v9 =	vand.u32 $0x1FF, v9  }
0x411: {  	v19 =	vmul.f32 $8.000000000e+00, v19;
	v16 =	vadd.f32 $8.388672000e+06, v16;
	v11 =	vand.u32 $0x1FF, v11;
	v26 =	vld.idx.msk [tilespmem:v6+s31+$0x0], $0xffff  }
0x412: {  	v22 =	vmul.f32 $8.000000000e+00, v22;
	v17 =	vadd.f32 $8.388672000e+06, v17;
	v14 =	vand.u32 $0x1FF, v14;
	v28 =	vld.idx.msk [tilespmem:v8+s31+$0x0], $0xffff  }
0x413: {  	v23 =	vmul.f32 $8.000000000e+00, v23;
	v19 =	vadd.f32 $8.388672000e+06, v19;
	v16 =	vand.u32 $0x1FF, v16;
	v6 =	vld.idx.msk [tilespmem:v6+s25+$0x0], $0xffff  }
0x414: {  	v25 =	vmul.f32 $8.000000000e+00, v25;
	v22 =	vadd.f32 $8.388672000e+06, v22;
	v17 =	vand.u32 $0x1FF, v17;
	v8 =	vld.idx.msk [tilespmem:v8+s25+$0x0], $0xffff  }
0x415: {  	v27 =	vmul.f32 $8.000000000e+00, v27;
	v23 =	vadd.f32 $8.388672000e+06, v23;
	v19 =	vand.u32 $0x1FF, v19;
	v32 =	vld.idx.msk [tilespmem:v9+s31+$0x0], $0xffff  }
0x416: {  	v33 =	vmul.f32 $8.000000000e+00, v33;
	v25 =	vadd.f32 $8.388672000e+06, v25;
	v22 =	vand.u32 $0x1FF, v22;
	v34 =	vld.idx.msk [tilespmem:v11+s31+$0x0], $0xffff  }
0x417: {  	v36 =	vmul.f32 $8.000000000e+00, v36;
	v27 =	vadd.f32 $8.388672000e+06, v27;
	v23 =	vand.u32 $0x1FF, v23;
	v35 =	vld.idx.msk [tilespmem:v14+s31+$0x0], $0xffff  }
0x418: {  	v33 =	vadd.f32 $8.388672000e+06, v33;
	v25 =	vand.u32 $0x1FF, v25;
	v37 =	vld.idx.msk [tilespmem:v16+s31+$0x0], $0xffff  }
0x419: {  	v36 =	vadd.f32 $8.388672000e+06, v36;
	v27 =	vand.u32 $0x1FF, v27;
	v38 =	vld.idx.msk [tilespmem:v17+s31+$0x0], $0xffff  }
0x41a: {  	v29 =	vmax.f32 v20, $-8.000000000e+00;
	v33 =	vand.u32 $0x1FF, v33;
	v39 =	vld.idx.msk [tilespmem:v19+s31+$0x0], $0xffff  }
0x41b: {  	v31 =	vmax.f32 v21, $-8.000000000e+00;
	v29 =	vmul.f32 $8.000000000e+00, v29;
	v53 =	vand.u32 $0x1FF, v36;
	v40 =	vld.idx.msk [tilespmem:v22+s31+$0x0], $0xffff  }
0x41c: {  	v31 =	vmul.f32 $8.000000000e+00, v31;
	v41 =	vld.idx.msk [tilespmem:v23+s31+$0x0], $0xffff  }
0x41d: {  	v29 =	vadd.f32 $8.388672000e+06, v29;
	v54 =	vld.idx.msk [tilespmem:v25+s31+$0x0], $0xffff  }
0x41e: {  	v31 =	vadd.f32 $8.388672000e+06, v31;
	v55 =	vld.idx.msk [tilespmem:v27+s31+$0x0], $0xffff;
	v0 =	vmul.f32 v26, v0  }
0x41f: {  	v29 =	vand.u32 $0x1FF, v29;
	v56 =	vld.idx.msk [tilespmem:v33+s31+$0x0], $0xffff;
	v1 =	vmul.f32 v28, v1  }
0x420: {  	v31 =	vand.u32 $0x1FF, v31;
	v57 =	vld.idx.msk [tilespmem:v53+s31+$0x0], $0xffff;
	v2 =	vmul.f32 v32, v2;
	v0 =	vadd.f32 v0, v6  }
0x421: {  	v9 =	vld.idx.msk [tilespmem:v9+s25+$0x0], $0xffff;
	v3 =	vmul.f32 v34, v3;
	v4 =	vmul.f32 v35, v4;
	v1 =	vadd.f32 v1, v8  }
0x422: {  	v5 =	vmul.f32 v37, v5;
	v58 =	vmul.f32 v38, v7;
	v7 =	vld.idx.msk [tilespmem:v11+s25+$0x0], $0xffff;
	v0 =	vadd.s32 $0x1000, v0  }
0x423: {  	v61 =	vld.idx.msk [tilespmem:v23+s25+$0x0], $0xffff;
	v10 =	vmul.f32 v39, v10;
	v1 =	vadd.s32 $0x1000, v1;
	v0 =	vshra.s32 v0, $0xD  }
0x424: {  	v11 =	vld.idx.msk [tilespmem:v14+s25+$0x0], $0xffff;
	v12 =	vmul.f32 v40, v12;
	v1 =	vshra.s32 v1, $0xD;
	vm0 =	vgt.s32 v0, $0x1C000  }
0x425: {  	v14 =	vld.idx.msk [tilespmem:v16+s25+$0x0], $0xffff;
	v16 =	vmul.f32 v55, v18;
	v0 =	vnsel vm0, $0x1C000, v0;
	vm0 =	vgt.s32 v1, $0x1C000  }
0x426: {  	v8 =	vld.idx.msk [tilespmem:v31+s31+$0x0], $0xffff;
	v2 =	vadd.f32 v2, v9;
	v1 =	vnsel vm0, $0x1C000, v1;
	v0 =	vshll.u32 v0, $0x10  }
0x427: {  	v6 =	vld.idx.msk [tilespmem:v29+s31+$0x0], $0xffff;
	v3 =	vadd.f32 v3, v7;
	v1 =	vadd.s32 $0xFFFE4000, v1;
	v0 =	vadd.s32 $0x40000000, v0  }
0x428: {  	v0 =	vor.u32 v1, v0;
	v1 =	vmul.f32 v41, v13;
	v13 =	vmul.f32 v54, v15;
	v15 =	vld.idx.msk [tilespmem:v17+s25+$0x0], $0xffff  }
0x429: {  	v60 =	vmul.f32 v57, v30;
	v2 =	vadd.s32 $0x1000, v2;
	v4 =	vadd.f32 v4, v11;
	v17 =	vld.idx.msk [tilespmem:v19+s25+$0x0], $0xffff  }
0x42a: {  	v7 =	vshra.s32 v2, $0xD;
	v2 =	vadd.s32 $0x1000, v3;
	v3 =	vadd.f32 v5, v14;
	v5 =	vld.idx.msk [tilespmem:v27+s25+$0x0], $0xffff  }
0x42b: {  	v59 =	vld.idx.msk [tilespmem:v22+s25+$0x0], $0xffff;
	v18 =	vmul.f32 v8, v21;
	v8 =	vshra.s32 v2, $0xD;
	v2 =	vadd.s32 $0x1000, v4  }
0x42c: {  	v62 =	vld.idx.msk [tilespmem:v25+s25+$0x0], $0xffff;
	v6 =	vmul.f32 v6, v20;
	vm0 =	vgt.s32 v7, $0x1C000;
	v9 =	vshra.s32 v2, $0xD  }
0x42d: {  	v63 =	vld.idx.msk [tilespmem:v53+s25+$0x0], $0xffff;
	v2 =	vadd.s32 $0x1000, v3;
	vm1 =	vgt.s32 v8, $0x1C000;
	v19 =	vmul.f32 v56, v24  }
0x42e: {  	vm2 =	vgt.s32 v9, $0x1C000;
	v4 =	vadd.f32 v58, v15;
	v3 =	vadd.f32 v10, v17;
	v17 =	vld.idx.msk [tilespmem:v31+s25+$0x0], $0xffff  }
0x42f: {  	v1 =	vadd.f32 v1, v61;
	v5 =	vadd.f32 v16, v5;
	v15 =	vld.idx.msk [tilespmem:v29+s25+$0x0], $0xffff;
	v10 =	vshra.s32 v2, $0xD  }
0x430: {  	vm3 =	vgt.s32 v10, $0x1C000;
	v2 =	vadd.s32 $0x1000, v4;
	v4 =	vadd.f32 v12, v59;
	v12 =	vld.idx.msk [tilespmem:v33+s25+$0x0], $0xffff  }
0x431: {  	v11 =	vshra.s32 v2, $0xD;
	v2 =	vadd.s32 $0x1000, v3;
	v3 =	vadd.f32 v13, v62  }
0x432: {  	v14 =	vshra.s32 v2, $0xD;
	v2 =	vadd.s32 $0x1000, v4;
	v4 =	vadd.s32 $0x1000, v1  }
0x433: {  	v16 =	vshra.s32 v2, $0xD;
	v2 =	vadd.s32 $0x1000, v5;
	v5 =	vadd.f32 v18, v17  }
0x434: {  	vm4 =	vgt.s32 v11, $0x1C000;
	v1 =	vadd.s32 $0x1000, v3;
	v3 =	vadd.f32 v6, v15  }
0x435: {  	v12 =	vadd.f32 v19, v12;
	v6 =	vadd.s32 $0x1000, v5;
	v5 =	vadd.f32 v60, v63  }
0x436: {  	[tilespmem:s23+$0x16470] =	vst v0;
	vm5 =	vgt.s32 v14, $0x1C000;
	v0 =	vshra.s32 v4, $0xD;
	vm7 =	vgt.s32 v16, $0x1C000  }
0x437: {  	s5 =	simm.s32 $0x0;
	s10 =	simm.s32 $0x200;
	s30 =	simm.s32 $0x0;
	v3 =	vadd.s32 $0x1000, v3;
	v12 =	vadd.s32 $0x1000, v12;
	v13 =	vadd.s32 $0x1000, v5  }
.LBB2_15:
0x438: {  	s11 =	sshra.s32 s10, $0x2;
	s5 =	sadd.s32 $0x8, s5;
	v4 =	vshra.s32 v1, $0xD;
	v5 =	vshra.s32 v2, $0xD;
	v1 =	vshra.s32 v3, $0xD  }
0x439: {  	v6 =	vshra.s32 v6, $0xD;
	v2 =	vshra.s32 v12, $0xD;
	v3 =	vshra.s32 v13, $0xD;
	v27 =	vld [tilespmem:s11+$0xD470];
	p0 =	slt.u32 s5, $0xF8  }
0x43a: {  	v7 =	vnsel vm0, $0x1C000, v7;
	v8 =	vnsel vm1, $0x1C000, v8;
	v12 =	vnsel vm2, $0x1C000, v9;
	v28 =	vld [tilespmem:s11+$0xC470]  }
0x43b: {  	v13 =	vnsel vm3, $0x1C000, v10;
	v9 =	vnsel vm4, $0x1C000, v11;
	v10 =	vnsel vm5, $0x1C000, v14;
	v21 =	vld [tilespmem:s11+$0xD400]  }
0x43c: {  	vm6 =	vgt.s32 v0, $0x1C000;
	v11 =	vnsel vm7, $0x1C000, v16;
	vm0 =	vgt.s32 v4, $0x1C000;
	v15 =	vld [tilespmem:s11+$0xD410]  }
0x43d: {  	vm5 =	vgt.s32 v5, $0x1C000;
	vm1 =	vgt.s32 v1, $0x1C000;
	vm2 =	vgt.s32 v6, $0x1C000;
	v17 =	vld [tilespmem:s11+$0xD420]  }
0x43e: {  	vm3 =	vgt.s32 v2, $0x1C000;
	vm4 =	vgt.s32 v3, $0x1C000;
	v18 =	vld [tilespmem:s11+$0xD430];
	v14 =	vmax.f32 v27, $-8.000000000e+00  }
0x43f: {  	v7 =	vshll.u32 v7, $0x10;
	v19 =	vld [tilespmem:s11+$0xD440];
	v16 =	vmax.f32 v28, $-8.000000000e+00;
	v14 =	vmul.f32 $8.000000000e+00, v14  }
0x440: {  	v8 =	vshll.u32 v8, $0x10;
	v20 =	vmax.f32 v21, $-8.000000000e+00;
	v24 =	vld [tilespmem:s11+$0xD450];
	v16 =	vmul.f32 $8.000000000e+00, v16  }
0x441: {  	v22 =	vmul.f32 $8.000000000e+00, v20;
	v23 =	vmax.f32 v15, $-8.000000000e+00;
	v26 =	vld [tilespmem:s11+$0xD460];
	v25 =	vadd.f32 $8.388672000e+06, v14  }
0x442: {  	v20 =	vld [tilespmem:s11+$0xC400];
	v23 =	vmul.f32 $8.000000000e+00, v23;
	v29 =	vmax.f32 v17, $-8.000000000e+00;
	v30 =	vadd.f32 $8.388672000e+06, v16  }
0x443: {  	v14 =	vld [tilespmem:s11+$0xC410];
	v29 =	vmul.f32 $8.000000000e+00, v29;
	v31 =	vmax.f32 v18, $-8.000000000e+00;
	v32 =	vand.u32 $0x1FF, v25  }
0x444: {  	v16 =	vld [tilespmem:s11+$0xC420];
	v31 =	vmul.f32 $8.000000000e+00, v31;
	v25 =	vmax.f32 v19, $-8.000000000e+00;
	v30 =	vand.u32 $0x1FF, v30  }
0x445: {  	v33 =	vadd.f32 $8.388672000e+06, v22;
	v22 =	vld [tilespmem:s11+$0xC430];
	v34 =	vmul.f32 $8.000000000e+00, v25;
	v25 =	vmax.f32 v24, $-8.000000000e+00  }
0x446: {  	v35 =	vadd.f32 $8.388672000e+06, v23;
	v23 =	vld [tilespmem:s11+$0xC440];
	v36 =	vmul.f32 $8.000000000e+00, v25;
	v37 =	vmax.f32 v26, $-8.000000000e+00  }
0x447: {  	v29 =	vadd.f32 $8.388672000e+06, v29;
	v38 =	vmax.f32 v20, $-8.000000000e+00;
	v25 =	vld [tilespmem:s11+$0xC450];
	v37 =	vmul.f32 $8.000000000e+00, v37  }
0x448: {  	v31 =	vadd.f32 $8.388672000e+06, v31;
	v38 =	vmul.f32 $8.000000000e+00, v38;
	v39 =	vmax.f32 v14, $-8.000000000e+00;
	v40 =	vld.idx.msk [tilespmem:v32+s31+$0x0], $0xffff  }
0x449: {  	v34 =	vadd.f32 $8.388672000e+06, v34;
	v39 =	vmul.f32 $8.000000000e+00, v39;
	v41 =	vmax.f32 v16, $-8.000000000e+00;
	v42 =	vld.idx.msk [tilespmem:v30+s31+$0x0], $0xffff  }
0x44a: {  	v36 =	vadd.f32 $8.388672000e+06, v36;
	v41 =	vmul.f32 $8.000000000e+00, v41;
	v43 =	vmax.f32 v22, $-8.000000000e+00;
	v32 =	vld.idx.msk [tilespmem:v32+s25+$0x0], $0xffff  }
0x44b: {  	v37 =	vadd.f32 $8.388672000e+06, v37;
	v43 =	vmul.f32 $8.000000000e+00, v43;
	v44 =	vmax.f32 v23, $-8.000000000e+00;
	v30 =	vld.idx.msk [tilespmem:v30+s25+$0x0], $0xffff  }
0x44c: {  	v38 =	vadd.f32 $8.388672000e+06, v38;
	v44 =	vmul.f32 $8.000000000e+00, v44;
	v45 =	vmax.f32 v25, $-8.000000000e+00;
	v46 =	vld [tilespmem:s11+$0xC460]  }
0x44d: {  	v39 =	vadd.f32 $8.388672000e+06, v39;
	v41 =	vadd.f32 $8.388672000e+06, v41;
	v45 =	vmul.f32 $8.000000000e+00, v45  }
0x44e: {  	v43 =	vadd.f32 $8.388672000e+06, v43;
	v27 =	vmul.f32 v40, v27;
	v44 =	vadd.f32 $8.388672000e+06, v44  }
0x44f: {  	v33 =	vand.u32 $0x1FF, v33;
	v28 =	vmul.f32 v42, v28;
	v40 =	vadd.f32 $8.388672000e+06, v45  }
0x450: {  	v35 =	vand.u32 $0x1FF, v35;
	v29 =	vand.u32 $0x1FF, v29;
	v27 =	vadd.f32 v27, v32  }
0x451: {  	v31 =	vand.u32 $0x1FF, v31;
	v28 =	vadd.f32 v28, v30;
	v32 =	vmax.f32 v46, $-8.000000000e+00  }
0x452: {  	v30 =	vand.u32 $0x1FF, v34;
	v27 =	vadd.s32 $0x1000, v27;
	v32 =	vmul.f32 $8.000000000e+00, v32  }
0x453: {  	v34 =	vand.u32 $0x1FF, v36;
	v28 =	vadd.s32 $0x1000, v28;
	v27 =	vshra.s32 v27, $0xD  }
0x454: {  	v28 =	vshra.s32 v28, $0xD;
	vm7 =	vgt.s32 v27, $0x1C000;
	v36 =	vld.idx.msk [tilespmem:v33+s31+$0x0], $0xffff;
	v32 =	vadd.f32 $8.388672000e+06, v32  }
0x455: {  	v37 =	vand.u32 $0x1FF, v37;
	vm8 =	vgt.s32 v28, $0x1C000;
	v27 =	vnsel vm7, $0x1C000, v27;
	v42 =	vld.idx.msk [tilespmem:v35+s31+$0x0], $0xffff  }
0x456: {  	v38 =	vand.u32 $0x1FF, v38;
	v28 =	vnsel vm8, $0x1C000, v28;
	v27 =	vshll.u32 v27, $0x10;
	v45 =	vld.idx.msk [tilespmem:v29+s31+$0x0], $0xffff  }
0x457: {  	v39 =	vand.u32 $0x1FF, v39;
	v28 =	vadd.s32 $0xFFFE4000, v28;
	v27 =	vadd.s32 $0x40000000, v27;
	v47 =	vld.idx.msk [tilespmem:v31+s31+$0x0], $0xffff  }
0x458: {  	v41 =	vand.u32 $0x1FF, v41;
	v43 =	vand.u32 $0x1FF, v43;
	v27 =	vor.u32 v28, v27;
	v48 =	vld.idx.msk [tilespmem:v30+s31+$0x0], $0xffff  }
0x459: {  	v40 =	vand.u32 $0x1FF, v40;
	v32 =	vand.u32 $0x1FF, v32;
	v28 =	vand.u32 $0x1FF, v44;
	v44 =	vld.idx.msk [tilespmem:v34+s31+$0x0], $0xffff;
	[tilespmem:s11+$0x16470] =	vst v27  }
0x45a: {  	v12 =	vshll.u32 v12, $0x10;
	v13 =	vshll.u32 v13, $0x10;
	v21 =	vmul.f32 v36, v21;
	v27 =	vld.idx.msk [tilespmem:v37+s31+$0x0], $0xffff  }
0x45b: {  	v9 =	vshll.u32 v9, $0x10;
	v10 =	vshll.u32 v10, $0x10;
	v15 =	vmul.f32 v42, v15;
	v36 =	vld.idx.msk [tilespmem:v38+s31+$0x0], $0xffff  }
0x45c: {  	v0 =	vnsel vm6, $0x1C000, v0;
	v11 =	vshll.u32 v11, $0x10;
	v17 =	vmul.f32 v45, v17;
	v42 =	vld.idx.msk [tilespmem:v39+s31+$0x0], $0xffff  }
0x45d: {  	v4 =	vnsel vm0, $0x1C000, v4;
	v5 =	vnsel vm5, $0x1C000, v5;
	v18 =	vmul.f32 v47, v18;
	v45 =	vld.idx.msk [tilespmem:v41+s31+$0x0], $0xffff  }
0x45e: {  	v1 =	vnsel vm1, $0x1C000, v1;
	v6 =	vnsel vm2, $0x1C000, v6;
	v19 =	vmul.f32 v48, v19;
	v47 =	vld.idx.msk [tilespmem:v43+s31+$0x0], $0xffff  }
0x45f: {  	v2 =	vnsel vm3, $0x1C000, v2;
	v3 =	vnsel vm4, $0x1C000, v3;
	v24 =	vmul.f32 v44, v24;
	v48 =	vld.idx.msk [tilespmem:v28+s31+$0x0], $0xffff  }
0x460: {  	v7 =	vadd.s32 $0x40000000, v7;
	v8 =	vadd.s32 $0x40000000, v8;
	v26 =	vmul.f32 v27, v26;
	v44 =	vld.idx.msk [tilespmem:v40+s31+$0x0], $0xffff  }
0x461: {  	v12 =	vadd.s32 $0x40000000, v12;
	v13 =	vadd.s32 $0x40000000, v13;
	v20 =	vmul.f32 v36, v20;
	v27 =	vld.idx.msk [tilespmem:v32+s31+$0x0], $0xffff  }
0x462: {  	v9 =	vadd.s32 $0x40000000, v9;
	v10 =	vadd.s32 $0x40000000, v10;
	v14 =	vmul.f32 v42, v14;
	v33 =	vld.idx.msk [tilespmem:v33+s25+$0x0], $0xffff  }
0x463: {  	v0 =	vadd.s32 $0xFFFE4000, v0;
	v11 =	vadd.s32 $0x40000000, v11;
	v16 =	vmul.f32 v45, v16;
	v35 =	vld.idx.msk [tilespmem:v35+s25+$0x0], $0xffff  }
0x464: {  	v4 =	vadd.s32 $0xFFFE4000, v4;
	v5 =	vadd.s32 $0xFFFE4000, v5;
	v22 =	vmul.f32 v47, v22;
	v29 =	vld.idx.msk [tilespmem:v29+s25+$0x0], $0xffff  }
0x465: {  	v1 =	vadd.s32 $0xFFFE4000, v1;
	v6 =	vadd.s32 $0xFFFE4000, v6;
	v23 =	vmul.f32 v48, v23;
	v31 =	vld.idx.msk [tilespmem:v31+s25+$0x0], $0xffff  }
0x466: {  	v2 =	vadd.s32 $0xFFFE4000, v2;
	v3 =	vadd.s32 $0xFFFE4000, v3;
	v25 =	vmul.f32 v44, v25;
	v30 =	vld.idx.msk [tilespmem:v30+s25+$0x0], $0xffff  }
0x467: {  	v0 =	vor.u32 v0, v7;
	v4 =	vor.u32 v4, v8;
	v27 =	vmul.f32 v27, v46;
	v34 =	vld.idx.msk [tilespmem:v34+s25+$0x0], $0xffff  }
0x468: {  	v5 =	vor.u32 v5, v12;
	v1 =	vor.u32 v1, v13;
	v7 =	vadd.f32 v21, v33;
	v21 =	vld.idx.msk [tilespmem:v37+s25+$0x0], $0xffff  }
0x469: {  	v6 =	vor.u32 v6, v9;
	v2 =	vor.u32 v2, v10;
	v8 =	vadd.f32 v15, v35;
	v12 =	vld.idx.msk [tilespmem:v38+s25+$0x0], $0xffff  }
0x46a: {  	v7 =	vadd.s32 $0x1000, v7;
	v9 =	vadd.f32 v17, v29;
	v13 =	vld.idx.msk [tilespmem:v39+s25+$0x0], $0xffff;
	[tilespmem:s30+$0x16400] =	vst v0;
	v0 =	vor.u32 v3, v11  }
0x46b: {  	v7 =	vshra.s32 v7, $0xD;
	v3 =	vadd.s32 $0x1000, v8;
	v10 =	vadd.f32 v18, v31;
	v15 =	vld.idx.msk [tilespmem:v41+s25+$0x0], $0xffff;
	[tilespmem:s30+$0x16410] =	vst v4  }
0x46c: {  	v8 =	vshra.s32 v3, $0xD;
	v3 =	vadd.s32 $0x1000, v9;
	v11 =	vadd.f32 v19, v30;
	v4 =	vld.idx.msk [tilespmem:v43+s25+$0x0], $0xffff;
	[tilespmem:s30+$0x16420] =	vst v5  }
0x46d: {  	v9 =	vshra.s32 v3, $0xD;
	v3 =	vadd.s32 $0x1000, v10;
	v17 =	vadd.f32 v24, v34;
	v5 =	vld.idx.msk [tilespmem:v28+s25+$0x0], $0xffff;
	[tilespmem:s30+$0x16430] =	vst v1  }
0x46e: {  	v10 =	vshra.s32 v3, $0xD;
	v1 =	vadd.s32 $0x1000, v11;
	v3 =	vadd.f32 v26, v21;
	v18 =	vld.idx.msk [tilespmem:v40+s25+$0x0], $0xffff;
	[tilespmem:s30+$0x16440] =	vst v6  }
0x46f: {  	v6 =	vadd.f32 v20, v12;
	v11 =	vshra.s32 v1, $0xD;
	v1 =	vadd.s32 $0x1000, v17;
	v12 =	vld.idx.msk [tilespmem:v32+s25+$0x0], $0xffff;
	[tilespmem:s30+$0x16450] =	vst v2  }
0x470: {  	v2 =	vadd.f32 v14, v13;
	v14 =	vshra.s32 v1, $0xD;
	v1 =	vadd.s32 $0x1000, v3;
	[tilespmem:s30+$0x16460] =	vst v0;
	s30 =	smov.u32 s11  }
0x471: {  	v0 =	vadd.s32 $0x1000, v6;
	v3 =	vadd.f32 v16, v15;
	v16 =	vshra.s32 v1, $0xD  }
0x472: {  	vm0 =	vgt.s32 v7, $0x1C000;
	v1 =	vadd.s32 $0x1000, v2;
	v4 =	vadd.f32 v22, v4  }
.Ltmp6:
0x473: {  	vm1 =	vgt.s32 v8, $0x1C000;
	v2 =	vadd.s32 $0x1000, v3;
	v5 =	vadd.f32 v23, v5;
	(pc) =	sbr.rel @p0 .LBB2_15-.Ltmp6, $4  }
0x474: {  	vm2 =	vgt.s32 v9, $0x1C000;
	v3 =	vadd.s32 $0x1000, v4;
	v4 =	vadd.f32 v25, v18  }
0x475: {  	vm3 =	vgt.s32 v10, $0x1C000;
	v6 =	vadd.s32 $0x1000, v5;
	v5 =	vadd.f32 v27, v12  }
0x476: {  	vm4 =	vgt.s32 v11, $0x1C000;
	vm5 =	vgt.s32 v14, $0x1C000;
	v12 =	vadd.s32 $0x1000, v4  }
0x477: {  	s10 =	sadd.s32 $0x200, s10;
	v0 =	vshra.s32 v0, $0xD;
	vm7 =	vgt.s32 v16, $0x1C000;
	v13 =	vadd.s32 $0x1000, v5  }
0x478: {  	v1 =	vshra.s32 v1, $0xD;
	v2 =	vshra.s32 v2, $0xD;
	v3 =	vshra.s32 v3, $0xD  }
0x479: {  	v4 =	vshra.s32 v6, $0xD;
	v5 =	vshra.s32 v12, $0xD;
	v6 =	vshra.s32 v13, $0xD  }
0x47a: {  	v7 =	vnsel vm0, $0x1C000, v7;
	v8 =	vnsel vm1, $0x1C000, v8;
	v9 =	vnsel vm2, $0x1C000, v9  }
0x47b: {  	v10 =	vnsel vm3, $0x1C000, v10;
	v11 =	vnsel vm4, $0x1C000, v11;
	v12 =	vnsel vm5, $0x1C000, v14  }
0x47c: {  	vm0 =	vgt.s32 v0, $0x1C000;
	v13 =	vnsel vm7, $0x1C000, v16;
	vm1 =	vgt.s32 v1, $0x1C000  }
0x47d: {  	vm2 =	vgt.s32 v2, $0x1C000;
	vm3 =	vgt.s32 v3, $0x1C000;
	vm4 =	vgt.s32 v4, $0x1C000  }
0x47e: {  	vm5 =	vgt.s32 v5, $0x1C000;
	vm6 =	vgt.s32 v6, $0x1C000;
	v7 =	vshll.u32 v7, $0x10  }
0x47f: {  	v8 =	vshll.u32 v8, $0x10;
	v9 =	vshll.u32 v9, $0x10;
	v10 =	vshll.u32 v10, $0x10  }
0x480: {  	v11 =	vshll.u32 v11, $0x10;
	v12 =	vshll.u32 v12, $0x10;
	v0 =	vnsel vm0, $0x1C000, v0  }
0x481: {  	v13 =	vshll.u32 v13, $0x10;
	v1 =	vnsel vm1, $0x1C000, v1;
	v2 =	vnsel vm2, $0x1C000, v2  }
0x482: {  	v3 =	vnsel vm3, $0x1C000, v3;
	v4 =	vnsel vm4, $0x1C000, v4;
	v5 =	vnsel vm5, $0x1C000, v5  }
0x483: {  	v6 =	vnsel vm6, $0x1C000, v6;
	v7 =	vadd.s32 $0x40000000, v7;
	v0 =	vadd.s32 $0xFFFE4000, v0  }
0x484: {  	v8 =	vadd.s32 $0x40000000, v8;
	v1 =	vadd.s32 $0xFFFE4000, v1;
	v0 =	vor.u32 v0, v7  }
0x485: {  	v7 =	vadd.s32 $0x40000000, v9;
	v2 =	vadd.s32 $0xFFFE4000, v2;
	v1 =	vor.u32 v1, v8;
	[tilespmem:s30+$0x16400] =	vst v0  }
0x486: {  	v3 =	vadd.s32 $0xFFFE4000, v3;
	v0 =	vadd.s32 $0x40000000, v10;
	v2 =	vor.u32 v2, v7;
	[tilespmem:s30+$0x16410] =	vst v1  }
0x487: {  	v4 =	vadd.s32 $0xFFFE4000, v4;
	v1 =	vadd.s32 $0x40000000, v11;
	v0 =	vor.u32 v3, v0;
	[tilespmem:s30+$0x16420] =	vst v2  }
0x488: {  	v2 =	vadd.s32 $0x40000000, v12;
	v3 =	vadd.s32 $0xFFFE4000, v5;
	v1 =	vor.u32 v4, v1;
	[tilespmem:s30+$0x16430] =	vst v0  }
0x489: {  	v0 =	vadd.s32 $0x40000000, v13;
	v4 =	vadd.s32 $0xFFFE4000, v6;
	v2 =	vor.u32 v3, v2;
	[tilespmem:s30+$0x16440] =	vst v1  }
0x48a: {  	v0 =	vor.u32 v4, v0;
	[tilespmem:s30+$0x16450] =	vst v2  }
0x48b: {  	[tilespmem:s30+$0x16460] =	vst v0  }
0x48c: {  	v0 =	vld [tilespmem:s23+$0xF470]  }
0x48d: {  	v1 =	vld [tilespmem:s23+$0xE470]  }
0x48e: {  	v2 =	vld [tilespmem:s23+$0xF400]  }
0x48f: {  	v3 =	vld [tilespmem:s23+$0xF410]  }
0x490: {  	v4 =	vld [tilespmem:s23+$0xF420]  }
0x491: {  	v5 =	vld [tilespmem:s23+$0xF430]  }
0x492: {  	v7 =	vld [tilespmem:s23+$0xF440]  }
0x493: {  	v10 =	vld [tilespmem:s23+$0xF450]  }
0x494: {  	v12 =	vld [tilespmem:s23+$0xF460]  }
0x495: {  	v13 =	vld [tilespmem:s23+$0xE400]  }
0x496: {  	v15 =	vld [tilespmem:s23+$0xE410];
	v6 =	vmax.f32 v0, $-8.000000000e+00;
	v8 =	vmax.f32 v1, $-8.000000000e+00  }
0x497: {  	v18 =	vld [tilespmem:s23+$0xE420];
	v9 =	vmax.f32 v2, $-8.000000000e+00;
	v11 =	vmax.f32 v3, $-8.000000000e+00;
	v6 =	vmul.f32 $8.000000000e+00, v6  }
0x498: {  	v24 =	vld [tilespmem:s23+$0xE450];
	v14 =	vmax.f32 v4, $-8.000000000e+00;
	v16 =	vmax.f32 v5, $-8.000000000e+00;
	v8 =	vmul.f32 $8.000000000e+00, v8  }
0x499: {  	v30 =	vld [tilespmem:s23+$0xE460];
	v17 =	vmax.f32 v7, $-8.000000000e+00;
	v19 =	vmax.f32 v10, $-8.000000000e+00;
	v6 =	vadd.f32 $8.388672000e+06, v6  }
0x49a: {  	v22 =	vmax.f32 v12, $-8.000000000e+00;
	v23 =	vmax.f32 v13, $-8.000000000e+00;
	v8 =	vadd.f32 $8.388672000e+06, v8  }
0x49b: {  	v25 =	vmax.f32 v15, $-8.000000000e+00;
	v9 =	vmul.f32 $8.000000000e+00, v9;
	v6 =	vand.u32 $0x1FF, v6  }
0x49c: {  	v27 =	vmax.f32 v18, $-8.000000000e+00;
	v11 =	vmul.f32 $8.000000000e+00, v11;
	v8 =	vand.u32 $0x1FF, v8  }
0x49d: {  	v33 =	vmax.f32 v24, $-8.000000000e+00;
	v14 =	vmul.f32 $8.000000000e+00, v14;
	v9 =	vadd.f32 $8.388672000e+06, v9  }
0x49e: {  	v20 =	vld [tilespmem:s23+$0xE430];
	v36 =	vmax.f32 v30, $-8.000000000e+00;
	v16 =	vmul.f32 $8.000000000e+00, v16;
	v11 =	vadd.f32 $8.388672000e+06, v11  }
0x49f: {  	v21 =	vld [tilespmem:s23+$0xE440];
	v17 =	vmul.f32 $8.000000000e+00, v17;
	v14 =	vadd.f32 $8.388672000e+06, v14;
	v9 =	vand.u32 $0x1FF, v9  }
0x4a0: {  	v19 =	vmul.f32 $8.000000000e+00, v19;
	v16 =	vadd.f32 $8.388672000e+06, v16;
	v11 =	vand.u32 $0x1FF, v11;
	v26 =	vld.idx.msk [tilespmem:v6+s31+$0x0], $0xffff  }
0x4a1: {  	v22 =	vmul.f32 $8.000000000e+00, v22;
	v17 =	vadd.f32 $8.388672000e+06, v17;
	v14 =	vand.u32 $0x1FF, v14;
	v28 =	vld.idx.msk [tilespmem:v8+s31+$0x0], $0xffff  }
0x4a2: {  	v23 =	vmul.f32 $8.000000000e+00, v23;
	v19 =	vadd.f32 $8.388672000e+06, v19;
	v16 =	vand.u32 $0x1FF, v16;
	v6 =	vld.idx.msk [tilespmem:v6+s3+$0x0], $0xffff  }
0x4a3: {  	v25 =	vmul.f32 $8.000000000e+00, v25;
	v22 =	vadd.f32 $8.388672000e+06, v22;
	v17 =	vand.u32 $0x1FF, v17;
	v8 =	vld.idx.msk [tilespmem:v8+s3+$0x0], $0xffff  }
0x4a4: {  	v27 =	vmul.f32 $8.000000000e+00, v27;
	v23 =	vadd.f32 $8.388672000e+06, v23;
	v19 =	vand.u32 $0x1FF, v19;
	v32 =	vld.idx.msk [tilespmem:v9+s31+$0x0], $0xffff  }
0x4a5: {  	v33 =	vmul.f32 $8.000000000e+00, v33;
	v25 =	vadd.f32 $8.388672000e+06, v25;
	v22 =	vand.u32 $0x1FF, v22;
	v34 =	vld.idx.msk [tilespmem:v11+s31+$0x0], $0xffff  }
0x4a6: {  	v36 =	vmul.f32 $8.000000000e+00, v36;
	v27 =	vadd.f32 $8.388672000e+06, v27;
	v23 =	vand.u32 $0x1FF, v23;
	v35 =	vld.idx.msk [tilespmem:v14+s31+$0x0], $0xffff  }
0x4a7: {  	v33 =	vadd.f32 $8.388672000e+06, v33;
	v25 =	vand.u32 $0x1FF, v25;
	v37 =	vld.idx.msk [tilespmem:v16+s31+$0x0], $0xffff  }
0x4a8: {  	v36 =	vadd.f32 $8.388672000e+06, v36;
	v27 =	vand.u32 $0x1FF, v27;
	v38 =	vld.idx.msk [tilespmem:v17+s31+$0x0], $0xffff  }
0x4a9: {  	v29 =	vmax.f32 v20, $-8.000000000e+00;
	v33 =	vand.u32 $0x1FF, v33;
	v39 =	vld.idx.msk [tilespmem:v19+s31+$0x0], $0xffff  }
0x4aa: {  	v31 =	vmax.f32 v21, $-8.000000000e+00;
	v29 =	vmul.f32 $8.000000000e+00, v29;
	v53 =	vand.u32 $0x1FF, v36;
	v40 =	vld.idx.msk [tilespmem:v22+s31+$0x0], $0xffff  }
0x4ab: {  	v31 =	vmul.f32 $8.000000000e+00, v31;
	v41 =	vld.idx.msk [tilespmem:v23+s31+$0x0], $0xffff  }
0x4ac: {  	v29 =	vadd.f32 $8.388672000e+06, v29;
	v54 =	vld.idx.msk [tilespmem:v25+s31+$0x0], $0xffff  }
0x4ad: {  	v31 =	vadd.f32 $8.388672000e+06, v31;
	v55 =	vld.idx.msk [tilespmem:v27+s31+$0x0], $0xffff;
	v0 =	vmul.f32 v26, v0  }
0x4ae: {  	v29 =	vand.u32 $0x1FF, v29;
	v56 =	vld.idx.msk [tilespmem:v33+s31+$0x0], $0xffff;
	v1 =	vmul.f32 v28, v1  }
0x4af: {  	v31 =	vand.u32 $0x1FF, v31;
	v57 =	vld.idx.msk [tilespmem:v53+s31+$0x0], $0xffff;
	v2 =	vmul.f32 v32, v2;
	v0 =	vadd.f32 v0, v6  }
0x4b0: {  	v9 =	vld.idx.msk [tilespmem:v9+s3+$0x0], $0xffff;
	v3 =	vmul.f32 v34, v3;
	v4 =	vmul.f32 v35, v4;
	v1 =	vadd.f32 v1, v8  }
0x4b1: {  	v5 =	vmul.f32 v37, v5;
	v58 =	vmul.f32 v38, v7;
	v7 =	vld.idx.msk [tilespmem:v11+s3+$0x0], $0xffff;
	v0 =	vadd.s32 $0x1000, v0  }
0x4b2: {  	v61 =	vld.idx.msk [tilespmem:v23+s3+$0x0], $0xffff;
	v10 =	vmul.f32 v39, v10;
	v1 =	vadd.s32 $0x1000, v1;
	v0 =	vshra.s32 v0, $0xD  }
0x4b3: {  	v11 =	vld.idx.msk [tilespmem:v14+s3+$0x0], $0xffff;
	v12 =	vmul.f32 v40, v12;
	v1 =	vshra.s32 v1, $0xD;
	vm0 =	vgt.s32 v0, $0x1C000  }
0x4b4: {  	v14 =	vld.idx.msk [tilespmem:v16+s3+$0x0], $0xffff;
	v16 =	vmul.f32 v55, v18;
	v0 =	vnsel vm0, $0x1C000, v0;
	vm0 =	vgt.s32 v1, $0x1C000  }
0x4b5: {  	v8 =	vld.idx.msk [tilespmem:v31+s31+$0x0], $0xffff;
	v2 =	vadd.f32 v2, v9;
	v1 =	vnsel vm0, $0x1C000, v1;
	v0 =	vshll.u32 v0, $0x10  }
0x4b6: {  	v6 =	vld.idx.msk [tilespmem:v29+s31+$0x0], $0xffff;
	v3 =	vadd.f32 v3, v7;
	v1 =	vadd.s32 $0xFFFE4000, v1;
	v0 =	vadd.s32 $0x40000000, v0  }
0x4b7: {  	v0 =	vor.u32 v1, v0;
	v1 =	vmul.f32 v41, v13;
	v13 =	vmul.f32 v54, v15;
	v15 =	vld.idx.msk [tilespmem:v17+s3+$0x0], $0xffff  }
0x4b8: {  	v60 =	vmul.f32 v57, v30;
	v2 =	vadd.s32 $0x1000, v2;
	v4 =	vadd.f32 v4, v11;
	v17 =	vld.idx.msk [tilespmem:v19+s3+$0x0], $0xffff  }
0x4b9: {  	v7 =	vshra.s32 v2, $0xD;
	v2 =	vadd.s32 $0x1000, v3;
	v3 =	vadd.f32 v5, v14;
	v5 =	vld.idx.msk [tilespmem:v27+s3+$0x0], $0xffff  }
0x4ba: {  	v59 =	vld.idx.msk [tilespmem:v22+s3+$0x0], $0xffff;
	v18 =	vmul.f32 v8, v21;
	v8 =	vshra.s32 v2, $0xD;
	v2 =	vadd.s32 $0x1000, v4  }
0x4bb: {  	v62 =	vld.idx.msk [tilespmem:v25+s3+$0x0], $0xffff;
	v6 =	vmul.f32 v6, v20;
	vm0 =	vgt.s32 v7, $0x1C000;
	v9 =	vshra.s32 v2, $0xD  }
0x4bc: {  	v63 =	vld.idx.msk [tilespmem:v53+s3+$0x0], $0xffff;
	v2 =	vadd.s32 $0x1000, v3;
	vm1 =	vgt.s32 v8, $0x1C000;
	v19 =	vmul.f32 v56, v24  }
0x4bd: {  	vm2 =	vgt.s32 v9, $0x1C000;
	v4 =	vadd.f32 v58, v15;
	v3 =	vadd.f32 v10, v17;
	v17 =	vld.idx.msk [tilespmem:v31+s3+$0x0], $0xffff  }
0x4be: {  	v1 =	vadd.f32 v1, v61;
	v5 =	vadd.f32 v16, v5;
	v15 =	vld.idx.msk [tilespmem:v29+s3+$0x0], $0xffff;
	v10 =	vshra.s32 v2, $0xD  }
0x4bf: {  	vm3 =	vgt.s32 v10, $0x1C000;
	v2 =	vadd.s32 $0x1000, v4;
	v4 =	vadd.f32 v12, v59;
	v12 =	vld.idx.msk [tilespmem:v33+s3+$0x0], $0xffff  }
0x4c0: {  	v11 =	vshra.s32 v2, $0xD;
	v2 =	vadd.s32 $0x1000, v3;
	v3 =	vadd.f32 v13, v62  }
0x4c1: {  	v14 =	vshra.s32 v2, $0xD;
	v2 =	vadd.s32 $0x1000, v4;
	v4 =	vadd.s32 $0x1000, v1  }
0x4c2: {  	v16 =	vshra.s32 v2, $0xD;
	v2 =	vadd.s32 $0x1000, v5;
	v5 =	vadd.f32 v18, v17  }
0x4c3: {  	vm4 =	vgt.s32 v11, $0x1C000;
	v1 =	vadd.s32 $0x1000, v3;
	v3 =	vadd.f32 v6, v15  }
0x4c4: {  	v12 =	vadd.f32 v19, v12;
	v6 =	vadd.s32 $0x1000, v5;
	v5 =	vadd.f32 v60, v63  }
0x4c5: {  	[tilespmem:s23+$0x17470] =	vst v0;
	vm5 =	vgt.s32 v14, $0x1C000;
	v0 =	vshra.s32 v4, $0xD;
	vm7 =	vgt.s32 v16, $0x1C000  }
0x4c6: {  	s5 =	simm.s32 $0x0;
	s10 =	simm.s32 $0x200;
	v3 =	vadd.s32 $0x1000, v3;
	v12 =	vadd.s32 $0x1000, v12;
	v13 =	vadd.s32 $0x1000, v5  }
.LBB2_17:
0x4c7: {  	s11 =	sshra.s32 s10, $0x2;
	s5 =	sadd.s32 $0x8, s5;
	v4 =	vshra.s32 v1, $0xD;
	v5 =	vshra.s32 v2, $0xD;
	v1 =	vshra.s32 v3, $0xD  }
0x4c8: {  	v6 =	vshra.s32 v6, $0xD;
	v2 =	vshra.s32 v12, $0xD;
	v3 =	vshra.s32 v13, $0xD;
	v27 =	vld [tilespmem:s11+$0xF470];
	p0 =	slt.u32 s5, $0xF8  }
0x4c9: {  	v7 =	vnsel vm0, $0x1C000, v7;
	v8 =	vnsel vm1, $0x1C000, v8;
	v12 =	vnsel vm2, $0x1C000, v9;
	v28 =	vld [tilespmem:s11+$0xE470]  }
0x4ca: {  	v13 =	vnsel vm3, $0x1C000, v10;
	v9 =	vnsel vm4, $0x1C000, v11;
	v10 =	vnsel vm5, $0x1C000, v14;
	v21 =	vld [tilespmem:s11+$0xF400]  }
0x4cb: {  	vm6 =	vgt.s32 v0, $0x1C000;
	v11 =	vnsel vm7, $0x1C000, v16;
	vm0 =	vgt.s32 v4, $0x1C000;
	v15 =	vld [tilespmem:s11+$0xF410]  }
0x4cc: {  	vm5 =	vgt.s32 v5, $0x1C000;
	vm1 =	vgt.s32 v1, $0x1C000;
	vm2 =	vgt.s32 v6, $0x1C000;
	v17 =	vld [tilespmem:s11+$0xF420]  }
0x4cd: {  	vm3 =	vgt.s32 v2, $0x1C000;
	vm4 =	vgt.s32 v3, $0x1C000;
	v18 =	vld [tilespmem:s11+$0xF430];
	v14 =	vmax.f32 v27, $-8.000000000e+00  }
0x4ce: {  	v7 =	vshll.u32 v7, $0x10;
	v19 =	vld [tilespmem:s11+$0xF440];
	v16 =	vmax.f32 v28, $-8.000000000e+00;
	v14 =	vmul.f32 $8.000000000e+00, v14  }
0x4cf: {  	v8 =	vshll.u32 v8, $0x10;
	v20 =	vmax.f32 v21, $-8.000000000e+00;
	v24 =	vld [tilespmem:s11+$0xF450];
	v16 =	vmul.f32 $8.000000000e+00, v16  }
0x4d0: {  	v22 =	vmul.f32 $8.000000000e+00, v20;
	v23 =	vmax.f32 v15, $-8.000000000e+00;
	v26 =	vld [tilespmem:s11+$0xF460];
	v25 =	vadd.f32 $8.388672000e+06, v14  }
0x4d1: {  	v20 =	vld [tilespmem:s11+$0xE400];
	v23 =	vmul.f32 $8.000000000e+00, v23;
	v29 =	vmax.f32 v17, $-8.000000000e+00;
	v30 =	vadd.f32 $8.388672000e+06, v16  }
0x4d2: {  	v14 =	vld [tilespmem:s11+$0xE410];
	v29 =	vmul.f32 $8.000000000e+00, v29;
	v31 =	vmax.f32 v18, $-8.000000000e+00;
	v32 =	vand.u32 $0x1FF, v25  }
0x4d3: {  	v16 =	vld [tilespmem:s11+$0xE420];
	v31 =	vmul.f32 $8.000000000e+00, v31;
	v25 =	vmax.f32 v19, $-8.000000000e+00;
	v30 =	vand.u32 $0x1FF, v30  }
0x4d4: {  	v33 =	vadd.f32 $8.388672000e+06, v22;
	v22 =	vld [tilespmem:s11+$0xE430];
	v34 =	vmul.f32 $8.000000000e+00, v25;
	v25 =	vmax.f32 v24, $-8.000000000e+00  }
0x4d5: {  	v35 =	vadd.f32 $8.388672000e+06, v23;
	v23 =	vld [tilespmem:s11+$0xE440];
	v36 =	vmul.f32 $8.000000000e+00, v25;
	v37 =	vmax.f32 v26, $-8.000000000e+00  }
0x4d6: {  	v29 =	vadd.f32 $8.388672000e+06, v29;
	v38 =	vmax.f32 v20, $-8.000000000e+00;
	v25 =	vld [tilespmem:s11+$0xE450];
	v37 =	vmul.f32 $8.000000000e+00, v37  }
0x4d7: {  	v31 =	vadd.f32 $8.388672000e+06, v31;
	v38 =	vmul.f32 $8.000000000e+00, v38;
	v39 =	vmax.f32 v14, $-8.000000000e+00;
	v40 =	vld.idx.msk [tilespmem:v32+s31+$0x0], $0xffff  }
0x4d8: {  	v34 =	vadd.f32 $8.388672000e+06, v34;
	v39 =	vmul.f32 $8.000000000e+00, v39;
	v41 =	vmax.f32 v16, $-8.000000000e+00;
	v42 =	vld.idx.msk [tilespmem:v30+s31+$0x0], $0xffff  }
0x4d9: {  	v36 =	vadd.f32 $8.388672000e+06, v36;
	v41 =	vmul.f32 $8.000000000e+00, v41;
	v43 =	vmax.f32 v22, $-8.000000000e+00;
	v32 =	vld.idx.msk [tilespmem:v32+s3+$0x0], $0xffff  }
0x4da: {  	v37 =	vadd.f32 $8.388672000e+06, v37;
	v43 =	vmul.f32 $8.000000000e+00, v43;
	v44 =	vmax.f32 v23, $-8.000000000e+00;
	v30 =	vld.idx.msk [tilespmem:v30+s3+$0x0], $0xffff  }
0x4db: {  	v38 =	vadd.f32 $8.388672000e+06, v38;
	v44 =	vmul.f32 $8.000000000e+00, v44;
	v45 =	vmax.f32 v25, $-8.000000000e+00;
	v46 =	vld [tilespmem:s11+$0xE460]  }
0x4dc: {  	v39 =	vadd.f32 $8.388672000e+06, v39;
	v41 =	vadd.f32 $8.388672000e+06, v41;
	v45 =	vmul.f32 $8.000000000e+00, v45  }
0x4dd: {  	v43 =	vadd.f32 $8.388672000e+06, v43;
	v27 =	vmul.f32 v40, v27;
	v44 =	vadd.f32 $8.388672000e+06, v44  }
0x4de: {  	v33 =	vand.u32 $0x1FF, v33;
	v28 =	vmul.f32 v42, v28;
	v40 =	vadd.f32 $8.388672000e+06, v45  }
0x4df: {  	v35 =	vand.u32 $0x1FF, v35;
	v29 =	vand.u32 $0x1FF, v29;
	v27 =	vadd.f32 v27, v32  }
0x4e0: {  	v31 =	vand.u32 $0x1FF, v31;
	v28 =	vadd.f32 v28, v30;
	v32 =	vmax.f32 v46, $-8.000000000e+00  }
0x4e1: {  	v30 =	vand.u32 $0x1FF, v34;
	v27 =	vadd.s32 $0x1000, v27;
	v32 =	vmul.f32 $8.000000000e+00, v32  }
0x4e2: {  	v34 =	vand.u32 $0x1FF, v36;
	v28 =	vadd.s32 $0x1000, v28;
	v27 =	vshra.s32 v27, $0xD  }
0x4e3: {  	v28 =	vshra.s32 v28, $0xD;
	vm7 =	vgt.s32 v27, $0x1C000;
	v36 =	vld.idx.msk [tilespmem:v33+s31+$0x0], $0xffff;
	v32 =	vadd.f32 $8.388672000e+06, v32  }
0x4e4: {  	v37 =	vand.u32 $0x1FF, v37;
	vm8 =	vgt.s32 v28, $0x1C000;
	v27 =	vnsel vm7, $0x1C000, v27;
	v42 =	vld.idx.msk [tilespmem:v35+s31+$0x0], $0xffff  }
0x4e5: {  	v38 =	vand.u32 $0x1FF, v38;
	v28 =	vnsel vm8, $0x1C000, v28;
	v27 =	vshll.u32 v27, $0x10;
	v45 =	vld.idx.msk [tilespmem:v29+s31+$0x0], $0xffff  }
0x4e6: {  	v39 =	vand.u32 $0x1FF, v39;
	v28 =	vadd.s32 $0xFFFE4000, v28;
	v27 =	vadd.s32 $0x40000000, v27;
	v47 =	vld.idx.msk [tilespmem:v31+s31+$0x0], $0xffff  }
0x4e7: {  	v41 =	vand.u32 $0x1FF, v41;
	v43 =	vand.u32 $0x1FF, v43;
	v27 =	vor.u32 v28, v27;
	v48 =	vld.idx.msk [tilespmem:v30+s31+$0x0], $0xffff  }
0x4e8: {  	v40 =	vand.u32 $0x1FF, v40;
	v32 =	vand.u32 $0x1FF, v32;
	v28 =	vand.u32 $0x1FF, v44;
	v44 =	vld.idx.msk [tilespmem:v34+s31+$0x0], $0xffff;
	[tilespmem:s11+$0x17470] =	vst v27  }
0x4e9: {  	v12 =	vshll.u32 v12, $0x10;
	v13 =	vshll.u32 v13, $0x10;
	v21 =	vmul.f32 v36, v21;
	v27 =	vld.idx.msk [tilespmem:v37+s31+$0x0], $0xffff  }
0x4ea: {  	v9 =	vshll.u32 v9, $0x10;
	v10 =	vshll.u32 v10, $0x10;
	v15 =	vmul.f32 v42, v15;
	v36 =	vld.idx.msk [tilespmem:v38+s31+$0x0], $0xffff  }
0x4eb: {  	v0 =	vnsel vm6, $0x1C000, v0;
	v11 =	vshll.u32 v11, $0x10;
	v17 =	vmul.f32 v45, v17;
	v42 =	vld.idx.msk [tilespmem:v39+s31+$0x0], $0xffff  }
0x4ec: {  	v4 =	vnsel vm0, $0x1C000, v4;
	v5 =	vnsel vm5, $0x1C000, v5;
	v18 =	vmul.f32 v47, v18;
	v45 =	vld.idx.msk [tilespmem:v41+s31+$0x0], $0xffff  }
0x4ed: {  	v1 =	vnsel vm1, $0x1C000, v1;
	v6 =	vnsel vm2, $0x1C000, v6;
	v19 =	vmul.f32 v48, v19;
	v47 =	vld.idx.msk [tilespmem:v43+s31+$0x0], $0xffff  }
0x4ee: {  	v2 =	vnsel vm3, $0x1C000, v2;
	v3 =	vnsel vm4, $0x1C000, v3;
	v24 =	vmul.f32 v44, v24;
	v48 =	vld.idx.msk [tilespmem:v28+s31+$0x0], $0xffff  }
0x4ef: {  	v7 =	vadd.s32 $0x40000000, v7;
	v8 =	vadd.s32 $0x40000000, v8;
	v26 =	vmul.f32 v27, v26;
	v44 =	vld.idx.msk [tilespmem:v40+s31+$0x0], $0xffff  }
0x4f0: {  	v12 =	vadd.s32 $0x40000000, v12;
	v13 =	vadd.s32 $0x40000000, v13;
	v20 =	vmul.f32 v36, v20;
	v27 =	vld.idx.msk [tilespmem:v32+s31+$0x0], $0xffff  }
0x4f1: {  	v9 =	vadd.s32 $0x40000000, v9;
	v10 =	vadd.s32 $0x40000000, v10;
	v14 =	vmul.f32 v42, v14;
	v33 =	vld.idx.msk [tilespmem:v33+s3+$0x0], $0xffff  }
0x4f2: {  	v0 =	vadd.s32 $0xFFFE4000, v0;
	v11 =	vadd.s32 $0x40000000, v11;
	v16 =	vmul.f32 v45, v16;
	v35 =	vld.idx.msk [tilespmem:v35+s3+$0x0], $0xffff  }
0x4f3: {  	v4 =	vadd.s32 $0xFFFE4000, v4;
	v5 =	vadd.s32 $0xFFFE4000, v5;
	v22 =	vmul.f32 v47, v22;
	v29 =	vld.idx.msk [tilespmem:v29+s3+$0x0], $0xffff  }
0x4f4: {  	v1 =	vadd.s32 $0xFFFE4000, v1;
	v6 =	vadd.s32 $0xFFFE4000, v6;
	v23 =	vmul.f32 v48, v23;
	v31 =	vld.idx.msk [tilespmem:v31+s3+$0x0], $0xffff  }
0x4f5: {  	v2 =	vadd.s32 $0xFFFE4000, v2;
	v3 =	vadd.s32 $0xFFFE4000, v3;
	v25 =	vmul.f32 v44, v25;
	v30 =	vld.idx.msk [tilespmem:v30+s3+$0x0], $0xffff  }
0x4f6: {  	v0 =	vor.u32 v0, v7;
	v4 =	vor.u32 v4, v8;
	v27 =	vmul.f32 v27, v46;
	v34 =	vld.idx.msk [tilespmem:v34+s3+$0x0], $0xffff  }
0x4f7: {  	v5 =	vor.u32 v5, v12;
	v1 =	vor.u32 v1, v13;
	v7 =	vadd.f32 v21, v33;
	v21 =	vld.idx.msk [tilespmem:v37+s3+$0x0], $0xffff  }
0x4f8: {  	v6 =	vor.u32 v6, v9;
	v2 =	vor.u32 v2, v10;
	v8 =	vadd.f32 v15, v35;
	v12 =	vld.idx.msk [tilespmem:v38+s3+$0x0], $0xffff  }
0x4f9: {  	v7 =	vadd.s32 $0x1000, v7;
	v9 =	vadd.f32 v17, v29;
	v13 =	vld.idx.msk [tilespmem:v39+s3+$0x0], $0xffff;
	[tilespmem:s23+$0x17400] =	vst v0;
	v0 =	vor.u32 v3, v11  }
0x4fa: {  	v7 =	vshra.s32 v7, $0xD;
	v3 =	vadd.s32 $0x1000, v8;
	v10 =	vadd.f32 v18, v31;
	v15 =	vld.idx.msk [tilespmem:v41+s3+$0x0], $0xffff;
	[tilespmem:s23+$0x17410] =	vst v4  }
0x4fb: {  	v8 =	vshra.s32 v3, $0xD;
	v3 =	vadd.s32 $0x1000, v9;
	v11 =	vadd.f32 v19, v30;
	v4 =	vld.idx.msk [tilespmem:v43+s3+$0x0], $0xffff;
	[tilespmem:s23+$0x17420] =	vst v5  }
0x4fc: {  	v9 =	vshra.s32 v3, $0xD;
	v3 =	vadd.s32 $0x1000, v10;
	v17 =	vadd.f32 v24, v34;
	v5 =	vld.idx.msk [tilespmem:v28+s3+$0x0], $0xffff;
	[tilespmem:s23+$0x17430] =	vst v1  }
0x4fd: {  	v10 =	vshra.s32 v3, $0xD;
	v1 =	vadd.s32 $0x1000, v11;
	v3 =	vadd.f32 v26, v21;
	v18 =	vld.idx.msk [tilespmem:v40+s3+$0x0], $0xffff;
	[tilespmem:s23+$0x17440] =	vst v6  }
0x4fe: {  	v6 =	vadd.f32 v20, v12;
	v11 =	vshra.s32 v1, $0xD;
	v1 =	vadd.s32 $0x1000, v17;
	v12 =	vld.idx.msk [tilespmem:v32+s3+$0x0], $0xffff;
	[tilespmem:s23+$0x17450] =	vst v2  }
0x4ff: {  	v2 =	vadd.f32 v14, v13;
	v14 =	vshra.s32 v1, $0xD;
	v1 =	vadd.s32 $0x1000, v3;
	[tilespmem:s23+$0x17460] =	vst v0;
	s23 =	smov.u32 s11  }
0x500: {  	v0 =	vadd.s32 $0x1000, v6;
	v3 =	vadd.f32 v16, v15;
	v16 =	vshra.s32 v1, $0xD  }
0x501: {  	vm0 =	vgt.s32 v7, $0x1C000;
	v1 =	vadd.s32 $0x1000, v2;
	v4 =	vadd.f32 v22, v4  }
.Ltmp7:
0x502: {  	vm1 =	vgt.s32 v8, $0x1C000;
	v2 =	vadd.s32 $0x1000, v3;
	v5 =	vadd.f32 v23, v5;
	(pc) =	sbr.rel @p0 .LBB2_17-.Ltmp7, $4  }
0x503: {  	vm2 =	vgt.s32 v9, $0x1C000;
	v3 =	vadd.s32 $0x1000, v4;
	v4 =	vadd.f32 v25, v18  }
0x504: {  	vm3 =	vgt.s32 v10, $0x1C000;
	v6 =	vadd.s32 $0x1000, v5;
	v5 =	vadd.f32 v27, v12  }
0x505: {  	vm4 =	vgt.s32 v11, $0x1C000;
	vm5 =	vgt.s32 v14, $0x1C000;
	v12 =	vadd.s32 $0x1000, v4  }
0x506: {  	s10 =	sadd.s32 $0x200, s10;
	v0 =	vshra.s32 v0, $0xD;
	vm7 =	vgt.s32 v16, $0x1C000;
	v13 =	vadd.s32 $0x1000, v5  }
0x507: {  	v1 =	vshra.s32 v1, $0xD;
	v2 =	vshra.s32 v2, $0xD;
	v3 =	vshra.s32 v3, $0xD  }
0x508: {  	v4 =	vshra.s32 v6, $0xD;
	v5 =	vshra.s32 v12, $0xD;
	v54 =	vshra.s32 v13, $0xD  }
0x509: {  	v7 =	vnsel vm0, $0x1C000, v7;
	v8 =	vnsel vm1, $0x1C000, v8;
	v9 =	vnsel vm2, $0x1C000, v9  }
0x50a: {  	v10 =	vnsel vm3, $0x1C000, v10;
	v11 =	vnsel vm4, $0x1C000, v11;
	v55 =	vnsel vm5, $0x1C000, v14  }
0x50b: {  	vm10 =	vgt.s32 v0, $0x1C000;
	v56 =	vnsel vm7, $0x1C000, v16;
	vm11 =	vgt.s32 v1, $0x1C000  }
0x50c: {  	vm12 =	vgt.s32 v2, $0x1C000;
	vm13 =	vgt.s32 v3, $0x1C000;
	vm14 =	vgt.s32 v4, $0x1C000  }
0x50d: {  	vm15 =	vgt.s32 v5, $0x1C000;
	vm6 =	vgt.s32 v54, $0x1C000;
	v7 =	vshll.u32 v7, $0x10  }
0x50e: {  	v8 =	vshll.u32 v8, $0x10;
	v9 =	vshll.u32 v9, $0x10;
	v10 =	vshll.u32 v10, $0x10  }
0x50f: {  	v11 =	vshll.u32 v11, $0x10;
	v12 =	vshll.u32 v55, $0x10;
	v0 =	vnsel vm10, $0x1C000, v0  }
0x510: {  	v13 =	vshll.u32 v56, $0x10;
	v1 =	vnsel vm11, $0x1C000, v1;
	v2 =	vnsel vm12, $0x1C000, v2  }
0x511: {  	v3 =	vnsel vm13, $0x1C000, v3;
	v4 =	vnsel vm14, $0x1C000, v4;
	v5 =	vnsel vm15, $0x1C000, v5  }
0x512: {  	v6 =	vnsel vm6, $0x1C000, v54;
	v7 =	vadd.s32 $0x40000000, v7;
	v0 =	vadd.s32 $0xFFFE4000, v0  }
0x513: {  	v8 =	vadd.s32 $0x40000000, v8;
	v1 =	vadd.s32 $0xFFFE4000, v1;
	v0 =	vor.u32 v0, v7  }
0x514: {  	v57 =	vadd.s32 $0x40000000, v9;
	v2 =	vadd.s32 $0xFFFE4000, v2;
	v1 =	vor.u32 v1, v8;
	[tilespmem:s23+$0x17400] =	vst v0  }
0x515: {  	v58 =	vadd.s32 $0x40000000, v10;
	v3 =	vadd.s32 $0xFFFE4000, v3;
	v2 =	vor.u32 v2, v57;
	[tilespmem:s23+$0x17410] =	vst v1  }
0x516: {  	v59 =	vadd.s32 $0x40000000, v11;
	v4 =	vadd.s32 $0xFFFE4000, v4;
	v0 =	vor.u32 v3, v58;
	[tilespmem:s23+$0x17420] =	vst v2  }
0x517: {  	v60 =	vadd.s32 $0x40000000, v12;
	v61 =	vadd.s32 $0xFFFE4000, v5;
	v1 =	vor.u32 v4, v59;
	[tilespmem:s23+$0x17430] =	vst v0  }
0x518: {  	s5 =	sshll.u32 s19, $0xB;
	v62 =	vadd.s32 $0x40000000, v13;
	v63 =	vadd.s32 $0xFFFE4000, v6;
	v2 =	vor.u32 v61, v60;
	[tilespmem:s23+$0x17440] =	vst v1  }
0x519: {  	s5 =	sadd.s32 s7, s5;
	v0 =	vor.u32 v63, v62;
	[tilespmem:s23+$0x17450] =	vst v2  }
0x51a: {  	s11 =	simm.s32 $0x14400;
	s17 =	sadd.s32 $0x1, s17;
	s10 =	sadd.s32 s2, s5;
	[tilespmem:s23+$0x17460] =	vst v0  }
0x51b: {  	[hbm4b:s10+s0] =	stream.strided.scatter [tilespmem:s11], [sflag:$0x4], $0x1000, s31, s0, $0x38;
	[tilespmem:$0x18400] =	vst v63  }
0x51c: {  	s25 =	simm.s32 $0x15400;
	p0 =	sne.s32 s17, $0x20;
	s23 =	sadd.s32 s5, s24  }
0x51d: {  	[hbm4b:s23+s0] =	stream.strided.scatter [tilespmem:s25], [sflag:$0x4], $0x1000, s31, s0, $0x38;
	[tilespmem:$0x18400] =	vst v63  }
.Ltmp8:
0x51e: {  	_ = 	snop;
	(pc) =	sbr.rel @p0 .LBB2_2-.Ltmp8, $4  }
0x51f: {  	s30 =	sadd.s32 s5, s26  }
0x520: {  	[hbm4b:s30+s0] =	stream.strided.scatter [tilespmem:s13], [sflag:$0x4], $0x1000, s31, s0, $0x38;
	[tilespmem:$0x18400] =	vst v63  }
0x521: {  	s5 =	sadd.s32 s5, s28  }
0x522: {  	[hbm4b:s5+s0] =	stream.strided.scatter [tilespmem:s16], [sflag:$0x4], $0x1000, s31, s0, $0x38;
	[tilespmem:$0x18400] =	vst v63  }
0x523: {  	s5 =	simm.s32 $0x3  }
0x524: {  	_ =	swait.ge [sflag:s5], $0x1000  }
0x525: {  	[sflag:s5] =	ssyncset.done $0x0  }
0x526: {  	[sflag:s5] =	ssyncadd.s32 $0xFFFFF000  }
0x527: {  	_ =	swait.ge [sflag:s5], $0x1000  }
0x528: {  	[sflag:s5] =	ssyncset.done $0x0  }
0x529: {  	[sflag:s5] =	ssyncadd.s32 $0xFFFFF000  }
0x52a: {  	_ =	swait.ge [sflag:s5], $0x1000  }
0x52b: {  	[sflag:s5] =	ssyncset.done $0x0  }
0x52c: {  	[sflag:s5] =	ssyncadd.s32 $0xFFFFF000  }
0x52d: {  	_ =	swait.ge [sflag:s5], $0x1000  }
0x52e: {  	[sflag:s5] =	ssyncset.done $0x0  }
0x52f: {  	s10 =	simm.s32 $0x4;
	[sflag:s5] =	ssyncadd.s32 $0xFFFFF000  }
0x530: {  	_ =	swait.ge [sflag:s10], $0x1000  }
0x531: {  	[sflag:s10] =	ssyncset.done $0x0  }
0x532: {  	[sflag:s10] =	ssyncadd.s32 $0xFFFFF000  }
0x533: {  	_ =	swait.ge [sflag:s10], $0x1000  }
0x534: {  	[sflag:s10] =	ssyncset.done $0x0  }
0x535: {  	[sflag:s10] =	ssyncadd.s32 $0xFFFFF000  }
0x536: {  	_ =	swait.ge [sflag:s10], $0x1000  }
0x537: {  	[sflag:s10] =	ssyncset.done $0x0  }
0x538: {  	[sflag:s10] =	ssyncadd.s32 $0xFFFFF000  }
0x539: {  	_ =	swait.ge [sflag:s10], $0x1000  }
0x53a: {  	s11 =	rddreg [dreg:$0xf]  }
0x53b: {  	s30 =	rddreg [dreg:$0xe];
	s11 =	sadd.s32 $0x1, s11  }
0x53c: {  	p0 =	sne.s32 s11, s30  }
.Ltmp9:
0x53d: {  	_ = 	snop;
	(pc) =	sbr.rel @p0 .LBB2_1-.Ltmp9, $3  }
0x53e: {  	_ =	sdelay $0x1  }
0x53f: {  	[sflag:s10] =	ssyncset.done $0x0  }
0x540: {  	[sflag:s10] =	ssyncadd.s32 $0xFFFFF000  }
0x541: {  	_ =	sfence.sel $0x180000  }
0x542: {  	[bflag:$0x0] =	sbarrier.arrive $0xFFFF  }
0x543: {  	_ =	strace $0x90000047  }
0x544: {  	s0 =	stileid.u32;
	[bflag:$0x2] =	sbarrier.arrive $0xFFFF  }
0x545: {  	p0 =	sne.s32 s0, $0x0;
	s0 =	rddreg [dreg:$0x3]  }
0x546: {  	s0 =	sadd.s32 @!p0 $0x100000, s0  }
0x547: {  	[sflag:s0] =	ssyncadd.tile.s32 @!p0 $0x1;
	_ =	shalt  }
.Lfunc_end2:
_tile_overlayer_lowered:
.L_overlay_start_2:
0x548: {  	(tag) =	ssettag $0x2  }
0x549: {  	s0 =	rddreg [dreg:$0x0];
	s2 =	stileid.u32  }
0x54a: {  	s1 =	rddreg [dreg:$0x1];
	p0 =	sne.s32 s2, $0x0  }
0x54b: {  	s3 =	rddreg [dreg:$0x2];
	[bflag:$0x3] =	sbarrier.arrive $0xFFFF;
	s2 =	simm.s32 @!p0 $0x1C05  }
0x54c: {  	[timem:s3], [sflag:s2] =	dma.local @!p0 [hbm:s0], s1  }
0x54d: {  	s0 =	simm.s32 @!p0 $0x5  }
0x54e: {  	_ =	swait.ge @!p0 [sflag:s0], s1  }
0x54f: {  	s1 =	ssub.s32 @!p0 $0x0, s1;
	[sflag:s0] =	ssyncset.done @!p0 $0x0  }
0x550: {  	[sflag:s0] =	ssyncadd.s32 @!p0 s1  }
0x551: {  	[bflag:$0x3] =	sbarrier.arrive $0xFFFF  }
0x552: {  	_ =	shalt  }

</sc_bundles>
